<compile_context>
chip_gen: v7x
topology: tpu7x:2x2x1
jax: 0.10.2.dev20260603
libtpu: 0.0.44.dev20260713+nightly
codegen_flags: <defaults>
</compile_context>

<pallas_src>
import functools
import math

import jax
import jax.numpy as jnp
from jax import lax
from jax.experimental import pallas as pl
from jax.experimental.pallas import tpu as pltpu
from jax.experimental.pallas import tpu_sc as plsc

N = 10000
E = 320000
F_IN = 128
DIM = 64
NG = 64
NHID = 3
EPS = 1e-5

NC = 2
NS = 16
NW = NC * NS
L = 16

NP = 10240
EP = 327680
CK = 128
EW = EP // NW
NCK = EW // CK
RPW = NP // NS
PAD_ROW = 10008

BLK = 2048
G = NP // BLK

CINV = 1.0 / math.sqrt(1.0 + EPS)

_mesh = plsc.VectorSubcoreMesh(core_axis_name="c", subcore_axis_name="s")


@functools.partial(
    pl.kernel,
    out_type=jax.ShapeDtypeStruct((NC, NP, L), jnp.float32),
    mesh=_mesh,
    scratch_types=[
        pltpu.VMEM_SHARED((NP, L), jnp.float32),
        pltpu.VMEM((NCK, CK), jnp.int32),
        pltpu.VMEM((CK, L), jnp.float32),
    ],
    compiler_params=pltpu.CompilerParams(needs_layout_passes=False,
                                         use_tc_tiling_on_sc=False),
)
def _deg_kernel(dst_hbm, zeros_hbm, deg_out, acc_sh, dstb, onesb):
    c = lax.axis_index("c")
    s = lax.axis_index("s")
    wid = c * NS + s

    ones = jnp.ones((L,), jnp.float32)

    def oloop(r, carry):
        onesb[r, :] = ones
        return carry

    lax.fori_loop(0, CK, oloop, 0)

    pltpu.sync_copy(zeros_hbm.at[pl.ds(s * RPW, RPW), :],
                    acc_sh.at[pl.ds(s * RPW, RPW), :])
    pltpu.sync_copy(dst_hbm.at[pl.ds(wid * NCK, NCK), :], dstb)
    plsc.subcore_barrier()

    def eloop(j, carry):
        pltpu.sync_copy(onesb, acc_sh.at[dstb.at[j]], add=True)
        return carry

    lax.fori_loop(0, NCK, eloop, 0)

    plsc.subcore_barrier()
    pltpu.sync_copy(acc_sh.at[pl.ds(s * RPW, RPW), :],
                    deg_out.at[c, pl.ds(s * RPW, RPW), :])


NBUF = 8
NGRP = NCK // NBUF


@functools.partial(
    pl.kernel,
    out_type=jax.ShapeDtypeStruct((NC, NP, DIM), jnp.float32),
    mesh=_mesh,
    scratch_types=[
        pltpu.VMEM_SHARED((NP, DIM), jnp.float32),
        pltpu.VMEM((NCK, CK), jnp.int32),
        pltpu.VMEM((NCK, CK), jnp.int32),
    ] + [pltpu.VMEM((CK, DIM), jnp.float32) for _ in range(NBUF)]
      + [pltpu.SemaphoreType.DMA for _ in range(2 * NBUF)],
    compiler_params=pltpu.CompilerParams(needs_layout_passes=False,
                                         use_tc_tiling_on_sc=False),
)
def _spmm_kernel(z_hbm, src_hbm, dst_hbm, zeros_hbm, w_out,
                 acc_sh, srcb, dstb, *bufs_sems):
    rows = bufs_sems[:NBUF]
    gsem = bufs_sems[NBUF:2 * NBUF]
    ssem = bufs_sems[2 * NBUF:]
    c = lax.axis_index("c")
    s = lax.axis_index("s")
    wid = c * NS + s

    d0 = pltpu.async_copy(zeros_hbm.at[pl.ds(s * RPW, RPW), :],
                          acc_sh.at[pl.ds(s * RPW, RPW), :], gsem[0])
    d1 = pltpu.async_copy(src_hbm.at[pl.ds(wid * NCK, NCK), :], srcb,
                          gsem[1])
    d2 = pltpu.async_copy(dst_hbm.at[pl.ds(wid * NCK, NCK), :], dstb,
                          gsem[2])
    d0.wait()
    d1.wait()
    d2.wait()
    plsc.subcore_barrier()

    def _gather(j, b):
        return pltpu.async_copy(z_hbm.at[srcb.at[j]], rows[b], gsem[b])

    def _scatter(j, b):
        return pltpu.async_copy(rows[b], acc_sh.at[dstb.at[j]], ssem[b],
                                add=True)

    def _gather_wait(j, b):
        pltpu.make_async_copy(z_hbm.at[srcb.at[j]], rows[b], gsem[b]).wait()

    def _scatter_wait(j, b):
        pltpu.make_async_copy(rows[b], acc_sh.at[dstb.at[j]],
                              ssem[b]).wait()

    for b in range(NBUF):
        _gather(b, b)

    def grp_body(grp, carry):
        j0 = grp * NBUF
        for b in range(NBUF):
            _gather_wait(j0 + b, b)
            _scatter(j0 + b, b)
        for b in range(NBUF):
            _scatter_wait(j0 + b, b)
            _gather(j0 + NBUF + b, b)
        return carry

    lax.fori_loop(0, NGRP - 1, grp_body, 0)

    jl = (NGRP - 1) * NBUF
    for b in range(NBUF):
        _gather_wait(jl + b, b)
        _scatter(jl + b, b)
    for b in range(NBUF):
        _scatter_wait(jl + b, b)

    plsc.subcore_barrier()
    pltpu.sync_copy(acc_sh.at[pl.ds(s * RPW, RPW), :],
                    w_out.at[c, pl.ds(s * RPW, RPW), :])


def _matmul_a_body(x_ref, w1_ref, y_ref):
    y_ref[...] = jnp.dot(x_ref[...], w1_ref[...],
                         preferred_element_type=jnp.float32)


def _scale_a_body(y_ref, degp_ref, z_ref, dinv_ref):
    deg = degp_ref[0, :, 0:1] + degp_ref[1, :, 0:1] + 1.0
    dinv = lax.rsqrt(deg)
    z_ref[...] = y_ref[...] * dinv
    dinv_ref[...] = dinv


def _stage_conv_body(relu, w_ref, z_ref, dinv_ref, b_ref, g_ref, bb_ref,
                     wn_ref, zn_ref):
    dinv = dinv_ref[...]
    h = (w_ref[0] + w_ref[1] + z_ref[...]) * dinv + b_ref[...]
    if relu:
        h = jnp.maximum(h, 0.0)
    h = h * (g_ref[...] * CINV) + bb_ref[...]
    zn_ref[...] = jnp.dot(h, wn_ref[...],
                          preferred_element_type=jnp.float32) * dinv


def _stage_e_body(w_ref, z_ref, dinv_ref, b_ref, g_ref, bb_ref, batch_ref,
                  mlpW_ref, mlpB_ref, bnmg_ref, bnmb_ref, outW_ref, outb_ref,
                  out_ref, acc_ref):
    i = pl.program_id(0)
    h = (w_ref[0] + w_ref[1] + z_ref[...]) * dinv_ref[...] + b_ref[...]
    h = h * (g_ref[...] * CINV) + bb_ref[...]
    gids = lax.broadcasted_iota(jnp.int32, (1, NG), 1)
    onehot = (batch_ref[...] == gids).astype(jnp.float32)
    contrib = lax.dot_general(onehot, h, (((0,), (0,)), ((), ())),
                              preferred_element_type=jnp.float32,
                              precision=lax.Precision.HIGHEST)

    @pl.when(i == 0)
    def _():
        acc_ref[...] = contrib

    @pl.when(i > 0)
    def _():
        acc_ref[...] = acc_ref[...] + contrib

    @pl.when(i == G - 1)
    def _():
        p = acc_ref[...]
        for k in range(NHID):
            p = jnp.dot(p, mlpW_ref[k],
                        preferred_element_type=jnp.float32) + mlpB_ref[k]
            p = jnp.maximum(p, 0.0)
            p = p * (bnmg_ref[k] * CINV) + bnmb_ref[k]
        out_ref[...] = jnp.dot(p, outW_ref[...],
                               preferred_element_type=jnp.float32) + outb_ref[...]


def _full_spec(shape):
    return pl.BlockSpec(shape, lambda i: tuple(0 for _ in shape))


_matmul_a = pl.pallas_call(
    _matmul_a_body,
    grid=(G,),
    in_specs=[
        pl.BlockSpec((BLK, F_IN), lambda i: (i, 0)),
        _full_spec((F_IN, DIM)),
    ],
    out_specs=pl.BlockSpec((BLK, DIM), lambda i: (i, 0)),
    out_shape=jax.ShapeDtypeStruct((NP, DIM), jnp.float32),
)

_scale_a = pl.pallas_call(
    _scale_a_body,
    grid=(G,),
    in_specs=[
        pl.BlockSpec((BLK, DIM), lambda i: (i, 0)),
        pl.BlockSpec((NC, BLK, L), lambda i: (0, i, 0)),
    ],
    out_specs=[
        pl.BlockSpec((BLK, DIM), lambda i: (i, 0)),
        pl.BlockSpec((BLK, 1), lambda i: (i, 0)),
    ],
    out_shape=[
        jax.ShapeDtypeStruct((NP, DIM), jnp.float32),
        jax.ShapeDtypeStruct((NP, 1), jnp.float32),
    ],
)


def _make_stage_conv(relu):
    return pl.pallas_call(
        functools.partial(_stage_conv_body, relu),
        grid=(G,),
        in_specs=[
            pl.BlockSpec((NC, BLK, DIM), lambda i: (0, i, 0)),
            pl.BlockSpec((BLK, DIM), lambda i: (i, 0)),
            pl.BlockSpec((BLK, 1), lambda i: (i, 0)),
            _full_spec((1, DIM)),
            _full_spec((1, DIM)),
            _full_spec((1, DIM)),
            _full_spec((DIM, DIM)),
        ],
        out_specs=pl.BlockSpec((BLK, DIM), lambda i: (i, 0)),
        out_shape=jax.ShapeDtypeStruct((NP, DIM), jnp.float32),
    )


_stage_conv_relu = _make_stage_conv(True)
_stage_conv_plain = _make_stage_conv(False)

_stage_e = pl.pallas_call(
    _stage_e_body,
    grid=(G,),
    in_specs=[
        pl.BlockSpec((NC, BLK, DIM), lambda i: (0, i, 0)),
        pl.BlockSpec((BLK, DIM), lambda i: (i, 0)),
        pl.BlockSpec((BLK, 1), lambda i: (i, 0)),
        _full_spec((1, DIM)),
        _full_spec((1, DIM)),
        _full_spec((1, DIM)),
        pl.BlockSpec((BLK, 1), lambda i: (i, 0)),
        _full_spec((NHID, DIM, DIM)),
        _full_spec((NHID, DIM)),
        _full_spec((NHID, DIM)),
        _full_spec((NHID, DIM)),
        _full_spec((DIM, 1)),
        _full_spec((1, 1)),
    ],
    out_specs=pl.BlockSpec((NG, 1), lambda i: (0, 0)),
    out_shape=jax.ShapeDtypeStruct((NG, 1), jnp.float32),
    scratch_shapes=[pltpu.VMEM((NG, DIM), jnp.float32)],
)


def kernel(x, edge_index, batch, W1, b1, bn1_g, bn1_b, convW, convB,
           bnc_g, bnc_b, mlpW, mlpB, bnm_g, bnm_b, outW, outb):
    src = edge_index[0]
    dst = edge_index[1]
    pad = N + jnp.arange(EP - E, dtype=jnp.int32) % (NP - N)
    src2d = jnp.concatenate([src, pad]).reshape(EP // CK, CK)
    dst2d = jnp.concatenate([dst, pad]).reshape(EP // CK, CK)
    xp = jnp.pad(x, ((0, NP - N), (0, 0)))
    batchp = jnp.concatenate(
        [batch, jnp.full((NP - N,), NG, jnp.int32)]).reshape(NP, 1)
    zeros_nd = jnp.zeros((NP, DIM), jnp.float32)
    zeros_nl = jnp.zeros((NP, L), jnp.float32)

    b1r = b1.reshape(1, DIM)
    g1r = bn1_g.reshape(1, DIM)
    bb1r = bn1_b.reshape(1, DIM)
    outbr = outb.reshape(1, 1)

    y1 = _matmul_a(xp, W1)
    deg_parts = _deg_kernel(dst2d, zeros_nl)
    z, dinv = _scale_a(y1, deg_parts)

    stage_params = [(b1r, g1r, bb1r, True)] + [
        (convB[i].reshape(1, DIM), bnc_g[i].reshape(1, DIM),
         bnc_b[i].reshape(1, DIM), False)
        for i in range(NHID)
    ]

    for li in range(NHID):
        w = _spmm_kernel(z, src2d, dst2d, zeros_nd)
        br, gr, bbr, relu = stage_params[li]
        stage = _stage_conv_relu if relu else _stage_conv_plain
        z = stage(w, z, dinv, br, gr, bbr, convW[li])

    w = _spmm_kernel(z, src2d, dst2d, zeros_nd)
    br, gr, bbr, _ = stage_params[NHID]
    out = _stage_e(w, z, dinv, br, gr, bbr, batchp,
                   mlpW, mlpB, bnm_g, bnm_b, outW, outbr)
    return out

# --- scband reference (transcript-rebuilt; emitter-appended) ---
"""Pipeline reference for scband-molecular-gcn-49993419325830 (READ-ONLY COPY).

The authoritative reference and input builder live on the scoring server;
editing this copy changes nothing except your own understanding.
"""

import jax, jax.numpy as jnp
import numpy as np

N = 10000
E = 320000
F_IN = 128
DIM = 64
NG = 64
NHID = 3
EPS = 1e-5


def _gcn_conv(x, W, b, edge_index):
    # PyG GCNConv: x' = D^{-1/2} (A + I) D^{-1/2} (x W) + b
    h = x @ W
    src = edge_index[0]
    dst = edge_index[1]
    sl = jnp.arange(N, dtype=edge_index.dtype)
    row = jnp.concatenate([src, sl])
    col = jnp.concatenate([dst, sl])
    deg = jnp.zeros((N,), dtype=h.dtype).at[col].add(1.0)
    dinv = jnp.where(deg > 0, deg ** -0.5, 0.0)
    norm = dinv[row] * dinv[col]
    msg = norm[:, None] * jnp.take(h, row, axis=0)
    out = jnp.zeros((N, W.shape[1]), dtype=h.dtype).at[col].add(msg)
    return out + b


def _bn_eval(x, g, b):
    # BatchNorm1d in eval mode with running_mean=0, running_var=1
    return g * x / jnp.sqrt(1.0 + EPS) + b


def setup_inputs(seed: int = 0) -> dict:
    key = jax.random.key(seed)
    ks = jax.random.split(key, 18)
    x = jax.random.normal(ks[0], (N, F_IN), dtype=jnp.float32)
    edge_index = jax.random.randint(ks[1], (2, E), 0, N, dtype=jnp.int32)
    batch = jnp.sort(jax.random.randint(ks[2], (N,), 0, NG, dtype=jnp.int32))
    s1 = 1.0 / np.sqrt(F_IN)
    s2 = 1.0 / np.sqrt(DIM)
    return {
        "x": x,
        "edge_index": edge_index,
        "batch": batch,
        "W1": jax.random.uniform(ks[3], (F_IN, DIM), jnp.float32, -s1, s1),
        "b1": jax.random.uniform(ks[4], (DIM,), jnp.float32, -s1, s1),
        "bn1_g": jnp.ones((DIM,), jnp.float32),
        "bn1_b": jnp.zeros((DIM,), jnp.float32),
        "convW": jax.random.uniform(ks[5], (NHID, DIM, DIM), jnp.float32, -s2, s2),
        "convB": jax.random.uniform(ks[6], (NHID, DIM), jnp.float32, -s2, s2),
        "bnc_g": jnp.ones((NHID, DIM), jnp.float32),
        "bnc_b": jnp.zeros((NHID, DIM), jnp.float32),
        "mlpW": jax.random.uniform(ks[7], (NHID, DIM, DIM), jnp.float32, -s2, s2),
        "mlpB": jax.random.uniform(ks[8], (NHID, DIM), jnp.float32, -s2, s2),
        "bnm_g": jnp.ones((NHID, DIM), jnp.float32),
        "bnm_b": jnp.zeros((NHID, DIM), jnp.float32),
        "outW": jax.random.uniform(ks[9], (DIM, 1), jnp.float32, -s2, s2),
        "outb": jax.random.uniform(ks[10], (1,), jnp.float32, -s2, s2),
    }


def reference(x, edge_index, batch, W1, b1, bn1_g, bn1_b, convW, convB, bnc_g, bnc_b, mlpW, mlpB, bnm_g, bnm_b, outW, outb):
    h = jax.nn.relu(_gcn_conv(x, W1, b1, edge_index))
    h = _bn_eval(h, bn1_g, bn1_b)
    for i in range(NHID):
        h = _gcn_conv(h, convW[i], convB[i], edge_index)
        h = _bn_eval(h, bnc_g[i], bnc_b[i])
    # global_add_pool
    h = jax.ops.segment_sum(h, batch, num_segments=NG)
    for i in range(NHID):
        h = jax.nn.relu(h @ mlpW[i] + mlpB[i])
        h = _bn_eval(h, bnm_g[i], bnm_b[i])
        # dropout is identity in eval mode
    return h @ outW + outb

if __name__ == "__main__":
    import jax
    _d = setup_inputs()
    print(jax.jit(kernel)(*tuple(_d.values())))

</pallas_src>

<mosaic_0001>
#map = affine_map<(d0, d1) -> (0, 0)>
#map1 = affine_map<(d0, d1) -> (0, 0, 0)>
module attributes {stable_mosaic.version = 14 : i64} {
  func.func @_spmm_kernel(%arg0: i32, %arg1: i32, %arg2: memref<10240x64xf32, #tpu.memory_space<hbm>>, %arg3: memref<2560x128xi32, #tpu.memory_space<hbm>>, %arg4: memref<2560x128xi32, #tpu.memory_space<hbm>>, %arg5: memref<10240x64xf32, #tpu.memory_space<hbm>>, %arg6: memref<2x10240x64xf32, #tpu.memory_space<hbm>>, %arg7: memref<10240x64xf32, #tpu.memory_space<vmem_shared>>, %arg8: memref<80x128xi32, #tpu.memory_space<vmem>>, %arg9: memref<80x128xi32, #tpu.memory_space<vmem>>, %arg10: memref<128x64xf32, #tpu.memory_space<vmem>>, %arg11: memref<128x64xf32, #tpu.memory_space<vmem>>, %arg12: memref<128x64xf32, #tpu.memory_space<vmem>>, %arg13: memref<128x64xf32, #tpu.memory_space<vmem>>, %arg14: memref<128x64xf32, #tpu.memory_space<vmem>>, %arg15: memref<128x64xf32, #tpu.memory_space<vmem>>, %arg16: memref<128x64xf32, #tpu.memory_space<vmem>>, %arg17: memref<128x64xf32, #tpu.memory_space<vmem>>, %arg18: memref<!tpu.dma_semaphore, #tpu.memory_space<semaphore_mem>>, %arg19: memref<!tpu.dma_semaphore, #tpu.memory_space<semaphore_mem>>, %arg20: memref<!tpu.dma_semaphore, #tpu.memory_space<semaphore_mem>>, %arg21: memref<!tpu.dma_semaphore, #tpu.memory_space<semaphore_mem>>, %arg22: memref<!tpu.dma_semaphore, #tpu.memory_space<semaphore_mem>>, %arg23: memref<!tpu.dma_semaphore, #tpu.memory_space<semaphore_mem>>, %arg24: memref<!tpu.dma_semaphore, #tpu.memory_space<semaphore_mem>>, %arg25: memref<!tpu.dma_semaphore, #tpu.memory_space<semaphore_mem>>, %arg26: memref<!tpu.dma_semaphore, #tpu.memory_space<semaphore_mem>>, %arg27: memref<!tpu.dma_semaphore, #tpu.memory_space<semaphore_mem>>, %arg28: memref<!tpu.dma_semaphore, #tpu.memory_space<semaphore_mem>>, %arg29: memref<!tpu.dma_semaphore, #tpu.memory_space<semaphore_mem>>, %arg30: memref<!tpu.dma_semaphore, #tpu.memory_space<semaphore_mem>>, %arg31: memref<!tpu.dma_semaphore, #tpu.memory_space<semaphore_mem>>, %arg32: memref<!tpu.dma_semaphore, #tpu.memory_space<semaphore_mem>>, %arg33: memref<!tpu.dma_semaphore, #tpu.memory_space<semaphore_mem>>) attributes {dimension_semantics = [#tpu.dimension_semantics<core_parallel>, #tpu.dimension_semantics<subcore_parallel>], iteration_bounds = array<i64: 2, 16>, scalar_prefetch = 0 : i64, scratch_operands = 27 : i64, tpu.core_type = #tpu.core_type<sc_vector_subcore>, window_params = [{transform_indices = #map}, {transform_indices = #map}, {transform_indices = #map}, {transform_indices = #map}, {transform_indices = #map1}]} {
    %mul3A = arith.constant 16 : i32
    %mul3A_0 = arith.muli %arg0, %mul3A : i32
    %add3A = arith.addi %mul3A_0, %arg1 : i32
    %mul3A_1 = arith.constant 640 : i32
    %mul3A_2 = arith.muli %arg1, %mul3A_1 : i32
    %mul3A_3 = arith.constant 640 : i32
    %mul3A_4 = arith.muli %arg1, %mul3A_3 : i32
    %dma_start3A = arith.constant 0 : i32
    %dma_start3A_5 = tpu.memref_slice %arg7[%mul3A_4, %dma_start3A] : memref<10240x64xf32, #tpu.memory_space<vmem_shared>> -> memref<640x64xf32, #tpu.memory_space<vmem_shared>>
    %dma_start3A_6 = arith.constant 0 : i32
    %dma_start3A_7 = tpu.memref_slice %arg5[%mul3A_2, %dma_start3A_6] : memref<10240x64xf32, #tpu.memory_space<hbm>> -> memref<640x64xf32, #tpu.memory_space<hbm>>
    tpu.enqueue_dma source(%dma_start3A_7 : memref<640x64xf32, #tpu.memory_space<hbm>>) target(%dma_start3A_5 : memref<640x64xf32, #tpu.memory_space<vmem_shared>>) target_semaphore(%arg18 : memref<!tpu.dma_semaphore, #tpu.memory_space<semaphore_mem>>)
    %mul3A_8 = arith.constant 80 : i32
    %mul3A_9 = arith.muli %add3A, %mul3A_8 : i32
    %dma_start3A_10 = arith.constant 0 : i32
    %dma_start3A_11 = tpu.memref_slice %arg3[%mul3A_9, %dma_start3A_10] : memref<2560x128xi32, #tpu.memory_space<hbm>> -> memref<80x128xi32, #tpu.memory_space<hbm>>
    %dma_start3A_12 = arith.constant 0 : i32
    %dma_start3A_13 = tpu.memref_slice %arg3[%mul3A_9, %dma_start3A_12] : memref<2560x128xi32, #tpu.memory_space<hbm>> -> memref<80x128xi32, #tpu.memory_space<hbm>>
    tpu.enqueue_dma source(%dma_start3A_13 : memref<80x128xi32, #tpu.memory_space<hbm>>) target(%arg8 : memref<80x128xi32, #tpu.memory_space<vmem>>) target_semaphore(%arg19 : memref<!tpu.dma_semaphore, #tpu.memory_space<semaphore_mem>>)
    %mul3A_14 = arith.constant 80 : i32
    %mul3A_15 = arith.muli %add3A, %mul3A_14 : i32
    %dma_start3A_16 = arith.constant 0 : i32
    %dma_start3A_17 = tpu.memref_slice %arg4[%mul3A_15, %dma_start3A_16] : memref<2560x128xi32, #tpu.memory_space<hbm>> -> memref<80x128xi32, #tpu.memory_space<hbm>>
    %dma_start3A_18 = arith.constant 0 : i32
    %dma_start3A_19 = tpu.memref_slice %arg4[%mul3A_15, %dma_start3A_18] : memref<2560x128xi32, #tpu.memory_space<hbm>> -> memref<80x128xi32, #tpu.memory_space<hbm>>
    tpu.enqueue_dma source(%dma_start3A_19 : memref<80x128xi32, #tpu.memory_space<hbm>>) target(%arg9 : memref<80x128xi32, #tpu.memory_space<vmem>>) target_semaphore(%arg20 : memref<!tpu.dma_semaphore, #tpu.memory_space<semaphore_mem>>)
    %dma_wait3A = arith.constant 0 : i32
    %dma_wait3A_20 = tpu.memref_slice %arg7[%mul3A_4, %dma_wait3A] : memref<10240x64xf32, #tpu.memory_space<vmem_shared>> -> memref<640x64xf32, #tpu.memory_space<vmem_shared>>
    %dma_wait3A_21 = arith.constant 0 : i32
    %dma_wait3A_22 = tpu.memref_slice %arg5[%mul3A_2, %dma_wait3A_21] : memref<10240x64xf32, #tpu.memory_space<hbm>> -> memref<640x64xf32, #tpu.memory_space<hbm>>
    tpu.wait_dma2 semaphore(%arg18 : memref<!tpu.dma_semaphore, #tpu.memory_space<semaphore_mem>>) src(%dma_wait3A_22 : memref<640x64xf32, #tpu.memory_space<hbm>>) dst(%dma_wait3A_20 : memref<640x64xf32, #tpu.memory_space<vmem_shared>>)
    %dma_wait3A_23 = arith.constant 0 : i32
    %dma_wait3A_24 = tpu.memref_slice %arg3[%mul3A_9, %dma_wait3A_23] : memref<2560x128xi32, #tpu.memory_space<hbm>> -> memref<80x128xi32, #tpu.memory_space<hbm>>
    %dma_wait3A_25 = arith.constant 0 : i32
    %dma_wait3A_26 = tpu.memref_slice %arg3[%mul3A_9, %dma_wait3A_25] : memref<2560x128xi32, #tpu.memory_space<hbm>> -> memref<80x128xi32, #tpu.memory_space<hbm>>
    tpu.wait_dma2 semaphore(%arg19 : memref<!tpu.dma_semaphore, #tpu.memory_space<semaphore_mem>>) src(%dma_wait3A_26 : memref<80x128xi32, #tpu.memory_space<hbm>>) dst(%arg8 : memref<80x128xi32, #tpu.memory_space<vmem>>)
    %dma_wait3A_27 = arith.constant 0 : i32
    %dma_wait3A_28 = tpu.memref_slice %arg4[%mul3A_15, %dma_wait3A_27] : memref<2560x128xi32, #tpu.memory_space<hbm>> -> memref<80x128xi32, #tpu.memory_space<hbm>>
    %dma_wait3A_29 = arith.constant 0 : i32
    %dma_wait3A_30 = tpu.memref_slice %arg4[%mul3A_15, %dma_wait3A_29] : memref<2560x128xi32, #tpu.memory_space<hbm>> -> memref<80x128xi32, #tpu.memory_space<hbm>>
    tpu.wait_dma2 semaphore(%arg20 : memref<!tpu.dma_semaphore, #tpu.memory_space<semaphore_mem>>) src(%dma_wait3A_30 : memref<80x128xi32, #tpu.memory_space<hbm>>) dst(%arg9 : memref<80x128xi32, #tpu.memory_space<vmem>>)
    %barrier3A = arith.constant 0 : index
    tpu.barrier barrier_id(%barrier3A)
    %dma_start3A_31 = arith.constant 0 : i32
    %dma_start3A_32 = arith.constant 0 : i32
    %dma_start3A_33 = tpu.memref_slice %arg8[%dma_start3A_31, %dma_start3A_32] : memref<80x128xi32, #tpu.memory_space<vmem>> -> memref<1x128xi32, #tpu.memory_space<vmem>>
    %dma_start3A_34 = tpu.memref_squeeze %dma_start3A_33 : memref<1x128xi32, #tpu.memory_space<vmem>> -> memref<128xi32, #tpu.memory_space<vmem>>
    %dma_start3A_35 = arith.constant 0 : i32
    %dma_start3A_36 = arith.constant 0 : i32
    %dma_start3A_37 = tpu.memref_slice %arg2[%dma_start3A_35, %dma_start3A_36] : memref<10240x64xf32, #tpu.memory_space<hbm>> -> memref<10240x64xf32, #tpu.memory_space<hbm>>
    tpu.enqueue_indirect_dma source(%dma_start3A_37 : memref<10240x64xf32, #tpu.memory_space<hbm>>) target(%arg10 : memref<128x64xf32, #tpu.memory_space<vmem>>) offsets(%dma_start3A_34 : memref<128xi32, #tpu.memory_space<vmem>>) semaphore(%arg18 : memref<!tpu.dma_semaphore, #tpu.memory_space<semaphore_mem>>)
    %dma_start3A_38 = arith.constant 1 : i32
    %dma_start3A_39 = arith.constant 0 : i32
    %dma_start3A_40 = tpu.memref_slice %arg8[%dma_start3A_38, %dma_start3A_39] : memref<80x128xi32, #tpu.memory_space<vmem>> -> memref<1x128xi32, #tpu.memory_space<vmem>>
    %dma_start3A_41 = tpu.memref_squeeze %dma_start3A_40 : memref<1x128xi32, #tpu.memory_space<vmem>> -> memref<128xi32, #tpu.memory_space<vmem>>
    %dma_start3A_42 = arith.constant 0 : i32
    %dma_start3A_43 = arith.constant 0 : i32
    %dma_start3A_44 = tpu.memref_slice %arg2[%dma_start3A_42, %dma_start3A_43] : memref<10240x64xf32, #tpu.memory_space<hbm>> -> memref<10240x64xf32, #tpu.memory_space<hbm>>
    tpu.enqueue_indirect_dma source(%dma_start3A_44 : memref<10240x64xf32, #tpu.memory_space<hbm>>) target(%arg11 : memref<128x64xf32, #tpu.memory_space<vmem>>) offsets(%dma_start3A_41 : memref<128xi32, #tpu.memory_space<vmem>>) semaphore(%arg19 : memref<!tpu.dma_semaphore, #tpu.memory_space<semaphore_mem>>)
    %dma_start3A_45 = arith.constant 2 : i32
    %dma_start3A_46 = arith.constant 0 : i32
    %dma_start3A_47 = tpu.memref_slice %arg8[%dma_start3A_45, %dma_start3A_46] : memref<80x128xi32, #tpu.memory_space<vmem>> -> memref<1x128xi32, #tpu.memory_space<vmem>>
    %dma_start3A_48 = tpu.memref_squeeze %dma_start3A_47 : memref<1x128xi32, #tpu.memory_space<vmem>> -> memref<128xi32, #tpu.memory_space<vmem>>
    %dma_start3A_49 = arith.constant 0 : i32
    %dma_start3A_50 = arith.constant 0 : i32
    %dma_start3A_51 = tpu.memref_slice %arg2[%dma_start3A_49, %dma_start3A_50] : memref<10240x64xf32, #tpu.memory_space<hbm>> -> memref<10240x64xf32, #tpu.memory_space<hbm>>
    tpu.enqueue_indirect_dma source(%dma_start3A_51 : memref<10240x64xf32, #tpu.memory_space<hbm>>) target(%arg12 : memref<128x64xf32, #tpu.memory_space<vmem>>) offsets(%dma_start3A_48 : memref<128xi32, #tpu.memory_space<vmem>>) semaphore(%arg20 : memref<!tpu.dma_semaphore, #tpu.memory_space<semaphore_mem>>)
    %dma_start3A_52 = arith.constant 3 : i32
    %dma_start3A_53 = arith.constant 0 : i32
    %dma_start3A_54 = tpu.memref_slice %arg8[%dma_start3A_52, %dma_start3A_53] : memref<80x128xi32, #tpu.memory_space<vmem>> -> memref<1x128xi32, #tpu.memory_space<vmem>>
    %dma_start3A_55 = tpu.memref_squeeze %dma_start3A_54 : memref<1x128xi32, #tpu.memory_space<vmem>> -> memref<128xi32, #tpu.memory_space<vmem>>
    %dma_start3A_56 = arith.constant 0 : i32
    %dma_start3A_57 = arith.constant 0 : i32
    %dma_start3A_58 = tpu.memref_slice %arg2[%dma_start3A_56, %dma_start3A_57] : memref<10240x64xf32, #tpu.memory_space<hbm>> -> memref<10240x64xf32, #tpu.memory_space<hbm>>
    tpu.enqueue_indirect_dma source(%dma_start3A_58 : memref<10240x64xf32, #tpu.memory_space<hbm>>) target(%arg13 : memref<128x64xf32, #tpu.memory_space<vmem>>) offsets(%dma_start3A_55 : memref<128xi32, #tpu.memory_space<vmem>>) semaphore(%arg21 : memref<!tpu.dma_semaphore, #tpu.memory_space<semaphore_mem>>)
    %dma_start3A_59 = arith.constant 4 : i32
    %dma_start3A_60 = arith.constant 0 : i32
    %dma_start3A_61 = tpu.memref_slice %arg8[%dma_start3A_59, %dma_start3A_60] : memref<80x128xi32, #tpu.memory_space<vmem>> -> memref<1x128xi32, #tpu.memory_space<vmem>>
    %dma_start3A_62 = tpu.memref_squeeze %dma_start3A_61 : memref<1x128xi32, #tpu.memory_space<vmem>> -> memref<128xi32, #tpu.memory_space<vmem>>
    %dma_start3A_63 = arith.constant 0 : i32
    %dma_start3A_64 = arith.constant 0 : i32
    %dma_start3A_65 = tpu.memref_slice %arg2[%dma_start3A_63, %dma_start3A_64] : memref<10240x64xf32, #tpu.memory_space<hbm>> -> memref<10240x64xf32, #tpu.memory_space<hbm>>
    tpu.enqueue_indirect_dma source(%dma_start3A_65 : memref<10240x64xf32, #tpu.memory_space<hbm>>) target(%arg14 : memref<128x64xf32, #tpu.memory_space<vmem>>) offsets(%dma_start3A_62 : memref<128xi32, #tpu.memory_space<vmem>>) semaphore(%arg22 : memref<!tpu.dma_semaphore, #tpu.memory_space<semaphore_mem>>)
    %dma_start3A_66 = arith.constant 5 : i32
    %dma_start3A_67 = arith.constant 0 : i32
    %dma_start3A_68 = tpu.memref_slice %arg8[%dma_start3A_66, %dma_start3A_67] : memref<80x128xi32, #tpu.memory_space<vmem>> -> memref<1x128xi32, #tpu.memory_space<vmem>>
    %dma_start3A_69 = tpu.memref_squeeze %dma_start3A_68 : memref<1x128xi32, #tpu.memory_space<vmem>> -> memref<128xi32, #tpu.memory_space<vmem>>
    %dma_start3A_70 = arith.constant 0 : i32
    %dma_start3A_71 = arith.constant 0 : i32
    %dma_start3A_72 = tpu.memref_slice %arg2[%dma_start3A_70, %dma_start3A_71] : memref<10240x64xf32, #tpu.memory_space<hbm>> -> memref<10240x64xf32, #tpu.memory_space<hbm>>
    tpu.enqueue_indirect_dma source(%dma_start3A_72 : memref<10240x64xf32, #tpu.memory_space<hbm>>) target(%arg15 : memref<128x64xf32, #tpu.memory_space<vmem>>) offsets(%dma_start3A_69 : memref<128xi32, #tpu.memory_space<vmem>>) semaphore(%arg23 : memref<!tpu.dma_semaphore, #tpu.memory_space<semaphore_mem>>)
    %dma_start3A_73 = arith.constant 6 : i32
    %dma_start3A_74 = arith.constant 0 : i32
    %dma_start3A_75 = tpu.memref_slice %arg8[%dma_start3A_73, %dma_start3A_74] : memref<80x128xi32, #tpu.memory_space<vmem>> -> memref<1x128xi32, #tpu.memory_space<vmem>>
    %dma_start3A_76 = tpu.memref_squeeze %dma_start3A_75 : memref<1x128xi32, #tpu.memory_space<vmem>> -> memref<128xi32, #tpu.memory_space<vmem>>
    %dma_start3A_77 = arith.constant 0 : i32
    %dma_start3A_78 = arith.constant 0 : i32
    %dma_start3A_79 = tpu.memref_slice %arg2[%dma_start3A_77, %dma_start3A_78] : memref<10240x64xf32, #tpu.memory_space<hbm>> -> memref<10240x64xf32, #tpu.memory_space<hbm>>
    tpu.enqueue_indirect_dma source(%dma_start3A_79 : memref<10240x64xf32, #tpu.memory_space<hbm>>) target(%arg16 : memref<128x64xf32, #tpu.memory_space<vmem>>) offsets(%dma_start3A_76 : memref<128xi32, #tpu.memory_space<vmem>>) semaphore(%arg24 : memref<!tpu.dma_semaphore, #tpu.memory_space<semaphore_mem>>)
    %dma_start3A_80 = arith.constant 7 : i32
    %dma_start3A_81 = arith.constant 0 : i32
    %dma_start3A_82 = tpu.memref_slice %arg8[%dma_start3A_80, %dma_start3A_81] : memref<80x128xi32, #tpu.memory_space<vmem>> -> memref<1x128xi32, #tpu.memory_space<vmem>>
    %dma_start3A_83 = tpu.memref_squeeze %dma_start3A_82 : memref<1x128xi32, #tpu.memory_space<vmem>> -> memref<128xi32, #tpu.memory_space<vmem>>
    %dma_start3A_84 = arith.constant 0 : i32
    %dma_start3A_85 = arith.constant 0 : i32
    %dma_start3A_86 = tpu.memref_slice %arg2[%dma_start3A_84, %dma_start3A_85] : memref<10240x64xf32, #tpu.memory_space<hbm>> -> memref<10240x64xf32, #tpu.memory_space<hbm>>
    tpu.enqueue_indirect_dma source(%dma_start3A_86 : memref<10240x64xf32, #tpu.memory_space<hbm>>) target(%arg17 : memref<128x64xf32, #tpu.memory_space<vmem>>) offsets(%dma_start3A_83 : memref<128xi32, #tpu.memory_space<vmem>>) semaphore(%arg25 : memref<!tpu.dma_semaphore, #tpu.memory_space<semaphore_mem>>)
    %scan3A = arith.constant 0 : i32
    %scan3A_87 = arith.constant 0 : i32
    %scan3A_88 = arith.constant 9 : i32
    %scan3A_89 = arith.addi %scan3A_87, %scan3A_88 : i32
    %scan3A_90 = arith.constant 1 : i32
    scf.for %scan3A_265 = %scan3A_87 to %scan3A_89 step %scan3A_90  : i32 {
      %mul3A_266 = arith.constant 8 : i32
      %mul3A_267 = arith.muli %scan3A_265, %mul3A_266 : i32
      %add3A_268 = arith.constant 0 : i32
      %add3A_269 = arith.addi %mul3A_267, %add3A_268 : i32
      %dma_wait3A_270 = arith.constant 0 : i32
      %dma_wait3A_271 = tpu.memref_slice %arg8[%add3A_269, %dma_wait3A_270] : memref<80x128xi32, #tpu.memory_space<vmem>> -> memref<1x128xi32, #tpu.memory_space<vmem>>
      %dma_wait3A_272 = tpu.memref_squeeze %dma_wait3A_271 : memref<1x128xi32, #tpu.memory_space<vmem>> -> memref<128xi32, #tpu.memory_space<vmem>>
      %dma_wait3A_273 = arith.constant 0 : i32
      %dma_wait3A_274 = arith.constant 0 : i32
      %dma_wait3A_275 = tpu.memref_slice %arg2[%dma_wait3A_273, %dma_wait3A_274] : memref<10240x64xf32, #tpu.memory_space<hbm>> -> memref<10240x64xf32, #tpu.memory_space<hbm>>
      tpu.wait_indirect_dma semaphore(%arg18 : memref<!tpu.dma_semaphore, #tpu.memory_space<semaphore_mem>>) src(%dma_wait3A_275 : memref<10240x64xf32, #tpu.memory_space<hbm>>) dst(%arg10 : memref<128x64xf32, #tpu.memory_space<vmem>>)
      %add3A_276 = arith.constant 0 : i32
      %add3A_277 = arith.addi %mul3A_267, %add3A_276 : i32
      %dma_start3A_278 = arith.constant 0 : i32
      %dma_start3A_279 = tpu.memref_slice %arg9[%add3A_277, %dma_start3A_278] : memref<80x128xi32, #tpu.memory_space<vmem>> -> memref<1x128xi32, #tpu.memory_space<vmem>>
      %dma_start3A_280 = tpu.memref_squeeze %dma_start3A_279 : memref<1x128xi32, #tpu.memory_space<vmem>> -> memref<128xi32, #tpu.memory_space<vmem>>
      %dma_start3A_281 = arith.constant 0 : i32
      %dma_start3A_282 = arith.constant 0 : i32
      %dma_start3A_283 = tpu.memref_slice %arg7[%dma_start3A_281, %dma_start3A_282] : memref<10240x64xf32, #tpu.memory_space<vmem_shared>> -> memref<10240x64xf32, #tpu.memory_space<vmem_shared>>
      tpu.enqueue_indirect_dma source(%arg10 : memref<128x64xf32, #tpu.memory_space<vmem>>) target(%dma_start3A_283 : memref<10240x64xf32, #tpu.memory_space<vmem_shared>>) offsets(%dma_start3A_280 : memref<128xi32, #tpu.memory_space<vmem>>) semaphore(%arg26 : memref<!tpu.dma_semaphore, #tpu.memory_space<semaphore_mem>>) {add = true}
      %add3A_284 = arith.constant 1 : i32
      %add3A_285 = arith.addi %mul3A_267, %add3A_284 : i32
      %dma_wait3A_286 = arith.constant 0 : i32
      %dma_wait3A_287 = tpu.memref_slice %arg8[%add3A_285, %dma_wait3A_286] : memref<80x128xi32, #tpu.memory_space<vmem>> -> memref<1x128xi32, #tpu.memory_space<vmem>>
      %dma_wait3A_288 = tpu.memref_squeeze %dma_wait3A_287 : memref<1x128xi32, #tpu.memory_space<vmem>> -> memref<128xi32, #tpu.memory_space<vmem>>
      %dma_wait3A_289 = arith.constant 0 : i32
      %dma_wait3A_290 = arith.constant 0 : i32
      %dma_wait3A_291 = tpu.memref_slice %arg2[%dma_wait3A_289, %dma_wait3A_290] : memref<10240x64xf32, #tpu.memory_space<hbm>> -> memref<10240x64xf32, #tpu.memory_space<hbm>>
      tpu.wait_indirect_dma semaphore(%arg19 : memref<!tpu.dma_semaphore, #tpu.memory_space<semaphore_mem>>) src(%dma_wait3A_291 : memref<10240x64xf32, #tpu.memory_space<hbm>>) dst(%arg11 : memref<128x64xf32, #tpu.memory_space<vmem>>)
      %add3A_292 = arith.constant 1 : i32
      %add3A_293 = arith.addi %mul3A_267, %add3A_292 : i32
      %dma_start3A_294 = arith.constant 0 : i32
      %dma_start3A_295 = tpu.memref_slice %arg9[%add3A_293, %dma_start3A_294] : memref<80x128xi32, #tpu.memory_space<vmem>> -> memref<1x128xi32, #tpu.memory_space<vmem>>
      %dma_start3A_296 = tpu.memref_squeeze %dma_start3A_295 : memref<1x128xi32, #tpu.memory_space<vmem>> -> memref<128xi32, #tpu.memory_space<vmem>>
      %dma_start3A_297 = arith.constant 0 : i32
      %dma_start3A_298 = arith.constant 0 : i32
      %dma_start3A_299 = tpu.memref_slice %arg7[%dma_start3A_297, %dma_start3A_298] : memref<10240x64xf32, #tpu.memory_space<vmem_shared>> -> memref<10240x64xf32, #tpu.memory_space<vmem_shared>>
      tpu.enqueue_indirect_dma source(%arg11 : memref<128x64xf32, #tpu.memory_space<vmem>>) target(%dma_start3A_299 : memref<10240x64xf32, #tpu.memory_space<vmem_shared>>) offsets(%dma_start3A_296 : memref<128xi32, #tpu.memory_space<vmem>>) semaphore(%arg27 : memref<!tpu.dma_semaphore, #tpu.memory_space<semaphore_mem>>) {add = true}
      %add3A_300 = arith.constant 2 : i32
      %add3A_301 = arith.addi %mul3A_267, %add3A_300 : i32
      %dma_wait3A_302 = arith.constant 0 : i32
      %dma_wait3A_303 = tpu.memref_slice %arg8[%add3A_301, %dma_wait3A_302] : memref<80x128xi32, #tpu.memory_space<vmem>> -> memref<1x128xi32, #tpu.memory_space<vmem>>
      %dma_wait3A_304 = tpu.memref_squeeze %dma_wait3A_303 : memref<1x128xi32, #tpu.memory_space<vmem>> -> memref<128xi32, #tpu.memory_space<vmem>>
      %dma_wait3A_305 = arith.constant 0 : i32
      %dma_wait3A_306 = arith.constant 0 : i32
      %dma_wait3A_307 = tpu.memref_slice %arg2[%dma_wait3A_305, %dma_wait3A_306] : memref<10240x64xf32, #tpu.memory_space<hbm>> -> memref<10240x64xf32, #tpu.memory_space<hbm>>
      tpu.wait_indirect_dma semaphore(%arg20 : memref<!tpu.dma_semaphore, #tpu.memory_space<semaphore_mem>>) src(%dma_wait3A_307 : memref<10240x64xf32, #tpu.memory_space<hbm>>) dst(%arg12 : memref<128x64xf32, #tpu.memory_space<vmem>>)
      %add3A_308 = arith.constant 2 : i32
      %add3A_309 = arith.addi %mul3A_267, %add3A_308 : i32
      %dma_start3A_310 = arith.constant 0 : i32
      %dma_start3A_311 = tpu.memref_slice %arg9[%add3A_309, %dma_start3A_310] : memref<80x128xi32, #tpu.memory_space<vmem>> -> memref<1x128xi32, #tpu.memory_space<vmem>>
      %dma_start3A_312 = tpu.memref_squeeze %dma_start3A_311 : memref<1x128xi32, #tpu.memory_space<vmem>> -> memref<128xi32, #tpu.memory_space<vmem>>
      %dma_start3A_313 = arith.constant 0 : i32
      %dma_start3A_314 = arith.constant 0 : i32
      %dma_start3A_315 = tpu.memref_slice %arg7[%dma_start3A_313, %dma_start3A_314] : memref<10240x64xf32, #tpu.memory_space<vmem_shared>> -> memref<10240x64xf32, #tpu.memory_space<vmem_shared>>
      tpu.enqueue_indirect_dma source(%arg12 : memref<128x64xf32, #tpu.memory_space<vmem>>) target(%dma_start3A_315 : memref<10240x64xf32, #tpu.memory_space<vmem_shared>>) offsets(%dma_start3A_312 : memref<128xi32, #tpu.memory_space<vmem>>) semaphore(%arg28 : memref<!tpu.dma_semaphore, #tpu.memory_space<semaphore_mem>>) {add = true}
      %add3A_316 = arith.constant 3 : i32
      %add3A_317 = arith.addi %mul3A_267, %add3A_316 : i32
      %dma_wait3A_318 = arith.constant 0 : i32
      %dma_wait3A_319 = tpu.memref_slice %arg8[%add3A_317, %dma_wait3A_318] : memref<80x128xi32, #tpu.memory_space<vmem>> -> memref<1x128xi32, #tpu.memory_space<vmem>>
      %dma_wait3A_320 = tpu.memref_squeeze %dma_wait3A_319 : memref<1x128xi32, #tpu.memory_space<vmem>> -> memref<128xi32, #tpu.memory_space<vmem>>
      %dma_wait3A_321 = arith.constant 0 : i32
      %dma_wait3A_322 = arith.constant 0 : i32
      %dma_wait3A_323 = tpu.memref_slice %arg2[%dma_wait3A_321, %dma_wait3A_322] : memref<10240x64xf32, #tpu.memory_space<hbm>> -> memref<10240x64xf32, #tpu.memory_space<hbm>>
      tpu.wait_indirect_dma semaphore(%arg21 : memref<!tpu.dma_semaphore, #tpu.memory_space<semaphore_mem>>) src(%dma_wait3A_323 : memref<10240x64xf32, #tpu.memory_space<hbm>>) dst(%arg13 : memref<128x64xf32, #tpu.memory_space<vmem>>)
      %add3A_324 = arith.constant 3 : i32
      %add3A_325 = arith.addi %mul3A_267, %add3A_324 : i32
      %dma_start3A_326 = arith.constant 0 : i32
      %dma_start3A_327 = tpu.memref_slice %arg9[%add3A_325, %dma_start3A_326] : memref<80x128xi32, #tpu.memory_space<vmem>> -> memref<1x128xi32, #tpu.memory_space<vmem>>
      %dma_start3A_328 = tpu.memref_squeeze %dma_start3A_327 : memref<1x128xi32, #tpu.memory_space<vmem>> -> memref<128xi32, #tpu.memory_space<vmem>>
      %dma_start3A_329 = arith.constant 0 : i32
      %dma_start3A_330 = arith.constant 0 : i32
      %dma_start3A_331 = tpu.memref_slice %arg7[%dma_start3A_329, %dma_start3A_330] : memref<10240x64xf32, #tpu.memory_space<vmem_shared>> -> memref<10240x64xf32, #tpu.memory_space<vmem_shared>>
      tpu.enqueue_indirect_dma source(%arg13 : memref<128x64xf32, #tpu.memory_space<vmem>>) target(%dma_start3A_331 : memref<10240x64xf32, #tpu.memory_space<vmem_shared>>) offsets(%dma_start3A_328 : memref<128xi32, #tpu.memory_space<vmem>>) semaphore(%arg29 : memref<!tpu.dma_semaphore, #tpu.memory_space<semaphore_mem>>) {add = true}
      %add3A_332 = arith.constant 4 : i32
      %add3A_333 = arith.addi %mul3A_267, %add3A_332 : i32
      %dma_wait3A_334 = arith.constant 0 : i32
      %dma_wait3A_335 = tpu.memref_slice %arg8[%add3A_333, %dma_wait3A_334] : memref<80x128xi32, #tpu.memory_space<vmem>> -> memref<1x128xi32, #tpu.memory_space<vmem>>
      %dma_wait3A_336 = tpu.memref_squeeze %dma_wait3A_335 : memref<1x128xi32, #tpu.memory_space<vmem>> -> memref<128xi32, #tpu.memory_space<vmem>>
      %dma_wait3A_337 = arith.constant 0 : i32
      %dma_wait3A_338 = arith.constant 0 : i32
      %dma_wait3A_339 = tpu.memref_slice %arg2[%dma_wait3A_337, %dma_wait3A_338] : memref<10240x64xf32, #tpu.memory_space<hbm>> -> memref<10240x64xf32, #tpu.memory_space<hbm>>
      tpu.wait_indirect_dma semaphore(%arg22 : memref<!tpu.dma_semaphore, #tpu.memory_space<semaphore_mem>>) src(%dma_wait3A_339 : memref<10240x64xf32, #tpu.memory_space<hbm>>) dst(%arg14 : memref<128x64xf32, #tpu.memory_space<vmem>>)
      %add3A_340 = arith.constant 4 : i32
      %add3A_341 = arith.addi %mul3A_267, %add3A_340 : i32
      %dma_start3A_342 = arith.constant 0 : i32
      %dma_start3A_343 = tpu.memref_slice %arg9[%add3A_341, %dma_start3A_342] : memref<80x128xi32, #tpu.memory_space<vmem>> -> memref<1x128xi32, #tpu.memory_space<vmem>>
      %dma_start3A_344 = tpu.memref_squeeze %dma_start3A_343 : memref<1x128xi32, #tpu.memory_space<vmem>> -> memref<128xi32, #tpu.memory_space<vmem>>
      %dma_start3A_345 = arith.constant 0 : i32
      %dma_start3A_346 = arith.constant 0 : i32
      %dma_start3A_347 = tpu.memref_slice %arg7[%dma_start3A_345, %dma_start3A_346] : memref<10240x64xf32, #tpu.memory_space<vmem_shared>> -> memref<10240x64xf32, #tpu.memory_space<vmem_shared>>
      tpu.enqueue_indirect_dma source(%arg14 : memref<128x64xf32, #tpu.memory_space<vmem>>) target(%dma_start3A_347 : memref<10240x64xf32, #tpu.memory_space<vmem_shared>>) offsets(%dma_start3A_344 : memref<128xi32, #tpu.memory_space<vmem>>) semaphore(%arg30 : memref<!tpu.dma_semaphore, #tpu.memory_space<semaphore_mem>>) {add = true}
      %add3A_348 = arith.constant 5 : i32
      %add3A_349 = arith.addi %mul3A_267, %add3A_348 : i32
      %dma_wait3A_350 = arith.constant 0 : i32
      %dma_wait3A_351 = tpu.memref_slice %arg8[%add3A_349, %dma_wait3A_350] : memref<80x128xi32, #tpu.memory_space<vmem>> -> memref<1x128xi32, #tpu.memory_space<vmem>>
      %dma_wait3A_352 = tpu.memref_squeeze %dma_wait3A_351 : memref<1x128xi32, #tpu.memory_space<vmem>> -> memref<128xi32, #tpu.memory_space<vmem>>
      %dma_wait3A_353 = arith.constant 0 : i32
      %dma_wait3A_354 = arith.constant 0 : i32
      %dma_wait3A_355 = tpu.memref_slice %arg2[%dma_wait3A_353, %dma_wait3A_354] : memref<10240x64xf32, #tpu.memory_space<hbm>> -> memref<10240x64xf32, #tpu.memory_space<hbm>>
      tpu.wait_indirect_dma semaphore(%arg23 : memref<!tpu.dma_semaphore, #tpu.memory_space<semaphore_mem>>) src(%dma_wait3A_355 : memref<10240x64xf32, #tpu.memory_space<hbm>>) dst(%arg15 : memref<128x64xf32, #tpu.memory_space<vmem>>)
      %add3A_356 = arith.constant 5 : i32
      %add3A_357 = arith.addi %mul3A_267, %add3A_356 : i32
      %dma_start3A_358 = arith.constant 0 : i32
      %dma_start3A_359 = tpu.memref_slice %arg9[%add3A_357, %dma_start3A_358] : memref<80x128xi32, #tpu.memory_space<vmem>> -> memref<1x128xi32, #tpu.memory_space<vmem>>
      %dma_start3A_360 = tpu.memref_squeeze %dma_start3A_359 : memref<1x128xi32, #tpu.memory_space<vmem>> -> memref<128xi32, #tpu.memory_space<vmem>>
      %dma_start3A_361 = arith.constant 0 : i32
      %dma_start3A_362 = arith.constant 0 : i32
      %dma_start3A_363 = tpu.memref_slice %arg7[%dma_start3A_361, %dma_start3A_362] : memref<10240x64xf32, #tpu.memory_space<vmem_shared>> -> memref<10240x64xf32, #tpu.memory_space<vmem_shared>>
      tpu.enqueue_indirect_dma source(%arg15 : memref<128x64xf32, #tpu.memory_space<vmem>>) target(%dma_start3A_363 : memref<10240x64xf32, #tpu.memory_space<vmem_shared>>) offsets(%dma_start3A_360 : memref<128xi32, #tpu.memory_space<vmem>>) semaphore(%arg31 : memref<!tpu.dma_semaphore, #tpu.memory_space<semaphore_mem>>) {add = true}
      %add3A_364 = arith.constant 6 : i32
      %add3A_365 = arith.addi %mul3A_267, %add3A_364 : i32
      %dma_wait3A_366 = arith.constant 0 : i32
      %dma_wait3A_367 = tpu.memref_slice %arg8[%add3A_365, %dma_wait3A_366] : memref<80x128xi32, #tpu.memory_space<vmem>> -> memref<1x128xi32, #tpu.memory_space<vmem>>
      %dma_wait3A_368 = tpu.memref_squeeze %dma_wait3A_367 : memref<1x128xi32, #tpu.memory_space<vmem>> -> memref<128xi32, #tpu.memory_space<vmem>>
      %dma_wait3A_369 = arith.constant 0 : i32
      %dma_wait3A_370 = arith.constant 0 : i32
      %dma_wait3A_371 = tpu.memref_slice %arg2[%dma_wait3A_369, %dma_wait3A_370] : memref<10240x64xf32, #tpu.memory_space<hbm>> -> memref<10240x64xf32, #tpu.memory_space<hbm>>
      tpu.wait_indirect_dma semaphore(%arg24 : memref<!tpu.dma_semaphore, #tpu.memory_space<semaphore_mem>>) src(%dma_wait3A_371 : memref<10240x64xf32, #tpu.memory_space<hbm>>) dst(%arg16 : memref<128x64xf32, #tpu.memory_space<vmem>>)
      %add3A_372 = arith.constant 6 : i32
      %add3A_373 = arith.addi %mul3A_267, %add3A_372 : i32
      %dma_start3A_374 = arith.constant 0 : i32
      %dma_start3A_375 = tpu.memref_slice %arg9[%add3A_373, %dma_start3A_374] : memref<80x128xi32, #tpu.memory_space<vmem>> -> memref<1x128xi32, #tpu.memory_space<vmem>>
      %dma_start3A_376 = tpu.memref_squeeze %dma_start3A_375 : memref<1x128xi32, #tpu.memory_space<vmem>> -> memref<128xi32, #tpu.memory_space<vmem>>
      %dma_start3A_377 = arith.constant 0 : i32
      %dma_start3A_378 = arith.constant 0 : i32
      %dma_start3A_379 = tpu.memref_slice %arg7[%dma_start3A_377, %dma_start3A_378] : memref<10240x64xf32, #tpu.memory_space<vmem_shared>> -> memref<10240x64xf32, #tpu.memory_space<vmem_shared>>
      tpu.enqueue_indirect_dma source(%arg16 : memref<128x64xf32, #tpu.memory_space<vmem>>) target(%dma_start3A_379 : memref<10240x64xf32, #tpu.memory_space<vmem_shared>>) offsets(%dma_start3A_376 : memref<128xi32, #tpu.memory_space<vmem>>) semaphore(%arg32 : memref<!tpu.dma_semaphore, #tpu.memory_space<semaphore_mem>>) {add = true}
      %add3A_380 = arith.constant 7 : i32
      %add3A_381 = arith.addi %mul3A_267, %add3A_380 : i32
      %dma_wait3A_382 = arith.constant 0 : i32
      %dma_wait3A_383 = tpu.memref_slice %arg8[%add3A_381, %dma_wait3A_382] : memref<80x128xi32, #tpu.memory_space<vmem>> -> memref<1x128xi32, #tpu.memory_space<vmem>>
      %dma_wait3A_384 = tpu.memref_squeeze %dma_wait3A_383 : memref<1x128xi32, #tpu.memory_space<vmem>> -> memref<128xi32, #tpu.memory_space<vmem>>
      %dma_wait3A_385 = arith.constant 0 : i32
      %dma_wait3A_386 = arith.constant 0 : i32
      %dma_wait3A_387 = tpu.memref_slice %arg2[%dma_wait3A_385, %dma_wait3A_386] : memref<10240x64xf32, #tpu.memory_space<hbm>> -> memref<10240x64xf32, #tpu.memory_space<hbm>>
      tpu.wait_indirect_dma semaphore(%arg25 : memref<!tpu.dma_semaphore, #tpu.memory_space<semaphore_mem>>) src(%dma_wait3A_387 : memref<10240x64xf32, #tpu.memory_space<hbm>>) dst(%arg17 : memref<128x64xf32, #tpu.memory_space<vmem>>)
      %add3A_388 = arith.constant 7 : i32
      %add3A_389 = arith.addi %mul3A_267, %add3A_388 : i32
      %dma_start3A_390 = arith.constant 0 : i32
      %dma_start3A_391 = tpu.memref_slice %arg9[%add3A_389, %dma_start3A_390] : memref<80x128xi32, #tpu.memory_space<vmem>> -> memref<1x128xi32, #tpu.memory_space<vmem>>
      %dma_start3A_392 = tpu.memref_squeeze %dma_start3A_391 : memref<1x128xi32, #tpu.memory_space<vmem>> -> memref<128xi32, #tpu.memory_space<vmem>>
      %dma_start3A_393 = arith.constant 0 : i32
      %dma_start3A_394 = arith.constant 0 : i32
      %dma_start3A_395 = tpu.memref_slice %arg7[%dma_start3A_393, %dma_start3A_394] : memref<10240x64xf32, #tpu.memory_space<vmem_shared>> -> memref<10240x64xf32, #tpu.memory_space<vmem_shared>>
      tpu.enqueue_indirect_dma source(%arg17 : memref<128x64xf32, #tpu.memory_space<vmem>>) target(%dma_start3A_395 : memref<10240x64xf32, #tpu.memory_space<vmem_shared>>) offsets(%dma_start3A_392 : memref<128xi32, #tpu.memory_space<vmem>>) semaphore(%arg33 : memref<!tpu.dma_semaphore, #tpu.memory_space<semaphore_mem>>) {add = true}
      %add3A_396 = arith.constant 0 : i32
      %add3A_397 = arith.addi %mul3A_267, %add3A_396 : i32
      %dma_wait3A_398 = arith.constant 0 : i32
      %dma_wait3A_399 = tpu.memref_slice %arg9[%add3A_397, %dma_wait3A_398] : memref<80x128xi32, #tpu.memory_space<vmem>> -> memref<1x128xi32, #tpu.memory_space<vmem>>
      %dma_wait3A_400 = tpu.memref_squeeze %dma_wait3A_399 : memref<1x128xi32, #tpu.memory_space<vmem>> -> memref<128xi32, #tpu.memory_space<vmem>>
      %dma_wait3A_401 = arith.constant 0 : i32
      %dma_wait3A_402 = arith.constant 0 : i32
      %dma_wait3A_403 = tpu.memref_slice %arg7[%dma_wait3A_401, %dma_wait3A_402] : memref<10240x64xf32, #tpu.memory_space<vmem_shared>> -> memref<10240x64xf32, #tpu.memory_space<vmem_shared>>
      tpu.wait_indirect_dma semaphore(%arg26 : memref<!tpu.dma_semaphore, #tpu.memory_space<semaphore_mem>>) src(%arg10 : memref<128x64xf32, #tpu.memory_space<vmem>>) dst(%dma_wait3A_403 : memref<10240x64xf32, #tpu.memory_space<vmem_shared>>)
      %add3A_404 = arith.constant 8 : i32
      %add3A_405 = arith.addi %mul3A_267, %add3A_404 : i32
      %add3A_406 = arith.constant 0 : i32
      %add3A_407 = arith.addi %add3A_405, %add3A_406 : i32
      %dma_start3A_408 = arith.constant 0 : i32
      %dma_start3A_409 = tpu.memref_slice %arg8[%add3A_407, %dma_start3A_408] : memref<80x128xi32, #tpu.memory_space<vmem>> -> memref<1x128xi32, #tpu.memory_space<vmem>>
      %dma_start3A_410 = tpu.memref_squeeze %dma_start3A_409 : memref<1x128xi32, #tpu.memory_space<vmem>> -> memref<128xi32, #tpu.memory_space<vmem>>
      %dma_start3A_411 = arith.constant 0 : i32
      %dma_start3A_412 = arith.constant 0 : i32
      %dma_start3A_413 = tpu.memref_slice %arg2[%dma_start3A_411, %dma_start3A_412] : memref<10240x64xf32, #tpu.memory_space<hbm>> -> memref<10240x64xf32, #tpu.memory_space<hbm>>
      tpu.enqueue_indirect_dma source(%dma_start3A_413 : memref<10240x64xf32, #tpu.memory_space<hbm>>) target(%arg10 : memref<128x64xf32, #tpu.memory_space<vmem>>) offsets(%dma_start3A_410 : memref<128xi32, #tpu.memory_space<vmem>>) semaphore(%arg18 : memref<!tpu.dma_semaphore, #tpu.memory_space<semaphore_mem>>)
      %add3A_414 = arith.constant 1 : i32
      %add3A_415 = arith.addi %mul3A_267, %add3A_414 : i32
      %dma_wait3A_416 = arith.constant 0 : i32
      %dma_wait3A_417 = tpu.memref_slice %arg9[%add3A_415, %dma_wait3A_416] : memref<80x128xi32, #tpu.memory_space<vmem>> -> memref<1x128xi32, #tpu.memory_space<vmem>>
      %dma_wait3A_418 = tpu.memref_squeeze %dma_wait3A_417 : memref<1x128xi32, #tpu.memory_space<vmem>> -> memref<128xi32, #tpu.memory_space<vmem>>
      %dma_wait3A_419 = arith.constant 0 : i32
      %dma_wait3A_420 = arith.constant 0 : i32
      %dma_wait3A_421 = tpu.memref_slice %arg7[%dma_wait3A_419, %dma_wait3A_420] : memref<10240x64xf32, #tpu.memory_space<vmem_shared>> -> memref<10240x64xf32, #tpu.memory_space<vmem_shared>>
      tpu.wait_indirect_dma semaphore(%arg27 : memref<!tpu.dma_semaphore, #tpu.memory_space<semaphore_mem>>) src(%arg11 : memref<128x64xf32, #tpu.memory_space<vmem>>) dst(%dma_wait3A_421 : memref<10240x64xf32, #tpu.memory_space<vmem_shared>>)
      %add3A_422 = arith.constant 8 : i32
      %add3A_423 = arith.addi %mul3A_267, %add3A_422 : i32
      %add3A_424 = arith.constant 1 : i32
      %add3A_425 = arith.addi %add3A_423, %add3A_424 : i32
      %dma_start3A_426 = arith.constant 0 : i32
      %dma_start3A_427 = tpu.memref_slice %arg8[%add3A_425, %dma_start3A_426] : memref<80x128xi32, #tpu.memory_space<vmem>> -> memref<1x128xi32, #tpu.memory_space<vmem>>
      %dma_start3A_428 = tpu.memref_squeeze %dma_start3A_427 : memref<1x128xi32, #tpu.memory_space<vmem>> -> memref<128xi32, #tpu.memory_space<vmem>>
      %dma_start3A_429 = arith.constant 0 : i32
      %dma_start3A_430 = arith.constant 0 : i32
      %dma_start3A_431 = tpu.memref_slice %arg2[%dma_start3A_429, %dma_start3A_430] : memref<10240x64xf32, #tpu.memory_space<hbm>> -> memref<10240x64xf32, #tpu.memory_space<hbm>>
      tpu.enqueue_indirect_dma source(%dma_start3A_431 : memref<10240x64xf32, #tpu.memory_space<hbm>>) target(%arg11 : memref<128x64xf32, #tpu.memory_space<vmem>>) offsets(%dma_start3A_428 : memref<128xi32, #tpu.memory_space<vmem>>) semaphore(%arg19 : memref<!tpu.dma_semaphore, #tpu.memory_space<semaphore_mem>>)
      %add3A_432 = arith.constant 2 : i32
      %add3A_433 = arith.addi %mul3A_267, %add3A_432 : i32
      %dma_wait3A_434 = arith.constant 0 : i32
      %dma_wait3A_435 = tpu.memref_slice %arg9[%add3A_433, %dma_wait3A_434] : memref<80x128xi32, #tpu.memory_space<vmem>> -> memref<1x128xi32, #tpu.memory_space<vmem>>
      %dma_wait3A_436 = tpu.memref_squeeze %dma_wait3A_435 : memref<1x128xi32, #tpu.memory_space<vmem>> -> memref<128xi32, #tpu.memory_space<vmem>>
      %dma_wait3A_437 = arith.constant 0 : i32
      %dma_wait3A_438 = arith.constant 0 : i32
      %dma_wait3A_439 = tpu.memref_slice %arg7[%dma_wait3A_437, %dma_wait3A_438] : memref<10240x64xf32, #tpu.memory_space<vmem_shared>> -> memref<10240x64xf32, #tpu.memory_space<vmem_shared>>
      tpu.wait_indirect_dma semaphore(%arg28 : memref<!tpu.dma_semaphore, #tpu.memory_space<semaphore_mem>>) src(%arg12 : memref<128x64xf32, #tpu.memory_space<vmem>>) dst(%dma_wait3A_439 : memref<10240x64xf32, #tpu.memory_space<vmem_shared>>)
      %add3A_440 = arith.constant 8 : i32
      %add3A_441 = arith.addi %mul3A_267, %add3A_440 : i32
      %add3A_442 = arith.constant 2 : i32
      %add3A_443 = arith.addi %add3A_441, %add3A_442 : i32
      %dma_start3A_444 = arith.constant 0 : i32
      %dma_start3A_445 = tpu.memref_slice %arg8[%add3A_443, %dma_start3A_444] : memref<80x128xi32, #tpu.memory_space<vmem>> -> memref<1x128xi32, #tpu.memory_space<vmem>>
      %dma_start3A_446 = tpu.memref_squeeze %dma_start3A_445 : memref<1x128xi32, #tpu.memory_space<vmem>> -> memref<128xi32, #tpu.memory_space<vmem>>
      %dma_start3A_447 = arith.constant 0 : i32
      %dma_start3A_448 = arith.constant 0 : i32
      %dma_start3A_449 = tpu.memref_slice %arg2[%dma_start3A_447, %dma_start3A_448] : memref<10240x64xf32, #tpu.memory_space<hbm>> -> memref<10240x64xf32, #tpu.memory_space<hbm>>
      tpu.enqueue_indirect_dma source(%dma_start3A_449 : memref<10240x64xf32, #tpu.memory_space<hbm>>) target(%arg12 : memref<128x64xf32, #tpu.memory_space<vmem>>) offsets(%dma_start3A_446 : memref<128xi32, #tpu.memory_space<vmem>>) semaphore(%arg20 : memref<!tpu.dma_semaphore, #tpu.memory_space<semaphore_mem>>)
      %add3A_450 = arith.constant 3 : i32
      %add3A_451 = arith.addi %mul3A_267, %add3A_450 : i32
      %dma_wait3A_452 = arith.constant 0 : i32
      %dma_wait3A_453 = tpu.memref_slice %arg9[%add3A_451, %dma_wait3A_452] : memref<80x128xi32, #tpu.memory_space<vmem>> -> memref<1x128xi32, #tpu.memory_space<vmem>>
      %dma_wait3A_454 = tpu.memref_squeeze %dma_wait3A_453 : memref<1x128xi32, #tpu.memory_space<vmem>> -> memref<128xi32, #tpu.memory_space<vmem>>
      %dma_wait3A_455 = arith.constant 0 : i32
      %dma_wait3A_456 = arith.constant 0 : i32
      %dma_wait3A_457 = tpu.memref_slice %arg7[%dma_wait3A_455, %dma_wait3A_456] : memref<10240x64xf32, #tpu.memory_space<vmem_shared>> -> memref<10240x64xf32, #tpu.memory_space<vmem_shared>>
      tpu.wait_indirect_dma semaphore(%arg29 : memref<!tpu.dma_semaphore, #tpu.memory_space<semaphore_mem>>) src(%arg13 : memref<128x64xf32, #tpu.memory_space<vmem>>) dst(%dma_wait3A_457 : memref<10240x64xf32, #tpu.memory_space<vmem_shared>>)
      %add3A_458 = arith.constant 8 : i32
      %add3A_459 = arith.addi %mul3A_267, %add3A_458 : i32
      %add3A_460 = arith.constant 3 : i32
      %add3A_461 = arith.addi %add3A_459, %add3A_460 : i32
      %dma_start3A_462 = arith.constant 0 : i32
      %dma_start3A_463 = tpu.memref_slice %arg8[%add3A_461, %dma_start3A_462] : memref<80x128xi32, #tpu.memory_space<vmem>> -> memref<1x128xi32, #tpu.memory_space<vmem>>
      %dma_start3A_464 = tpu.memref_squeeze %dma_start3A_463 : memref<1x128xi32, #tpu.memory_space<vmem>> -> memref<128xi32, #tpu.memory_space<vmem>>
      %dma_start3A_465 = arith.constant 0 : i32
      %dma_start3A_466 = arith.constant 0 : i32
      %dma_start3A_467 = tpu.memref_slice %arg2[%dma_start3A_465, %dma_start3A_466] : memref<10240x64xf32, #tpu.memory_space<hbm>> -> memref<10240x64xf32, #tpu.memory_space<hbm>>
      tpu.enqueue_indirect_dma source(%dma_start3A_467 : memref<10240x64xf32, #tpu.memory_space<hbm>>) target(%arg13 : memref<128x64xf32, #tpu.memory_space<vmem>>) offsets(%dma_start3A_464 : memref<128xi32, #tpu.memory_space<vmem>>) semaphore(%arg21 : memref<!tpu.dma_semaphore, #tpu.memory_space<semaphore_mem>>)
      %add3A_468 = arith.constant 4 : i32
      %add3A_469 = arith.addi %mul3A_267, %add3A_468 : i32
      %dma_wait3A_470 = arith.constant 0 : i32
      %dma_wait3A_471 = tpu.memref_slice %arg9[%add3A_469, %dma_wait3A_470] : memref<80x128xi32, #tpu.memory_space<vmem>> -> memref<1x128xi32, #tpu.memory_space<vmem>>
      %dma_wait3A_472 = tpu.memref_squeeze %dma_wait3A_471 : memref<1x128xi32, #tpu.memory_space<vmem>> -> memref<128xi32, #tpu.memory_space<vmem>>
      %dma_wait3A_473 = arith.constant 0 : i32
      %dma_wait3A_474 = arith.constant 0 : i32
      %dma_wait3A_475 = tpu.memref_slice %arg7[%dma_wait3A_473, %dma_wait3A_474] : memref<10240x64xf32, #tpu.memory_space<vmem_shared>> -> memref<10240x64xf32, #tpu.memory_space<vmem_shared>>
      tpu.wait_indirect_dma semaphore(%arg30 : memref<!tpu.dma_semaphore, #tpu.memory_space<semaphore_mem>>) src(%arg14 : memref<128x64xf32, #tpu.memory_space<vmem>>) dst(%dma_wait3A_475 : memref<10240x64xf32, #tpu.memory_space<vmem_shared>>)
      %add3A_476 = arith.constant 8 : i32
      %add3A_477 = arith.addi %mul3A_267, %add3A_476 : i32
      %add3A_478 = arith.constant 4 : i32
      %add3A_479 = arith.addi %add3A_477, %add3A_478 : i32
      %dma_start3A_480 = arith.constant 0 : i32
      %dma_start3A_481 = tpu.memref_slice %arg8[%add3A_479, %dma_start3A_480] : memref<80x128xi32, #tpu.memory_space<vmem>> -> memref<1x128xi32, #tpu.memory_space<vmem>>
      %dma_start3A_482 = tpu.memref_squeeze %dma_start3A_481 : memref<1x128xi32, #tpu.memory_space<vmem>> -> memref<128xi32, #tpu.memory_space<vmem>>
      %dma_start3A_483 = arith.constant 0 : i32
      %dma_start3A_484 = arith.constant 0 : i32
      %dma_start3A_485 = tpu.memref_slice %arg2[%dma_start3A_483, %dma_start3A_484] : memref<10240x64xf32, #tpu.memory_space<hbm>> -> memref<10240x64xf32, #tpu.memory_space<hbm>>
      tpu.enqueue_indirect_dma source(%dma_start3A_485 : memref<10240x64xf32, #tpu.memory_space<hbm>>) target(%arg14 : memref<128x64xf32, #tpu.memory_space<vmem>>) offsets(%dma_start3A_482 : memref<128xi32, #tpu.memory_space<vmem>>) semaphore(%arg22 : memref<!tpu.dma_semaphore, #tpu.memory_space<semaphore_mem>>)
      %add3A_486 = arith.constant 5 : i32
      %add3A_487 = arith.addi %mul3A_267, %add3A_486 : i32
      %dma_wait3A_488 = arith.constant 0 : i32
      %dma_wait3A_489 = tpu.memref_slice %arg9[%add3A_487, %dma_wait3A_488] : memref<80x128xi32, #tpu.memory_space<vmem>> -> memref<1x128xi32, #tpu.memory_space<vmem>>
      %dma_wait3A_490 = tpu.memref_squeeze %dma_wait3A_489 : memref<1x128xi32, #tpu.memory_space<vmem>> -> memref<128xi32, #tpu.memory_space<vmem>>
      %dma_wait3A_491 = arith.constant 0 : i32
      %dma_wait3A_492 = arith.constant 0 : i32
      %dma_wait3A_493 = tpu.memref_slice %arg7[%dma_wait3A_491, %dma_wait3A_492] : memref<10240x64xf32, #tpu.memory_space<vmem_shared>> -> memref<10240x64xf32, #tpu.memory_space<vmem_shared>>
      tpu.wait_indirect_dma semaphore(%arg31 : memref<!tpu.dma_semaphore, #tpu.memory_space<semaphore_mem>>) src(%arg15 : memref<128x64xf32, #tpu.memory_space<vmem>>) dst(%dma_wait3A_493 : memref<10240x64xf32, #tpu.memory_space<vmem_shared>>)
      %add3A_494 = arith.constant 8 : i32
      %add3A_495 = arith.addi %mul3A_267, %add3A_494 : i32
      %add3A_496 = arith.constant 5 : i32
      %add3A_497 = arith.addi %add3A_495, %add3A_496 : i32
      %dma_start3A_498 = arith.constant 0 : i32
      %dma_start3A_499 = tpu.memref_slice %arg8[%add3A_497, %dma_start3A_498] : memref<80x128xi32, #tpu.memory_space<vmem>> -> memref<1x128xi32, #tpu.memory_space<vmem>>
      %dma_start3A_500 = tpu.memref_squeeze %dma_start3A_499 : memref<1x128xi32, #tpu.memory_space<vmem>> -> memref<128xi32, #tpu.memory_space<vmem>>
      %dma_start3A_501 = arith.constant 0 : i32
      %dma_start3A_502 = arith.constant 0 : i32
      %dma_start3A_503 = tpu.memref_slice %arg2[%dma_start3A_501, %dma_start3A_502] : memref<10240x64xf32, #tpu.memory_space<hbm>> -> memref<10240x64xf32, #tpu.memory_space<hbm>>
      tpu.enqueue_indirect_dma source(%dma_start3A_503 : memref<10240x64xf32, #tpu.memory_space<hbm>>) target(%arg15 : memref<128x64xf32, #tpu.memory_space<vmem>>) offsets(%dma_start3A_500 : memref<128xi32, #tpu.memory_space<vmem>>) semaphore(%arg23 : memref<!tpu.dma_semaphore, #tpu.memory_space<semaphore_mem>>)
      %add3A_504 = arith.constant 6 : i32
      %add3A_505 = arith.addi %mul3A_267, %add3A_504 : i32
      %dma_wait3A_506 = arith.constant 0 : i32
      %dma_wait3A_507 = tpu.memref_slice %arg9[%add3A_505, %dma_wait3A_506] : memref<80x128xi32, #tpu.memory_space<vmem>> -> memref<1x128xi32, #tpu.memory_space<vmem>>
      %dma_wait3A_508 = tpu.memref_squeeze %dma_wait3A_507 : memref<1x128xi32, #tpu.memory_space<vmem>> -> memref<128xi32, #tpu.memory_space<vmem>>
      %dma_wait3A_509 = arith.constant 0 : i32
      %dma_wait3A_510 = arith.constant 0 : i32
      %dma_wait3A_511 = tpu.memref_slice %arg7[%dma_wait3A_509, %dma_wait3A_510] : memref<10240x64xf32, #tpu.memory_space<vmem_shared>> -> memref<10240x64xf32, #tpu.memory_space<vmem_shared>>
      tpu.wait_indirect_dma semaphore(%arg32 : memref<!tpu.dma_semaphore, #tpu.memory_space<semaphore_mem>>) src(%arg16 : memref<128x64xf32, #tpu.memory_space<vmem>>) dst(%dma_wait3A_511 : memref<10240x64xf32, #tpu.memory_space<vmem_shared>>)
      %add3A_512 = arith.constant 8 : i32
      %add3A_513 = arith.addi %mul3A_267, %add3A_512 : i32
      %add3A_514 = arith.constant 6 : i32
      %add3A_515 = arith.addi %add3A_513, %add3A_514 : i32
      %dma_start3A_516 = arith.constant 0 : i32
      %dma_start3A_517 = tpu.memref_slice %arg8[%add3A_515, %dma_start3A_516] : memref<80x128xi32, #tpu.memory_space<vmem>> -> memref<1x128xi32, #tpu.memory_space<vmem>>
      %dma_start3A_518 = tpu.memref_squeeze %dma_start3A_517 : memref<1x128xi32, #tpu.memory_space<vmem>> -> memref<128xi32, #tpu.memory_space<vmem>>
      %dma_start3A_519 = arith.constant 0 : i32
      %dma_start3A_520 = arith.constant 0 : i32
      %dma_start3A_521 = tpu.memref_slice %arg2[%dma_start3A_519, %dma_start3A_520] : memref<10240x64xf32, #tpu.memory_space<hbm>> -> memref<10240x64xf32, #tpu.memory_space<hbm>>
      tpu.enqueue_indirect_dma source(%dma_start3A_521 : memref<10240x64xf32, #tpu.memory_space<hbm>>) target(%arg16 : memref<128x64xf32, #tpu.memory_space<vmem>>) offsets(%dma_start3A_518 : memref<128xi32, #tpu.memory_space<vmem>>) semaphore(%arg24 : memref<!tpu.dma_semaphore, #tpu.memory_space<semaphore_mem>>)
      %add3A_522 = arith.constant 7 : i32
      %add3A_523 = arith.addi %mul3A_267, %add3A_522 : i32
      %dma_wait3A_524 = arith.constant 0 : i32
      %dma_wait3A_525 = tpu.memref_slice %arg9[%add3A_523, %dma_wait3A_524] : memref<80x128xi32, #tpu.memory_space<vmem>> -> memref<1x128xi32, #tpu.memory_space<vmem>>
      %dma_wait3A_526 = tpu.memref_squeeze %dma_wait3A_525 : memref<1x128xi32, #tpu.memory_space<vmem>> -> memref<128xi32, #tpu.memory_space<vmem>>
      %dma_wait3A_527 = arith.constant 0 : i32
      %dma_wait3A_528 = arith.constant 0 : i32
      %dma_wait3A_529 = tpu.memref_slice %arg7[%dma_wait3A_527, %dma_wait3A_528] : memref<10240x64xf32, #tpu.memory_space<vmem_shared>> -> memref<10240x64xf32, #tpu.memory_space<vmem_shared>>
      tpu.wait_indirect_dma semaphore(%arg33 : memref<!tpu.dma_semaphore, #tpu.memory_space<semaphore_mem>>) src(%arg17 : memref<128x64xf32, #tpu.memory_space<vmem>>) dst(%dma_wait3A_529 : memref<10240x64xf32, #tpu.memory_space<vmem_shared>>)
      %add3A_530 = arith.constant 8 : i32
      %add3A_531 = arith.addi %mul3A_267, %add3A_530 : i32
      %add3A_532 = arith.constant 7 : i32
      %add3A_533 = arith.addi %add3A_531, %add3A_532 : i32
      %dma_start3A_534 = arith.constant 0 : i32
      %dma_start3A_535 = tpu.memref_slice %arg8[%add3A_533, %dma_start3A_534] : memref<80x128xi32, #tpu.memory_space<vmem>> -> memref<1x128xi32, #tpu.memory_space<vmem>>
      %dma_start3A_536 = tpu.memref_squeeze %dma_start3A_535 : memref<1x128xi32, #tpu.memory_space<vmem>> -> memref<128xi32, #tpu.memory_space<vmem>>
      %dma_start3A_537 = arith.constant 0 : i32
      %dma_start3A_538 = arith.constant 0 : i32
      %dma_start3A_539 = tpu.memref_slice %arg2[%dma_start3A_537, %dma_start3A_538] : memref<10240x64xf32, #tpu.memory_space<hbm>> -> memref<10240x64xf32, #tpu.memory_space<hbm>>
      tpu.enqueue_indirect_dma source(%dma_start3A_539 : memref<10240x64xf32, #tpu.memory_space<hbm>>) target(%arg17 : memref<128x64xf32, #tpu.memory_space<vmem>>) offsets(%dma_start3A_536 : memref<128xi32, #tpu.memory_space<vmem>>) semaphore(%arg25 : memref<!tpu.dma_semaphore, #tpu.memory_space<semaphore_mem>>)
    }
    %scan3A_91 = arith.constant 9 : i32
    %dma_wait3A_92 = arith.constant 72 : i32
    %dma_wait3A_93 = arith.constant 0 : i32
    %dma_wait3A_94 = tpu.memref_slice %arg8[%dma_wait3A_92, %dma_wait3A_93] : memref<80x128xi32, #tpu.memory_space<vmem>> -> memref<1x128xi32, #tpu.memory_space<vmem>>
    %dma_wait3A_95 = tpu.memref_squeeze %dma_wait3A_94 : memref<1x128xi32, #tpu.memory_space<vmem>> -> memref<128xi32, #tpu.memory_space<vmem>>
    %dma_wait3A_96 = arith.constant 0 : i32
    %dma_wait3A_97 = arith.constant 0 : i32
    %dma_wait3A_98 = tpu.memref_slice %arg2[%dma_wait3A_96, %dma_wait3A_97] : memref<10240x64xf32, #tpu.memory_space<hbm>> -> memref<10240x64xf32, #tpu.memory_space<hbm>>
    tpu.wait_indirect_dma semaphore(%arg18 : memref<!tpu.dma_semaphore, #tpu.memory_space<semaphore_mem>>) src(%dma_wait3A_98 : memref<10240x64xf32, #tpu.memory_space<hbm>>) dst(%arg10 : memref<128x64xf32, #tpu.memory_space<vmem>>)
    %dma_start3A_99 = arith.constant 72 : i32
    %dma_start3A_100 = arith.constant 0 : i32
    %dma_start3A_101 = tpu.memref_slice %arg9[%dma_start3A_99, %dma_start3A_100] : memref<80x128xi32, #tpu.memory_space<vmem>> -> memref<1x128xi32, #tpu.memory_space<vmem>>
    %dma_start3A_102 = tpu.memref_squeeze %dma_start3A_101 : memref<1x128xi32, #tpu.memory_space<vmem>> -> memref<128xi32, #tpu.memory_space<vmem>>
    %dma_start3A_103 = arith.constant 0 : i32
    %dma_start3A_104 = arith.constant 0 : i32
    %dma_start3A_105 = tpu.memref_slice %arg7[%dma_start3A_103, %dma_start3A_104] : memref<10240x64xf32, #tpu.memory_space<vmem_shared>> -> memref<10240x64xf32, #tpu.memory_space<vmem_shared>>
    tpu.enqueue_indirect_dma source(%arg10 : memref<128x64xf32, #tpu.memory_space<vmem>>) target(%dma_start3A_105 : memref<10240x64xf32, #tpu.memory_space<vmem_shared>>) offsets(%dma_start3A_102 : memref<128xi32, #tpu.memory_space<vmem>>) semaphore(%arg26 : memref<!tpu.dma_semaphore, #tpu.memory_space<semaphore_mem>>) {add = true}
    %dma_wait3A_106 = arith.constant 73 : i32
    %dma_wait3A_107 = arith.constant 0 : i32
    %dma_wait3A_108 = tpu.memref_slice %arg8[%dma_wait3A_106, %dma_wait3A_107] : memref<80x128xi32, #tpu.memory_space<vmem>> -> memref<1x128xi32, #tpu.memory_space<vmem>>
    %dma_wait3A_109 = tpu.memref_squeeze %dma_wait3A_108 : memref<1x128xi32, #tpu.memory_space<vmem>> -> memref<128xi32, #tpu.memory_space<vmem>>
    %dma_wait3A_110 = arith.constant 0 : i32
    %dma_wait3A_111 = arith.constant 0 : i32
    %dma_wait3A_112 = tpu.memref_slice %arg2[%dma_wait3A_110, %dma_wait3A_111] : memref<10240x64xf32, #tpu.memory_space<hbm>> -> memref<10240x64xf32, #tpu.memory_space<hbm>>
    tpu.wait_indirect_dma semaphore(%arg19 : memref<!tpu.dma_semaphore, #tpu.memory_space<semaphore_mem>>) src(%dma_wait3A_112 : memref<10240x64xf32, #tpu.memory_space<hbm>>) dst(%arg11 : memref<128x64xf32, #tpu.memory_space<vmem>>)
    %dma_start3A_113 = arith.constant 73 : i32
    %dma_start3A_114 = arith.constant 0 : i32
    %dma_start3A_115 = tpu.memref_slice %arg9[%dma_start3A_113, %dma_start3A_114] : memref<80x128xi32, #tpu.memory_space<vmem>> -> memref<1x128xi32, #tpu.memory_space<vmem>>
    %dma_start3A_116 = tpu.memref_squeeze %dma_start3A_115 : memref<1x128xi32, #tpu.memory_space<vmem>> -> memref<128xi32, #tpu.memory_space<vmem>>
    %dma_start3A_117 = arith.constant 0 : i32
    %dma_start3A_118 = arith.constant 0 : i32
    %dma_start3A_119 = tpu.memref_slice %arg7[%dma_start3A_117, %dma_start3A_118] : memref<10240x64xf32, #tpu.memory_space<vmem_shared>> -> memref<10240x64xf32, #tpu.memory_space<vmem_shared>>
    tpu.enqueue_indirect_dma source(%arg11 : memref<128x64xf32, #tpu.memory_space<vmem>>) target(%dma_start3A_119 : memref<10240x64xf32, #tpu.memory_space<vmem_shared>>) offsets(%dma_start3A_116 : memref<128xi32, #tpu.memory_space<vmem>>) semaphore(%arg27 : memref<!tpu.dma_semaphore, #tpu.memory_space<semaphore_mem>>) {add = true}
    %dma_wait3A_120 = arith.constant 74 : i32
    %dma_wait3A_121 = arith.constant 0 : i32
    %dma_wait3A_122 = tpu.memref_slice %arg8[%dma_wait3A_120, %dma_wait3A_121] : memref<80x128xi32, #tpu.memory_space<vmem>> -> memref<1x128xi32, #tpu.memory_space<vmem>>
    %dma_wait3A_123 = tpu.memref_squeeze %dma_wait3A_122 : memref<1x128xi32, #tpu.memory_space<vmem>> -> memref<128xi32, #tpu.memory_space<vmem>>
    %dma_wait3A_124 = arith.constant 0 : i32
    %dma_wait3A_125 = arith.constant 0 : i32
    %dma_wait3A_126 = tpu.memref_slice %arg2[%dma_wait3A_124, %dma_wait3A_125] : memref<10240x64xf32, #tpu.memory_space<hbm>> -> memref<10240x64xf32, #tpu.memory_space<hbm>>
    tpu.wait_indirect_dma semaphore(%arg20 : memref<!tpu.dma_semaphore, #tpu.memory_space<semaphore_mem>>) src(%dma_wait3A_126 : memref<10240x64xf32, #tpu.memory_space<hbm>>) dst(%arg12 : memref<128x64xf32, #tpu.memory_space<vmem>>)
    %dma_start3A_127 = arith.constant 74 : i32
    %dma_start3A_128 = arith.constant 0 : i32
    %dma_start3A_129 = tpu.memref_slice %arg9[%dma_start3A_127, %dma_start3A_128] : memref<80x128xi32, #tpu.memory_space<vmem>> -> memref<1x128xi32, #tpu.memory_space<vmem>>
    %dma_start3A_130 = tpu.memref_squeeze %dma_start3A_129 : memref<1x128xi32, #tpu.memory_space<vmem>> -> memref<128xi32, #tpu.memory_space<vmem>>
    %dma_start3A_131 = arith.constant 0 : i32
    %dma_start3A_132 = arith.constant 0 : i32
    %dma_start3A_133 = tpu.memref_slice %arg7[%dma_start3A_131, %dma_start3A_132] : memref<10240x64xf32, #tpu.memory_space<vmem_shared>> -> memref<10240x64xf32, #tpu.memory_space<vmem_shared>>
    tpu.enqueue_indirect_dma source(%arg12 : memref<128x64xf32, #tpu.memory_space<vmem>>) target(%dma_start3A_133 : memref<10240x64xf32, #tpu.memory_space<vmem_shared>>) offsets(%dma_start3A_130 : memref<128xi32, #tpu.memory_space<vmem>>) semaphore(%arg28 : memref<!tpu.dma_semaphore, #tpu.memory_space<semaphore_mem>>) {add = true}
    %dma_wait3A_134 = arith.constant 75 : i32
    %dma_wait3A_135 = arith.constant 0 : i32
    %dma_wait3A_136 = tpu.memref_slice %arg8[%dma_wait3A_134, %dma_wait3A_135] : memref<80x128xi32, #tpu.memory_space<vmem>> -> memref<1x128xi32, #tpu.memory_space<vmem>>
    %dma_wait3A_137 = tpu.memref_squeeze %dma_wait3A_136 : memref<1x128xi32, #tpu.memory_space<vmem>> -> memref<128xi32, #tpu.memory_space<vmem>>
    %dma_wait3A_138 = arith.constant 0 : i32
    %dma_wait3A_139 = arith.constant 0 : i32
    %dma_wait3A_140 = tpu.memref_slice %arg2[%dma_wait3A_138, %dma_wait3A_139] : memref<10240x64xf32, #tpu.memory_space<hbm>> -> memref<10240x64xf32, #tpu.memory_space<hbm>>
    tpu.wait_indirect_dma semaphore(%arg21 : memref<!tpu.dma_semaphore, #tpu.memory_space<semaphore_mem>>) src(%dma_wait3A_140 : memref<10240x64xf32, #tpu.memory_space<hbm>>) dst(%arg13 : memref<128x64xf32, #tpu.memory_space<vmem>>)
    %dma_start3A_141 = arith.constant 75 : i32
    %dma_start3A_142 = arith.constant 0 : i32
    %dma_start3A_143 = tpu.memref_slice %arg9[%dma_start3A_141, %dma_start3A_142] : memref<80x128xi32, #tpu.memory_space<vmem>> -> memref<1x128xi32, #tpu.memory_space<vmem>>
    %dma_start3A_144 = tpu.memref_squeeze %dma_start3A_143 : memref<1x128xi32, #tpu.memory_space<vmem>> -> memref<128xi32, #tpu.memory_space<vmem>>
    %dma_start3A_145 = arith.constant 0 : i32
    %dma_start3A_146 = arith.constant 0 : i32
    %dma_start3A_147 = tpu.memref_slice %arg7[%dma_start3A_145, %dma_start3A_146] : memref<10240x64xf32, #tpu.memory_space<vmem_shared>> -> memref<10240x64xf32, #tpu.memory_space<vmem_shared>>
    tpu.enqueue_indirect_dma source(%arg13 : memref<128x64xf32, #tpu.memory_space<vmem>>) target(%dma_start3A_147 : memref<10240x64xf32, #tpu.memory_space<vmem_shared>>) offsets(%dma_start3A_144 : memref<128xi32, #tpu.memory_space<vmem>>) semaphore(%arg29 : memref<!tpu.dma_semaphore, #tpu.memory_space<semaphore_mem>>) {add = true}
    %dma_wait3A_148 = arith.constant 76 : i32
    %dma_wait3A_149 = arith.constant 0 : i32
    %dma_wait3A_150 = tpu.memref_slice %arg8[%dma_wait3A_148, %dma_wait3A_149] : memref<80x128xi32, #tpu.memory_space<vmem>> -> memref<1x128xi32, #tpu.memory_space<vmem>>
    %dma_wait3A_151 = tpu.memref_squeeze %dma_wait3A_150 : memref<1x128xi32, #tpu.memory_space<vmem>> -> memref<128xi32, #tpu.memory_space<vmem>>
    %dma_wait3A_152 = arith.constant 0 : i32
    %dma_wait3A_153 = arith.constant 0 : i32
    %dma_wait3A_154 = tpu.memref_slice %arg2[%dma_wait3A_152, %dma_wait3A_153] : memref<10240x64xf32, #tpu.memory_space<hbm>> -> memref<10240x64xf32, #tpu.memory_space<hbm>>
    tpu.wait_indirect_dma semaphore(%arg22 : memref<!tpu.dma_semaphore, #tpu.memory_space<semaphore_mem>>) src(%dma_wait3A_154 : memref<10240x64xf32, #tpu.memory_space<hbm>>) dst(%arg14 : memref<128x64xf32, #tpu.memory_space<vmem>>)
    %dma_start3A_155 = arith.constant 76 : i32
    %dma_start3A_156 = arith.constant 0 : i32
    %dma_start3A_157 = tpu.memref_slice %arg9[%dma_start3A_155, %dma_start3A_156] : memref<80x128xi32, #tpu.memory_space<vmem>> -> memref<1x128xi32, #tpu.memory_space<vmem>>
    %dma_start3A_158 = tpu.memref_squeeze %dma_start3A_157 : memref<1x128xi32, #tpu.memory_space<vmem>> -> memref<128xi32, #tpu.memory_space<vmem>>
    %dma_start3A_159 = arith.constant 0 : i32
    %dma_start3A_160 = arith.constant 0 : i32
    %dma_start3A_161 = tpu.memref_slice %arg7[%dma_start3A_159, %dma_start3A_160] : memref<10240x64xf32, #tpu.memory_space<vmem_shared>> -> memref<10240x64xf32, #tpu.memory_space<vmem_shared>>
    tpu.enqueue_indirect_dma source(%arg14 : memref<128x64xf32, #tpu.memory_space<vmem>>) target(%dma_start3A_161 : memref<10240x64xf32, #tpu.memory_space<vmem_shared>>) offsets(%dma_start3A_158 : memref<128xi32, #tpu.memory_space<vmem>>) semaphore(%arg30 : memref<!tpu.dma_semaphore, #tpu.memory_space<semaphore_mem>>) {add = true}
    %dma_wait3A_162 = arith.constant 77 : i32
    %dma_wait3A_163 = arith.constant 0 : i32
    %dma_wait3A_164 = tpu.memref_slice %arg8[%dma_wait3A_162, %dma_wait3A_163] : memref<80x128xi32, #tpu.memory_space<vmem>> -> memref<1x128xi32, #tpu.memory_space<vmem>>
    %dma_wait3A_165 = tpu.memref_squeeze %dma_wait3A_164 : memref<1x128xi32, #tpu.memory_space<vmem>> -> memref<128xi32, #tpu.memory_space<vmem>>
    %dma_wait3A_166 = arith.constant 0 : i32
    %dma_wait3A_167 = arith.constant 0 : i32
    %dma_wait3A_168 = tpu.memref_slice %arg2[%dma_wait3A_166, %dma_wait3A_167] : memref<10240x64xf32, #tpu.memory_space<hbm>> -> memref<10240x64xf32, #tpu.memory_space<hbm>>
    tpu.wait_indirect_dma semaphore(%arg23 : memref<!tpu.dma_semaphore, #tpu.memory_space<semaphore_mem>>) src(%dma_wait3A_168 : memref<10240x64xf32, #tpu.memory_space<hbm>>) dst(%arg15 : memref<128x64xf32, #tpu.memory_space<vmem>>)
    %dma_start3A_169 = arith.constant 77 : i32
    %dma_start3A_170 = arith.constant 0 : i32
    %dma_start3A_171 = tpu.memref_slice %arg9[%dma_start3A_169, %dma_start3A_170] : memref<80x128xi32, #tpu.memory_space<vmem>> -> memref<1x128xi32, #tpu.memory_space<vmem>>
    %dma_start3A_172 = tpu.memref_squeeze %dma_start3A_171 : memref<1x128xi32, #tpu.memory_space<vmem>> -> memref<128xi32, #tpu.memory_space<vmem>>
    %dma_start3A_173 = arith.constant 0 : i32
    %dma_start3A_174 = arith.constant 0 : i32
    %dma_start3A_175 = tpu.memref_slice %arg7[%dma_start3A_173, %dma_start3A_174] : memref<10240x64xf32, #tpu.memory_space<vmem_shared>> -> memref<10240x64xf32, #tpu.memory_space<vmem_shared>>
    tpu.enqueue_indirect_dma source(%arg15 : memref<128x64xf32, #tpu.memory_space<vmem>>) target(%dma_start3A_175 : memref<10240x64xf32, #tpu.memory_space<vmem_shared>>) offsets(%dma_start3A_172 : memref<128xi32, #tpu.memory_space<vmem>>) semaphore(%arg31 : memref<!tpu.dma_semaphore, #tpu.memory_space<semaphore_mem>>) {add = true}
    %dma_wait3A_176 = arith.constant 78 : i32
    %dma_wait3A_177 = arith.constant 0 : i32
    %dma_wait3A_178 = tpu.memref_slice %arg8[%dma_wait3A_176, %dma_wait3A_177] : memref<80x128xi32, #tpu.memory_space<vmem>> -> memref<1x128xi32, #tpu.memory_space<vmem>>
    %dma_wait3A_179 = tpu.memref_squeeze %dma_wait3A_178 : memref<1x128xi32, #tpu.memory_space<vmem>> -> memref<128xi32, #tpu.memory_space<vmem>>
    %dma_wait3A_180 = arith.constant 0 : i32
    %dma_wait3A_181 = arith.constant 0 : i32
    %dma_wait3A_182 = tpu.memref_slice %arg2[%dma_wait3A_180, %dma_wait3A_181] : memref<10240x64xf32, #tpu.memory_space<hbm>> -> memref<10240x64xf32, #tpu.memory_space<hbm>>
    tpu.wait_indirect_dma semaphore(%arg24 : memref<!tpu.dma_semaphore, #tpu.memory_space<semaphore_mem>>) src(%dma_wait3A_182 : memref<10240x64xf32, #tpu.memory_space<hbm>>) dst(%arg16 : memref<128x64xf32, #tpu.memory_space<vmem>>)
    %dma_start3A_183 = arith.constant 78 : i32
    %dma_start3A_184 = arith.constant 0 : i32
    %dma_start3A_185 = tpu.memref_slice %arg9[%dma_start3A_183, %dma_start3A_184] : memref<80x128xi32, #tpu.memory_space<vmem>> -> memref<1x128xi32, #tpu.memory_space<vmem>>
    %dma_start3A_186 = tpu.memref_squeeze %dma_start3A_185 : memref<1x128xi32, #tpu.memory_space<vmem>> -> memref<128xi32, #tpu.memory_space<vmem>>
    %dma_start3A_187 = arith.constant 0 : i32
    %dma_start3A_188 = arith.constant 0 : i32
    %dma_start3A_189 = tpu.memref_slice %arg7[%dma_start3A_187, %dma_start3A_188] : memref<10240x64xf32, #tpu.memory_space<vmem_shared>> -> memref<10240x64xf32, #tpu.memory_space<vmem_shared>>
    tpu.enqueue_indirect_dma source(%arg16 : memref<128x64xf32, #tpu.memory_space<vmem>>) target(%dma_start3A_189 : memref<10240x64xf32, #tpu.memory_space<vmem_shared>>) offsets(%dma_start3A_186 : memref<128xi32, #tpu.memory_space<vmem>>) semaphore(%arg32 : memref<!tpu.dma_semaphore, #tpu.memory_space<semaphore_mem>>) {add = true}
    %dma_wait3A_190 = arith.constant 79 : i32
    %dma_wait3A_191 = arith.constant 0 : i32
    %dma_wait3A_192 = tpu.memref_slice %arg8[%dma_wait3A_190, %dma_wait3A_191] : memref<80x128xi32, #tpu.memory_space<vmem>> -> memref<1x128xi32, #tpu.memory_space<vmem>>
    %dma_wait3A_193 = tpu.memref_squeeze %dma_wait3A_192 : memref<1x128xi32, #tpu.memory_space<vmem>> -> memref<128xi32, #tpu.memory_space<vmem>>
    %dma_wait3A_194 = arith.constant 0 : i32
    %dma_wait3A_195 = arith.constant 0 : i32
    %dma_wait3A_196 = tpu.memref_slice %arg2[%dma_wait3A_194, %dma_wait3A_195] : memref<10240x64xf32, #tpu.memory_space<hbm>> -> memref<10240x64xf32, #tpu.memory_space<hbm>>
    tpu.wait_indirect_dma semaphore(%arg25 : memref<!tpu.dma_semaphore, #tpu.memory_space<semaphore_mem>>) src(%dma_wait3A_196 : memref<10240x64xf32, #tpu.memory_space<hbm>>) dst(%arg17 : memref<128x64xf32, #tpu.memory_space<vmem>>)
    %dma_start3A_197 = arith.constant 79 : i32
    %dma_start3A_198 = arith.constant 0 : i32
    %dma_start3A_199 = tpu.memref_slice %arg9[%dma_start3A_197, %dma_start3A_198] : memref<80x128xi32, #tpu.memory_space<vmem>> -> memref<1x128xi32, #tpu.memory_space<vmem>>
    %dma_start3A_200 = tpu.memref_squeeze %dma_start3A_199 : memref<1x128xi32, #tpu.memory_space<vmem>> -> memref<128xi32, #tpu.memory_space<vmem>>
    %dma_start3A_201 = arith.constant 0 : i32
    %dma_start3A_202 = arith.constant 0 : i32
    %dma_start3A_203 = tpu.memref_slice %arg7[%dma_start3A_201, %dma_start3A_202] : memref<10240x64xf32, #tpu.memory_space<vmem_shared>> -> memref<10240x64xf32, #tpu.memory_space<vmem_shared>>
    tpu.enqueue_indirect_dma source(%arg17 : memref<128x64xf32, #tpu.memory_space<vmem>>) target(%dma_start3A_203 : memref<10240x64xf32, #tpu.memory_space<vmem_shared>>) offsets(%dma_start3A_200 : memref<128xi32, #tpu.memory_space<vmem>>) semaphore(%arg33 : memref<!tpu.dma_semaphore, #tpu.memory_space<semaphore_mem>>) {add = true}
    %dma_wait3A_204 = arith.constant 72 : i32
    %dma_wait3A_205 = arith.constant 0 : i32
    %dma_wait3A_206 = tpu.memref_slice %arg9[%dma_wait3A_204, %dma_wait3A_205] : memref<80x128xi32, #tpu.memory_space<vmem>> -> memref<1x128xi32, #tpu.memory_space<vmem>>
    %dma_wait3A_207 = tpu.memref_squeeze %dma_wait3A_206 : memref<1x128xi32, #tpu.memory_space<vmem>> -> memref<128xi32, #tpu.memory_space<vmem>>
    %dma_wait3A_208 = arith.constant 0 : i32
    %dma_wait3A_209 = arith.constant 0 : i32
    %dma_wait3A_210 = tpu.memref_slice %arg7[%dma_wait3A_208, %dma_wait3A_209] : memref<10240x64xf32, #tpu.memory_space<vmem_shared>> -> memref<10240x64xf32, #tpu.memory_space<vmem_shared>>
    tpu.wait_indirect_dma semaphore(%arg26 : memref<!tpu.dma_semaphore, #tpu.memory_space<semaphore_mem>>) src(%arg10 : memref<128x64xf32, #tpu.memory_space<vmem>>) dst(%dma_wait3A_210 : memref<10240x64xf32, #tpu.memory_space<vmem_shared>>)
    %dma_wait3A_211 = arith.constant 73 : i32
    %dma_wait3A_212 = arith.constant 0 : i32
    %dma_wait3A_213 = tpu.memref_slice %arg9[%dma_wait3A_211, %dma_wait3A_212] : memref<80x128xi32, #tpu.memory_space<vmem>> -> memref<1x128xi32, #tpu.memory_space<vmem>>
    %dma_wait3A_214 = tpu.memref_squeeze %dma_wait3A_213 : memref<1x128xi32, #tpu.memory_space<vmem>> -> memref<128xi32, #tpu.memory_space<vmem>>
    %dma_wait3A_215 = arith.constant 0 : i32
    %dma_wait3A_216 = arith.constant 0 : i32
    %dma_wait3A_217 = tpu.memref_slice %arg7[%dma_wait3A_215, %dma_wait3A_216] : memref<10240x64xf32, #tpu.memory_space<vmem_shared>> -> memref<10240x64xf32, #tpu.memory_space<vmem_shared>>
    tpu.wait_indirect_dma semaphore(%arg27 : memref<!tpu.dma_semaphore, #tpu.memory_space<semaphore_mem>>) src(%arg11 : memref<128x64xf32, #tpu.memory_space<vmem>>) dst(%dma_wait3A_217 : memref<10240x64xf32, #tpu.memory_space<vmem_shared>>)
    %dma_wait3A_218 = arith.constant 74 : i32
    %dma_wait3A_219 = arith.constant 0 : i32
    %dma_wait3A_220 = tpu.memref_slice %arg9[%dma_wait3A_218, %dma_wait3A_219] : memref<80x128xi32, #tpu.memory_space<vmem>> -> memref<1x128xi32, #tpu.memory_space<vmem>>
    %dma_wait3A_221 = tpu.memref_squeeze %dma_wait3A_220 : memref<1x128xi32, #tpu.memory_space<vmem>> -> memref<128xi32, #tpu.memory_space<vmem>>
    %dma_wait3A_222 = arith.constant 0 : i32
    %dma_wait3A_223 = arith.constant 0 : i32
    %dma_wait3A_224 = tpu.memref_slice %arg7[%dma_wait3A_222, %dma_wait3A_223] : memref<10240x64xf32, #tpu.memory_space<vmem_shared>> -> memref<10240x64xf32, #tpu.memory_space<vmem_shared>>
    tpu.wait_indirect_dma semaphore(%arg28 : memref<!tpu.dma_semaphore, #tpu.memory_space<semaphore_mem>>) src(%arg12 : memref<128x64xf32, #tpu.memory_space<vmem>>) dst(%dma_wait3A_224 : memref<10240x64xf32, #tpu.memory_space<vmem_shared>>)
    %dma_wait3A_225 = arith.constant 75 : i32
    %dma_wait3A_226 = arith.constant 0 : i32
    %dma_wait3A_227 = tpu.memref_slice %arg9[%dma_wait3A_225, %dma_wait3A_226] : memref<80x128xi32, #tpu.memory_space<vmem>> -> memref<1x128xi32, #tpu.memory_space<vmem>>
    %dma_wait3A_228 = tpu.memref_squeeze %dma_wait3A_227 : memref<1x128xi32, #tpu.memory_space<vmem>> -> memref<128xi32, #tpu.memory_space<vmem>>
    %dma_wait3A_229 = arith.constant 0 : i32
    %dma_wait3A_230 = arith.constant 0 : i32
    %dma_wait3A_231 = tpu.memref_slice %arg7[%dma_wait3A_229, %dma_wait3A_230] : memref<10240x64xf32, #tpu.memory_space<vmem_shared>> -> memref<10240x64xf32, #tpu.memory_space<vmem_shared>>
    tpu.wait_indirect_dma semaphore(%arg29 : memref<!tpu.dma_semaphore, #tpu.memory_space<semaphore_mem>>) src(%arg13 : memref<128x64xf32, #tpu.memory_space<vmem>>) dst(%dma_wait3A_231 : memref<10240x64xf32, #tpu.memory_space<vmem_shared>>)
    %dma_wait3A_232 = arith.constant 76 : i32
    %dma_wait3A_233 = arith.constant 0 : i32
    %dma_wait3A_234 = tpu.memref_slice %arg9[%dma_wait3A_232, %dma_wait3A_233] : memref<80x128xi32, #tpu.memory_space<vmem>> -> memref<1x128xi32, #tpu.memory_space<vmem>>
    %dma_wait3A_235 = tpu.memref_squeeze %dma_wait3A_234 : memref<1x128xi32, #tpu.memory_space<vmem>> -> memref<128xi32, #tpu.memory_space<vmem>>
    %dma_wait3A_236 = arith.constant 0 : i32
    %dma_wait3A_237 = arith.constant 0 : i32
    %dma_wait3A_238 = tpu.memref_slice %arg7[%dma_wait3A_236, %dma_wait3A_237] : memref<10240x64xf32, #tpu.memory_space<vmem_shared>> -> memref<10240x64xf32, #tpu.memory_space<vmem_shared>>
    tpu.wait_indirect_dma semaphore(%arg30 : memref<!tpu.dma_semaphore, #tpu.memory_space<semaphore_mem>>) src(%arg14 : memref<128x64xf32, #tpu.memory_space<vmem>>) dst(%dma_wait3A_238 : memref<10240x64xf32, #tpu.memory_space<vmem_shared>>)
    %dma_wait3A_239 = arith.constant 77 : i32
    %dma_wait3A_240 = arith.constant 0 : i32
    %dma_wait3A_241 = tpu.memref_slice %arg9[%dma_wait3A_239, %dma_wait3A_240] : memref<80x128xi32, #tpu.memory_space<vmem>> -> memref<1x128xi32, #tpu.memory_space<vmem>>
    %dma_wait3A_242 = tpu.memref_squeeze %dma_wait3A_241 : memref<1x128xi32, #tpu.memory_space<vmem>> -> memref<128xi32, #tpu.memory_space<vmem>>
    %dma_wait3A_243 = arith.constant 0 : i32
    %dma_wait3A_244 = arith.constant 0 : i32
    %dma_wait3A_245 = tpu.memref_slice %arg7[%dma_wait3A_243, %dma_wait3A_244] : memref<10240x64xf32, #tpu.memory_space<vmem_shared>> -> memref<10240x64xf32, #tpu.memory_space<vmem_shared>>
    tpu.wait_indirect_dma semaphore(%arg31 : memref<!tpu.dma_semaphore, #tpu.memory_space<semaphore_mem>>) src(%arg15 : memref<128x64xf32, #tpu.memory_space<vmem>>) dst(%dma_wait3A_245 : memref<10240x64xf32, #tpu.memory_space<vmem_shared>>)
    %dma_wait3A_246 = arith.constant 78 : i32
    %dma_wait3A_247 = arith.constant 0 : i32
    %dma_wait3A_248 = tpu.memref_slice %arg9[%dma_wait3A_246, %dma_wait3A_247] : memref<80x128xi32, #tpu.memory_space<vmem>> -> memref<1x128xi32, #tpu.memory_space<vmem>>
    %dma_wait3A_249 = tpu.memref_squeeze %dma_wait3A_248 : memref<1x128xi32, #tpu.memory_space<vmem>> -> memref<128xi32, #tpu.memory_space<vmem>>
    %dma_wait3A_250 = arith.constant 0 : i32
    %dma_wait3A_251 = arith.constant 0 : i32
    %dma_wait3A_252 = tpu.memref_slice %arg7[%dma_wait3A_250, %dma_wait3A_251] : memref<10240x64xf32, #tpu.memory_space<vmem_shared>> -> memref<10240x64xf32, #tpu.memory_space<vmem_shared>>
    tpu.wait_indirect_dma semaphore(%arg32 : memref<!tpu.dma_semaphore, #tpu.memory_space<semaphore_mem>>) src(%arg16 : memref<128x64xf32, #tpu.memory_space<vmem>>) dst(%dma_wait3A_252 : memref<10240x64xf32, #tpu.memory_space<vmem_shared>>)
    %dma_wait3A_253 = arith.constant 79 : i32
    %dma_wait3A_254 = arith.constant 0 : i32
    %dma_wait3A_255 = tpu.memref_slice %arg9[%dma_wait3A_253, %dma_wait3A_254] : memref<80x128xi32, #tpu.memory_space<vmem>> -> memref<1x128xi32, #tpu.memory_space<vmem>>
    %dma_wait3A_256 = tpu.memref_squeeze %dma_wait3A_255 : memref<1x128xi32, #tpu.memory_space<vmem>> -> memref<128xi32, #tpu.memory_space<vmem>>
    %dma_wait3A_257 = arith.constant 0 : i32
    %dma_wait3A_258 = arith.constant 0 : i32
    %dma_wait3A_259 = tpu.memref_slice %arg7[%dma_wait3A_257, %dma_wait3A_258] : memref<10240x64xf32, #tpu.memory_space<vmem_shared>> -> memref<10240x64xf32, #tpu.memory_space<vmem_shared>>
    tpu.wait_indirect_dma semaphore(%arg33 : memref<!tpu.dma_semaphore, #tpu.memory_space<semaphore_mem>>) src(%arg17 : memref<128x64xf32, #tpu.memory_space<vmem>>) dst(%dma_wait3A_259 : memref<10240x64xf32, #tpu.memory_space<vmem_shared>>)
    %barrier3A_260 = arith.constant 0 : index
    tpu.barrier barrier_id(%barrier3A_260)
    %mul3A_261 = arith.constant 640 : i32
    %mul3A_262 = arith.muli %arg1, %mul3A_261 : i32
    %mul3A_263 = arith.constant 640 : i32
    %mul3A_264 = arith.muli %arg1, %mul3A_263 : i32
    "tpu.region"() ({
      %run_scoped3A = tpu.sem_alloc : memref<!tpu.dma_semaphore, #tpu.memory_space<semaphore_mem>>
      %dma_start3A_265 = arith.constant 0 : i32
      %dma_start3A_266 = tpu.memref_slice %arg6[%arg0, %mul3A_264, %dma_start3A_265] : memref<2x10240x64xf32, #tpu.memory_space<hbm>> -> memref<1x640x64xf32, #tpu.memory_space<hbm>>
      %dma_start3A_267 = tpu.memref_squeeze %dma_start3A_266 : memref<1x640x64xf32, #tpu.memory_space<hbm>> -> memref<640x64xf32, #tpu.memory_space<hbm>>
      %dma_start3A_268 = arith.constant 0 : i32
      %dma_start3A_269 = tpu.memref_slice %arg7[%mul3A_262, %dma_start3A_268] : memref<10240x64xf32, #tpu.memory_space<vmem_shared>> -> memref<640x64xf32, #tpu.memory_space<vmem_shared>>
      tpu.enqueue_dma source(%dma_start3A_269 : memref<640x64xf32, #tpu.memory_space<vmem_shared>>) target(%dma_start3A_267 : memref<640x64xf32, #tpu.memory_space<hbm>>) target_semaphore(%run_scoped3A : memref<!tpu.dma_semaphore, #tpu.memory_space<semaphore_mem>>)
      %dma_wait3A_270 = arith.constant 0 : i32
      %dma_wait3A_271 = tpu.memref_slice %arg6[%arg0, %mul3A_264, %dma_wait3A_270] : memref<2x10240x64xf32, #tpu.memory_space<hbm>> -> memref<1x640x64xf32, #tpu.memory_space<hbm>>
      %dma_wait3A_272 = tpu.memref_squeeze %dma_wait3A_271 : memref<1x640x64xf32, #tpu.memory_space<hbm>> -> memref<640x64xf32, #tpu.memory_space<hbm>>
      %dma_wait3A_273 = arith.constant 0 : i32
      %dma_wait3A_274 = tpu.memref_slice %arg7[%mul3A_262, %dma_wait3A_273] : memref<10240x64xf32, #tpu.memory_space<vmem_shared>> -> memref<640x64xf32, #tpu.memory_space<vmem_shared>>
      tpu.wait_dma2 semaphore(%run_scoped3A : memref<!tpu.dma_semaphore, #tpu.memory_space<semaphore_mem>>) src(%dma_wait3A_274 : memref<640x64xf32, #tpu.memory_space<vmem_shared>>) dst(%dma_wait3A_272 : memref<640x64xf32, #tpu.memory_space<hbm>>)
      tpu.yield
    }) : () -> ()
    return
  }
}

#map = affine_map<(d0, d1) -> (0, 0)>
#map1 = affine_map<(d0, d1) -> (0, 0, 0)>
module attributes {stable_mosaic.version = 14 : i64} {
  func.func @_deg_kernel(%arg0: i32, %arg1: i32, %arg2: memref<2560x128xi32, #tpu.memory_space<hbm>>, %arg3: memref<10240x16xf32, #tpu.memory_space<hbm>>, %arg4: memref<2x10240x16xf32, #tpu.memory_space<hbm>>, %arg5: memref<10240x16xf32, #tpu.memory_space<vmem_shared>>, %arg6: memref<80x128xi32, #tpu.memory_space<vmem>>, %arg7: memref<128x16xf32, #tpu.memory_space<vmem>>) attributes {dimension_semantics = [#tpu.dimension_semantics<core_parallel>, #tpu.dimension_semantics<subcore_parallel>], iteration_bounds = array<i64: 2, 16>, scalar_prefetch = 0 : i64, scratch_operands = 3 : i64, tpu.core_type = #tpu.core_type<sc_vector_subcore>, window_params = [{transform_indices = #map}, {transform_indices = #map}, {transform_indices = #map1}]} {
    %mul3A = arith.constant 16 : i32
    %mul3A_0 = arith.muli %arg0, %mul3A : i32
    %add3A = arith.addi %mul3A_0, %arg1 : i32
    %broadcast_in_dim3A = arith.constant 1.000000e+00 : f32
    %broadcast_in_dim3A_1 = vector.broadcast %broadcast_in_dim3A : f32 to vector<16xf32>
    %scan3A = arith.constant 0 : i32
    %scan3A_2 = arith.constant 0 : i32
    %scan3A_3 = arith.constant 128 : i32
    %scan3A_4 = arith.addi %scan3A_2, %scan3A_3 : i32
    %scan3A_5 = arith.constant 1 : i32
    scf.for %scan3A_24 = %scan3A_2 to %scan3A_4 step %scan3A_5  : i32 {
      %swap3A = arith.index_cast %scan3A_24 : i32 to index
      %swap3A_25 = arith.constant 0 : index
      %swap3A_26 = tpu.vector_load %arg7[%swap3A, %swap3A_25] {strides = array<i32>} : memref<128x16xf32, #tpu.memory_space<vmem>>, vector<16xf32>,
      tpu.vector_store %arg7[%swap3A, %swap3A_25], %broadcast_in_dim3A_1 {strides = array<i32>} : memref<128x16xf32, #tpu.memory_space<vmem>>, vector<16xf32>,
    }
    %scan3A_6 = arith.constant 128 : i32
    %mul3A_7 = arith.constant 640 : i32
    %mul3A_8 = arith.muli %arg1, %mul3A_7 : i32
    %mul3A_9 = arith.constant 640 : i32
    %mul3A_10 = arith.muli %arg1, %mul3A_9 : i32
    "tpu.region"() ({
      %run_scoped3A = tpu.sem_alloc : memref<!tpu.dma_semaphore, #tpu.memory_space<semaphore_mem>>
      %dma_start3A = arith.constant 0 : i32
      %dma_start3A_24 = tpu.memref_slice %arg5[%mul3A_10, %dma_start3A] : memref<10240x16xf32, #tpu.memory_space<vmem_shared>> -> memref<640x16xf32, #tpu.memory_space<vmem_shared>>
      %dma_start3A_25 = arith.constant 0 : i32
      %dma_start3A_26 = tpu.memref_slice %arg3[%mul3A_8, %dma_start3A_25] : memref<10240x16xf32, #tpu.memory_space<hbm>> -> memref<640x16xf32, #tpu.memory_space<hbm>>
      tpu.enqueue_dma source(%dma_start3A_26 : memref<640x16xf32, #tpu.memory_space<hbm>>) target(%dma_start3A_24 : memref<640x16xf32, #tpu.memory_space<vmem_shared>>) target_semaphore(%run_scoped3A : memref<!tpu.dma_semaphore, #tpu.memory_space<semaphore_mem>>)
      %dma_wait3A = arith.constant 0 : i32
      %dma_wait3A_27 = tpu.memref_slice %arg5[%mul3A_10, %dma_wait3A] : memref<10240x16xf32, #tpu.memory_space<vmem_shared>> -> memref<640x16xf32, #tpu.memory_space<vmem_shared>>
      %dma_wait3A_28 = arith.constant 0 : i32
      %dma_wait3A_29 = tpu.memref_slice %arg3[%mul3A_8, %dma_wait3A_28] : memref<10240x16xf32, #tpu.memory_space<hbm>> -> memref<640x16xf32, #tpu.memory_space<hbm>>
      tpu.wait_dma2 semaphore(%run_scoped3A : memref<!tpu.dma_semaphore, #tpu.memory_space<semaphore_mem>>) src(%dma_wait3A_29 : memref<640x16xf32, #tpu.memory_space<hbm>>) dst(%dma_wait3A_27 : memref<640x16xf32, #tpu.memory_space<vmem_shared>>)
      tpu.yield
    }) : () -> ()
    %mul3A_11 = arith.constant 80 : i32
    %mul3A_12 = arith.muli %add3A, %mul3A_11 : i32
    "tpu.region"() ({
      %run_scoped3A = tpu.sem_alloc : memref<!tpu.dma_semaphore, #tpu.memory_space<semaphore_mem>>
      %dma_start3A = arith.constant 0 : i32
      %dma_start3A_24 = tpu.memref_slice %arg2[%mul3A_12, %dma_start3A] : memref<2560x128xi32, #tpu.memory_space<hbm>> -> memref<80x128xi32, #tpu.memory_space<hbm>>
      %dma_start3A_25 = arith.constant 0 : i32
      %dma_start3A_26 = tpu.memref_slice %arg2[%mul3A_12, %dma_start3A_25] : memref<2560x128xi32, #tpu.memory_space<hbm>> -> memref<80x128xi32, #tpu.memory_space<hbm>>
      tpu.enqueue_dma source(%dma_start3A_26 : memref<80x128xi32, #tpu.memory_space<hbm>>) target(%arg6 : memref<80x128xi32, #tpu.memory_space<vmem>>) target_semaphore(%run_scoped3A : memref<!tpu.dma_semaphore, #tpu.memory_space<semaphore_mem>>)
      %dma_wait3A = arith.constant 0 : i32
      %dma_wait3A_27 = tpu.memref_slice %arg2[%mul3A_12, %dma_wait3A] : memref<2560x128xi32, #tpu.memory_space<hbm>> -> memref<80x128xi32, #tpu.memory_space<hbm>>
      %dma_wait3A_28 = arith.constant 0 : i32
      %dma_wait3A_29 = tpu.memref_slice %arg2[%mul3A_12, %dma_wait3A_28] : memref<2560x128xi32, #tpu.memory_space<hbm>> -> memref<80x128xi32, #tpu.memory_space<hbm>>
      tpu.wait_dma2 semaphore(%run_scoped3A : memref<!tpu.dma_semaphore, #tpu.memory_space<semaphore_mem>>) src(%dma_wait3A_29 : memref<80x128xi32, #tpu.memory_space<hbm>>) dst(%arg6 : memref<80x128xi32, #tpu.memory_space<vmem>>)
      tpu.yield
    }) : () -> ()
    %barrier3A = arith.constant 0 : index
    tpu.barrier barrier_id(%barrier3A)
    %scan3A_13 = arith.constant 0 : i32
    %scan3A_14 = arith.constant 0 : i32
    %scan3A_15 = arith.constant 80 : i32
    %scan3A_16 = arith.addi %scan3A_14, %scan3A_15 : i32
    %scan3A_17 = arith.constant 1 : i32
    scf.for %scan3A_24 = %scan3A_14 to %scan3A_16 step %scan3A_17  : i32 {
      "tpu.region"() ({
        %run_scoped3A = tpu.sem_alloc : memref<!tpu.dma_semaphore, #tpu.memory_space<semaphore_mem>>
        %dma_start3A = arith.constant 0 : i32
        %dma_start3A_25 = tpu.memref_slice %arg6[%scan3A_24, %dma_start3A] : memref<80x128xi32, #tpu.memory_space<vmem>> -> memref<1x128xi32, #tpu.memory_space<vmem>>
        %dma_start3A_26 = tpu.memref_squeeze %dma_start3A_25 : memref<1x128xi32, #tpu.memory_space<vmem>> -> memref<128xi32, #tpu.memory_space<vmem>>
        %dma_start3A_27 = arith.constant 0 : i32
        %dma_start3A_28 = arith.constant 0 : i32
        %dma_start3A_29 = tpu.memref_slice %arg5[%dma_start3A_27, %dma_start3A_28] : memref<10240x16xf32, #tpu.memory_space<vmem_shared>> -> memref<10240x16xf32, #tpu.memory_space<vmem_shared>>
        tpu.enqueue_indirect_dma source(%arg7 : memref<128x16xf32, #tpu.memory_space<vmem>>) target(%dma_start3A_29 : memref<10240x16xf32, #tpu.memory_space<vmem_shared>>) offsets(%dma_start3A_26 : memref<128xi32, #tpu.memory_space<vmem>>) semaphore(%run_scoped3A : memref<!tpu.dma_semaphore, #tpu.memory_space<semaphore_mem>>) {add = true}
        %dma_wait3A = arith.constant 0 : i32
        %dma_wait3A_30 = tpu.memref_slice %arg6[%scan3A_24, %dma_wait3A] : memref<80x128xi32, #tpu.memory_space<vmem>> -> memref<1x128xi32, #tpu.memory_space<vmem>>
        %dma_wait3A_31 = tpu.memref_squeeze %dma_wait3A_30 : memref<1x128xi32, #tpu.memory_space<vmem>> -> memref<128xi32, #tpu.memory_space<vmem>>
        %dma_wait3A_32 = arith.constant 0 : i32
        %dma_wait3A_33 = arith.constant 0 : i32
        %dma_wait3A_34 = tpu.memref_slice %arg5[%dma_wait3A_32, %dma_wait3A_33] : memref<10240x16xf32, #tpu.memory_space<vmem_shared>> -> memref<10240x16xf32, #tpu.memory_space<vmem_shared>>
        tpu.wait_indirect_dma semaphore(%run_scoped3A : memref<!tpu.dma_semaphore, #tpu.memory_space<semaphore_mem>>) src(%arg7 : memref<128x16xf32, #tpu.memory_space<vmem>>) dst(%dma_wait3A_34 : memref<10240x16xf32, #tpu.memory_space<vmem_shared>>)
        tpu.yield
      }) : () -> ()
    }
    %scan3A_18 = arith.constant 80 : i32
    %barrier3A_19 = arith.constant 0 : index
    tpu.barrier barrier_id(%barrier3A_19)
    %mul3A_20 = arith.constant 640 : i32
    %mul3A_21 = arith.muli %arg1, %mul3A_20 : i32
    %mul3A_22 = arith.constant 640 : i32
    %mul3A_23 = arith.muli %arg1, %mul3A_22 : i32
    "tpu.region"() ({
      %run_scoped3A = tpu.sem_alloc : memref<!tpu.dma_semaphore, #tpu.memory_space<semaphore_mem>>
      %dma_start3A = arith.constant 0 : i32
      %dma_start3A_24 = tpu.memref_slice %arg4[%arg0, %mul3A_23, %dma_start3A] : memref<2x10240x16xf32, #tpu.memory_space<hbm>> -> memref<1x640x16xf32, #tpu.memory_space<hbm>>
      %dma_start3A_25 = tpu.memref_squeeze %dma_start3A_24 : memref<1x640x16xf32, #tpu.memory_space<hbm>> -> memref<640x16xf32, #tpu.memory_space<hbm>>
      %dma_start3A_26 = arith.constant 0 : i32
      %dma_start3A_27 = tpu.memref_slice %arg5[%mul3A_21, %dma_start3A_26] : memref<10240x16xf32, #tpu.memory_space<vmem_shared>> -> memref<640x16xf32, #tpu.memory_space<vmem_shared>>
      tpu.enqueue_dma source(%dma_start3A_27 : memref<640x16xf32, #tpu.memory_space<vmem_shared>>) target(%dma_start3A_25 : memref<640x16xf32, #tpu.memory_space<hbm>>) target_semaphore(%run_scoped3A : memref<!tpu.dma_semaphore, #tpu.memory_space<semaphore_mem>>)
      %dma_wait3A = arith.constant 0 : i32
      %dma_wait3A_28 = tpu.memref_slice %arg4[%arg0, %mul3A_23, %dma_wait3A] : memref<2x10240x16xf32, #tpu.memory_space<hbm>> -> memref<1x640x16xf32, #tpu.memory_space<hbm>>
      %dma_wait3A_29 = tpu.memref_squeeze %dma_wait3A_28 : memref<1x640x16xf32, #tpu.memory_space<hbm>> -> memref<640x16xf32, #tpu.memory_space<hbm>>
      %dma_wait3A_30 = arith.constant 0 : i32
      %dma_wait3A_31 = tpu.memref_slice %arg5[%mul3A_21, %dma_wait3A_30] : memref<10240x16xf32, #tpu.memory_space<vmem_shared>> -> memref<640x16xf32, #tpu.memory_space<vmem_shared>>
      tpu.wait_dma2 semaphore(%run_scoped3A : memref<!tpu.dma_semaphore, #tpu.memory_space<semaphore_mem>>) src(%dma_wait3A_31 : memref<640x16xf32, #tpu.memory_space<vmem_shared>>) dst(%dma_wait3A_29 : memref<640x16xf32, #tpu.memory_space<hbm>>)
      tpu.yield
    }) : () -> ()
    return
  }
}

#map = affine_map<(d0, d1) -> (0, 0)>
#map1 = affine_map<(d0, d1) -> (0, 0, 0)>
module attributes {stable_mosaic.version = 14 : i64} {
  func.func @_spmm_kernel(%arg0: i32, %arg1: i32, %arg2: memref<10240x64xf32, #tpu.memory_space<hbm>>, %arg3: memref<2560x128xi32, #tpu.memory_space<hbm>>, %arg4: memref<2560x128xi32, #tpu.memory_space<hbm>>, %arg5: memref<10240x64xf32, #tpu.memory_space<hbm>>, %arg6: memref<2x10240x64xf32, #tpu.memory_space<hbm>>, %arg7: memref<10240x64xf32, #tpu.memory_space<vmem_shared>>, %arg8: memref<80x128xi32, #tpu.memory_space<vmem>>, %arg9: memref<80x128xi32, #tpu.memory_space<vmem>>, %arg10: memref<128x64xf32, #tpu.memory_space<vmem>>, %arg11: memref<128x64xf32, #tpu.memory_space<vmem>>, %arg12: memref<128x64xf32, #tpu.memory_space<vmem>>, %arg13: memref<128x64xf32, #tpu.memory_space<vmem>>, %arg14: memref<128x64xf32, #tpu.memory_space<vmem>>, %arg15: memref<128x64xf32, #tpu.memory_space<vmem>>, %arg16: memref<128x64xf32, #tpu.memory_space<vmem>>, %arg17: memref<128x64xf32, #tpu.memory_space<vmem>>, %arg18: memref<!tpu.dma_semaphore, #tpu.memory_space<semaphore_mem>>, %arg19: memref<!tpu.dma_semaphore, #tpu.memory_space<semaphore_mem>>, %arg20: memref<!tpu.dma_semaphore, #tpu.memory_space<semaphore_mem>>, %arg21: memref<!tpu.dma_semaphore, #tpu.memory_space<semaphore_mem>>, %arg22: memref<!tpu.dma_semaphore, #tpu.memory_space<semaphore_mem>>, %arg23: memref<!tpu.dma_semaphore, #tpu.memory_space<semaphore_mem>>, %arg24: memref<!tpu.dma_semaphore, #tpu.memory_space<semaphore_mem>>, %arg25: memref<!tpu.dma_semaphore, #tpu.memory_space<semaphore_mem>>, %arg26: memref<!tpu.dma_semaphore, #tpu.memory_space<semaphore_mem>>, %arg27: memref<!tpu.dma_semaphore, #tpu.memory_space<semaphore_mem>>, %arg28: memref<!tpu.dma_semaphore, #tpu.memory_space<semaphore_mem>>, %arg29: memref<!tpu.dma_semaphore, #tpu.memory_space<semaphore_mem>>, %arg30: memref<!tpu.dma_semaphore, #tpu.memory_space<semaphore_mem>>, %arg31: memref<!tpu.dma_semaphore, #tpu.memory_space<semaphore_mem>>, %arg32: memref<!tpu.dma_semaphore, #tpu.memory_space<semaphore_mem>>, %arg33: memref<!tpu.dma_semaphore, #tpu.memory_space<semaphore_mem>>) attributes {dimension_semantics = [#tpu.dimension_semantics<core_parallel>, #tpu.dimension_semantics<subcore_parallel>], iteration_bounds = array<i64: 2, 16>, scalar_prefetch = 0 : i64, scratch_operands = 27 : i64, tpu.core_type = #tpu.core_type<sc_vector_subcore>, window_params = [{transform_indices = #map}, {transform_indices = #map}, {transform_indices = #map}, {transform_indices = #map}, {transform_indices = #map1}]} {
    %mul3A = arith.constant 16 : i32
    %mul3A_0 = arith.muli %arg0, %mul3A : i32
    %add3A = arith.addi %mul3A_0, %arg1 : i32
    %mul3A_1 = arith.constant 640 : i32
    %mul3A_2 = arith.muli %arg1, %mul3A_1 : i32
    %mul3A_3 = arith.constant 640 : i32
    %mul3A_4 = arith.muli %arg1, %mul3A_3 : i32
    %dma_start3A = arith.constant 0 : i32
    %dma_start3A_5 = tpu.memref_slice %arg7[%mul3A_4, %dma_start3A] : memref<10240x64xf32, #tpu.memory_space<vmem_shared>> -> memref<640x64xf32, #tpu.memory_space<vmem_shared>>
    %dma_start3A_6 = arith.constant 0 : i32
    %dma_start3A_7 = tpu.memref_slice %arg5[%mul3A_2, %dma_start3A_6] : memref<10240x64xf32, #tpu.memory_space<hbm>> -> memref<640x64xf32, #tpu.memory_space<hbm>>
    tpu.enqueue_dma source(%dma_start3A_7 : memref<640x64xf32, #tpu.memory_space<hbm>>) target(%dma_start3A_5 : memref<640x64xf32, #tpu.memory_space<vmem_shared>>) target_semaphore(%arg18 : memref<!tpu.dma_semaphore, #tpu.memory_space<semaphore_mem>>)
    %mul3A_8 = arith.constant 80 : i32
    %mul3A_9 = arith.muli %add3A, %mul3A_8 : i32
    %dma_start3A_10 = arith.constant 0 : i32
    %dma_start3A_11 = tpu.memref_slice %arg3[%mul3A_9, %dma_start3A_10] : memref<2560x128xi32, #tpu.memory_space<hbm>> -> memref<80x128xi32, #tpu.memory_space<hbm>>
    %dma_start3A_12 = arith.constant 0 : i32
    %dma_start3A_13 = tpu.memref_slice %arg3[%mul3A_9, %dma_start3A_12] : memref<2560x128xi32, #tpu.memory_space<hbm>> -> memref<80x128xi32, #tpu.memory_space<hbm>>
    tpu.enqueue_dma source(%dma_start3A_13 : memref<80x128xi32, #tpu.memory_space<hbm>>) target(%arg8 : memref<80x128xi32, #tpu.memory_space<vmem>>) target_semaphore(%arg19 : memref<!tpu.dma_semaphore, #tpu.memory_space<semaphore_mem>>)
    %mul3A_14 = arith.constant 80 : i32
    %mul3A_15 = arith.muli %add3A, %mul3A_14 : i32
    %dma_start3A_16 = arith.constant 0 : i32
    %dma_start3A_17 = tpu.memref_slice %arg4[%mul3A_15, %dma_start3A_16] : memref<2560x128xi32, #tpu.memory_space<hbm>> -> memref<80x128xi32, #tpu.memory_space<hbm>>
    %dma_start3A_18 = arith.constant 0 : i32
    %dma_start3A_19 = tpu.memref_slice %arg4[%mul3A_15, %dma_start3A_18] : memref<2560x128xi32, #tpu.memory_space<hbm>> -> memref<80x128xi32, #tpu.memory_space<hbm>>
    tpu.enqueue_dma source(%dma_start3A_19 : memref<80x128xi32, #tpu.memory_space<hbm>>) target(%arg9 : memref<80x128xi32, #tpu.memory_space<vmem>>) target_semaphore(%arg20 : memref<!tpu.dma_semaphore, #tpu.memory_space<semaphore_mem>>)
    %dma_wait3A = arith.constant 0 : i32
    %dma_wait3A_20 = tpu.memref_slice %arg7[%mul3A_4, %dma_wait3A] : memref<10240x64xf32, #tpu.memory_space<vmem_shared>> -> memref<640x64xf32, #tpu.memory_space<vmem_shared>>
    %dma_wait3A_21 = arith.constant 0 : i32
    %dma_wait3A_22 = tpu.memref_slice %arg5[%mul3A_2, %dma_wait3A_21] : memref<10240x64xf32, #tpu.memory_space<hbm>> -> memref<640x64xf32, #tpu.memory_space<hbm>>
    tpu.wait_dma2 semaphore(%arg18 : memref<!tpu.dma_semaphore, #tpu.memory_space<semaphore_mem>>) src(%dma_wait3A_22 : memref<640x64xf32, #tpu.memory_space<hbm>>) dst(%dma_wait3A_20 : memref<640x64xf32, #tpu.memory_space<vmem_shared>>)
    %dma_wait3A_23 = arith.constant 0 : i32
    %dma_wait3A_24 = tpu.memref_slice %arg3[%mul3A_9, %dma_wait3A_23] : memref<2560x128xi32, #tpu.memory_space<hbm>> -> memref<80x128xi32, #tpu.memory_space<hbm>>
    %dma_wait3A_25 = arith.constant 0 : i32
    %dma_wait3A_26 = tpu.memref_slice %arg3[%mul3A_9, %dma_wait3A_25] : memref<2560x128xi32, #tpu.memory_space<hbm>> -> memref<80x128xi32, #tpu.memory_space<hbm>>
    tpu.wait_dma2 semaphore(%arg19 : memref<!tpu.dma_semaphore, #tpu.memory_space<semaphore_mem>>) src(%dma_wait3A_26 : memref<80x128xi32, #tpu.memory_space<hbm>>) dst(%arg8 : memref<80x128xi32, #tpu.memory_space<vmem>>)
    %dma_wait3A_27 = arith.constant 0 : i32
    %dma_wait3A_28 = tpu.memref_slice %arg4[%mul3A_15, %dma_wait3A_27] : memref<2560x128xi32, #tpu.memory_space<hbm>> -> memref<80x128xi32, #tpu.memory_space<hbm>>
    %dma_wait3A_29 = arith.constant 0 : i32
    %dma_wait3A_30 = tpu.memref_slice %arg4[%mul3A_15, %dma_wait3A_29] : memref<2560x128xi32, #tpu.memory_space<hbm>> -> memref<80x128xi32, #tpu.memory_space<hbm>>
    tpu.wait_dma2 semaphore(%arg20 : memref<!tpu.dma_semaphore, #tpu.memory_space<semaphore_mem>>) src(%dma_wait3A_30 : memref<80x128xi32, #tpu.memory_space<hbm>>) dst(%arg9 : memref<80x128xi32, #tpu.memory_space<vmem>>)
    %barrier3A = arith.constant 0 : index
    tpu.barrier barrier_id(%barrier3A)
    %dma_start3A_31 = arith.constant 0 : i32
    %dma_start3A_32 = arith.constant 0 : i32
    %dma_start3A_33 = tpu.memref_slice %arg8[%dma_start3A_31, %dma_start3A_32] : memref<80x128xi32, #tpu.memory_space<vmem>> -> memref<1x128xi32, #tpu.memory_space<vmem>>
    %dma_start3A_34 = tpu.memref_squeeze %dma_start3A_33 : memref<1x128xi32, #tpu.memory_space<vmem>> -> memref<128xi32, #tpu.memory_space<vmem>>
    %dma_start3A_35 = arith.constant 0 : i32
    %dma_start3A_36 = arith.constant 0 : i32
    %dma_start3A_37 = tpu.memref_slice %arg2[%dma_start3A_35, %dma_start3A_36] : memref<10240x64xf32, #tpu.memory_space<hbm>> -> memref<10240x64xf32, #tpu.memory_space<hbm>>
    tpu.enqueue_indirect_dma source(%dma_start3A_37 : memref<10240x64xf32, #tpu.memory_space<hbm>>) target(%arg10 : memref<128x64xf32, #tpu.memory_space<vmem>>) offsets(%dma_start3A_34 : memref<128xi32, #tpu.memory_space<vmem>>) semaphore(%arg18 : memref<!tpu.dma_semaphore, #tpu.memory_space<semaphore_mem>>)
    %dma_start3A_38 = arith.constant 1 : i32
    %dma_start3A_39 = arith.constant 0 : i32
    %dma_start3A_40 = tpu.memref_slice %arg8[%dma_start3A_38, %dma_start3A_39] : memref<80x128xi32, #tpu.memory_space<vmem>> -> memref<1x128xi32, #tpu.memory_space<vmem>>
    %dma_start3A_41 = tpu.memref_squeeze %dma_start3A_40 : memref<1x128xi32, #tpu.memory_space<vmem>> -> memref<128xi32, #tpu.memory_space<vmem>>
    %dma_start3A_42 = arith.constant 0 : i32
    %dma_start3A_43 = arith.constant 0 : i32
    %dma_start3A_44 = tpu.memref_slice %arg2[%dma_start3A_42, %dma_start3A_43] : memref<10240x64xf32, #tpu.memory_space<hbm>> -> memref<10240x64xf32, #tpu.memory_space<hbm>>
    tpu.enqueue_indirect_dma source(%dma_start3A_44 : memref<10240x64xf32, #tpu.memory_space<hbm>>) target(%arg11 : memref<128x64xf32, #tpu.memory_space<vmem>>) offsets(%dma_start3A_41 : memref<128xi32, #tpu.memory_space<vmem>>) semaphore(%arg19 : memref<!tpu.dma_semaphore, #tpu.memory_space<semaphore_mem>>)
    %dma_start3A_45 = arith.constant 2 : i32
    %dma_start3A_46 = arith.constant 0 : i32
    %dma_start3A_47 = tpu.memref_slice %arg8[%dma_start3A_45, %dma_start3A_46] : memref<80x128xi32, #tpu.memory_space<vmem>> -> memref<1x128xi32, #tpu.memory_space<vmem>>
    %dma_start3A_48 = tpu.memref_squeeze %dma_start3A_47 : memref<1x128xi32, #tpu.memory_space<vmem>> -> memref<128xi32, #tpu.memory_space<vmem>>
    %dma_start3A_49 = arith.constant 0 : i32
    %dma_start3A_50 = arith.constant 0 : i32
    %dma_start3A_51 = tpu.memref_slice %arg2[%dma_start3A_49, %dma_start3A_50] : memref<10240x64xf32, #tpu.memory_space<hbm>> -> memref<10240x64xf32, #tpu.memory_space<hbm>>
    tpu.enqueue_indirect_dma source(%dma_start3A_51 : memref<10240x64xf32, #tpu.memory_space<hbm>>) target(%arg12 : memref<128x64xf32, #tpu.memory_space<vmem>>) offsets(%dma_start3A_48 : memref<128xi32, #tpu.memory_space<vmem>>) semaphore(%arg20 : memref<!tpu.dma_semaphore, #tpu.memory_space<semaphore_mem>>)
    %dma_start3A_52 = arith.constant 3 : i32
    %dma_start3A_53 = arith.constant 0 : i32
    %dma_start3A_54 = tpu.memref_slice %arg8[%dma_start3A_52, %dma_start3A_53] : memref<80x128xi32, #tpu.memory_space<vmem>> -> memref<1x128xi32, #tpu.memory_space<vmem>>
    %dma_start3A_55 = tpu.memref_squeeze %dma_start3A_54 : memref<1x128xi32, #tpu.memory_space<vmem>> -> memref<128xi32, #tpu.memory_space<vmem>>
    %dma_start3A_56 = arith.constant 0 : i32
    %dma_start3A_57 = arith.constant 0 : i32
    %dma_start3A_58 = tpu.memref_slice %arg2[%dma_start3A_56, %dma_start3A_57] : memref<10240x64xf32, #tpu.memory_space<hbm>> -> memref<10240x64xf32, #tpu.memory_space<hbm>>
    tpu.enqueue_indirect_dma source(%dma_start3A_58 : memref<10240x64xf32, #tpu.memory_space<hbm>>) target(%arg13 : memref<128x64xf32, #tpu.memory_space<vmem>>) offsets(%dma_start3A_55 : memref<128xi32, #tpu.memory_space<vmem>>) semaphore(%arg21 : memref<!tpu.dma_semaphore, #tpu.memory_space<semaphore_mem>>)
    %dma_start3A_59 = arith.constant 4 : i32
    %dma_start3A_60 = arith.constant 0 : i32
    %dma_start3A_61 = tpu.memref_slice %arg8[%dma_start3A_59, %dma_start3A_60] : memref<80x128xi32, #tpu.memory_space<vmem>> -> memref<1x128xi32, #tpu.memory_space<vmem>>
    %dma_start3A_62 = tpu.memref_squeeze %dma_start3A_61 : memref<1x128xi32, #tpu.memory_space<vmem>> -> memref<128xi32, #tpu.memory_space<vmem>>
    %dma_start3A_63 = arith.constant 0 : i32
    %dma_start3A_64 = arith.constant 0 : i32
    %dma_start3A_65 = tpu.memref_slice %arg2[%dma_start3A_63, %dma_start3A_64] : memref<10240x64xf32, #tpu.memory_space<hbm>> -> memref<10240x64xf32, #tpu.memory_space<hbm>>
    tpu.enqueue_indirect_dma source(%dma_start3A_65 : memref<10240x64xf32, #tpu.memory_space<hbm>>) target(%arg14 : memref<128x64xf32, #tpu.memory_space<vmem>>) offsets(%dma_start3A_62 : memref<128xi32, #tpu.memory_space<vmem>>) semaphore(%arg22 : memref<!tpu.dma_semaphore, #tpu.memory_space<semaphore_mem>>)
    %dma_start3A_66 = arith.constant 5 : i32
    %dma_start3A_67 = arith.constant 0 : i32
    %dma_start3A_68 = tpu.memref_slice %arg8[%dma_start3A_66, %dma_start3A_67] : memref<80x128xi32, #tpu.memory_space<vmem>> -> memref<1x128xi32, #tpu.memory_space<vmem>>
    %dma_start3A_69 = tpu.memref_squeeze %dma_start3A_68 : memref<1x128xi32, #tpu.memory_space<vmem>> -> memref<128xi32, #tpu.memory_space<vmem>>
    %dma_start3A_70 = arith.constant 0 : i32
    %dma_start3A_71 = arith.constant 0 : i32
    %dma_start3A_72 = tpu.memref_slice %arg2[%dma_start3A_70, %dma_start3A_71] : memref<10240x64xf32, #tpu.memory_space<hbm>> -> memref<10240x64xf32, #tpu.memory_space<hbm>>
    tpu.enqueue_indirect_dma source(%dma_start3A_72 : memref<10240x64xf32, #tpu.memory_space<hbm>>) target(%arg15 : memref<128x64xf32, #tpu.memory_space<vmem>>) offsets(%dma_start3A_69 : memref<128xi32, #tpu.memory_space<vmem>>) semaphore(%arg23 : memref<!tpu.dma_semaphore, #tpu.memory_space<semaphore_mem>>)
    %dma_start3A_73 = arith.constant 6 : i32
    %dma_start3A_74 = arith.constant 0 : i32
    %dma_start3A_75 = tpu.memref_slice %arg8[%dma_start3A_73, %dma_start3A_74] : memref<80x128xi32, #tpu.memory_space<vmem>> -> memref<1x128xi32, #tpu.memory_space<vmem>>
    %dma_start3A_76 = tpu.memref_squeeze %dma_start3A_75 : memref<1x128xi32, #tpu.memory_space<vmem>> -> memref<128xi32, #tpu.memory_space<vmem>>
    %dma_start3A_77 = arith.constant 0 : i32
    %dma_start3A_78 = arith.constant 0 : i32
    %dma_start3A_79 = tpu.memref_slice %arg2[%dma_start3A_77, %dma_start3A_78] : memref<10240x64xf32, #tpu.memory_space<hbm>> -> memref<10240x64xf32, #tpu.memory_space<hbm>>
    tpu.enqueue_indirect_dma source(%dma_start3A_79 : memref<10240x64xf32, #tpu.memory_space<hbm>>) target(%arg16 : memref<128x64xf32, #tpu.memory_space<vmem>>) offsets(%dma_start3A_76 : memref<128xi32, #tpu.memory_space<vmem>>) semaphore(%arg24 : memref<!tpu.dma_semaphore, #tpu.memory_space<semaphore_mem>>)
    %dma_start3A_80 = arith.constant 7 : i32
    %dma_start3A_81 = arith.constant 0 : i32
    %dma_start3A_82 = tpu.memref_slice %arg8[%dma_start3A_80, %dma_start3A_81] : memref<80x128xi32, #tpu.memory_space<vmem>> -> memref<1x128xi32, #tpu.memory_space<vmem>>
    %dma_start3A_83 = tpu.memref_squeeze %dma_start3A_82 : memref<1x128xi32, #tpu.memory_space<vmem>> -> memref<128xi32, #tpu.memory_space<vmem>>
    %dma_start3A_84 = arith.constant 0 : i32
    %dma_start3A_85 = arith.constant 0 : i32
    %dma_start3A_86 = tpu.memref_slice %arg2[%dma_start3A_84, %dma_start3A_85] : memref<10240x64xf32, #tpu.memory_space<hbm>> -> memref<10240x64xf32, #tpu.memory_space<hbm>>
    tpu.enqueue_indirect_dma source(%dma_start3A_86 : memref<10240x64xf32, #tpu.memory_space<hbm>>) target(%arg17 : memref<128x64xf32, #tpu.memory_space<vmem>>) offsets(%dma_start3A_83 : memref<128xi32, #tpu.memory_space<vmem>>) semaphore(%arg25 : memref<!tpu.dma_semaphore, #tpu.memory_space<semaphore_mem>>)
    %scan3A = arith.constant 0 : i32
    %scan3A_87 = arith.constant 0 : i32
    %scan3A_88 = arith.constant 9 : i32
    %scan3A_89 = arith.addi %scan3A_87, %scan3A_88 : i32
    %scan3A_90 = arith.constant 1 : i32
    scf.for %scan3A_265 = %scan3A_87 to %scan3A_89 step %scan3A_90  : i32 {
      %mul3A_266 = arith.constant 8 : i32
      %mul3A_267 = arith.muli %scan3A_265, %mul3A_266 : i32
      %add3A_268 = arith.constant 0 : i32
      %add3A_269 = arith.addi %mul3A_267, %add3A_268 : i32
      %dma_wait3A_270 = arith.constant 0 : i32
      %dma_wait3A_271 = tpu.memref_slice %arg8[%add3A_269, %dma_wait3A_270] : memref<80x128xi32, #tpu.memory_space<vmem>> -> memref<1x128xi32, #tpu.memory_space<vmem>>
      %dma_wait3A_272 = tpu.memref_squeeze %dma_wait3A_271 : memref<1x128xi32, #tpu.memory_space<vmem>> -> memref<128xi32, #tpu.memory_space<vmem>>
      %dma_wait3A_273 = arith.constant 0 : i32
      %dma_wait3A_274 = arith.constant 0 : i32
      %dma_wait3A_275 = tpu.memref_slice %arg2[%dma_wait3A_273, %dma_wait3A_274] : memref<10240x64xf32, #tpu.memory_space<hbm>> -> memref<10240x64xf32, #tpu.memory_space<hbm>>
      tpu.wait_indirect_dma semaphore(%arg18 : memref<!tpu.dma_semaphore, #tpu.memory_space<semaphore_mem>>) src(%dma_wait3A_275 : memref<10240x64xf32, #tpu.memory_space<hbm>>) dst(%arg10 : memref<128x64xf32, #tpu.memory_space<vmem>>)
      %add3A_276 = arith.constant 0 : i32
      %add3A_277 = arith.addi %mul3A_267, %add3A_276 : i32
      %dma_start3A_278 = arith.constant 0 : i32
      %dma_start3A_279 = tpu.memref_slice %arg9[%add3A_277, %dma_start3A_278] : memref<80x128xi32, #tpu.memory_space<vmem>> -> memref<1x128xi32, #tpu.memory_space<vmem>>
      %dma_start3A_280 = tpu.memref_squeeze %dma_start3A_279 : memref<1x128xi32, #tpu.memory_space<vmem>> -> memref<128xi32, #tpu.memory_space<vmem>>
      %dma_start3A_281 = arith.constant 0 : i32
      %dma_start3A_282 = arith.constant 0 : i32
      %dma_start3A_283 = tpu.memref_slice %arg7[%dma_start3A_281, %dma_start3A_282] : memref<10240x64xf32, #tpu.memory_space<vmem_shared>> -> memref<10240x64xf32, #tpu.memory_space<vmem_shared>>
      tpu.enqueue_indirect_dma source(%arg10 : memref<128x64xf32, #tpu.memory_space<vmem>>) target(%dma_start3A_283 : memref<10240x64xf32, #tpu.memory_space<vmem_shared>>) offsets(%dma_start3A_280 : memref<128xi32, #tpu.memory_space<vmem>>) semaphore(%arg26 : memref<!tpu.dma_semaphore, #tpu.memory_space<semaphore_mem>>) {add = true}
      %add3A_284 = arith.constant 1 : i32
      %add3A_285 = arith.addi %mul3A_267, %add3A_284 : i32
      %dma_wait3A_286 = arith.constant 0 : i32
      %dma_wait3A_287 = tpu.memref_slice %arg8[%add3A_285, %dma_wait3A_286] : memref<80x128xi32, #tpu.memory_space<vmem>> -> memref<1x128xi32, #tpu.memory_space<vmem>>
      %dma_wait3A_288 = tpu.memref_squeeze %dma_wait3A_287 : memref<1x128xi32, #tpu.memory_space<vmem>> -> memref<128xi32, #tpu.memory_space<vmem>>
      %dma_wait3A_289 = arith.constant 0 : i32
      %dma_wait3A_290 = arith.constant 0 : i32
      %dma_wait3A_291 = tpu.memref_slice %arg2[%dma_wait3A_289, %dma_wait3A_290] : memref<10240x64xf32, #tpu.memory_space<hbm>> -> memref<10240x64xf32, #tpu.memory_space<hbm>>
      tpu.wait_indirect_dma semaphore(%arg19 : memref<!tpu.dma_semaphore, #tpu.memory_space<semaphore_mem>>) src(%dma_wait3A_291 : memref<10240x64xf32, #tpu.memory_space<hbm>>) dst(%arg11 : memref<128x64xf32, #tpu.memory_space<vmem>>)
      %add3A_292 = arith.constant 1 : i32
      %add3A_293 = arith.addi %mul3A_267, %add3A_292 : i32
      %dma_start3A_294 = arith.constant 0 : i32
      %dma_start3A_295 = tpu.memref_slice %arg9[%add3A_293, %dma_start3A_294] : memref<80x128xi32, #tpu.memory_space<vmem>> -> memref<1x128xi32, #tpu.memory_space<vmem>>
      %dma_start3A_296 = tpu.memref_squeeze %dma_start3A_295 : memref<1x128xi32, #tpu.memory_space<vmem>> -> memref<128xi32, #tpu.memory_space<vmem>>
      %dma_start3A_297 = arith.constant 0 : i32
      %dma_start3A_298 = arith.constant 0 : i32
      %dma_start3A_299 = tpu.memref_slice %arg7[%dma_start3A_297, %dma_start3A_298] : memref<10240x64xf32, #tpu.memory_space<vmem_shared>> -> memref<10240x64xf32, #tpu.memory_space<vmem_shared>>
      tpu.enqueue_indirect_dma source(%arg11 : memref<128x64xf32, #tpu.memory_space<vmem>>) target(%dma_start3A_299 : memref<10240x64xf32, #tpu.memory_space<vmem_shared>>) offsets(%dma_start3A_296 : memref<128xi32, #tpu.memory_space<vmem>>) semaphore(%arg27 : memref<!tpu.dma_semaphore, #tpu.memory_space<semaphore_mem>>) {add = true}
      %add3A_300 = arith.constant 2 : i32
      %add3A_301 = arith.addi %mul3A_267, %add3A_300 : i32
      %dma_wait3A_302 = arith.constant 0 : i32
      %dma_wait3A_303 = tpu.memref_slice %arg8[%add3A_301, %dma_wait3A_302] : memref<80x128xi32, #tpu.memory_space<vmem>> -> memref<1x128xi32, #tpu.memory_space<vmem>>
      %dma_wait3A_304 = tpu.memref_squeeze %dma_wait3A_303 : memref<1x128xi32, #tpu.memory_space<vmem>> -> memref<128xi32, #tpu.memory_space<vmem>>
      %dma_wait3A_305 = arith.constant 0 : i32
      %dma_wait3A_306 = arith.constant 0 : i32
      %dma_wait3A_307 = tpu.memref_slice %arg2[%dma_wait3A_305, %dma_wait3A_306] : memref<10240x64xf32, #tpu.memory_space<hbm>> -> memref<10240x64xf32, #tpu.memory_space<hbm>>
      tpu.wait_indirect_dma semaphore(%arg20 : memref<!tpu.dma_semaphore, #tpu.memory_space<semaphore_mem>>) src(%dma_wait3A_307 : memref<10240x64xf32, #tpu.memory_space<hbm>>) dst(%arg12 : memref<128x64xf32, #tpu.memory_space<vmem>>)
      %add3A_308 = arith.constant 2 : i32
      %add3A_309 = arith.addi %mul3A_267, %add3A_308 : i32
      %dma_start3A_310 = arith.constant 0 : i32
      %dma_start3A_311 = tpu.memref_slice %arg9[%add3A_309, %dma_start3A_310] : memref<80x128xi32, #tpu.memory_space<vmem>> -> memref<1x128xi32, #tpu.memory_space<vmem>>
      %dma_start3A_312 = tpu.memref_squeeze %dma_start3A_311 : memref<1x128xi32, #tpu.memory_space<vmem>> -> memref<128xi32, #tpu.memory_space<vmem>>
      %dma_start3A_313 = arith.constant 0 : i32
      %dma_start3A_314 = arith.constant 0 : i32
      %dma_start3A_315 = tpu.memref_slice %arg7[%dma_start3A_313, %dma_start3A_314] : memref<10240x64xf32, #tpu.memory_space<vmem_shared>> -> memref<10240x64xf32, #tpu.memory_space<vmem_shared>>
      tpu.enqueue_indirect_dma source(%arg12 : memref<128x64xf32, #tpu.memory_space<vmem>>) target(%dma_start3A_315 : memref<10240x64xf32, #tpu.memory_space<vmem_shared>>) offsets(%dma_start3A_312 : memref<128xi32, #tpu.memory_space<vmem>>) semaphore(%arg28 : memref<!tpu.dma_semaphore, #tpu.memory_space<semaphore_mem>>) {add = true}
      %add3A_316 = arith.constant 3 : i32
      %add3A_317 = arith.addi %mul3A_267, %add3A_316 : i32
      %dma_wait3A_318 = arith.constant 0 : i32
      %dma_wait3A_319 = tpu.memref_slice %arg8[%add3A_317, %dma_wait3A_318] : memref<80x128xi32, #tpu.memory_space<vmem>> -> memref<1x128xi32, #tpu.memory_space<vmem>>
      %dma_wait3A_320 = tpu.memref_squeeze %dma_wait3A_319 : memref<1x128xi32, #tpu.memory_space<vmem>> -> memref<128xi32, #tpu.memory_space<vmem>>
      %dma_wait3A_321 = arith.constant 0 : i32
      %dma_wait3A_322 = arith.constant 0 : i32
      %dma_wait3A_323 = tpu.memref_slice %arg2[%dma_wait3A_321, %dma_wait3A_322] : memref<10240x64xf32, #tpu.memory_space<hbm>> -> memref<10240x64xf32, #tpu.memory_space<hbm>>
      tpu.wait_indirect_dma semaphore(%arg21 : memref<!tpu.dma_semaphore, #tpu.memory_space<semaphore_mem>>) src(%dma_wait3A_323 : memref<10240x64xf32, #tpu.memory_space<hbm>>) dst(%arg13 : memref<128x64xf32, #tpu.memory_space<vmem>>)
      %add3A_324 = arith.constant 3 : i32
      %add3A_325 = arith.addi %mul3A_267, %add3A_324 : i32
      %dma_start3A_326 = arith.constant 0 : i32
      %dma_start3A_327 = tpu.memref_slice %arg9[%add3A_325, %dma_start3A_326] : memref<80x128xi32, #tpu.memory_space<vmem>> -> memref<1x128xi32, #tpu.memory_space<vmem>>
      %dma_start3A_328 = tpu.memref_squeeze %dma_start3A_327 : memref<1x128xi32, #tpu.memory_space<vmem>> -> memref<128xi32, #tpu.memory_space<vmem>>
      %dma_start3A_329 = arith.constant 0 : i32
      %dma_start3A_330 = arith.constant 0 : i32
      %dma_start3A_331 = tpu.memref_slice %arg7[%dma_start3A_329, %dma_start3A_330] : memref<10240x64xf32, #tpu.memory_space<vmem_shared>> -> memref<10240x64xf32, #tpu.memory_space<vmem_shared>>
      tpu.enqueue_indirect_dma source(%arg13 : memref<128x64xf32, #tpu.memory_space<vmem>>) target(%dma_start3A_331 : memref<10240x64xf32, #tpu.memory_space<vmem_shared>>) offsets(%dma_start3A_328 : memref<128xi32, #tpu.memory_space<vmem>>) semaphore(%arg29 : memref<!tpu.dma_semaphore, #tpu.memory_space<semaphore_mem>>) {add = true}
      %add3A_332 = arith.constant 4 : i32
      %add3A_333 = arith.addi %mul3A_267, %add3A_332 : i32
      %dma_wait3A_334 = arith.constant 0 : i32
      %dma_wait3A_335 = tpu.memref_slice %arg8[%add3A_333, %dma_wait3A_334] : memref<80x128xi32, #tpu.memory_space<vmem>> -> memref<1x128xi32, #tpu.memory_space<vmem>>
      %dma_wait3A_336 = tpu.memref_squeeze %dma_wait3A_335 : memref<1x128xi32, #tpu.memory_space<vmem>> -> memref<128xi32, #tpu.memory_space<vmem>>
      %dma_wait3A_337 = arith.constant 0 : i32
      %dma_wait3A_338 = arith.constant 0 : i32
      %dma_wait3A_339 = tpu.memref_slice %arg2[%dma_wait3A_337, %dma_wait3A_338] : memref<10240x64xf32, #tpu.memory_space<hbm>> -> memref<10240x64xf32, #tpu.memory_space<hbm>>
      tpu.wait_indirect_dma semaphore(%arg22 : memref<!tpu.dma_semaphore, #tpu.memory_space<semaphore_mem>>) src(%dma_wait3A_339 : memref<10240x64xf32, #tpu.memory_space<hbm>>) dst(%arg14 : memref<128x64xf32, #tpu.memory_space<vmem>>)
      %add3A_340 = arith.constant 4 : i32
      %add3A_341 = arith.addi %mul3A_267, %add3A_340 : i32
      %dma_start3A_342 = arith.constant 0 : i32
      %dma_start3A_343 = tpu.memref_slice %arg9[%add3A_341, %dma_start3A_342] : memref<80x128xi32, #tpu.memory_space<vmem>> -> memref<1x128xi32, #tpu.memory_space<vmem>>
      %dma_start3A_344 = tpu.memref_squeeze %dma_start3A_343 : memref<1x128xi32, #tpu.memory_space<vmem>> -> memref<128xi32, #tpu.memory_space<vmem>>
      %dma_start3A_345 = arith.constant 0 : i32
      %dma_start3A_346 = arith.constant 0 : i32
      %dma_start3A_347 = tpu.memref_slice %arg7[%dma_start3A_345, %dma_start3A_346] : memref<10240x64xf32, #tpu.memory_space<vmem_shared>> -> memref<10240x64xf32, #tpu.memory_space<vmem_shared>>
      tpu.enqueue_indirect_dma source(%arg14 : memref<128x64xf32, #tpu.memory_space<vmem>>) target(%dma_start3A_347 : memref<10240x64xf32, #tpu.memory_space<vmem_shared>>) offsets(%dma_start3A_344 : memref<128xi32, #tpu.memory_space<vmem>>) semaphore(%arg30 : memref<!tpu.dma_semaphore, #tpu.memory_space<semaphore_mem>>) {add = true}
      %add3A_348 = arith.constant 5 : i32
      %add3A_349 = arith.addi %mul3A_267, %add3A_348 : i32
      %dma_wait3A_350 = arith.constant 0 : i32
      %dma_wait3A_351 = tpu.memref_slice %arg8[%add3A_349, %dma_wait3A_350] : memref<80x128xi32, #tpu.memory_space<vmem>> -> memref<1x128xi32, #tpu.memory_space<vmem>>
      %dma_wait3A_352 = tpu.memref_squeeze %dma_wait3A_351 : memref<1x128xi32, #tpu.memory_space<vmem>> -> memref<128xi32, #tpu.memory_space<vmem>>
      %dma_wait3A_353 = arith.constant 0 : i32
      %dma_wait3A_354 = arith.constant 0 : i32
      %dma_wait3A_355 = tpu.memref_slice %arg2[%dma_wait3A_353, %dma_wait3A_354] : memref<10240x64xf32, #tpu.memory_space<hbm>> -> memref<10240x64xf32, #tpu.memory_space<hbm>>
      tpu.wait_indirect_dma semaphore(%arg23 : memref<!tpu.dma_semaphore, #tpu.memory_space<semaphore_mem>>) src(%dma_wait3A_355 : memref<10240x64xf32, #tpu.memory_space<hbm>>) dst(%arg15 : memref<128x64xf32, #tpu.memory_space<vmem>>)
      %add3A_356 = arith.constant 5 : i32
      %add3A_357 = arith.addi %mul3A_267, %add3A_356 : i32
      %dma_start3A_358 = arith.constant 0 : i32
      %dma_start3A_359 = tpu.memref_slice %arg9[%add3A_357, %dma_start3A_358] : memref<80x128xi32, #tpu.memory_space<vmem>> -> memref<1x128xi32, #tpu.memory_space<vmem>>
      %dma_start3A_360 = tpu.memref_squeeze %dma_start3A_359 : memref<1x128xi32, #tpu.memory_space<vmem>> -> memref<128xi32, #tpu.memory_space<vmem>>
      %dma_start3A_361 = arith.constant 0 : i32
      %dma_start3A_362 = arith.constant 0 : i32
      %dma_start3A_363 = tpu.memref_slice %arg7[%dma_start3A_361, %dma_start3A_362] : memref<10240x64xf32, #tpu.memory_space<vmem_shared>> -> memref<10240x64xf32, #tpu.memory_space<vmem_shared>>
      tpu.enqueue_indirect_dma source(%arg15 : memref<128x64xf32, #tpu.memory_space<vmem>>) target(%dma_start3A_363 : memref<10240x64xf32, #tpu.memory_space<vmem_shared>>) offsets(%dma_start3A_360 : memref<128xi32, #tpu.memory_space<vmem>>) semaphore(%arg31 : memref<!tpu.dma_semaphore, #tpu.memory_space<semaphore_mem>>) {add = true}
      %add3A_364 = arith.constant 6 : i32
      %add3A_365 = arith.addi %mul3A_267, %add3A_364 : i32
      %dma_wait3A_366 = arith.constant 0 : i32
      %dma_wait3A_367 = tpu.memref_slice %arg8[%add3A_365, %dma_wait3A_366] : memref<80x128xi32, #tpu.memory_space<vmem>> -> memref<1x128xi32, #tpu.memory_space<vmem>>
      %dma_wait3A_368 = tpu.memref_squeeze %dma_wait3A_367 : memref<1x128xi32, #tpu.memory_space<vmem>> -> memref<128xi32, #tpu.memory_space<vmem>>
      %dma_wait3A_369 = arith.constant 0 : i32
      %dma_wait3A_370 = arith.constant 0 : i32
      %dma_wait3A_371 = tpu.memref_slice %arg2[%dma_wait3A_369, %dma_wait3A_370] : memref<10240x64xf32, #tpu.memory_space<hbm>> -> memref<10240x64xf32, #tpu.memory_space<hbm>>
      tpu.wait_indirect_dma semaphore(%arg24 : memref<!tpu.dma_semaphore, #tpu.memory_space<semaphore_mem>>) src(%dma_wait3A_371 : memref<10240x64xf32, #tpu.memory_space<hbm>>) dst(%arg16 : memref<128x64xf32, #tpu.memory_space<vmem>>)
      %add3A_372 = arith.constant 6 : i32
      %add3A_373 = arith.addi %mul3A_267, %add3A_372 : i32
      %dma_start3A_374 = arith.constant 0 : i32
      %dma_start3A_375 = tpu.memref_slice %arg9[%add3A_373, %dma_start3A_374] : memref<80x128xi32, #tpu.memory_space<vmem>> -> memref<1x128xi32, #tpu.memory_space<vmem>>
      %dma_start3A_376 = tpu.memref_squeeze %dma_start3A_375 : memref<1x128xi32, #tpu.memory_space<vmem>> -> memref<128xi32, #tpu.memory_space<vmem>>
      %dma_start3A_377 = arith.constant 0 : i32
      %dma_start3A_378 = arith.constant 0 : i32
      %dma_start3A_379 = tpu.memref_slice %arg7[%dma_start3A_377, %dma_start3A_378] : memref<10240x64xf32, #tpu.memory_space<vmem_shared>> -> memref<10240x64xf32, #tpu.memory_space<vmem_shared>>
      tpu.enqueue_indirect_dma source(%arg16 : memref<128x64xf32, #tpu.memory_space<vmem>>) target(%dma_start3A_379 : memref<10240x64xf32, #tpu.memory_space<vmem_shared>>) offsets(%dma_start3A_376 : memref<128xi32, #tpu.memory_space<vmem>>) semaphore(%arg32 : memref<!tpu.dma_semaphore, #tpu.memory_space<semaphore_mem>>) {add = true}
      %add3A_380 = arith.constant 7 : i32
      %add3A_381 = arith.addi %mul3A_267, %add3A_380 : i32
      %dma_wait3A_382 = arith.constant 0 : i32
      %dma_wait3A_383 = tpu.memref_slice %arg8[%add3A_381, %dma_wait3A_382] : memref<80x128xi32, #tpu.memory_space<vmem>> -> memref<1x128xi32, #tpu.memory_space<vmem>>
      %dma_wait3A_384 = tpu.memref_squeeze %dma_wait3A_383 : memref<1x128xi32, #tpu.memory_space<vmem>> -> memref<128xi32, #tpu.memory_space<vmem>>
      %dma_wait3A_385 = arith.constant 0 : i32
      %dma_wait3A_386 = arith.constant 0 : i32
      %dma_wait3A_387 = tpu.memref_slice %arg2[%dma_wait3A_385, %dma_wait3A_386] : memref<10240x64xf32, #tpu.memory_space<hbm>> -> memref<10240x64xf32, #tpu.memory_space<hbm>>
      tpu.wait_indirect_dma semaphore(%arg25 : memref<!tpu.dma_semaphore, #tpu.memory_space<semaphore_mem>>) src(%dma_wait3A_387 : memref<10240x64xf32, #tpu.memory_space<hbm>>) dst(%arg17 : memref<128x64xf32, #tpu.memory_space<vmem>>)
      %add3A_388 = arith.constant 7 : i32
      %add3A_389 = arith.addi %mul3A_267, %add3A_388 : i32
      %dma_start3A_390 = arith.constant 0 : i32
      %dma_start3A_391 = tpu.memref_slice %arg9[%add3A_389, %dma_start3A_390] : memref<80x128xi32, #tpu.memory_space<vmem>> -> memref<1x128xi32, #tpu.memory_space<vmem>>
      %dma_start3A_392 = tpu.memref_squeeze %dma_start3A_391 : memref<1x128xi32, #tpu.memory_space<vmem>> -> memref<128xi32, #tpu.memory_space<vmem>>
      %dma_start3A_393 = arith.constant 0 : i32
      %dma_start3A_394 = arith.constant 0 : i32
      %dma_start3A_395 = tpu.memref_slice %arg7[%dma_start3A_393, %dma_start3A_394] : memref<10240x64xf32, #tpu.memory_space<vmem_shared>> -> memref<10240x64xf32, #tpu.memory_space<vmem_shared>>
      tpu.enqueue_indirect_dma source(%arg17 : memref<128x64xf32, #tpu.memory_space<vmem>>) target(%dma_start3A_395 : memref<10240x64xf32, #tpu.memory_space<vmem_shared>>) offsets(%dma_start3A_392 : memref<128xi32, #tpu.memory_space<vmem>>) semaphore(%arg33 : memref<!tpu.dma_semaphore, #tpu.memory_space<semaphore_mem>>) {add = true}
      %add3A_396 = arith.constant 0 : i32
      %add3A_397 = arith.addi %mul3A_267, %add3A_396 : i32
      %dma_wait3A_398 = arith.constant 0 : i32
      %dma_wait3A_399 = tpu.memref_slice %arg9[%add3A_397, %dma_wait3A_398] : memref<80x128xi32, #tpu.memory_space<vmem>> -> memref<1x128xi32, #tpu.memory_space<vmem>>
      %dma_wait3A_400 = tpu.memref_squeeze %dma_wait3A_399 : memref<1x128xi32, #tpu.memory_space<vmem>> -> memref<128xi32, #tpu.memory_space<vmem>>
      %dma_wait3A_401 = arith.constant 0 : i32
      %dma_wait3A_402 = arith.constant 0 : i32
      %dma_wait3A_403 = tpu.memref_slice %arg7[%dma_wait3A_401, %dma_wait3A_402] : memref<10240x64xf32, #tpu.memory_space<vmem_shared>> -> memref<10240x64xf32, #tpu.memory_space<vmem_shared>>
      tpu.wait_indirect_dma semaphore(%arg26 : memref<!tpu.dma_semaphore, #tpu.memory_space<semaphore_mem>>) src(%arg10 : memref<128x64xf32, #tpu.memory_space<vmem>>) dst(%dma_wait3A_403 : memref<10240x64xf32, #tpu.memory_space<vmem_shared>>)
      %add3A_404 = arith.constant 8 : i32
      %add3A_405 = arith.addi %mul3A_267, %add3A_404 : i32
      %add3A_406 = arith.constant 0 : i32
      %add3A_407 = arith.addi %add3A_405, %add3A_406 : i32
      %dma_start3A_408 = arith.constant 0 : i32
      %dma_start3A_409 = tpu.memref_slice %arg8[%add3A_407, %dma_start3A_408] : memref<80x128xi32, #tpu.memory_space<vmem>> -> memref<1x128xi32, #tpu.memory_space<vmem>>
      %dma_start3A_410 = tpu.memref_squeeze %dma_start3A_409 : memref<1x128xi32, #tpu.memory_space<vmem>> -> memref<128xi32, #tpu.memory_space<vmem>>
      %dma_start3A_411 = arith.constant 0 : i32
      %dma_start3A_412 = arith.constant 0 : i32
      %dma_start3A_413 = tpu.memref_slice %arg2[%dma_start3A_411, %dma_start3A_412] : memref<10240x64xf32, #tpu.memory_space<hbm>> -> memref<10240x64xf32, #tpu.memory_space<hbm>>
      tpu.enqueue_indirect_dma source(%dma_start3A_413 : memref<10240x64xf32, #tpu.memory_space<hbm>>) target(%arg10 : memref<128x64xf32, #tpu.memory_space<vmem>>) offsets(%dma_start3A_410 : memref<128xi32, #tpu.memory_space<vmem>>) semaphore(%arg18 : memref<!tpu.dma_semaphore, #tpu.memory_space<semaphore_mem>>)
      %add3A_414 = arith.constant 1 : i32
      %add3A_415 = arith.addi %mul3A_267, %add3A_414 : i32
      %dma_wait3A_416 = arith.constant 0 : i32
      %dma_wait3A_417 = tpu.memref_slice %arg9[%add3A_415, %dma_wait3A_416] : memref<80x128xi32, #tpu.memory_space<vmem>> -> memref<1x128xi32, #tpu.memory_space<vmem>>
      %dma_wait3A_418 = tpu.memref_squeeze %dma_wait3A_417 : memref<1x128xi32, #tpu.memory_space<vmem>> -> memref<128xi32, #tpu.memory_space<vmem>>
      %dma_wait3A_419 = arith.constant 0 : i32
      %dma_wait3A_420 = arith.constant 0 : i32
      %dma_wait3A_421 = tpu.memref_slice %arg7[%dma_wait3A_419, %dma_wait3A_420] : memref<10240x64xf32, #tpu.memory_space<vmem_shared>> -> memref<10240x64xf32, #tpu.memory_space<vmem_shared>>
      tpu.wait_indirect_dma semaphore(%arg27 : memref<!tpu.dma_semaphore, #tpu.memory_space<semaphore_mem>>) src(%arg11 : memref<128x64xf32, #tpu.memory_space<vmem>>) dst(%dma_wait3A_421 : memref<10240x64xf32, #tpu.memory_space<vmem_shared>>)
      %add3A_422 = arith.constant 8 : i32
      %add3A_423 = arith.addi %mul3A_267, %add3A_422 : i32
      %add3A_424 = arith.constant 1 : i32
      %add3A_425 = arith.addi %add3A_423, %add3A_424 : i32
      %dma_start3A_426 = arith.constant 0 : i32
      %dma_start3A_427 = tpu.memref_slice %arg8[%add3A_425, %dma_start3A_426] : memref<80x128xi32, #tpu.memory_space<vmem>> -> memref<1x128xi32, #tpu.memory_space<vmem>>
      %dma_start3A_428 = tpu.memref_squeeze %dma_start3A_427 : memref<1x128xi32, #tpu.memory_space<vmem>> -> memref<128xi32, #tpu.memory_space<vmem>>
      %dma_start3A_429 = arith.constant 0 : i32
      %dma_start3A_430 = arith.constant 0 : i32
      %dma_start3A_431 = tpu.memref_slice %arg2[%dma_start3A_429, %dma_start3A_430] : memref<10240x64xf32, #tpu.memory_space<hbm>> -> memref<10240x64xf32, #tpu.memory_space<hbm>>
      tpu.enqueue_indirect_dma source(%dma_start3A_431 : memref<10240x64xf32, #tpu.memory_space<hbm>>) target(%arg11 : memref<128x64xf32, #tpu.memory_space<vmem>>) offsets(%dma_start3A_428 : memref<128xi32, #tpu.memory_space<vmem>>) semaphore(%arg19 : memref<!tpu.dma_semaphore, #tpu.memory_space<semaphore_mem>>)
      %add3A_432 = arith.constant 2 : i32
      %add3A_433 = arith.addi %mul3A_267, %add3A_432 : i32
      %dma_wait3A_434 = arith.constant 0 : i32
      %dma_wait3A_435 = tpu.memref_slice %arg9[%add3A_433, %dma_wait3A_434] : memref<80x128xi32, #tpu.memory_space<vmem>> -> memref<1x128xi32, #tpu.memory_space<vmem>>
      %dma_wait3A_436 = tpu.memref_squeeze %dma_wait3A_435 : memref<1x128xi32, #tpu.memory_space<vmem>> -> memref<128xi32, #tpu.memory_space<vmem>>
      %dma_wait3A_437 = arith.constant 0 : i32
      %dma_wait3A_438 = arith.constant 0 : i32
      %dma_wait3A_439 = tpu.memref_slice %arg7[%dma_wait3A_437, %dma_wait3A_438] : memref<10240x64xf32, #tpu.memory_space<vmem_shared>> -> memref<10240x64xf32, #tpu.memory_space<vmem_shared>>
      tpu.wait_indirect_dma semaphore(%arg28 : memref<!tpu.dma_semaphore, #tpu.memory_space<semaphore_mem>>) src(%arg12 : memref<128x64xf32, #tpu.memory_space<vmem>>) dst(%dma_wait3A_439 : memref<10240x64xf32, #tpu.memory_space<vmem_shared>>)
      %add3A_440 = arith.constant 8 : i32
      %add3A_441 = arith.addi %mul3A_267, %add3A_440 : i32
      %add3A_442 = arith.constant 2 : i32
      %add3A_443 = arith.addi %add3A_441, %add3A_442 : i32
      %dma_start3A_444 = arith.constant 0 : i32
      %dma_start3A_445 = tpu.memref_slice %arg8[%add3A_443, %dma_start3A_444] : memref<80x128xi32, #tpu.memory_space<vmem>> -> memref<1x128xi32, #tpu.memory_space<vmem>>
      %dma_start3A_446 = tpu.memref_squeeze %dma_start3A_445 : memref<1x128xi32, #tpu.memory_space<vmem>> -> memref<128xi32, #tpu.memory_space<vmem>>
      %dma_start3A_447 = arith.constant 0 : i32
      %dma_start3A_448 = arith.constant 0 : i32
      %dma_start3A_449 = tpu.memref_slice %arg2[%dma_start3A_447, %dma_start3A_448] : memref<10240x64xf32, #tpu.memory_space<hbm>> -> memref<10240x64xf32, #tpu.memory_space<hbm>>
      tpu.enqueue_indirect_dma source(%dma_start3A_449 : memref<10240x64xf32, #tpu.memory_space<hbm>>) target(%arg12 : memref<128x64xf32, #tpu.memory_space<vmem>>) offsets(%dma_start3A_446 : memref<128xi32, #tpu.memory_space<vmem>>) semaphore(%arg20 : memref<!tpu.dma_semaphore, #tpu.memory_space<semaphore_mem>>)
      %add3A_450 = arith.constant 3 : i32
      %add3A_451 = arith.addi %mul3A_267, %add3A_450 : i32
      %dma_wait3A_452 = arith.constant 0 : i32
      %dma_wait3A_453 = tpu.memref_slice %arg9[%add3A_451, %dma_wait3A_452] : memref<80x128xi32, #tpu.memory_space<vmem>> -> memref<1x128xi32, #tpu.memory_space<vmem>>
      %dma_wait3A_454 = tpu.memref_squeeze %dma_wait3A_453 : memref<1x128xi32, #tpu.memory_space<vmem>> -> memref<128xi32, #tpu.memory_space<vmem>>
      %dma_wait3A_455 = arith.constant 0 : i32
      %dma_wait3A_456 = arith.constant 0 : i32
      %dma_wait3A_457 = tpu.memref_slice %arg7[%dma_wait3A_455, %dma_wait3A_456] : memref<10240x64xf32, #tpu.memory_space<vmem_shared>> -> memref<10240x64xf32, #tpu.memory_space<vmem_shared>>
      tpu.wait_indirect_dma semaphore(%arg29 : memref<!tpu.dma_semaphore, #tpu.memory_space<semaphore_mem>>) src(%arg13 : memref<128x64xf32, #tpu.memory_space<vmem>>) dst(%dma_wait3A_457 : memref<10240x64xf32, #tpu.memory_space<vmem_shared>>)
      %add3A_458 = arith.constant 8 : i32
      %add3A_459 = arith.addi %mul3A_267, %add3A_458 : i32
      %add3A_460 = arith.constant 3 : i32
      %add3A_461 = arith.addi %add3A_459, %add3A_460 : i32
      %dma_start3A_462 = arith.constant 0 : i32
      %dma_start3A_463 = tpu.memref_slice %arg8[%add3A_461, %dma_start3A_462] : memref<80x128xi32, #tpu.memory_space<vmem>> -> memref<1x128xi32, #tpu.memory_space<vmem>>
      %dma_start3A_464 = tpu.memref_squeeze %dma_start3A_463 : memref<1x128xi32, #tpu.memory_space<vmem>> -> memref<128xi32, #tpu.memory_space<vmem>>
      %dma_start3A_465 = arith.constant 0 : i32
      %dma_start3A_466 = arith.constant 0 : i32
      %dma_start3A_467 = tpu.memref_slice %arg2[%dma_start3A_465, %dma_start3A_466] : memref<10240x64xf32, #tpu.memory_space<hbm>> -> memref<10240x64xf32, #tpu.memory_space<hbm>>
      tpu.enqueue_indirect_dma source(%dma_start3A_467 : memref<10240x64xf32, #tpu.memory_space<hbm>>) target(%arg13 : memref<128x64xf32, #tpu.memory_space<vmem>>) offsets(%dma_start3A_464 : memref<128xi32, #tpu.memory_space<vmem>>) semaphore(%arg21 : memref<!tpu.dma_semaphore, #tpu.memory_space<semaphore_mem>>)
      %add3A_468 = arith.constant 4 : i32
      %add3A_469 = arith.addi %mul3A_267, %add3A_468 : i32
      %dma_wait3A_470 = arith.constant 0 : i32
      %dma_wait3A_471 = tpu.memref_slice %arg9[%add3A_469, %dma_wait3A_470] : memref<80x128xi32, #tpu.memory_space<vmem>> -> memref<1x128xi32, #tpu.memory_space<vmem>>
      %dma_wait3A_472 = tpu.memref_squeeze %dma_wait3A_471 : memref<1x128xi32, #tpu.memory_space<vmem>> -> memref<128xi32, #tpu.memory_space<vmem>>
      %dma_wait3A_473 = arith.constant 0 : i32
      %dma_wait3A_474 = arith.constant 0 : i32
      %dma_wait3A_475 = tpu.memref_slice %arg7[%dma_wait3A_473, %dma_wait3A_474] : memref<10240x64xf32, #tpu.memory_space<vmem_shared>> -> memref<10240x64xf32, #tpu.memory_space<vmem_shared>>
      tpu.wait_indirect_dma semaphore(%arg30 : memref<!tpu.dma_semaphore, #tpu.memory_space<semaphore_mem>>) src(%arg14 : memref<128x64xf32, #tpu.memory_space<vmem>>) dst(%dma_wait3A_475 : memref<10240x64xf32, #tpu.memory_space<vmem_shared>>)
      %add3A_476 = arith.constant 8 : i32
      %add3A_477 = arith.addi %mul3A_267, %add3A_476 : i32
      %add3A_478 = arith.constant 4 : i32
      %add3A_479 = arith.addi %add3A_477, %add3A_478 : i32
      %dma_start3A_480 = arith.constant 0 : i32
      %dma_start3A_481 = tpu.memref_slice %arg8[%add3A_479, %dma_start3A_480] : memref<80x128xi32, #tpu.memory_space<vmem>> -> memref<1x128xi32, #tpu.memory_space<vmem>>
      %dma_start3A_482 = tpu.memref_squeeze %dma_start3A_481 : memref<1x128xi32, #tpu.memory_space<vmem>> -> memref<128xi32, #tpu.memory_space<vmem>>
      %dma_start3A_483 = arith.constant 0 : i32
      %dma_start3A_484 = arith.constant 0 : i32
      %dma_start3A_485 = tpu.memref_slice %arg2[%dma_start3A_483, %dma_start3A_484] : memref<10240x64xf32, #tpu.memory_space<hbm>> -> memref<10240x64xf32, #tpu.memory_space<hbm>>
      tpu.enqueue_indirect_dma source(%dma_start3A_485 : memref<10240x64xf32, #tpu.memory_space<hbm>>) target(%arg14 : memref<128x64xf32, #tpu.memory_space<vmem>>) offsets(%dma_start3A_482 : memref<128xi32, #tpu.memory_space<vmem>>) semaphore(%arg22 : memref<!tpu.dma_semaphore, #tpu.memory_space<semaphore_mem>>)
      %add3A_486 = arith.constant 5 : i32
      %add3A_487 = arith.addi %mul3A_267, %add3A_486 : i32
      %dma_wait3A_488 = arith.constant 0 : i32
      %dma_wait3A_489 = tpu.memref_slice %arg9[%add3A_487, %dma_wait3A_488] : memref<80x128xi32, #tpu.memory_space<vmem>> -> memref<1x128xi32, #tpu.memory_space<vmem>>
      %dma_wait3A_490 = tpu.memref_squeeze %dma_wait3A_489 : memref<1x128xi32, #tpu.memory_space<vmem>> -> memref<128xi32, #tpu.memory_space<vmem>>
      %dma_wait3A_491 = arith.constant 0 : i32
      %dma_wait3A_492 = arith.constant 0 : i32
      %dma_wait3A_493 = tpu.memref_slice %arg7[%dma_wait3A_491, %dma_wait3A_492] : memref<10240x64xf32, #tpu.memory_space<vmem_shared>> -> memref<10240x64xf32, #tpu.memory_space<vmem_shared>>
      tpu.wait_indirect_dma semaphore(%arg31 : memref<!tpu.dma_semaphore, #tpu.memory_space<semaphore_mem>>) src(%arg15 : memref<128x64xf32, #tpu.memory_space<vmem>>) dst(%dma_wait3A_493 : memref<10240x64xf32, #tpu.memory_space<vmem_shared>>)
      %add3A_494 = arith.constant 8 : i32
      %add3A_495 = arith.addi %mul3A_267, %add3A_494 : i32
      %add3A_496 = arith.constant 5 : i32
      %add3A_497 = arith.addi %add3A_495, %add3A_496 : i32
      %dma_start3A_498 = arith.constant 0 : i32
      %dma_start3A_499 = tpu.memref_slice %arg8[%add3A_497, %dma_start3A_498] : memref<80x128xi32, #tpu.memory_space<vmem>> -> memref<1x128xi32, #tpu.memory_space<vmem>>
      %dma_start3A_500 = tpu.memref_squeeze %dma_start3A_499 : memref<1x128xi32, #tpu.memory_space<vmem>> -> memref<128xi32, #tpu.memory_space<vmem>>
      %dma_start3A_501 = arith.constant 0 : i32
      %dma_start3A_502 = arith.constant 0 : i32
      %dma_start3A_503 = tpu.memref_slice %arg2[%dma_start3A_501, %dma_start3A_502] : memref<10240x64xf32, #tpu.memory_space<hbm>> -> memref<10240x64xf32, #tpu.memory_space<hbm>>
      tpu.enqueue_indirect_dma source(%dma_start3A_503 : memref<10240x64xf32, #tpu.memory_space<hbm>>) target(%arg15 : memref<128x64xf32, #tpu.memory_space<vmem>>) offsets(%dma_start3A_500 : memref<128xi32, #tpu.memory_space<vmem>>) semaphore(%arg23 : memref<!tpu.dma_semaphore, #tpu.memory_space<semaphore_mem>>)
      %add3A_504 = arith.constant 6 : i32
      %add3A_505 = arith.addi %mul3A_267, %add3A_504 : i32
      %dma_wait3A_506 = arith.constant 0 : i32
      %dma_wait3A_507 = tpu.memref_slice %arg9[%add3A_505, %dma_wait3A_506] : memref<80x128xi32, #tpu.memory_space<vmem>> -> memref<1x128xi32, #tpu.memory_space<vmem>>
      %dma_wait3A_508 = tpu.memref_squeeze %dma_wait3A_507 : memref<1x128xi32, #tpu.memory_space<vmem>> -> memref<128xi32, #tpu.memory_space<vmem>>
      %dma_wait3A_509 = arith.constant 0 : i32
      %dma_wait3A_510 = arith.constant 0 : i32
      %dma_wait3A_511 = tpu.memref_slice %arg7[%dma_wait3A_509, %dma_wait3A_510] : memref<10240x64xf32, #tpu.memory_space<vmem_shared>> -> memref<10240x64xf32, #tpu.memory_space<vmem_shared>>
      tpu.wait_indirect_dma semaphore(%arg32 : memref<!tpu.dma_semaphore, #tpu.memory_space<semaphore_mem>>) src(%arg16 : memref<128x64xf32, #tpu.memory_space<vmem>>) dst(%dma_wait3A_511 : memref<10240x64xf32, #tpu.memory_space<vmem_shared>>)
      %add3A_512 = arith.constant 8 : i32
      %add3A_513 = arith.addi %mul3A_267, %add3A_512 : i32
      %add3A_514 = arith.constant 6 : i32
      %add3A_515 = arith.addi %add3A_513, %add3A_514 : i32
      %dma_start3A_516 = arith.constant 0 : i32
      %dma_start3A_517 = tpu.memref_slice %arg8[%add3A_515, %dma_start3A_516] : memref<80x128xi32, #tpu.memory_space<vmem>> -> memref<1x128xi32, #tpu.memory_space<vmem>>
      %dma_start3A_518 = tpu.memref_squeeze %dma_start3A_517 : memref<1x128xi32, #tpu.memory_space<vmem>> -> memref<128xi32, #tpu.memory_space<vmem>>
      %dma_start3A_519 = arith.constant 0 : i32
      %dma_start3A_520 = arith.constant 0 : i32
      %dma_start3A_521 = tpu.memref_slice %arg2[%dma_start3A_519, %dma_start3A_520] : memref<10240x64xf32, #tpu.memory_space<hbm>> -> memref<10240x64xf32, #tpu.memory_space<hbm>>
      tpu.enqueue_indirect_dma source(%dma_start3A_521 : memref<10240x64xf32, #tpu.memory_space<hbm>>) target(%arg16 : memref<128x64xf32, #tpu.memory_space<vmem>>) offsets(%dma_start3A_518 : memref<128xi32, #tpu.memory_space<vmem>>) semaphore(%arg24 : memref<!tpu.dma_semaphore, #tpu.memory_space<semaphore_mem>>)
      %add3A_522 = arith.constant 7 : i32
      %add3A_523 = arith.addi %mul3A_267, %add3A_522 : i32
      %dma_wait3A_524 = arith.constant 0 : i32
      %dma_wait3A_525 = tpu.memref_slice %arg9[%add3A_523, %dma_wait3A_524] : memref<80x128xi32, #tpu.memory_space<vmem>> -> memref<1x128xi32, #tpu.memory_space<vmem>>
      %dma_wait3A_526 = tpu.memref_squeeze %dma_wait3A_525 : memref<1x128xi32, #tpu.memory_space<vmem>> -> memref<128xi32, #tpu.memory_space<vmem>>
      %dma_wait3A_527 = arith.constant 0 : i32
      %dma_wait3A_528 = arith.constant 0 : i32
      %dma_wait3A_529 = tpu.memref_slice %arg7[%dma_wait3A_527, %dma_wait3A_528] : memref<10240x64xf32, #tpu.memory_space<vmem_shared>> -> memref<10240x64xf32, #tpu.memory_space<vmem_shared>>
      tpu.wait_indirect_dma semaphore(%arg33 : memref<!tpu.dma_semaphore, #tpu.memory_space<semaphore_mem>>) src(%arg17 : memref<128x64xf32, #tpu.memory_space<vmem>>) dst(%dma_wait3A_529 : memref<10240x64xf32, #tpu.memory_space<vmem_shared>>)
      %add3A_530 = arith.constant 8 : i32
      %add3A_531 = arith.addi %mul3A_267, %add3A_530 : i32
      %add3A_532 = arith.constant 7 : i32
      %add3A_533 = arith.addi %add3A_531, %add3A_532 : i32
      %dma_start3A_534 = arith.constant 0 : i32
      %dma_start3A_535 = tpu.memref_slice %arg8[%add3A_533, %dma_start3A_534] : memref<80x128xi32, #tpu.memory_space<vmem>> -> memref<1x128xi32, #tpu.memory_space<vmem>>
      %dma_start3A_536 = tpu.memref_squeeze %dma_start3A_535 : memref<1x128xi32, #tpu.memory_space<vmem>> -> memref<128xi32, #tpu.memory_space<vmem>>
      %dma_start3A_537 = arith.constant 0 : i32
      %dma_start3A_538 = arith.constant 0 : i32
      %dma_start3A_539 = tpu.memref_slice %arg2[%dma_start3A_537, %dma_start3A_538] : memref<10240x64xf32, #tpu.memory_space<hbm>> -> memref<10240x64xf32, #tpu.memory_space<hbm>>
      tpu.enqueue_indirect_dma source(%dma_start3A_539 : memref<10240x64xf32, #tpu.memory_space<hbm>>) target(%arg17 : memref<128x64xf32, #tpu.memory_space<vmem>>) offsets(%dma_start3A_536 : memref<128xi32, #tpu.memory_space<vmem>>) semaphore(%arg25 : memref<!tpu.dma_semaphore, #tpu.memory_space<semaphore_mem>>)
    }
    %scan3A_91 = arith.constant 9 : i32
    %dma_wait3A_92 = arith.constant 72 : i32
    %dma_wait3A_93 = arith.constant 0 : i32
    %dma_wait3A_94 = tpu.memref_slice %arg8[%dma_wait3A_92, %dma_wait3A_93] : memref<80x128xi32, #tpu.memory_space<vmem>> -> memref<1x128xi32, #tpu.memory_space<vmem>>
    %dma_wait3A_95 = tpu.memref_squeeze %dma_wait3A_94 : memref<1x128xi32, #tpu.memory_space<vmem>> -> memref<128xi32, #tpu.memory_space<vmem>>
    %dma_wait3A_96 = arith.constant 0 : i32
    %dma_wait3A_97 = arith.constant 0 : i32
    %dma_wait3A_98 = tpu.memref_slice %arg2[%dma_wait3A_96, %dma_wait3A_97] : memref<10240x64xf32, #tpu.memory_space<hbm>> -> memref<10240x64xf32, #tpu.memory_space<hbm>>
    tpu.wait_indirect_dma semaphore(%arg18 : memref<!tpu.dma_semaphore, #tpu.memory_space<semaphore_mem>>) src(%dma_wait3A_98 : memref<10240x64xf32, #tpu.memory_space<hbm>>) dst(%arg10 : memref<128x64xf32, #tpu.memory_space<vmem>>)
    %dma_start3A_99 = arith.constant 72 : i32
    %dma_start3A_100 = arith.constant 0 : i32
    %dma_start3A_101 = tpu.memref_slice %arg9[%dma_start3A_99, %dma_start3A_100] : memref<80x128xi32, #tpu.memory_space<vmem>> -> memref<1x128xi32, #tpu.memory_space<vmem>>
    %dma_start3A_102 = tpu.memref_squeeze %dma_start3A_101 : memref<1x128xi32, #tpu.memory_space<vmem>> -> memref<128xi32, #tpu.memory_space<vmem>>
    %dma_start3A_103 = arith.constant 0 : i32
    %dma_start3A_104 = arith.constant 0 : i32
    %dma_start3A_105 = tpu.memref_slice %arg7[%dma_start3A_103, %dma_start3A_104] : memref<10240x64xf32, #tpu.memory_space<vmem_shared>> -> memref<10240x64xf32, #tpu.memory_space<vmem_shared>>
    tpu.enqueue_indirect_dma source(%arg10 : memref<128x64xf32, #tpu.memory_space<vmem>>) target(%dma_start3A_105 : memref<10240x64xf32, #tpu.memory_space<vmem_shared>>) offsets(%dma_start3A_102 : memref<128xi32, #tpu.memory_space<vmem>>) semaphore(%arg26 : memref<!tpu.dma_semaphore, #tpu.memory_space<semaphore_mem>>) {add = true}
    %dma_wait3A_106 = arith.constant 73 : i32
    %dma_wait3A_107 = arith.constant 0 : i32
    %dma_wait3A_108 = tpu.memref_slice %arg8[%dma_wait3A_106, %dma_wait3A_107] : memref<80x128xi32, #tpu.memory_space<vmem>> -> memref<1x128xi32, #tpu.memory_space<vmem>>
    %dma_wait3A_109 = tpu.memref_squeeze %dma_wait3A_108 : memref<1x128xi32, #tpu.memory_space<vmem>> -> memref<128xi32, #tpu.memory_space<vmem>>
    %dma_wait3A_110 = arith.constant 0 : i32
    %dma_wait3A_111 = arith.constant 0 : i32
    %dma_wait3A_112 = tpu.memref_slice %arg2[%dma_wait3A_110, %dma_wait3A_111] : memref<10240x64xf32, #tpu.memory_space<hbm>> -> memref<10240x64xf32, #tpu.memory_space<hbm>>
    tpu.wait_indirect_dma semaphore(%arg19 : memref<!tpu.dma_semaphore, #tpu.memory_space<semaphore_mem>>) src(%dma_wait3A_112 : memref<10240x64xf32, #tpu.memory_space<hbm>>) dst(%arg11 : memref<128x64xf32, #tpu.memory_space<vmem>>)
    %dma_start3A_113 = arith.constant 73 : i32
    %dma_start3A_114 = arith.constant 0 : i32
    %dma_start3A_115 = tpu.memref_slice %arg9[%dma_start3A_113, %dma_start3A_114] : memref<80x128xi32, #tpu.memory_space<vmem>> -> memref<1x128xi32, #tpu.memory_space<vmem>>
    %dma_start3A_116 = tpu.memref_squeeze %dma_start3A_115 : memref<1x128xi32, #tpu.memory_space<vmem>> -> memref<128xi32, #tpu.memory_space<vmem>>
    %dma_start3A_117 = arith.constant 0 : i32
    %dma_start3A_118 = arith.constant 0 : i32
    %dma_start3A_119 = tpu.memref_slice %arg7[%dma_start3A_117, %dma_start3A_118] : memref<10240x64xf32, #tpu.memory_space<vmem_shared>> -> memref<10240x64xf32, #tpu.memory_space<vmem_shared>>
    tpu.enqueue_indirect_dma source(%arg11 : memref<128x64xf32, #tpu.memory_space<vmem>>) target(%dma_start3A_119 : memref<10240x64xf32, #tpu.memory_space<vmem_shared>>) offsets(%dma_start3A_116 : memref<128xi32, #tpu.memory_space<vmem>>) semaphore(%arg27 : memref<!tpu.dma_semaphore, #tpu.memory_space<semaphore_mem>>) {add = true}
    %dma_wait3A_120 = arith.constant 74 : i32
    %dma_wait3A_121 = arith.constant 0 : i32
    %dma_wait3A_122 = tpu.memref_slice %arg8[%dma_wait3A_120, %dma_wait3A_121] : memref<80x128xi32, #tpu.memory_space<vmem>> -> memref<1x128xi32, #tpu.memory_space<vmem>>
    %dma_wait3A_123 = tpu.memref_squeeze %dma_wait3A_122 : memref<1x128xi32, #tpu.memory_space<vmem>> -> memref<128xi32, #tpu.memory_space<vmem>>
    %dma_wait3A_124 = arith.constant 0 : i32
    %dma_wait3A_125 = arith.constant 0 : i32
    %dma_wait3A_126 = tpu.memref_slice %arg2[%dma_wait3A_124, %dma_wait3A_125] : memref<10240x64xf32, #tpu.memory_space<hbm>> -> memref<10240x64xf32, #tpu.memory_space<hbm>>
    tpu.wait_indirect_dma semaphore(%arg20 : memref<!tpu.dma_semaphore, #tpu.memory_space<semaphore_mem>>) src(%dma_wait3A_126 : memref<10240x64xf32, #tpu.memory_space<hbm>>) dst(%arg12 : memref<128x64xf32, #tpu.memory_space<vmem>>)
    %dma_start3A_127 = arith.constant 74 : i32
    %dma_start3A_128 = arith.constant 0 : i32
    %dma_start3A_129 = tpu.memref_slice %arg9[%dma_start3A_127, %dma_start3A_128] : memref<80x128xi32, #tpu.memory_space<vmem>> -> memref<1x128xi32, #tpu.memory_space<vmem>>
    %dma_start3A_130 = tpu.memref_squeeze %dma_start3A_129 : memref<1x128xi32, #tpu.memory_space<vmem>> -> memref<128xi32, #tpu.memory_space<vmem>>
    %dma_start3A_131 = arith.constant 0 : i32
    %dma_start3A_132 = arith.constant 0 : i32
    %dma_start3A_133 = tpu.memref_slice %arg7[%dma_start3A_131, %dma_start3A_132] : memref<10240x64xf32, #tpu.memory_space<vmem_shared>> -> memref<10240x64xf32, #tpu.memory_space<vmem_shared>>
    tpu.enqueue_indirect_dma source(%arg12 : memref<128x64xf32, #tpu.memory_space<vmem>>) target(%dma_start3A_133 : memref<10240x64xf32, #tpu.memory_space<vmem_shared>>) offsets(%dma_start3A_130 : memref<128xi32, #tpu.memory_space<vmem>>) semaphore(%arg28 : memref<!tpu.dma_semaphore, #tpu.memory_space<semaphore_mem>>) {add = true}
    %dma_wait3A_134 = arith.constant 75 : i32
    %dma_wait3A_135 = arith.constant 0 : i32
    %dma_wait3A_136 = tpu.memref_slice %arg8[%dma_wait3A_134, %dma_wait3A_135] : memref<80x128xi32, #tpu.memory_space<vmem>> -> memref<1x128xi32, #tpu.memory_space<vmem>>
    %dma_wait3A_137 = tpu.memref_squeeze %dma_wait3A_136 : memref<1x128xi32, #tpu.memory_space<vmem>> -> memref<128xi32, #tpu.memory_space<vmem>>
    %dma_wait3A_138 = arith.constant 0 : i32
    %dma_wait3A_139 = arith.constant 0 : i32
    %dma_wait3A_140 = tpu.memref_slice %arg2[%dma_wait3A_138, %dma_wait3A_139] : memref<10240x64xf32, #tpu.memory_space<hbm>> -> memref<10240x64xf32, #tpu.memory_space<hbm>>
    tpu.wait_indirect_dma semaphore(%arg21 : memref<!tpu.dma_semaphore, #tpu.memory_space<semaphore_mem>>) src(%dma_wait3A_140 : memref<10240x64xf32, #tpu.memory_space<hbm>>) dst(%arg13 : memref<128x64xf32, #tpu.memory_space<vmem>>)
    %dma_start3A_141 = arith.constant 75 : i32
    %dma_start3A_142 = arith.constant 0 : i32
    %dma_start3A_143 = tpu.memref_slice %arg9[%dma_start3A_141, %dma_start3A_142] : memref<80x128xi32, #tpu.memory_space<vmem>> -> memref<1x128xi32, #tpu.memory_space<vmem>>
    %dma_start3A_144 = tpu.memref_squeeze %dma_start3A_143 : memref<1x128xi32, #tpu.memory_space<vmem>> -> memref<128xi32, #tpu.memory_space<vmem>>
    %dma_start3A_145 = arith.constant 0 : i32
    %dma_start3A_146 = arith.constant 0 : i32
    %dma_start3A_147 = tpu.memref_slice %arg7[%dma_start3A_145, %dma_start3A_146] : memref<10240x64xf32, #tpu.memory_space<vmem_shared>> -> memref<10240x64xf32, #tpu.memory_space<vmem_shared>>
    tpu.enqueue_indirect_dma source(%arg13 : memref<128x64xf32, #tpu.memory_space<vmem>>) target(%dma_start3A_147 : memref<10240x64xf32, #tpu.memory_space<vmem_shared>>) offsets(%dma_start3A_144 : memref<128xi32, #tpu.memory_space<vmem>>) semaphore(%arg29 : memref<!tpu.dma_semaphore, #tpu.memory_space<semaphore_mem>>) {add = true}
    %dma_wait3A_148 = arith.constant 76 : i32
    %dma_wait3A_149 = arith.constant 0 : i32
    %dma_wait3A_150 = tpu.memref_slice %arg8[%dma_wait3A_148, %dma_wait3A_149] : memref<80x128xi32, #tpu.memory_space<vmem>> -> memref<1x128xi32, #tpu.memory_space<vmem>>
    %dma_wait3A_151 = tpu.memref_squeeze %dma_wait3A_150 : memref<1x128xi32, #tpu.memory_space<vmem>> -> memref<128xi32, #tpu.memory_space<vmem>>
    %dma_wait3A_152 = arith.constant 0 : i32
    %dma_wait3A_153 = arith.constant 0 : i32
    %dma_wait3A_154 = tpu.memref_slice %arg2[%dma_wait3A_152, %dma_wait3A_153] : memref<10240x64xf32, #tpu.memory_space<hbm>> -> memref<10240x64xf32, #tpu.memory_space<hbm>>
    tpu.wait_indirect_dma semaphore(%arg22 : memref<!tpu.dma_semaphore, #tpu.memory_space<semaphore_mem>>) src(%dma_wait3A_154 : memref<10240x64xf32, #tpu.memory_space<hbm>>) dst(%arg14 : memref<128x64xf32, #tpu.memory_space<vmem>>)
    %dma_start3A_155 = arith.constant 76 : i32
    %dma_start3A_156 = arith.constant 0 : i32
    %dma_start3A_157 = tpu.memref_slice %arg9[%dma_start3A_155, %dma_start3A_156] : memref<80x128xi32, #tpu.memory_space<vmem>> -> memref<1x128xi32, #tpu.memory_space<vmem>>
    %dma_start3A_158 = tpu.memref_squeeze %dma_start3A_157 : memref<1x128xi32, #tpu.memory_space<vmem>> -> memref<128xi32, #tpu.memory_space<vmem>>
    %dma_start3A_159 = arith.constant 0 : i32
    %dma_start3A_160 = arith.constant 0 : i32
    %dma_start3A_161 = tpu.memref_slice %arg7[%dma_start3A_159, %dma_start3A_160] : memref<10240x64xf32, #tpu.memory_space<vmem_shared>> -> memref<10240x64xf32, #tpu.memory_space<vmem_shared>>
    tpu.enqueue_indirect_dma source(%arg14 : memref<128x64xf32, #tpu.memory_space<vmem>>) target(%dma_start3A_161 : memref<10240x64xf32, #tpu.memory_space<vmem_shared>>) offsets(%dma_start3A_158 : memref<128xi32, #tpu.memory_space<vmem>>) semaphore(%arg30 : memref<!tpu.dma_semaphore, #tpu.memory_space<semaphore_mem>>) {add = true}
    %dma_wait3A_162 = arith.constant 77 : i32
    %dma_wait3A_163 = arith.constant 0 : i32
    %dma_wait3A_164 = tpu.memref_slice %arg8[%dma_wait3A_162, %dma_wait3A_163] : memref<80x128xi32, #tpu.memory_space<vmem>> -> memref<1x128xi32, #tpu.memory_space<vmem>>
    %dma_wait3A_165 = tpu.memref_squeeze %dma_wait3A_164 : memref<1x128xi32, #tpu.memory_space<vmem>> -> memref<128xi32, #tpu.memory_space<vmem>>
    %dma_wait3A_166 = arith.constant 0 : i32
    %dma_wait3A_167 = arith.constant 0 : i32
    %dma_wait3A_168 = tpu.memref_slice %arg2[%dma_wait3A_166, %dma_wait3A_167] : memref<10240x64xf32, #tpu.memory_space<hbm>> -> memref<10240x64xf32, #tpu.memory_space<hbm>>
    tpu.wait_indirect_dma semaphore(%arg23 : memref<!tpu.dma_semaphore, #tpu.memory_space<semaphore_mem>>) src(%dma_wait3A_168 : memref<10240x64xf32, #tpu.memory_space<hbm>>) dst(%arg15 : memref<128x64xf32, #tpu.memory_space<vmem>>)
    %dma_start3A_169 = arith.constant 77 : i32
    %dma_start3A_170 = arith.constant 0 : i32
    %dma_start3A_171 = tpu.memref_slice %arg9[%dma_start3A_169, %dma_start3A_170] : memref<80x128xi32, #tpu.memory_space<vmem>> -> memref<1x128xi32, #tpu.memory_space<vmem>>
    %dma_start3A_172 = tpu.memref_squeeze %dma_start3A_171 : memref<1x128xi32, #tpu.memory_space<vmem>> -> memref<128xi32, #tpu.memory_space<vmem>>
    %dma_start3A_173 = arith.constant 0 : i32
    %dma_start3A_174 = arith.constant 0 : i32
    %dma_start3A_175 = tpu.memref_slice %arg7[%dma_start3A_173, %dma_start3A_174] : memref<10240x64xf32, #tpu.memory_space<vmem_shared>> -> memref<10240x64xf32, #tpu.memory_space<vmem_shared>>
    tpu.enqueue_indirect_dma source(%arg15 : memref<128x64xf32, #tpu.memory_space<vmem>>) target(%dma_start3A_175 : memref<10240x64xf32, #tpu.memory_space<vmem_shared>>) offsets(%dma_start3A_172 : memref<128xi32, #tpu.memory_space<vmem>>) semaphore(%arg31 : memref<!tpu.dma_semaphore, #tpu.memory_space<semaphore_mem>>) {add = true}
    %dma_wait3A_176 = arith.constant 78 : i32
    %dma_wait3A_177 = arith.constant 0 : i32
    %dma_wait3A_178 = tpu.memref_slice %arg8[%dma_wait3A_176, %dma_wait3A_177] : memref<80x128xi32, #tpu.memory_space<vmem>> -> memref<1x128xi32, #tpu.memory_space<vmem>>
    %dma_wait3A_179 = tpu.memref_squeeze %dma_wait3A_178 : memref<1x128xi32, #tpu.memory_space<vmem>> -> memref<128xi32, #tpu.memory_space<vmem>>
    %dma_wait3A_180 = arith.constant 0 : i32
    %dma_wait3A_181 = arith.constant 0 : i32
    %dma_wait3A_182 = tpu.memref_slice %arg2[%dma_wait3A_180, %dma_wait3A_181] : memref<10240x64xf32, #tpu.memory_space<hbm>> -> memref<10240x64xf32, #tpu.memory_space<hbm>>
    tpu.wait_indirect_dma semaphore(%arg24 : memref<!tpu.dma_semaphore, #tpu.memory_space<semaphore_mem>>) src(%dma_wait3A_182 : memref<10240x64xf32, #tpu.memory_space<hbm>>) dst(%arg16 : memref<128x64xf32, #tpu.memory_space<vmem>>)
    %dma_start3A_183 = arith.constant 78 : i32
    %dma_start3A_184 = arith.constant 0 : i32
    %dma_start3A_185 = tpu.memref_slice %arg9[%dma_start3A_183, %dma_start3A_184] : memref<80x128xi32, #tpu.memory_space<vmem>> -> memref<1x128xi32, #tpu.memory_space<vmem>>
    %dma_start3A_186 = tpu.memref_squeeze %dma_start3A_185 : memref<1x128xi32, #tpu.memory_space<vmem>> -> memref<128xi32, #tpu.memory_space<vmem>>
    %dma_start3A_187 = arith.constant 0 : i32
    %dma_start3A_188 = arith.constant 0 : i32
    %dma_start3A_189 = tpu.memref_slice %arg7[%dma_start3A_187, %dma_start3A_188] : memref<10240x64xf32, #tpu.memory_space<vmem_shared>> -> memref<10240x64xf32, #tpu.memory_space<vmem_shared>>
    tpu.enqueue_indirect_dma source(%arg16 : memref<128x64xf32, #tpu.memory_space<vmem>>) target(%dma_start3A_189 : memref<10240x64xf32, #tpu.memory_space<vmem_shared>>) offsets(%dma_start3A_186 : memref<128xi32, #tpu.memory_space<vmem>>) semaphore(%arg32 : memref<!tpu.dma_semaphore, #tpu.memory_space<semaphore_mem>>) {add = true}
    %dma_wait3A_190 = arith.constant 79 : i32
    %dma_wait3A_191 = arith.constant 0 : i32
    %dma_wait3A_192 = tpu.memref_slice %arg8[%dma_wait3A_190, %dma_wait3A_191] : memref<80x128xi32, #tpu.memory_space<vmem>> -> memref<1x128xi32, #tpu.memory_space<vmem>>
    %dma_wait3A_193 = tpu.memref_squeeze %dma_wait3A_192 : memref<1x128xi32, #tpu.memory_space<vmem>> -> memref<128xi32, #tpu.memory_space<vmem>>
    %dma_wait3A_194 = arith.constant 0 : i32
    %dma_wait3A_195 = arith.constant 0 : i32
    %dma_wait3A_196 = tpu.memref_slice %arg2[%dma_wait3A_194, %dma_wait3A_195] : memref<10240x64xf32, #tpu.memory_space<hbm>> -> memref<10240x64xf32, #tpu.memory_space<hbm>>
    tpu.wait_indirect_dma semaphore(%arg25 : memref<!tpu.dma_semaphore, #tpu.memory_space<semaphore_mem>>) src(%dma_wait3A_196 : memref<10240x64xf32, #tpu.memory_space<hbm>>) dst(%arg17 : memref<128x64xf32, #tpu.memory_space<vmem>>)
    %dma_start3A_197 = arith.constant 79 : i32
    %dma_start3A_198 = arith.constant 0 : i32
    %dma_start3A_199 = tpu.memref_slice %arg9[%dma_start3A_197, %dma_start3A_198] : memref<80x128xi32, #tpu.memory_space<vmem>> -> memref<1x128xi32, #tpu.memory_space<vmem>>
    %dma_start3A_200 = tpu.memref_squeeze %dma_start3A_199 : memref<1x128xi32, #tpu.memory_space<vmem>> -> memref<128xi32, #tpu.memory_space<vmem>>
    %dma_start3A_201 = arith.constant 0 : i32
    %dma_start3A_202 = arith.constant 0 : i32
    %dma_start3A_203 = tpu.memref_slice %arg7[%dma_start3A_201, %dma_start3A_202] : memref<10240x64xf32, #tpu.memory_space<vmem_shared>> -> memref<10240x64xf32, #tpu.memory_space<vmem_shared>>
    tpu.enqueue_indirect_dma source(%arg17 : memref<128x64xf32, #tpu.memory_space<vmem>>) target(%dma_start3A_203 : memref<10240x64xf32, #tpu.memory_space<vmem_shared>>) offsets(%dma_start3A_200 : memref<128xi32, #tpu.memory_space<vmem>>) semaphore(%arg33 : memref<!tpu.dma_semaphore, #tpu.memory_space<semaphore_mem>>) {add = true}
    %dma_wait3A_204 = arith.constant 72 : i32
    %dma_wait3A_205 = arith.constant 0 : i32
    %dma_wait3A_206 = tpu.memref_slice %arg9[%dma_wait3A_204, %dma_wait3A_205] : memref<80x128xi32, #tpu.memory_space<vmem>> -> memref<1x128xi32, #tpu.memory_space<vmem>>
    %dma_wait3A_207 = tpu.memref_squeeze %dma_wait3A_206 : memref<1x128xi32, #tpu.memory_space<vmem>> -> memref<128xi32, #tpu.memory_space<vmem>>
    %dma_wait3A_208 = arith.constant 0 : i32
    %dma_wait3A_209 = arith.constant 0 : i32
    %dma_wait3A_210 = tpu.memref_slice %arg7[%dma_wait3A_208, %dma_wait3A_209] : memref<10240x64xf32, #tpu.memory_space<vmem_shared>> -> memref<10240x64xf32, #tpu.memory_space<vmem_shared>>
    tpu.wait_indirect_dma semaphore(%arg26 : memref<!tpu.dma_semaphore, #tpu.memory_space<semaphore_mem>>) src(%arg10 : memref<128x64xf32, #tpu.memory_space<vmem>>) dst(%dma_wait3A_210 : memref<10240x64xf32, #tpu.memory_space<vmem_shared>>)
    %dma_wait3A_211 = arith.constant 73 : i32
    %dma_wait3A_212 = arith.constant 0 : i32
    %dma_wait3A_213 = tpu.memref_slice %arg9[%dma_wait3A_211, %dma_wait3A_212] : memref<80x128xi32, #tpu.memory_space<vmem>> -> memref<1x128xi32, #tpu.memory_space<vmem>>
    %dma_wait3A_214 = tpu.memref_squeeze %dma_wait3A_213 : memref<1x128xi32, #tpu.memory_space<vmem>> -> memref<128xi32, #tpu.memory_space<vmem>>
    %dma_wait3A_215 = arith.constant 0 : i32
    %dma_wait3A_216 = arith.constant 0 : i32
    %dma_wait3A_217 = tpu.memref_slice %arg7[%dma_wait3A_215, %dma_wait3A_216] : memref<10240x64xf32, #tpu.memory_space<vmem_shared>> -> memref<10240x64xf32, #tpu.memory_space<vmem_shared>>
    tpu.wait_indirect_dma semaphore(%arg27 : memref<!tpu.dma_semaphore, #tpu.memory_space<semaphore_mem>>) src(%arg11 : memref<128x64xf32, #tpu.memory_space<vmem>>) dst(%dma_wait3A_217 : memref<10240x64xf32, #tpu.memory_space<vmem_shared>>)
    %dma_wait3A_218 = arith.constant 74 : i32
    %dma_wait3A_219 = arith.constant 0 : i32
    %dma_wait3A_220 = tpu.memref_slice %arg9[%dma_wait3A_218, %dma_wait3A_219] : memref<80x128xi32, #tpu.memory_space<vmem>> -> memref<1x128xi32, #tpu.memory_space<vmem>>
    %dma_wait3A_221 = tpu.memref_squeeze %dma_wait3A_220 : memref<1x128xi32, #tpu.memory_space<vmem>> -> memref<128xi32, #tpu.memory_space<vmem>>
    %dma_wait3A_222 = arith.constant 0 : i32
    %dma_wait3A_223 = arith.constant 0 : i32
    %dma_wait3A_224 = tpu.memref_slice %arg7[%dma_wait3A_222, %dma_wait3A_223] : memref<10240x64xf32, #tpu.memory_space<vmem_shared>> -> memref<10240x64xf32, #tpu.memory_space<vmem_shared>>
    tpu.wait_indirect_dma semaphore(%arg28 : memref<!tpu.dma_semaphore, #tpu.memory_space<semaphore_mem>>) src(%arg12 : memref<128x64xf32, #tpu.memory_space<vmem>>) dst(%dma_wait3A_224 : memref<10240x64xf32, #tpu.memory_space<vmem_shared>>)
    %dma_wait3A_225 = arith.constant 75 : i32
    %dma_wait3A_226 = arith.constant 0 : i32
    %dma_wait3A_227 = tpu.memref_slice %arg9[%dma_wait3A_225, %dma_wait3A_226] : memref<80x128xi32, #tpu.memory_space<vmem>> -> memref<1x128xi32, #tpu.memory_space<vmem>>
    %dma_wait3A_228 = tpu.memref_squeeze %dma_wait3A_227 : memref<1x128xi32, #tpu.memory_space<vmem>> -> memref<128xi32, #tpu.memory_space<vmem>>
    %dma_wait3A_229 = arith.constant 0 : i32
    %dma_wait3A_230 = arith.constant 0 : i32
    %dma_wait3A_231 = tpu.memref_slice %arg7[%dma_wait3A_229, %dma_wait3A_230] : memref<10240x64xf32, #tpu.memory_space<vmem_shared>> -> memref<10240x64xf32, #tpu.memory_space<vmem_shared>>
    tpu.wait_indirect_dma semaphore(%arg29 : memref<!tpu.dma_semaphore, #tpu.memory_space<semaphore_mem>>) src(%arg13 : memref<128x64xf32, #tpu.memory_space<vmem>>) dst(%dma_wait3A_231 : memref<10240x64xf32, #tpu.memory_space<vmem_shared>>)
    %dma_wait3A_232 = arith.constant 76 : i32
    %dma_wait3A_233 = arith.constant 0 : i32
    %dma_wait3A_234 = tpu.memref_slice %arg9[%dma_wait3A_232, %dma_wait3A_233] : memref<80x128xi32, #tpu.memory_space<vmem>> -> memref<1x128xi32, #tpu.memory_space<vmem>>
    %dma_wait3A_235 = tpu.memref_squeeze %dma_wait3A_234 : memref<1x128xi32, #tpu.memory_space<vmem>> -> memref<128xi32, #tpu.memory_space<vmem>>
    %dma_wait3A_236 = arith.constant 0 : i32
    %dma_wait3A_237 = arith.constant 0 : i32
    %dma_wait3A_238 = tpu.memref_slice %arg7[%dma_wait3A_236, %dma_wait3A_237] : memref<10240x64xf32, #tpu.memory_space<vmem_shared>> -> memref<10240x64xf32, #tpu.memory_space<vmem_shared>>
    tpu.wait_indirect_dma semaphore(%arg30 : memref<!tpu.dma_semaphore, #tpu.memory_space<semaphore_mem>>) src(%arg14 : memref<128x64xf32, #tpu.memory_space<vmem>>) dst(%dma_wait3A_238 : memref<10240x64xf32, #tpu.memory_space<vmem_shared>>)
    %dma_wait3A_239 = arith.constant 77 : i32
    %dma_wait3A_240 = arith.constant 0 : i32
    %dma_wait3A_241 = tpu.memref_slice %arg9[%dma_wait3A_239, %dma_wait3A_240] : memref<80x128xi32, #tpu.memory_space<vmem>> -> memref<1x128xi32, #tpu.memory_space<vmem>>
    %dma_wait3A_242 = tpu.memref_squeeze %dma_wait3A_241 : memref<1x128xi32, #tpu.memory_space<vmem>> -> memref<128xi32, #tpu.memory_space<vmem>>
    %dma_wait3A_243 = arith.constant 0 : i32
    %dma_wait3A_244 = arith.constant 0 : i32
    %dma_wait3A_245 = tpu.memref_slice %arg7[%dma_wait3A_243, %dma_wait3A_244] : memref<10240x64xf32, #tpu.memory_space<vmem_shared>> -> memref<10240x64xf32, #tpu.memory_space<vmem_shared>>
    tpu.wait_indirect_dma semaphore(%arg31 : memref<!tpu.dma_semaphore, #tpu.memory_space<semaphore_mem>>) src(%arg15 : memref<128x64xf32, #tpu.memory_space<vmem>>) dst(%dma_wait3A_245 : memref<10240x64xf32, #tpu.memory_space<vmem_shared>>)
    %dma_wait3A_246 = arith.constant 78 : i32
    %dma_wait3A_247 = arith.constant 0 : i32
    %dma_wait3A_248 = tpu.memref_slice %arg9[%dma_wait3A_246, %dma_wait3A_247] : memref<80x128xi32, #tpu.memory_space<vmem>> -> memref<1x128xi32, #tpu.memory_space<vmem>>
    %dma_wait3A_249 = tpu.memref_squeeze %dma_wait3A_248 : memref<1x128xi32, #tpu.memory_space<vmem>> -> memref<128xi32, #tpu.memory_space<vmem>>
    %dma_wait3A_250 = arith.constant 0 : i32
    %dma_wait3A_251 = arith.constant 0 : i32
    %dma_wait3A_252 = tpu.memref_slice %arg7[%dma_wait3A_250, %dma_wait3A_251] : memref<10240x64xf32, #tpu.memory_space<vmem_shared>> -> memref<10240x64xf32, #tpu.memory_space<vmem_shared>>
    tpu.wait_indirect_dma semaphore(%arg32 : memref<!tpu.dma_semaphore, #tpu.memory_space<semaphore_mem>>) src(%arg16 : memref<128x64xf32, #tpu.memory_space<vmem>>) dst(%dma_wait3A_252 : memref<10240x64xf32, #tpu.memory_space<vmem_shared>>)
    %dma_wait3A_253 = arith.constant 79 : i32
    %dma_wait3A_254 = arith.constant 0 : i32
    %dma_wait3A_255 = tpu.memref_slice %arg9[%dma_wait3A_253, %dma_wait3A_254] : memref<80x128xi32, #tpu.memory_space<vmem>> -> memref<1x128xi32, #tpu.memory_space<vmem>>
    %dma_wait3A_256 = tpu.memref_squeeze %dma_wait3A_255 : memref<1x128xi32, #tpu.memory_space<vmem>> -> memref<128xi32, #tpu.memory_space<vmem>>
    %dma_wait3A_257 = arith.constant 0 : i32
    %dma_wait3A_258 = arith.constant 0 : i32
    %dma_wait3A_259 = tpu.memref_slice %arg7[%dma_wait3A_257, %dma_wait3A_258] : memref<10240x64xf32, #tpu.memory_space<vmem_shared>> -> memref<10240x64xf32, #tpu.memory_space<vmem_shared>>
    tpu.wait_indirect_dma semaphore(%arg33 : memref<!tpu.dma_semaphore, #tpu.memory_space<semaphore_mem>>) src(%arg17 : memref<128x64xf32, #tpu.memory_space<vmem>>) dst(%dma_wait3A_259 : memref<10240x64xf32, #tpu.memory_space<vmem_shared>>)
    %barrier3A_260 = arith.constant 0 : index
    tpu.barrier barrier_id(%barrier3A_260)
    %mul3A_261 = arith.constant 640 : i32
    %mul3A_262 = arith.muli %arg1, %mul3A_261 : i32
    %mul3A_263 = arith.constant 640 : i32
    %mul3A_264 = arith.muli %arg1, %mul3A_263 : i32
    "tpu.region"() ({
      %run_scoped3A = tpu.sem_alloc : memref<!tpu.dma_semaphore, #tpu.memory_space<semaphore_mem>>
      %dma_start3A_265 = arith.constant 0 : i32
      %dma_start3A_266 = tpu.memref_slice %arg6[%arg0, %mul3A_264, %dma_start3A_265] : memref<2x10240x64xf32, #tpu.memory_space<hbm>> -> memref<1x640x64xf32, #tpu.memory_space<hbm>>
      %dma_start3A_267 = tpu.memref_squeeze %dma_start3A_266 : memref<1x640x64xf32, #tpu.memory_space<hbm>> -> memref<640x64xf32, #tpu.memory_space<hbm>>
      %dma_start3A_268 = arith.constant 0 : i32
      %dma_start3A_269 = tpu.memref_slice %arg7[%mul3A_262, %dma_start3A_268] : memref<10240x64xf32, #tpu.memory_space<vmem_shared>> -> memref<640x64xf32, #tpu.memory_space<vmem_shared>>
      tpu.enqueue_dma source(%dma_start3A_269 : memref<640x64xf32, #tpu.memory_space<vmem_shared>>) target(%dma_start3A_267 : memref<640x64xf32, #tpu.memory_space<hbm>>) target_semaphore(%run_scoped3A : memref<!tpu.dma_semaphore, #tpu.memory_space<semaphore_mem>>)
      %dma_wait3A_270 = arith.constant 0 : i32
      %dma_wait3A_271 = tpu.memref_slice %arg6[%arg0, %mul3A_264, %dma_wait3A_270] : memref<2x10240x64xf32, #tpu.memory_space<hbm>> -> memref<1x640x64xf32, #tpu.memory_space<hbm>>
      %dma_wait3A_272 = tpu.memref_squeeze %dma_wait3A_271 : memref<1x640x64xf32, #tpu.memory_space<hbm>> -> memref<640x64xf32, #tpu.memory_space<hbm>>
      %dma_wait3A_273 = arith.constant 0 : i32
      %dma_wait3A_274 = tpu.memref_slice %arg7[%mul3A_262, %dma_wait3A_273] : memref<10240x64xf32, #tpu.memory_space<vmem_shared>> -> memref<640x64xf32, #tpu.memory_space<vmem_shared>>
      tpu.wait_dma2 semaphore(%run_scoped3A : memref<!tpu.dma_semaphore, #tpu.memory_space<semaphore_mem>>) src(%dma_wait3A_274 : memref<640x64xf32, #tpu.memory_space<vmem_shared>>) dst(%dma_wait3A_272 : memref<640x64xf32, #tpu.memory_space<hbm>>)
      tpu.yield
    }) : () -> ()
    return
  }
}

#map = affine_map<(d0, d1) -> (0, 0)>
#map1 = affine_map<(d0, d1) -> (0, 0, 0)>
module attributes {stable_mosaic.version = 14 : i64} {
  func.func @_spmm_kernel(%arg0: i32, %arg1: i32, %arg2: memref<10240x64xf32, #tpu.memory_space<hbm>>, %arg3: memref<2560x128xi32, #tpu.memory_space<hbm>>, %arg4: memref<2560x128xi32, #tpu.memory_space<hbm>>, %arg5: memref<10240x64xf32, #tpu.memory_space<hbm>>, %arg6: memref<2x10240x64xf32, #tpu.memory_space<hbm>>, %arg7: memref<10240x64xf32, #tpu.memory_space<vmem_shared>>, %arg8: memref<80x128xi32, #tpu.memory_space<vmem>>, %arg9: memref<80x128xi32, #tpu.memory_space<vmem>>, %arg10: memref<128x64xf32, #tpu.memory_space<vmem>>, %arg11: memref<128x64xf32, #tpu.memory_space<vmem>>, %arg12: memref<128x64xf32, #tpu.memory_space<vmem>>, %arg13: memref<128x64xf32, #tpu.memory_space<vmem>>, %arg14: memref<128x64xf32, #tpu.memory_space<vmem>>, %arg15: memref<128x64xf32, #tpu.memory_space<vmem>>, %arg16: memref<128x64xf32, #tpu.memory_space<vmem>>, %arg17: memref<128x64xf32, #tpu.memory_space<vmem>>, %arg18: memref<!tpu.dma_semaphore, #tpu.memory_space<semaphore_mem>>, %arg19: memref<!tpu.dma_semaphore, #tpu.memory_space<semaphore_mem>>, %arg20: memref<!tpu.dma_semaphore, #tpu.memory_space<semaphore_mem>>, %arg21: memref<!tpu.dma_semaphore, #tpu.memory_space<semaphore_mem>>, %arg22: memref<!tpu.dma_semaphore, #tpu.memory_space<semaphore_mem>>, %arg23: memref<!tpu.dma_semaphore, #tpu.memory_space<semaphore_mem>>, %arg24: memref<!tpu.dma_semaphore, #tpu.memory_space<semaphore_mem>>, %arg25: memref<!tpu.dma_semaphore, #tpu.memory_space<semaphore_mem>>, %arg26: memref<!tpu.dma_semaphore, #tpu.memory_space<semaphore_mem>>, %arg27: memref<!tpu.dma_semaphore, #tpu.memory_space<semaphore_mem>>, %arg28: memref<!tpu.dma_semaphore, #tpu.memory_space<semaphore_mem>>, %arg29: memref<!tpu.dma_semaphore, #tpu.memory_space<semaphore_mem>>, %arg30: memref<!tpu.dma_semaphore, #tpu.memory_space<semaphore_mem>>, %arg31: memref<!tpu.dma_semaphore, #tpu.memory_space<semaphore_mem>>, %arg32: memref<!tpu.dma_semaphore, #tpu.memory_space<semaphore_mem>>, %arg33: memref<!tpu.dma_semaphore, #tpu.memory_space<semaphore_mem>>) attributes {dimension_semantics = [#tpu.dimension_semantics<core_parallel>, #tpu.dimension_semantics<subcore_parallel>], iteration_bounds = array<i64: 2, 16>, scalar_prefetch = 0 : i64, scratch_operands = 27 : i64, tpu.core_type = #tpu.core_type<sc_vector_subcore>, window_params = [{transform_indices = #map}, {transform_indices = #map}, {transform_indices = #map}, {transform_indices = #map}, {transform_indices = #map1}]} {
    %mul3A = arith.constant 16 : i32
    %mul3A_0 = arith.muli %arg0, %mul3A : i32
    %add3A = arith.addi %mul3A_0, %arg1 : i32
    %mul3A_1 = arith.constant 640 : i32
    %mul3A_2 = arith.muli %arg1, %mul3A_1 : i32
    %mul3A_3 = arith.constant 640 : i32
    %mul3A_4 = arith.muli %arg1, %mul3A_3 : i32
    %dma_start3A = arith.constant 0 : i32
    %dma_start3A_5 = tpu.memref_slice %arg7[%mul3A_4, %dma_start3A] : memref<10240x64xf32, #tpu.memory_space<vmem_shared>> -> memref<640x64xf32, #tpu.memory_space<vmem_shared>>
    %dma_start3A_6 = arith.constant 0 : i32
    %dma_start3A_7 = tpu.memref_slice %arg5[%mul3A_2, %dma_start3A_6] : memref<10240x64xf32, #tpu.memory_space<hbm>> -> memref<640x64xf32, #tpu.memory_space<hbm>>
    tpu.enqueue_dma source(%dma_start3A_7 : memref<640x64xf32, #tpu.memory_space<hbm>>) target(%dma_start3A_5 : memref<640x64xf32, #tpu.memory_space<vmem_shared>>) target_semaphore(%arg18 : memref<!tpu.dma_semaphore, #tpu.memory_space<semaphore_mem>>)
    %mul3A_8 = arith.constant 80 : i32
    %mul3A_9 = arith.muli %add3A, %mul3A_8 : i32
    %dma_start3A_10 = arith.constant 0 : i32
    %dma_start3A_11 = tpu.memref_slice %arg3[%mul3A_9, %dma_start3A_10] : memref<2560x128xi32, #tpu.memory_space<hbm>> -> memref<80x128xi32, #tpu.memory_space<hbm>>
    %dma_start3A_12 = arith.constant 0 : i32
    %dma_start3A_13 = tpu.memref_slice %arg3[%mul3A_9, %dma_start3A_12] : memref<2560x128xi32, #tpu.memory_space<hbm>> -> memref<80x128xi32, #tpu.memory_space<hbm>>
    tpu.enqueue_dma source(%dma_start3A_13 : memref<80x128xi32, #tpu.memory_space<hbm>>) target(%arg8 : memref<80x128xi32, #tpu.memory_space<vmem>>) target_semaphore(%arg19 : memref<!tpu.dma_semaphore, #tpu.memory_space<semaphore_mem>>)
    %mul3A_14 = arith.constant 80 : i32
    %mul3A_15 = arith.muli %add3A, %mul3A_14 : i32
    %dma_start3A_16 = arith.constant 0 : i32
    %dma_start3A_17 = tpu.memref_slice %arg4[%mul3A_15, %dma_start3A_16] : memref<2560x128xi32, #tpu.memory_space<hbm>> -> memref<80x128xi32, #tpu.memory_space<hbm>>
    %dma_start3A_18 = arith.constant 0 : i32
    %dma_start3A_19 = tpu.memref_slice %arg4[%mul3A_15, %dma_start3A_18] : memref<2560x128xi32, #tpu.memory_space<hbm>> -> memref<80x128xi32, #tpu.memory_space<hbm>>
    tpu.enqueue_dma source(%dma_start3A_19 : memref<80x128xi32, #tpu.memory_space<hbm>>) target(%arg9 : memref<80x128xi32, #tpu.memory_space<vmem>>) target_semaphore(%arg20 : memref<!tpu.dma_semaphore, #tpu.memory_space<semaphore_mem>>)
    %dma_wait3A = arith.constant 0 : i32
    %dma_wait3A_20 = tpu.memref_slice %arg7[%mul3A_4, %dma_wait3A] : memref<10240x64xf32, #tpu.memory_space<vmem_shared>> -> memref<640x64xf32, #tpu.memory_space<vmem_shared>>
    %dma_wait3A_21 = arith.constant 0 : i32
    %dma_wait3A_22 = tpu.memref_slice %arg5[%mul3A_2, %dma_wait3A_21] : memref<10240x64xf32, #tpu.memory_space<hbm>> -> memref<640x64xf32, #tpu.memory_space<hbm>>
    tpu.wait_dma2 semaphore(%arg18 : memref<!tpu.dma_semaphore, #tpu.memory_space<semaphore_mem>>) src(%dma_wait3A_22 : memref<640x64xf32, #tpu.memory_space<hbm>>) dst(%dma_wait3A_20 : memref<640x64xf32, #tpu.memory_space<vmem_shared>>)
    %dma_wait3A_23 = arith.constant 0 : i32
    %dma_wait3A_24 = tpu.memref_slice %arg3[%mul3A_9, %dma_wait3A_23] : memref<2560x128xi32, #tpu.memory_space<hbm>> -> memref<80x128xi32, #tpu.memory_space<hbm>>
    %dma_wait3A_25 = arith.constant 0 : i32
    %dma_wait3A_26 = tpu.memref_slice %arg3[%mul3A_9, %dma_wait3A_25] : memref<2560x128xi32, #tpu.memory_space<hbm>> -> memref<80x128xi32, #tpu.memory_space<hbm>>
    tpu.wait_dma2 semaphore(%arg19 : memref<!tpu.dma_semaphore, #tpu.memory_space<semaphore_mem>>) src(%dma_wait3A_26 : memref<80x128xi32, #tpu.memory_space<hbm>>) dst(%arg8 : memref<80x128xi32, #tpu.memory_space<vmem>>)
    %dma_wait3A_27 = arith.constant 0 : i32
    %dma_wait3A_28 = tpu.memref_slice %arg4[%mul3A_15, %dma_wait3A_27] : memref<2560x128xi32, #tpu.memory_space<hbm>> -> memref<80x128xi32, #tpu.memory_space<hbm>>
    %dma_wait3A_29 = arith.constant 0 : i32
    %dma_wait3A_30 = tpu.memref_slice %arg4[%mul3A_15, %dma_wait3A_29] : memref<2560x128xi32, #tpu.memory_space<hbm>> -> memref<80x128xi32, #tpu.memory_space<hbm>>
    tpu.wait_dma2 semaphore(%arg20 : memref<!tpu.dma_semaphore, #tpu.memory_space<semaphore_mem>>) src(%dma_wait3A_30 : memref<80x128xi32, #tpu.memory_space<hbm>>) dst(%arg9 : memref<80x128xi32, #tpu.memory_space<vmem>>)
    %barrier3A = arith.constant 0 : index
    tpu.barrier barrier_id(%barrier3A)
    %dma_start3A_31 = arith.constant 0 : i32
    %dma_start3A_32 = arith.constant 0 : i32
    %dma_start3A_33 = tpu.memref_slice %arg8[%dma_start3A_31, %dma_start3A_32] : memref<80x128xi32, #tpu.memory_space<vmem>> -> memref<1x128xi32, #tpu.memory_space<vmem>>
    %dma_start3A_34 = tpu.memref_squeeze %dma_start3A_33 : memref<1x128xi32, #tpu.memory_space<vmem>> -> memref<128xi32, #tpu.memory_space<vmem>>
    %dma_start3A_35 = arith.constant 0 : i32
    %dma_start3A_36 = arith.constant 0 : i32
    %dma_start3A_37 = tpu.memref_slice %arg2[%dma_start3A_35, %dma_start3A_36] : memref<10240x64xf32, #tpu.memory_space<hbm>> -> memref<10240x64xf32, #tpu.memory_space<hbm>>
    tpu.enqueue_indirect_dma source(%dma_start3A_37 : memref<10240x64xf32, #tpu.memory_space<hbm>>) target(%arg10 : memref<128x64xf32, #tpu.memory_space<vmem>>) offsets(%dma_start3A_34 : memref<128xi32, #tpu.memory_space<vmem>>) semaphore(%arg18 : memref<!tpu.dma_semaphore, #tpu.memory_space<semaphore_mem>>)
    %dma_start3A_38 = arith.constant 1 : i32
    %dma_start3A_39 = arith.constant 0 : i32
    %dma_start3A_40 = tpu.memref_slice %arg8[%dma_start3A_38, %dma_start3A_39] : memref<80x128xi32, #tpu.memory_space<vmem>> -> memref<1x128xi32, #tpu.memory_space<vmem>>
    %dma_start3A_41 = tpu.memref_squeeze %dma_start3A_40 : memref<1x128xi32, #tpu.memory_space<vmem>> -> memref<128xi32, #tpu.memory_space<vmem>>
    %dma_start3A_42 = arith.constant 0 : i32
    %dma_start3A_43 = arith.constant 0 : i32
    %dma_start3A_44 = tpu.memref_slice %arg2[%dma_start3A_42, %dma_start3A_43] : memref<10240x64xf32, #tpu.memory_space<hbm>> -> memref<10240x64xf32, #tpu.memory_space<hbm>>
    tpu.enqueue_indirect_dma source(%dma_start3A_44 : memref<10240x64xf32, #tpu.memory_space<hbm>>) target(%arg11 : memref<128x64xf32, #tpu.memory_space<vmem>>) offsets(%dma_start3A_41 : memref<128xi32, #tpu.memory_space<vmem>>) semaphore(%arg19 : memref<!tpu.dma_semaphore, #tpu.memory_space<semaphore_mem>>)
    %dma_start3A_45 = arith.constant 2 : i32
    %dma_start3A_46 = arith.constant 0 : i32
    %dma_start3A_47 = tpu.memref_slice %arg8[%dma_start3A_45, %dma_start3A_46] : memref<80x128xi32, #tpu.memory_space<vmem>> -> memref<1x128xi32, #tpu.memory_space<vmem>>
    %dma_start3A_48 = tpu.memref_squeeze %dma_start3A_47 : memref<1x128xi32, #tpu.memory_space<vmem>> -> memref<128xi32, #tpu.memory_space<vmem>>
    %dma_start3A_49 = arith.constant 0 : i32
    %dma_start3A_50 = arith.constant 0 : i32
    %dma_start3A_51 = tpu.memref_slice %arg2[%dma_start3A_49, %dma_start3A_50] : memref<10240x64xf32, #tpu.memory_space<hbm>> -> memref<10240x64xf32, #tpu.memory_space<hbm>>
    tpu.enqueue_indirect_dma source(%dma_start3A_51 : memref<10240x64xf32, #tpu.memory_space<hbm>>) target(%arg12 : memref<128x64xf32, #tpu.memory_space<vmem>>) offsets(%dma_start3A_48 : memref<128xi32, #tpu.memory_space<vmem>>) semaphore(%arg20 : memref<!tpu.dma_semaphore, #tpu.memory_space<semaphore_mem>>)
    %dma_start3A_52 = arith.constant 3 : i32
    %dma_start3A_53 = arith.constant 0 : i32
    %dma_start3A_54 = tpu.memref_slice %arg8[%dma_start3A_52, %dma_start3A_53] : memref<80x128xi32, #tpu.memory_space<vmem>> -> memref<1x128xi32, #tpu.memory_space<vmem>>
    %dma_start3A_55 = tpu.memref_squeeze %dma_start3A_54 : memref<1x128xi32, #tpu.memory_space<vmem>> -> memref<128xi32, #tpu.memory_space<vmem>>
    %dma_start3A_56 = arith.constant 0 : i32
    %dma_start3A_57 = arith.constant 0 : i32
    %dma_start3A_58 = tpu.memref_slice %arg2[%dma_start3A_56, %dma_start3A_57] : memref<10240x64xf32, #tpu.memory_space<hbm>> -> memref<10240x64xf32, #tpu.memory_space<hbm>>
    tpu.enqueue_indirect_dma source(%dma_start3A_58 : memref<10240x64xf32, #tpu.memory_space<hbm>>) target(%arg13 : memref<128x64xf32, #tpu.memory_space<vmem>>) offsets(%dma_start3A_55 : memref<128xi32, #tpu.memory_space<vmem>>) semaphore(%arg21 : memref<!tpu.dma_semaphore, #tpu.memory_space<semaphore_mem>>)
    %dma_start3A_59 = arith.constant 4 : i32
    %dma_start3A_60 = arith.constant 0 : i32
    %dma_start3A_61 = tpu.memref_slice %arg8[%dma_start3A_59, %dma_start3A_60] : memref<80x128xi32, #tpu.memory_space<vmem>> -> memref<1x128xi32, #tpu.memory_space<vmem>>
    %dma_start3A_62 = tpu.memref_squeeze %dma_start3A_61 : memref<1x128xi32, #tpu.memory_space<vmem>> -> memref<128xi32, #tpu.memory_space<vmem>>
    %dma_start3A_63 = arith.constant 0 : i32
    %dma_start3A_64 = arith.constant 0 : i32
    %dma_start3A_65 = tpu.memref_slice %arg2[%dma_start3A_63, %dma_start3A_64] : memref<10240x64xf32, #tpu.memory_space<hbm>> -> memref<10240x64xf32, #tpu.memory_space<hbm>>
    tpu.enqueue_indirect_dma source(%dma_start3A_65 : memref<10240x64xf32, #tpu.memory_space<hbm>>) target(%arg14 : memref<128x64xf32, #tpu.memory_space<vmem>>) offsets(%dma_start3A_62 : memref<128xi32, #tpu.memory_space<vmem>>) semaphore(%arg22 : memref<!tpu.dma_semaphore, #tpu.memory_space<semaphore_mem>>)
    %dma_start3A_66 = arith.constant 5 : i32
    %dma_start3A_67 = arith.constant 0 : i32
    %dma_start3A_68 = tpu.memref_slice %arg8[%dma_start3A_66, %dma_start3A_67] : memref<80x128xi32, #tpu.memory_space<vmem>> -> memref<1x128xi32, #tpu.memory_space<vmem>>
    %dma_start3A_69 = tpu.memref_squeeze %dma_start3A_68 : memref<1x128xi32, #tpu.memory_space<vmem>> -> memref<128xi32, #tpu.memory_space<vmem>>
    %dma_start3A_70 = arith.constant 0 : i32
    %dma_start3A_71 = arith.constant 0 : i32
    %dma_start3A_72 = tpu.memref_slice %arg2[%dma_start3A_70, %dma_start3A_71] : memref<10240x64xf32, #tpu.memory_space<hbm>> -> memref<10240x64xf32, #tpu.memory_space<hbm>>
    tpu.enqueue_indirect_dma source(%dma_start3A_72 : memref<10240x64xf32, #tpu.memory_space<hbm>>) target(%arg15 : memref<128x64xf32, #tpu.memory_space<vmem>>) offsets(%dma_start3A_69 : memref<128xi32, #tpu.memory_space<vmem>>) semaphore(%arg23 : memref<!tpu.dma_semaphore, #tpu.memory_space<semaphore_mem>>)
    %dma_start3A_73 = arith.constant 6 : i32
    %dma_start3A_74 = arith.constant 0 : i32
    %dma_start3A_75 = tpu.memref_slice %arg8[%dma_start3A_73, %dma_start3A_74] : memref<80x128xi32, #tpu.memory_space<vmem>> -> memref<1x128xi32, #tpu.memory_space<vmem>>
    %dma_start3A_76 = tpu.memref_squeeze %dma_start3A_75 : memref<1x128xi32, #tpu.memory_space<vmem>> -> memref<128xi32, #tpu.memory_space<vmem>>
    %dma_start3A_77 = arith.constant 0 : i32
    %dma_start3A_78 = arith.constant 0 : i32
    %dma_start3A_79 = tpu.memref_slice %arg2[%dma_start3A_77, %dma_start3A_78] : memref<10240x64xf32, #tpu.memory_space<hbm>> -> memref<10240x64xf32, #tpu.memory_space<hbm>>
    tpu.enqueue_indirect_dma source(%dma_start3A_79 : memref<10240x64xf32, #tpu.memory_space<hbm>>) target(%arg16 : memref<128x64xf32, #tpu.memory_space<vmem>>) offsets(%dma_start3A_76 : memref<128xi32, #tpu.memory_space<vmem>>) semaphore(%arg24 : memref<!tpu.dma_semaphore, #tpu.memory_space<semaphore_mem>>)
    %dma_start3A_80 = arith.constant 7 : i32
    %dma_start3A_81 = arith.constant 0 : i32
    %dma_start3A_82 = tpu.memref_slice %arg8[%dma_start3A_80, %dma_start3A_81] : memref<80x128xi32, #tpu.memory_space<vmem>> -> memref<1x128xi32, #tpu.memory_space<vmem>>
    %dma_start3A_83 = tpu.memref_squeeze %dma_start3A_82 : memref<1x128xi32, #tpu.memory_space<vmem>> -> memref<128xi32, #tpu.memory_space<vmem>>
    %dma_start3A_84 = arith.constant 0 : i32
    %dma_start3A_85 = arith.constant 0 : i32
    %dma_start3A_86 = tpu.memref_slice %arg2[%dma_start3A_84, %dma_start3A_85] : memref<10240x64xf32, #tpu.memory_space<hbm>> -> memref<10240x64xf32, #tpu.memory_space<hbm>>
    tpu.enqueue_indirect_dma source(%dma_start3A_86 : memref<10240x64xf32, #tpu.memory_space<hbm>>) target(%arg17 : memref<128x64xf32, #tpu.memory_space<vmem>>) offsets(%dma_start3A_83 : memref<128xi32, #tpu.memory_space<vmem>>) semaphore(%arg25 : memref<!tpu.dma_semaphore, #tpu.memory_space<semaphore_mem>>)
    %scan3A = arith.constant 0 : i32
    %scan3A_87 = arith.constant 0 : i32
    %scan3A_88 = arith.constant 9 : i32
    %scan3A_89 = arith.addi %scan3A_87, %scan3A_88 : i32
    %scan3A_90 = arith.constant 1 : i32
    scf.for %scan3A_265 = %scan3A_87 to %scan3A_89 step %scan3A_90  : i32 {
      %mul3A_266 = arith.constant 8 : i32
      %mul3A_267 = arith.muli %scan3A_265, %mul3A_266 : i32
      %add3A_268 = arith.constant 0 : i32
      %add3A_269 = arith.addi %mul3A_267, %add3A_268 : i32
      %dma_wait3A_270 = arith.constant 0 : i32
      %dma_wait3A_271 = tpu.memref_slice %arg8[%add3A_269, %dma_wait3A_270] : memref<80x128xi32, #tpu.memory_space<vmem>> -> memref<1x128xi32, #tpu.memory_space<vmem>>
      %dma_wait3A_272 = tpu.memref_squeeze %dma_wait3A_271 : memref<1x128xi32, #tpu.memory_space<vmem>> -> memref<128xi32, #tpu.memory_space<vmem>>
      %dma_wait3A_273 = arith.constant 0 : i32
      %dma_wait3A_274 = arith.constant 0 : i32
      %dma_wait3A_275 = tpu.memref_slice %arg2[%dma_wait3A_273, %dma_wait3A_274] : memref<10240x64xf32, #tpu.memory_space<hbm>> -> memref<10240x64xf32, #tpu.memory_space<hbm>>
      tpu.wait_indirect_dma semaphore(%arg18 : memref<!tpu.dma_semaphore, #tpu.memory_space<semaphore_mem>>) src(%dma_wait3A_275 : memref<10240x64xf32, #tpu.memory_space<hbm>>) dst(%arg10 : memref<128x64xf32, #tpu.memory_space<vmem>>)
      %add3A_276 = arith.constant 0 : i32
      %add3A_277 = arith.addi %mul3A_267, %add3A_276 : i32
      %dma_start3A_278 = arith.constant 0 : i32
      %dma_start3A_279 = tpu.memref_slice %arg9[%add3A_277, %dma_start3A_278] : memref<80x128xi32, #tpu.memory_space<vmem>> -> memref<1x128xi32, #tpu.memory_space<vmem>>
      %dma_start3A_280 = tpu.memref_squeeze %dma_start3A_279 : memref<1x128xi32, #tpu.memory_space<vmem>> -> memref<128xi32, #tpu.memory_space<vmem>>
      %dma_start3A_281 = arith.constant 0 : i32
      %dma_start3A_282 = arith.constant 0 : i32
      %dma_start3A_283 = tpu.memref_slice %arg7[%dma_start3A_281, %dma_start3A_282] : memref<10240x64xf32, #tpu.memory_space<vmem_shared>> -> memref<10240x64xf32, #tpu.memory_space<vmem_shared>>
      tpu.enqueue_indirect_dma source(%arg10 : memref<128x64xf32, #tpu.memory_space<vmem>>) target(%dma_start3A_283 : memref<10240x64xf32, #tpu.memory_space<vmem_shared>>) offsets(%dma_start3A_280 : memref<128xi32, #tpu.memory_space<vmem>>) semaphore(%arg26 : memref<!tpu.dma_semaphore, #tpu.memory_space<semaphore_mem>>) {add = true}
      %add3A_284 = arith.constant 1 : i32
      %add3A_285 = arith.addi %mul3A_267, %add3A_284 : i32
      %dma_wait3A_286 = arith.constant 0 : i32
      %dma_wait3A_287 = tpu.memref_slice %arg8[%add3A_285, %dma_wait3A_286] : memref<80x128xi32, #tpu.memory_space<vmem>> -> memref<1x128xi32, #tpu.memory_space<vmem>>
      %dma_wait3A_288 = tpu.memref_squeeze %dma_wait3A_287 : memref<1x128xi32, #tpu.memory_space<vmem>> -> memref<128xi32, #tpu.memory_space<vmem>>
      %dma_wait3A_289 = arith.constant 0 : i32
      %dma_wait3A_290 = arith.constant 0 : i32
      %dma_wait3A_291 = tpu.memref_slice %arg2[%dma_wait3A_289, %dma_wait3A_290] : memref<10240x64xf32, #tpu.memory_space<hbm>> -> memref<10240x64xf32, #tpu.memory_space<hbm>>
      tpu.wait_indirect_dma semaphore(%arg19 : memref<!tpu.dma_semaphore, #tpu.memory_space<semaphore_mem>>) src(%dma_wait3A_291 : memref<10240x64xf32, #tpu.memory_space<hbm>>) dst(%arg11 : memref<128x64xf32, #tpu.memory_space<vmem>>)
      %add3A_292 = arith.constant 1 : i32
      %add3A_293 = arith.addi %mul3A_267, %add3A_292 : i32
      %dma_start3A_294 = arith.constant 0 : i32
      %dma_start3A_295 = tpu.memref_slice %arg9[%add3A_293, %dma_start3A_294] : memref<80x128xi32, #tpu.memory_space<vmem>> -> memref<1x128xi32, #tpu.memory_space<vmem>>
      %dma_start3A_296 = tpu.memref_squeeze %dma_start3A_295 : memref<1x128xi32, #tpu.memory_space<vmem>> -> memref<128xi32, #tpu.memory_space<vmem>>
      %dma_start3A_297 = arith.constant 0 : i32
      %dma_start3A_298 = arith.constant 0 : i32
      %dma_start3A_299 = tpu.memref_slice %arg7[%dma_start3A_297, %dma_start3A_298] : memref<10240x64xf32, #tpu.memory_space<vmem_shared>> -> memref<10240x64xf32, #tpu.memory_space<vmem_shared>>
      tpu.enqueue_indirect_dma source(%arg11 : memref<128x64xf32, #tpu.memory_space<vmem>>) target(%dma_start3A_299 : memref<10240x64xf32, #tpu.memory_space<vmem_shared>>) offsets(%dma_start3A_296 : memref<128xi32, #tpu.memory_space<vmem>>) semaphore(%arg27 : memref<!tpu.dma_semaphore, #tpu.memory_space<semaphore_mem>>) {add = true}
      %add3A_300 = arith.constant 2 : i32
      %add3A_301 = arith.addi %mul3A_267, %add3A_300 : i32
      %dma_wait3A_302 = arith.constant 0 : i32
      %dma_wait3A_303 = tpu.memref_slice %arg8[%add3A_301, %dma_wait3A_302] : memref<80x128xi32, #tpu.memory_space<vmem>> -> memref<1x128xi32, #tpu.memory_space<vmem>>
      %dma_wait3A_304 = tpu.memref_squeeze %dma_wait3A_303 : memref<1x128xi32, #tpu.memory_space<vmem>> -> memref<128xi32, #tpu.memory_space<vmem>>
      %dma_wait3A_305 = arith.constant 0 : i32
      %dma_wait3A_306 = arith.constant 0 : i32
      %dma_wait3A_307 = tpu.memref_slice %arg2[%dma_wait3A_305, %dma_wait3A_306] : memref<10240x64xf32, #tpu.memory_space<hbm>> -> memref<10240x64xf32, #tpu.memory_space<hbm>>
      tpu.wait_indirect_dma semaphore(%arg20 : memref<!tpu.dma_semaphore, #tpu.memory_space<semaphore_mem>>) src(%dma_wait3A_307 : memref<10240x64xf32, #tpu.memory_space<hbm>>) dst(%arg12 : memref<128x64xf32, #tpu.memory_space<vmem>>)
      %add3A_308 = arith.constant 2 : i32
      %add3A_309 = arith.addi %mul3A_267, %add3A_308 : i32
      %dma_start3A_310 = arith.constant 0 : i32
      %dma_start3A_311 = tpu.memref_slice %arg9[%add3A_309, %dma_start3A_310] : memref<80x128xi32, #tpu.memory_space<vmem>> -> memref<1x128xi32, #tpu.memory_space<vmem>>
      %dma_start3A_312 = tpu.memref_squeeze %dma_start3A_311 : memref<1x128xi32, #tpu.memory_space<vmem>> -> memref<128xi32, #tpu.memory_space<vmem>>
      %dma_start3A_313 = arith.constant 0 : i32
      %dma_start3A_314 = arith.constant 0 : i32
      %dma_start3A_315 = tpu.memref_slice %arg7[%dma_start3A_313, %dma_start3A_314] : memref<10240x64xf32, #tpu.memory_space<vmem_shared>> -> memref<10240x64xf32, #tpu.memory_space<vmem_shared>>
      tpu.enqueue_indirect_dma source(%arg12 : memref<128x64xf32, #tpu.memory_space<vmem>>) target(%dma_start3A_315 : memref<10240x64xf32, #tpu.memory_space<vmem_shared>>) offsets(%dma_start3A_312 : memref<128xi32, #tpu.memory_space<vmem>>) semaphore(%arg28 : memref<!tpu.dma_semaphore, #tpu.memory_space<semaphore_mem>>) {add = true}
      %add3A_316 = arith.constant 3 : i32
      %add3A_317 = arith.addi %mul3A_267, %add3A_316 : i32
      %dma_wait3A_318 = arith.constant 0 : i32
      %dma_wait3A_319 = tpu.memref_slice %arg8[%add3A_317, %dma_wait3A_318] : memref<80x128xi32, #tpu.memory_space<vmem>> -> memref<1x128xi32, #tpu.memory_space<vmem>>
      %dma_wait3A_320 = tpu.memref_squeeze %dma_wait3A_319 : memref<1x128xi32, #tpu.memory_space<vmem>> -> memref<128xi32, #tpu.memory_space<vmem>>
      %dma_wait3A_321 = arith.constant 0 : i32
      %dma_wait3A_322 = arith.constant 0 : i32
      %dma_wait3A_323 = tpu.memref_slice %arg2[%dma_wait3A_321, %dma_wait3A_322] : memref<10240x64xf32, #tpu.memory_space<hbm>> -> memref<10240x64xf32, #tpu.memory_space<hbm>>
      tpu.wait_indirect_dma semaphore(%arg21 : memref<!tpu.dma_semaphore, #tpu.memory_space<semaphore_mem>>) src(%dma_wait3A_323 : memref<10240x64xf32, #tpu.memory_space<hbm>>) dst(%arg13 : memref<128x64xf32, #tpu.memory_space<vmem>>)
      %add3A_324 = arith.constant 3 : i32
      %add3A_325 = arith.addi %mul3A_267, %add3A_324 : i32
      %dma_start3A_326 = arith.constant 0 : i32
      %dma_start3A_327 = tpu.memref_slice %arg9[%add3A_325, %dma_start3A_326] : memref<80x128xi32, #tpu.memory_space<vmem>> -> memref<1x128xi32, #tpu.memory_space<vmem>>
      %dma_start3A_328 = tpu.memref_squeeze %dma_start3A_327 : memref<1x128xi32, #tpu.memory_space<vmem>> -> memref<128xi32, #tpu.memory_space<vmem>>
      %dma_start3A_329 = arith.constant 0 : i32
      %dma_start3A_330 = arith.constant 0 : i32
      %dma_start3A_331 = tpu.memref_slice %arg7[%dma_start3A_329, %dma_start3A_330] : memref<10240x64xf32, #tpu.memory_space<vmem_shared>> -> memref<10240x64xf32, #tpu.memory_space<vmem_shared>>
      tpu.enqueue_indirect_dma source(%arg13 : memref<128x64xf32, #tpu.memory_space<vmem>>) target(%dma_start3A_331 : memref<10240x64xf32, #tpu.memory_space<vmem_shared>>) offsets(%dma_start3A_328 : memref<128xi32, #tpu.memory_space<vmem>>) semaphore(%arg29 : memref<!tpu.dma_semaphore, #tpu.memory_space<semaphore_mem>>) {add = true}
      %add3A_332 = arith.constant 4 : i32
      %add3A_333 = arith.addi %mul3A_267, %add3A_332 : i32
      %dma_wait3A_334 = arith.constant 0 : i32
      %dma_wait3A_335 = tpu.memref_slice %arg8[%add3A_333, %dma_wait3A_334] : memref<80x128xi32, #tpu.memory_space<vmem>> -> memref<1x128xi32, #tpu.memory_space<vmem>>
      %dma_wait3A_336 = tpu.memref_squeeze %dma_wait3A_335 : memref<1x128xi32, #tpu.memory_space<vmem>> -> memref<128xi32, #tpu.memory_space<vmem>>
      %dma_wait3A_337 = arith.constant 0 : i32
      %dma_wait3A_338 = arith.constant 0 : i32
      %dma_wait3A_339 = tpu.memref_slice %arg2[%dma_wait3A_337, %dma_wait3A_338] : memref<10240x64xf32, #tpu.memory_space<hbm>> -> memref<10240x64xf32, #tpu.memory_space<hbm>>
      tpu.wait_indirect_dma semaphore(%arg22 : memref<!tpu.dma_semaphore, #tpu.memory_space<semaphore_mem>>) src(%dma_wait3A_339 : memref<10240x64xf32, #tpu.memory_space<hbm>>) dst(%arg14 : memref<128x64xf32, #tpu.memory_space<vmem>>)
      %add3A_340 = arith.constant 4 : i32
      %add3A_341 = arith.addi %mul3A_267, %add3A_340 : i32
      %dma_start3A_342 = arith.constant 0 : i32
      %dma_start3A_343 = tpu.memref_slice %arg9[%add3A_341, %dma_start3A_342] : memref<80x128xi32, #tpu.memory_space<vmem>> -> memref<1x128xi32, #tpu.memory_space<vmem>>
      %dma_start3A_344 = tpu.memref_squeeze %dma_start3A_343 : memref<1x128xi32, #tpu.memory_space<vmem>> -> memref<128xi32, #tpu.memory_space<vmem>>
      %dma_start3A_345 = arith.constant 0 : i32
      %dma_start3A_346 = arith.constant 0 : i32
      %dma_start3A_347 = tpu.memref_slice %arg7[%dma_start3A_345, %dma_start3A_346] : memref<10240x64xf32, #tpu.memory_space<vmem_shared>> -> memref<10240x64xf32, #tpu.memory_space<vmem_shared>>
      tpu.enqueue_indirect_dma source(%arg14 : memref<128x64xf32, #tpu.memory_space<vmem>>) target(%dma_start3A_347 : memref<10240x64xf32, #tpu.memory_space<vmem_shared>>) offsets(%dma_start3A_344 : memref<128xi32, #tpu.memory_space<vmem>>) semaphore(%arg30 : memref<!tpu.dma_semaphore, #tpu.memory_space<semaphore_mem>>) {add = true}
      %add3A_348 = arith.constant 5 : i32
      %add3A_349 = arith.addi %mul3A_267, %add3A_348 : i32
      %dma_wait3A_350 = arith.constant 0 : i32
      %dma_wait3A_351 = tpu.memref_slice %arg8[%add3A_349, %dma_wait3A_350] : memref<80x128xi32, #tpu.memory_space<vmem>> -> memref<1x128xi32, #tpu.memory_space<vmem>>
      %dma_wait3A_352 = tpu.memref_squeeze %dma_wait3A_351 : memref<1x128xi32, #tpu.memory_space<vmem>> -> memref<128xi32, #tpu.memory_space<vmem>>
      %dma_wait3A_353 = arith.constant 0 : i32
      %dma_wait3A_354 = arith.constant 0 : i32
      %dma_wait3A_355 = tpu.memref_slice %arg2[%dma_wait3A_353, %dma_wait3A_354] : memref<10240x64xf32, #tpu.memory_space<hbm>> -> memref<10240x64xf32, #tpu.memory_space<hbm>>
      tpu.wait_indirect_dma semaphore(%arg23 : memref<!tpu.dma_semaphore, #tpu.memory_space<semaphore_mem>>) src(%dma_wait3A_355 : memref<10240x64xf32, #tpu.memory_space<hbm>>) dst(%arg15 : memref<128x64xf32, #tpu.memory_space<vmem>>)
      %add3A_356 = arith.constant 5 : i32
      %add3A_357 = arith.addi %mul3A_267, %add3A_356 : i32
      %dma_start3A_358 = arith.constant 0 : i32
      %dma_start3A_359 = tpu.memref_slice %arg9[%add3A_357, %dma_start3A_358] : memref<80x128xi32, #tpu.memory_space<vmem>> -> memref<1x128xi32, #tpu.memory_space<vmem>>
      %dma_start3A_360 = tpu.memref_squeeze %dma_start3A_359 : memref<1x128xi32, #tpu.memory_space<vmem>> -> memref<128xi32, #tpu.memory_space<vmem>>
      %dma_start3A_361 = arith.constant 0 : i32
      %dma_start3A_362 = arith.constant 0 : i32
      %dma_start3A_363 = tpu.memref_slice %arg7[%dma_start3A_361, %dma_start3A_362] : memref<10240x64xf32, #tpu.memory_space<vmem_shared>> -> memref<10240x64xf32, #tpu.memory_space<vmem_shared>>
      tpu.enqueue_indirect_dma source(%arg15 : memref<128x64xf32, #tpu.memory_space<vmem>>) target(%dma_start3A_363 : memref<10240x64xf32, #tpu.memory_space<vmem_shared>>) offsets(%dma_start3A_360 : memref<128xi32, #tpu.memory_space<vmem>>) semaphore(%arg31 : memref<!tpu.dma_semaphore, #tpu.memory_space<semaphore_mem>>) {add = true}
      %add3A_364 = arith.constant 6 : i32
      %add3A_365 = arith.addi %mul3A_267, %add3A_364 : i32
      %dma_wait3A_366 = arith.constant 0 : i32
      %dma_wait3A_367 = tpu.memref_slice %arg8[%add3A_365, %dma_wait3A_366] : memref<80x128xi32, #tpu.memory_space<vmem>> -> memref<1x128xi32, #tpu.memory_space<vmem>>
      %dma_wait3A_368 = tpu.memref_squeeze %dma_wait3A_367 : memref<1x128xi32, #tpu.memory_space<vmem>> -> memref<128xi32, #tpu.memory_space<vmem>>
      %dma_wait3A_369 = arith.constant 0 : i32
      %dma_wait3A_370 = arith.constant 0 : i32
      %dma_wait3A_371 = tpu.memref_slice %arg2[%dma_wait3A_369, %dma_wait3A_370] : memref<10240x64xf32, #tpu.memory_space<hbm>> -> memref<10240x64xf32, #tpu.memory_space<hbm>>
      tpu.wait_indirect_dma semaphore(%arg24 : memref<!tpu.dma_semaphore, #tpu.memory_space<semaphore_mem>>) src(%dma_wait3A_371 : memref<10240x64xf32, #tpu.memory_space<hbm>>) dst(%arg16 : memref<128x64xf32, #tpu.memory_space<vmem>>)
      %add3A_372 = arith.constant 6 : i32
      %add3A_373 = arith.addi %mul3A_267, %add3A_372 : i32
      %dma_start3A_374 = arith.constant 0 : i32
      %dma_start3A_375 = tpu.memref_slice %arg9[%add3A_373, %dma_start3A_374] : memref<80x128xi32, #tpu.memory_space<vmem>> -> memref<1x128xi32, #tpu.memory_space<vmem>>
      %dma_start3A_376 = tpu.memref_squeeze %dma_start3A_375 : memref<1x128xi32, #tpu.memory_space<vmem>> -> memref<128xi32, #tpu.memory_space<vmem>>
      %dma_start3A_377 = arith.constant 0 : i32
      %dma_start3A_378 = arith.constant 0 : i32
      %dma_start3A_379 = tpu.memref_slice %arg7[%dma_start3A_377, %dma_start3A_378] : memref<10240x64xf32, #tpu.memory_space<vmem_shared>> -> memref<10240x64xf32, #tpu.memory_space<vmem_shared>>
      tpu.enqueue_indirect_dma source(%arg16 : memref<128x64xf32, #tpu.memory_space<vmem>>) target(%dma_start3A_379 : memref<10240x64xf32, #tpu.memory_space<vmem_shared>>) offsets(%dma_start3A_376 : memref<128xi32, #tpu.memory_space<vmem>>) semaphore(%arg32 : memref<!tpu.dma_semaphore, #tpu.memory_space<semaphore_mem>>) {add = true}
      %add3A_380 = arith.constant 7 : i32
      %add3A_381 = arith.addi %mul3A_267, %add3A_380 : i32
      %dma_wait3A_382 = arith.constant 0 : i32
      %dma_wait3A_383 = tpu.memref_slice %arg8[%add3A_381, %dma_wait3A_382] : memref<80x128xi32, #tpu.memory_space<vmem>> -> memref<1x128xi32, #tpu.memory_space<vmem>>
      %dma_wait3A_384 = tpu.memref_squeeze %dma_wait3A_383 : memref<1x128xi32, #tpu.memory_space<vmem>> -> memref<128xi32, #tpu.memory_space<vmem>>
      %dma_wait3A_385 = arith.constant 0 : i32
      %dma_wait3A_386 = arith.constant 0 : i32
      %dma_wait3A_387 = tpu.memref_slice %arg2[%dma_wait3A_385, %dma_wait3A_386] : memref<10240x64xf32, #tpu.memory_space<hbm>> -> memref<10240x64xf32, #tpu.memory_space<hbm>>
      tpu.wait_indirect_dma semaphore(%arg25 : memref<!tpu.dma_semaphore, #tpu.memory_space<semaphore_mem>>) src(%dma_wait3A_387 : memref<10240x64xf32, #tpu.memory_space<hbm>>) dst(%arg17 : memref<128x64xf32, #tpu.memory_space<vmem>>)
      %add3A_388 = arith.constant 7 : i32
      %add3A_389 = arith.addi %mul3A_267, %add3A_388 : i32
      %dma_start3A_390 = arith.constant 0 : i32
      %dma_start3A_391 = tpu.memref_slice %arg9[%add3A_389, %dma_start3A_390] : memref<80x128xi32, #tpu.memory_space<vmem>> -> memref<1x128xi32, #tpu.memory_space<vmem>>
      %dma_start3A_392 = tpu.memref_squeeze %dma_start3A_391 : memref<1x128xi32, #tpu.memory_space<vmem>> -> memref<128xi32, #tpu.memory_space<vmem>>
      %dma_start3A_393 = arith.constant 0 : i32
      %dma_start3A_394 = arith.constant 0 : i32
      %dma_start3A_395 = tpu.memref_slice %arg7[%dma_start3A_393, %dma_start3A_394] : memref<10240x64xf32, #tpu.memory_space<vmem_shared>> -> memref<10240x64xf32, #tpu.memory_space<vmem_shared>>
      tpu.enqueue_indirect_dma source(%arg17 : memref<128x64xf32, #tpu.memory_space<vmem>>) target(%dma_start3A_395 : memref<10240x64xf32, #tpu.memory_space<vmem_shared>>) offsets(%dma_start3A_392 : memref<128xi32, #tpu.memory_space<vmem>>) semaphore(%arg33 : memref<!tpu.dma_semaphore, #tpu.memory_space<semaphore_mem>>) {add = true}
      %add3A_396 = arith.constant 0 : i32
      %add3A_397 = arith.addi %mul3A_267, %add3A_396 : i32
      %dma_wait3A_398 = arith.constant 0 : i32
      %dma_wait3A_399 = tpu.memref_slice %arg9[%add3A_397, %dma_wait3A_398] : memref<80x128xi32, #tpu.memory_space<vmem>> -> memref<1x128xi32, #tpu.memory_space<vmem>>
      %dma_wait3A_400 = tpu.memref_squeeze %dma_wait3A_399 : memref<1x128xi32, #tpu.memory_space<vmem>> -> memref<128xi32, #tpu.memory_space<vmem>>
      %dma_wait3A_401 = arith.constant 0 : i32
      %dma_wait3A_402 = arith.constant 0 : i32
      %dma_wait3A_403 = tpu.memref_slice %arg7[%dma_wait3A_401, %dma_wait3A_402] : memref<10240x64xf32, #tpu.memory_space<vmem_shared>> -> memref<10240x64xf32, #tpu.memory_space<vmem_shared>>
      tpu.wait_indirect_dma semaphore(%arg26 : memref<!tpu.dma_semaphore, #tpu.memory_space<semaphore_mem>>) src(%arg10 : memref<128x64xf32, #tpu.memory_space<vmem>>) dst(%dma_wait3A_403 : memref<10240x64xf32, #tpu.memory_space<vmem_shared>>)
      %add3A_404 = arith.constant 8 : i32
      %add3A_405 = arith.addi %mul3A_267, %add3A_404 : i32
      %add3A_406 = arith.constant 0 : i32
      %add3A_407 = arith.addi %add3A_405, %add3A_406 : i32
      %dma_start3A_408 = arith.constant 0 : i32
      %dma_start3A_409 = tpu.memref_slice %arg8[%add3A_407, %dma_start3A_408] : memref<80x128xi32, #tpu.memory_space<vmem>> -> memref<1x128xi32, #tpu.memory_space<vmem>>
      %dma_start3A_410 = tpu.memref_squeeze %dma_start3A_409 : memref<1x128xi32, #tpu.memory_space<vmem>> -> memref<128xi32, #tpu.memory_space<vmem>>
      %dma_start3A_411 = arith.constant 0 : i32
      %dma_start3A_412 = arith.constant 0 : i32
      %dma_start3A_413 = tpu.memref_slice %arg2[%dma_start3A_411, %dma_start3A_412] : memref<10240x64xf32, #tpu.memory_space<hbm>> -> memref<10240x64xf32, #tpu.memory_space<hbm>>
      tpu.enqueue_indirect_dma source(%dma_start3A_413 : memref<10240x64xf32, #tpu.memory_space<hbm>>) target(%arg10 : memref<128x64xf32, #tpu.memory_space<vmem>>) offsets(%dma_start3A_410 : memref<128xi32, #tpu.memory_space<vmem>>) semaphore(%arg18 : memref<!tpu.dma_semaphore, #tpu.memory_space<semaphore_mem>>)
      %add3A_414 = arith.constant 1 : i32
      %add3A_415 = arith.addi %mul3A_267, %add3A_414 : i32
      %dma_wait3A_416 = arith.constant 0 : i32
      %dma_wait3A_417 = tpu.memref_slice %arg9[%add3A_415, %dma_wait3A_416] : memref<80x128xi32, #tpu.memory_space<vmem>> -> memref<1x128xi32, #tpu.memory_space<vmem>>
      %dma_wait3A_418 = tpu.memref_squeeze %dma_wait3A_417 : memref<1x128xi32, #tpu.memory_space<vmem>> -> memref<128xi32, #tpu.memory_space<vmem>>
      %dma_wait3A_419 = arith.constant 0 : i32
      %dma_wait3A_420 = arith.constant 0 : i32
      %dma_wait3A_421 = tpu.memref_slice %arg7[%dma_wait3A_419, %dma_wait3A_420] : memref<10240x64xf32, #tpu.memory_space<vmem_shared>> -> memref<10240x64xf32, #tpu.memory_space<vmem_shared>>
      tpu.wait_indirect_dma semaphore(%arg27 : memref<!tpu.dma_semaphore, #tpu.memory_space<semaphore_mem>>) src(%arg11 : memref<128x64xf32, #tpu.memory_space<vmem>>) dst(%dma_wait3A_421 : memref<10240x64xf32, #tpu.memory_space<vmem_shared>>)
      %add3A_422 = arith.constant 8 : i32
      %add3A_423 = arith.addi %mul3A_267, %add3A_422 : i32
      %add3A_424 = arith.constant 1 : i32
      %add3A_425 = arith.addi %add3A_423, %add3A_424 : i32
      %dma_start3A_426 = arith.constant 0 : i32
      %dma_start3A_427 = tpu.memref_slice %arg8[%add3A_425, %dma_start3A_426] : memref<80x128xi32, #tpu.memory_space<vmem>> -> memref<1x128xi32, #tpu.memory_space<vmem>>
      %dma_start3A_428 = tpu.memref_squeeze %dma_start3A_427 : memref<1x128xi32, #tpu.memory_space<vmem>> -> memref<128xi32, #tpu.memory_space<vmem>>
      %dma_start3A_429 = arith.constant 0 : i32
      %dma_start3A_430 = arith.constant 0 : i32
      %dma_start3A_431 = tpu.memref_slice %arg2[%dma_start3A_429, %dma_start3A_430] : memref<10240x64xf32, #tpu.memory_space<hbm>> -> memref<10240x64xf32, #tpu.memory_space<hbm>>
      tpu.enqueue_indirect_dma source(%dma_start3A_431 : memref<10240x64xf32, #tpu.memory_space<hbm>>) target(%arg11 : memref<128x64xf32, #tpu.memory_space<vmem>>) offsets(%dma_start3A_428 : memref<128xi32, #tpu.memory_space<vmem>>) semaphore(%arg19 : memref<!tpu.dma_semaphore, #tpu.memory_space<semaphore_mem>>)
      %add3A_432 = arith.constant 2 : i32
      %add3A_433 = arith.addi %mul3A_267, %add3A_432 : i32
      %dma_wait3A_434 = arith.constant 0 : i32
      %dma_wait3A_435 = tpu.memref_slice %arg9[%add3A_433, %dma_wait3A_434] : memref<80x128xi32, #tpu.memory_space<vmem>> -> memref<1x128xi32, #tpu.memory_space<vmem>>
      %dma_wait3A_436 = tpu.memref_squeeze %dma_wait3A_435 : memref<1x128xi32, #tpu.memory_space<vmem>> -> memref<128xi32, #tpu.memory_space<vmem>>
      %dma_wait3A_437 = arith.constant 0 : i32
      %dma_wait3A_438 = arith.constant 0 : i32
      %dma_wait3A_439 = tpu.memref_slice %arg7[%dma_wait3A_437, %dma_wait3A_438] : memref<10240x64xf32, #tpu.memory_space<vmem_shared>> -> memref<10240x64xf32, #tpu.memory_space<vmem_shared>>
      tpu.wait_indirect_dma semaphore(%arg28 : memref<!tpu.dma_semaphore, #tpu.memory_space<semaphore_mem>>) src(%arg12 : memref<128x64xf32, #tpu.memory_space<vmem>>) dst(%dma_wait3A_439 : memref<10240x64xf32, #tpu.memory_space<vmem_shared>>)
      %add3A_440 = arith.constant 8 : i32
      %add3A_441 = arith.addi %mul3A_267, %add3A_440 : i32
      %add3A_442 = arith.constant 2 : i32
      %add3A_443 = arith.addi %add3A_441, %add3A_442 : i32
      %dma_start3A_444 = arith.constant 0 : i32
      %dma_start3A_445 = tpu.memref_slice %arg8[%add3A_443, %dma_start3A_444] : memref<80x128xi32, #tpu.memory_space<vmem>> -> memref<1x128xi32, #tpu.memory_space<vmem>>
      %dma_start3A_446 = tpu.memref_squeeze %dma_start3A_445 : memref<1x128xi32, #tpu.memory_space<vmem>> -> memref<128xi32, #tpu.memory_space<vmem>>
      %dma_start3A_447 = arith.constant 0 : i32
      %dma_start3A_448 = arith.constant 0 : i32
      %dma_start3A_449 = tpu.memref_slice %arg2[%dma_start3A_447, %dma_start3A_448] : memref<10240x64xf32, #tpu.memory_space<hbm>> -> memref<10240x64xf32, #tpu.memory_space<hbm>>
      tpu.enqueue_indirect_dma source(%dma_start3A_449 : memref<10240x64xf32, #tpu.memory_space<hbm>>) target(%arg12 : memref<128x64xf32, #tpu.memory_space<vmem>>) offsets(%dma_start3A_446 : memref<128xi32, #tpu.memory_space<vmem>>) semaphore(%arg20 : memref<!tpu.dma_semaphore, #tpu.memory_space<semaphore_mem>>)
      %add3A_450 = arith.constant 3 : i32
      %add3A_451 = arith.addi %mul3A_267, %add3A_450 : i32
      %dma_wait3A_452 = arith.constant 0 : i32
      %dma_wait3A_453 = tpu.memref_slice %arg9[%add3A_451, %dma_wait3A_452] : memref<80x128xi32, #tpu.memory_space<vmem>> -> memref<1x128xi32, #tpu.memory_space<vmem>>
      %dma_wait3A_454 = tpu.memref_squeeze %dma_wait3A_453 : memref<1x128xi32, #tpu.memory_space<vmem>> -> memref<128xi32, #tpu.memory_space<vmem>>
      %dma_wait3A_455 = arith.constant 0 : i32
      %dma_wait3A_456 = arith.constant 0 : i32
      %dma_wait3A_457 = tpu.memref_slice %arg7[%dma_wait3A_455, %dma_wait3A_456] : memref<10240x64xf32, #tpu.memory_space<vmem_shared>> -> memref<10240x64xf32, #tpu.memory_space<vmem_shared>>
      tpu.wait_indirect_dma semaphore(%arg29 : memref<!tpu.dma_semaphore, #tpu.memory_space<semaphore_mem>>) src(%arg13 : memref<128x64xf32, #tpu.memory_space<vmem>>) dst(%dma_wait3A_457 : memref<10240x64xf32, #tpu.memory_space<vmem_shared>>)
      %add3A_458 = arith.constant 8 : i32
      %add3A_459 = arith.addi %mul3A_267, %add3A_458 : i32
      %add3A_460 = arith.constant 3 : i32
      %add3A_461 = arith.addi %add3A_459, %add3A_460 : i32
      %dma_start3A_462 = arith.constant 0 : i32
      %dma_start3A_463 = tpu.memref_slice %arg8[%add3A_461, %dma_start3A_462] : memref<80x128xi32, #tpu.memory_space<vmem>> -> memref<1x128xi32, #tpu.memory_space<vmem>>
      %dma_start3A_464 = tpu.memref_squeeze %dma_start3A_463 : memref<1x128xi32, #tpu.memory_space<vmem>> -> memref<128xi32, #tpu.memory_space<vmem>>
      %dma_start3A_465 = arith.constant 0 : i32
      %dma_start3A_466 = arith.constant 0 : i32
      %dma_start3A_467 = tpu.memref_slice %arg2[%dma_start3A_465, %dma_start3A_466] : memref<10240x64xf32, #tpu.memory_space<hbm>> -> memref<10240x64xf32, #tpu.memory_space<hbm>>
      tpu.enqueue_indirect_dma source(%dma_start3A_467 : memref<10240x64xf32, #tpu.memory_space<hbm>>) target(%arg13 : memref<128x64xf32, #tpu.memory_space<vmem>>) offsets(%dma_start3A_464 : memref<128xi32, #tpu.memory_space<vmem>>) semaphore(%arg21 : memref<!tpu.dma_semaphore, #tpu.memory_space<semaphore_mem>>)
      %add3A_468 = arith.constant 4 : i32
      %add3A_469 = arith.addi %mul3A_267, %add3A_468 : i32
      %dma_wait3A_470 = arith.constant 0 : i32
      %dma_wait3A_471 = tpu.memref_slice %arg9[%add3A_469, %dma_wait3A_470] : memref<80x128xi32, #tpu.memory_space<vmem>> -> memref<1x128xi32, #tpu.memory_space<vmem>>
      %dma_wait3A_472 = tpu.memref_squeeze %dma_wait3A_471 : memref<1x128xi32, #tpu.memory_space<vmem>> -> memref<128xi32, #tpu.memory_space<vmem>>
      %dma_wait3A_473 = arith.constant 0 : i32
      %dma_wait3A_474 = arith.constant 0 : i32
      %dma_wait3A_475 = tpu.memref_slice %arg7[%dma_wait3A_473, %dma_wait3A_474] : memref<10240x64xf32, #tpu.memory_space<vmem_shared>> -> memref<10240x64xf32, #tpu.memory_space<vmem_shared>>
      tpu.wait_indirect_dma semaphore(%arg30 : memref<!tpu.dma_semaphore, #tpu.memory_space<semaphore_mem>>) src(%arg14 : memref<128x64xf32, #tpu.memory_space<vmem>>) dst(%dma_wait3A_475 : memref<10240x64xf32, #tpu.memory_space<vmem_shared>>)
      %add3A_476 = arith.constant 8 : i32
      %add3A_477 = arith.addi %mul3A_267, %add3A_476 : i32
      %add3A_478 = arith.constant 4 : i32
      %add3A_479 = arith.addi %add3A_477, %add3A_478 : i32
      %dma_start3A_480 = arith.constant 0 : i32
      %dma_start3A_481 = tpu.memref_slice %arg8[%add3A_479, %dma_start3A_480] : memref<80x128xi32, #tpu.memory_space<vmem>> -> memref<1x128xi32, #tpu.memory_space<vmem>>
      %dma_start3A_482 = tpu.memref_squeeze %dma_start3A_481 : memref<1x128xi32, #tpu.memory_space<vmem>> -> memref<128xi32, #tpu.memory_space<vmem>>
      %dma_start3A_483 = arith.constant 0 : i32
      %dma_start3A_484 = arith.constant 0 : i32
      %dma_start3A_485 = tpu.memref_slice %arg2[%dma_start3A_483, %dma_start3A_484] : memref<10240x64xf32, #tpu.memory_space<hbm>> -> memref<10240x64xf32, #tpu.memory_space<hbm>>
      tpu.enqueue_indirect_dma source(%dma_start3A_485 : memref<10240x64xf32, #tpu.memory_space<hbm>>) target(%arg14 : memref<128x64xf32, #tpu.memory_space<vmem>>) offsets(%dma_start3A_482 : memref<128xi32, #tpu.memory_space<vmem>>) semaphore(%arg22 : memref<!tpu.dma_semaphore, #tpu.memory_space<semaphore_mem>>)
      %add3A_486 = arith.constant 5 : i32
      %add3A_487 = arith.addi %mul3A_267, %add3A_486 : i32
      %dma_wait3A_488 = arith.constant 0 : i32
      %dma_wait3A_489 = tpu.memref_slice %arg9[%add3A_487, %dma_wait3A_488] : memref<80x128xi32, #tpu.memory_space<vmem>> -> memref<1x128xi32, #tpu.memory_space<vmem>>
      %dma_wait3A_490 = tpu.memref_squeeze %dma_wait3A_489 : memref<1x128xi32, #tpu.memory_space<vmem>> -> memref<128xi32, #tpu.memory_space<vmem>>
      %dma_wait3A_491 = arith.constant 0 : i32
      %dma_wait3A_492 = arith.constant 0 : i32
      %dma_wait3A_493 = tpu.memref_slice %arg7[%dma_wait3A_491, %dma_wait3A_492] : memref<10240x64xf32, #tpu.memory_space<vmem_shared>> -> memref<10240x64xf32, #tpu.memory_space<vmem_shared>>
      tpu.wait_indirect_dma semaphore(%arg31 : memref<!tpu.dma_semaphore, #tpu.memory_space<semaphore_mem>>) src(%arg15 : memref<128x64xf32, #tpu.memory_space<vmem>>) dst(%dma_wait3A_493 : memref<10240x64xf32, #tpu.memory_space<vmem_shared>>)
      %add3A_494 = arith.constant 8 : i32
      %add3A_495 = arith.addi %mul3A_267, %add3A_494 : i32
      %add3A_496 = arith.constant 5 : i32
      %add3A_497 = arith.addi %add3A_495, %add3A_496 : i32
      %dma_start3A_498 = arith.constant 0 : i32
      %dma_start3A_499 = tpu.memref_slice %arg8[%add3A_497, %dma_start3A_498] : memref<80x128xi32, #tpu.memory_space<vmem>> -> memref<1x128xi32, #tpu.memory_space<vmem>>
      %dma_start3A_500 = tpu.memref_squeeze %dma_start3A_499 : memref<1x128xi32, #tpu.memory_space<vmem>> -> memref<128xi32, #tpu.memory_space<vmem>>
      %dma_start3A_501 = arith.constant 0 : i32
      %dma_start3A_502 = arith.constant 0 : i32
      %dma_start3A_503 = tpu.memref_slice %arg2[%dma_start3A_501, %dma_start3A_502] : memref<10240x64xf32, #tpu.memory_space<hbm>> -> memref<10240x64xf32, #tpu.memory_space<hbm>>
      tpu.enqueue_indirect_dma source(%dma_start3A_503 : memref<10240x64xf32, #tpu.memory_space<hbm>>) target(%arg15 : memref<128x64xf32, #tpu.memory_space<vmem>>) offsets(%dma_start3A_500 : memref<128xi32, #tpu.memory_space<vmem>>) semaphore(%arg23 : memref<!tpu.dma_semaphore, #tpu.memory_space<semaphore_mem>>)
      %add3A_504 = arith.constant 6 : i32
      %add3A_505 = arith.addi %mul3A_267, %add3A_504 : i32
      %dma_wait3A_506 = arith.constant 0 : i32
      %dma_wait3A_507 = tpu.memref_slice %arg9[%add3A_505, %dma_wait3A_506] : memref<80x128xi32, #tpu.memory_space<vmem>> -> memref<1x128xi32, #tpu.memory_space<vmem>>
      %dma_wait3A_508 = tpu.memref_squeeze %dma_wait3A_507 : memref<1x128xi32, #tpu.memory_space<vmem>> -> memref<128xi32, #tpu.memory_space<vmem>>
      %dma_wait3A_509 = arith.constant 0 : i32
      %dma_wait3A_510 = arith.constant 0 : i32
      %dma_wait3A_511 = tpu.memref_slice %arg7[%dma_wait3A_509, %dma_wait3A_510] : memref<10240x64xf32, #tpu.memory_space<vmem_shared>> -> memref<10240x64xf32, #tpu.memory_space<vmem_shared>>
      tpu.wait_indirect_dma semaphore(%arg32 : memref<!tpu.dma_semaphore, #tpu.memory_space<semaphore_mem>>) src(%arg16 : memref<128x64xf32, #tpu.memory_space<vmem>>) dst(%dma_wait3A_511 : memref<10240x64xf32, #tpu.memory_space<vmem_shared>>)
      %add3A_512 = arith.constant 8 : i32
      %add3A_513 = arith.addi %mul3A_267, %add3A_512 : i32
      %add3A_514 = arith.constant 6 : i32
      %add3A_515 = arith.addi %add3A_513, %add3A_514 : i32
      %dma_start3A_516 = arith.constant 0 : i32
      %dma_start3A_517 = tpu.memref_slice %arg8[%add3A_515, %dma_start3A_516] : memref<80x128xi32, #tpu.memory_space<vmem>> -> memref<1x128xi32, #tpu.memory_space<vmem>>
      %dma_start3A_518 = tpu.memref_squeeze %dma_start3A_517 : memref<1x128xi32, #tpu.memory_space<vmem>> -> memref<128xi32, #tpu.memory_space<vmem>>
      %dma_start3A_519 = arith.constant 0 : i32
      %dma_start3A_520 = arith.constant 0 : i32
      %dma_start3A_521 = tpu.memref_slice %arg2[%dma_start3A_519, %dma_start3A_520] : memref<10240x64xf32, #tpu.memory_space<hbm>> -> memref<10240x64xf32, #tpu.memory_space<hbm>>
      tpu.enqueue_indirect_dma source(%dma_start3A_521 : memref<10240x64xf32, #tpu.memory_space<hbm>>) target(%arg16 : memref<128x64xf32, #tpu.memory_space<vmem>>) offsets(%dma_start3A_518 : memref<128xi32, #tpu.memory_space<vmem>>) semaphore(%arg24 : memref<!tpu.dma_semaphore, #tpu.memory_space<semaphore_mem>>)
      %add3A_522 = arith.constant 7 : i32
      %add3A_523 = arith.addi %mul3A_267, %add3A_522 : i32
      %dma_wait3A_524 = arith.constant 0 : i32
      %dma_wait3A_525 = tpu.memref_slice %arg9[%add3A_523, %dma_wait3A_524] : memref<80x128xi32, #tpu.memory_space<vmem>> -> memref<1x128xi32, #tpu.memory_space<vmem>>
      %dma_wait3A_526 = tpu.memref_squeeze %dma_wait3A_525 : memref<1x128xi32, #tpu.memory_space<vmem>> -> memref<128xi32, #tpu.memory_space<vmem>>
      %dma_wait3A_527 = arith.constant 0 : i32
      %dma_wait3A_528 = arith.constant 0 : i32
      %dma_wait3A_529 = tpu.memref_slice %arg7[%dma_wait3A_527, %dma_wait3A_528] : memref<10240x64xf32, #tpu.memory_space<vmem_shared>> -> memref<10240x64xf32, #tpu.memory_space<vmem_shared>>
      tpu.wait_indirect_dma semaphore(%arg33 : memref<!tpu.dma_semaphore, #tpu.memory_space<semaphore_mem>>) src(%arg17 : memref<128x64xf32, #tpu.memory_space<vmem>>) dst(%dma_wait3A_529 : memref<10240x64xf32, #tpu.memory_space<vmem_shared>>)
      %add3A_530 = arith.constant 8 : i32
      %add3A_531 = arith.addi %mul3A_267, %add3A_530 : i32
      %add3A_532 = arith.constant 7 : i32
      %add3A_533 = arith.addi %add3A_531, %add3A_532 : i32
      %dma_start3A_534 = arith.constant 0 : i32
      %dma_start3A_535 = tpu.memref_slice %arg8[%add3A_533, %dma_start3A_534] : memref<80x128xi32, #tpu.memory_space<vmem>> -> memref<1x128xi32, #tpu.memory_space<vmem>>
      %dma_start3A_536 = tpu.memref_squeeze %dma_start3A_535 : memref<1x128xi32, #tpu.memory_space<vmem>> -> memref<128xi32, #tpu.memory_space<vmem>>
      %dma_start3A_537 = arith.constant 0 : i32
      %dma_start3A_538 = arith.constant 0 : i32
      %dma_start3A_539 = tpu.memref_slice %arg2[%dma_start3A_537, %dma_start3A_538] : memref<10240x64xf32, #tpu.memory_space<hbm>> -> memref<10240x64xf32, #tpu.memory_space<hbm>>
      tpu.enqueue_indirect_dma source(%dma_start3A_539 : memref<10240x64xf32, #tpu.memory_space<hbm>>) target(%arg17 : memref<128x64xf32, #tpu.memory_space<vmem>>) offsets(%dma_start3A_536 : memref<128xi32, #tpu.memory_space<vmem>>) semaphore(%arg25 : memref<!tpu.dma_semaphore, #tpu.memory_space<semaphore_mem>>)
    }
    %scan3A_91 = arith.constant 9 : i32
    %dma_wait3A_92 = arith.constant 72 : i32
    %dma_wait3A_93 = arith.constant 0 : i32
    %dma_wait3A_94 = tpu.memref_slice %arg8[%dma_wait3A_92, %dma_wait3A_93] : memref<80x128xi32, #tpu.memory_space<vmem>> -> memref<1x128xi32, #tpu.memory_space<vmem>>
    %dma_wait3A_95 = tpu.memref_squeeze %dma_wait3A_94 : memref<1x128xi32, #tpu.memory_space<vmem>> -> memref<128xi32, #tpu.memory_space<vmem>>
    %dma_wait3A_96 = arith.constant 0 : i32
    %dma_wait3A_97 = arith.constant 0 : i32
    %dma_wait3A_98 = tpu.memref_slice %arg2[%dma_wait3A_96, %dma_wait3A_97] : memref<10240x64xf32, #tpu.memory_space<hbm>> -> memref<10240x64xf32, #tpu.memory_space<hbm>>
    tpu.wait_indirect_dma semaphore(%arg18 : memref<!tpu.dma_semaphore, #tpu.memory_space<semaphore_mem>>) src(%dma_wait3A_98 : memref<10240x64xf32, #tpu.memory_space<hbm>>) dst(%arg10 : memref<128x64xf32, #tpu.memory_space<vmem>>)
    %dma_start3A_99 = arith.constant 72 : i32
    %dma_start3A_100 = arith.constant 0 : i32
    %dma_start3A_101 = tpu.memref_slice %arg9[%dma_start3A_99, %dma_start3A_100] : memref<80x128xi32, #tpu.memory_space<vmem>> -> memref<1x128xi32, #tpu.memory_space<vmem>>
    %dma_start3A_102 = tpu.memref_squeeze %dma_start3A_101 : memref<1x128xi32, #tpu.memory_space<vmem>> -> memref<128xi32, #tpu.memory_space<vmem>>
    %dma_start3A_103 = arith.constant 0 : i32
    %dma_start3A_104 = arith.constant 0 : i32
    %dma_start3A_105 = tpu.memref_slice %arg7[%dma_start3A_103, %dma_start3A_104] : memref<10240x64xf32, #tpu.memory_space<vmem_shared>> -> memref<10240x64xf32, #tpu.memory_space<vmem_shared>>
    tpu.enqueue_indirect_dma source(%arg10 : memref<128x64xf32, #tpu.memory_space<vmem>>) target(%dma_start3A_105 : memref<10240x64xf32, #tpu.memory_space<vmem_shared>>) offsets(%dma_start3A_102 : memref<128xi32, #tpu.memory_space<vmem>>) semaphore(%arg26 : memref<!tpu.dma_semaphore, #tpu.memory_space<semaphore_mem>>) {add = true}
    %dma_wait3A_106 = arith.constant 73 : i32
    %dma_wait3A_107 = arith.constant 0 : i32
    %dma_wait3A_108 = tpu.memref_slice %arg8[%dma_wait3A_106, %dma_wait3A_107] : memref<80x128xi32, #tpu.memory_space<vmem>> -> memref<1x128xi32, #tpu.memory_space<vmem>>
    %dma_wait3A_109 = tpu.memref_squeeze %dma_wait3A_108 : memref<1x128xi32, #tpu.memory_space<vmem>> -> memref<128xi32, #tpu.memory_space<vmem>>
    %dma_wait3A_110 = arith.constant 0 : i32
    %dma_wait3A_111 = arith.constant 0 : i32
    %dma_wait3A_112 = tpu.memref_slice %arg2[%dma_wait3A_110, %dma_wait3A_111] : memref<10240x64xf32, #tpu.memory_space<hbm>> -> memref<10240x64xf32, #tpu.memory_space<hbm>>
    tpu.wait_indirect_dma semaphore(%arg19 : memref<!tpu.dma_semaphore, #tpu.memory_space<semaphore_mem>>) src(%dma_wait3A_112 : memref<10240x64xf32, #tpu.memory_space<hbm>>) dst(%arg11 : memref<128x64xf32, #tpu.memory_space<vmem>>)
    %dma_start3A_113 = arith.constant 73 : i32
    %dma_start3A_114 = arith.constant 0 : i32
    %dma_start3A_115 = tpu.memref_slice %arg9[%dma_start3A_113, %dma_start3A_114] : memref<80x128xi32, #tpu.memory_space<vmem>> -> memref<1x128xi32, #tpu.memory_space<vmem>>
    %dma_start3A_116 = tpu.memref_squeeze %dma_start3A_115 : memref<1x128xi32, #tpu.memory_space<vmem>> -> memref<128xi32, #tpu.memory_space<vmem>>
    %dma_start3A_117 = arith.constant 0 : i32
    %dma_start3A_118 = arith.constant 0 : i32
    %dma_start3A_119 = tpu.memref_slice %arg7[%dma_start3A_117, %dma_start3A_118] : memref<10240x64xf32, #tpu.memory_space<vmem_shared>> -> memref<10240x64xf32, #tpu.memory_space<vmem_shared>>
    tpu.enqueue_indirect_dma source(%arg11 : memref<128x64xf32, #tpu.memory_space<vmem>>) target(%dma_start3A_119 : memref<10240x64xf32, #tpu.memory_space<vmem_shared>>) offsets(%dma_start3A_116 : memref<128xi32, #tpu.memory_space<vmem>>) semaphore(%arg27 : memref<!tpu.dma_semaphore, #tpu.memory_space<semaphore_mem>>) {add = true}
    %dma_wait3A_120 = arith.constant 74 : i32
    %dma_wait3A_121 = arith.constant 0 : i32
    %dma_wait3A_122 = tpu.memref_slice %arg8[%dma_wait3A_120, %dma_wait3A_121] : memref<80x128xi32, #tpu.memory_space<vmem>> -> memref<1x128xi32, #tpu.memory_space<vmem>>
    %dma_wait3A_123 = tpu.memref_squeeze %dma_wait3A_122 : memref<1x128xi32, #tpu.memory_space<vmem>> -> memref<128xi32, #tpu.memory_space<vmem>>
    %dma_wait3A_124 = arith.constant 0 : i32
    %dma_wait3A_125 = arith.constant 0 : i32
    %dma_wait3A_126 = tpu.memref_slice %arg2[%dma_wait3A_124, %dma_wait3A_125] : memref<10240x64xf32, #tpu.memory_space<hbm>> -> memref<10240x64xf32, #tpu.memory_space<hbm>>
    tpu.wait_indirect_dma semaphore(%arg20 : memref<!tpu.dma_semaphore, #tpu.memory_space<semaphore_mem>>) src(%dma_wait3A_126 : memref<10240x64xf32, #tpu.memory_space<hbm>>) dst(%arg12 : memref<128x64xf32, #tpu.memory_space<vmem>>)
    %dma_start3A_127 = arith.constant 74 : i32
    %dma_start3A_128 = arith.constant 0 : i32
    %dma_start3A_129 = tpu.memref_slice %arg9[%dma_start3A_127, %dma_start3A_128] : memref<80x128xi32, #tpu.memory_space<vmem>> -> memref<1x128xi32, #tpu.memory_space<vmem>>
    %dma_start3A_130 = tpu.memref_squeeze %dma_start3A_129 : memref<1x128xi32, #tpu.memory_space<vmem>> -> memref<128xi32, #tpu.memory_space<vmem>>
    %dma_start3A_131 = arith.constant 0 : i32
    %dma_start3A_132 = arith.constant 0 : i32
    %dma_start3A_133 = tpu.memref_slice %arg7[%dma_start3A_131, %dma_start3A_132] : memref<10240x64xf32, #tpu.memory_space<vmem_shared>> -> memref<10240x64xf32, #tpu.memory_space<vmem_shared>>
    tpu.enqueue_indirect_dma source(%arg12 : memref<128x64xf32, #tpu.memory_space<vmem>>) target(%dma_start3A_133 : memref<10240x64xf32, #tpu.memory_space<vmem_shared>>) offsets(%dma_start3A_130 : memref<128xi32, #tpu.memory_space<vmem>>) semaphore(%arg28 : memref<!tpu.dma_semaphore, #tpu.memory_space<semaphore_mem>>) {add = true}
    %dma_wait3A_134 = arith.constant 75 : i32
    %dma_wait3A_135 = arith.constant 0 : i32
    %dma_wait3A_136 = tpu.memref_slice %arg8[%dma_wait3A_134, %dma_wait3A_135] : memref<80x128xi32, #tpu.memory_space<vmem>> -> memref<1x128xi32, #tpu.memory_space<vmem>>
    %dma_wait3A_137 = tpu.memref_squeeze %dma_wait3A_136 : memref<1x128xi32, #tpu.memory_space<vmem>> -> memref<128xi32, #tpu.memory_space<vmem>>
    %dma_wait3A_138 = arith.constant 0 : i32
    %dma_wait3A_139 = arith.constant 0 : i32
    %dma_wait3A_140 = tpu.memref_slice %arg2[%dma_wait3A_138, %dma_wait3A_139] : memref<10240x64xf32, #tpu.memory_space<hbm>> -> memref<10240x64xf32, #tpu.memory_space<hbm>>
    tpu.wait_indirect_dma semaphore(%arg21 : memref<!tpu.dma_semaphore, #tpu.memory_space<semaphore_mem>>) src(%dma_wait3A_140 : memref<10240x64xf32, #tpu.memory_space<hbm>>) dst(%arg13 : memref<128x64xf32, #tpu.memory_space<vmem>>)
    %dma_start3A_141 = arith.constant 75 : i32
    %dma_start3A_142 = arith.constant 0 : i32
    %dma_start3A_143 = tpu.memref_slice %arg9[%dma_start3A_141, %dma_start3A_142] : memref<80x128xi32, #tpu.memory_space<vmem>> -> memref<1x128xi32, #tpu.memory_space<vmem>>
    %dma_start3A_144 = tpu.memref_squeeze %dma_start3A_143 : memref<1x128xi32, #tpu.memory_space<vmem>> -> memref<128xi32, #tpu.memory_space<vmem>>
    %dma_start3A_145 = arith.constant 0 : i32
    %dma_start3A_146 = arith.constant 0 : i32
    %dma_start3A_147 = tpu.memref_slice %arg7[%dma_start3A_145, %dma_start3A_146] : memref<10240x64xf32, #tpu.memory_space<vmem_shared>> -> memref<10240x64xf32, #tpu.memory_space<vmem_shared>>
    tpu.enqueue_indirect_dma source(%arg13 : memref<128x64xf32, #tpu.memory_space<vmem>>) target(%dma_start3A_147 : memref<10240x64xf32, #tpu.memory_space<vmem_shared>>) offsets(%dma_start3A_144 : memref<128xi32, #tpu.memory_space<vmem>>) semaphore(%arg29 : memref<!tpu.dma_semaphore, #tpu.memory_space<semaphore_mem>>) {add = true}
    %dma_wait3A_148 = arith.constant 76 : i32
    %dma_wait3A_149 = arith.constant 0 : i32
    %dma_wait3A_150 = tpu.memref_slice %arg8[%dma_wait3A_148, %dma_wait3A_149] : memref<80x128xi32, #tpu.memory_space<vmem>> -> memref<1x128xi32, #tpu.memory_space<vmem>>
    %dma_wait3A_151 = tpu.memref_squeeze %dma_wait3A_150 : memref<1x128xi32, #tpu.memory_space<vmem>> -> memref<128xi32, #tpu.memory_space<vmem>>
    %dma_wait3A_152 = arith.constant 0 : i32
    %dma_wait3A_153 = arith.constant 0 : i32
    %dma_wait3A_154 = tpu.memref_slice %arg2[%dma_wait3A_152, %dma_wait3A_153] : memref<10240x64xf32, #tpu.memory_space<hbm>> -> memref<10240x64xf32, #tpu.memory_space<hbm>>
    tpu.wait_indirect_dma semaphore(%arg22 : memref<!tpu.dma_semaphore, #tpu.memory_space<semaphore_mem>>) src(%dma_wait3A_154 : memref<10240x64xf32, #tpu.memory_space<hbm>>) dst(%arg14 : memref<128x64xf32, #tpu.memory_space<vmem>>)
    %dma_start3A_155 = arith.constant 76 : i32
    %dma_start3A_156 = arith.constant 0 : i32
    %dma_start3A_157 = tpu.memref_slice %arg9[%dma_start3A_155, %dma_start3A_156] : memref<80x128xi32, #tpu.memory_space<vmem>> -> memref<1x128xi32, #tpu.memory_space<vmem>>
    %dma_start3A_158 = tpu.memref_squeeze %dma_start3A_157 : memref<1x128xi32, #tpu.memory_space<vmem>> -> memref<128xi32, #tpu.memory_space<vmem>>
    %dma_start3A_159 = arith.constant 0 : i32
    %dma_start3A_160 = arith.constant 0 : i32
    %dma_start3A_161 = tpu.memref_slice %arg7[%dma_start3A_159, %dma_start3A_160] : memref<10240x64xf32, #tpu.memory_space<vmem_shared>> -> memref<10240x64xf32, #tpu.memory_space<vmem_shared>>
    tpu.enqueue_indirect_dma source(%arg14 : memref<128x64xf32, #tpu.memory_space<vmem>>) target(%dma_start3A_161 : memref<10240x64xf32, #tpu.memory_space<vmem_shared>>) offsets(%dma_start3A_158 : memref<128xi32, #tpu.memory_space<vmem>>) semaphore(%arg30 : memref<!tpu.dma_semaphore, #tpu.memory_space<semaphore_mem>>) {add = true}
    %dma_wait3A_162 = arith.constant 77 : i32
    %dma_wait3A_163 = arith.constant 0 : i32
    %dma_wait3A_164 = tpu.memref_slice %arg8[%dma_wait3A_162, %dma_wait3A_163] : memref<80x128xi32, #tpu.memory_space<vmem>> -> memref<1x128xi32, #tpu.memory_space<vmem>>
    %dma_wait3A_165 = tpu.memref_squeeze %dma_wait3A_164 : memref<1x128xi32, #tpu.memory_space<vmem>> -> memref<128xi32, #tpu.memory_space<vmem>>
    %dma_wait3A_166 = arith.constant 0 : i32
    %dma_wait3A_167 = arith.constant 0 : i32
    %dma_wait3A_168 = tpu.memref_slice %arg2[%dma_wait3A_166, %dma_wait3A_167] : memref<10240x64xf32, #tpu.memory_space<hbm>> -> memref<10240x64xf32, #tpu.memory_space<hbm>>
    tpu.wait_indirect_dma semaphore(%arg23 : memref<!tpu.dma_semaphore, #tpu.memory_space<semaphore_mem>>) src(%dma_wait3A_168 : memref<10240x64xf32, #tpu.memory_space<hbm>>) dst(%arg15 : memref<128x64xf32, #tpu.memory_space<vmem>>)
    %dma_start3A_169 = arith.constant 77 : i32
    %dma_start3A_170 = arith.constant 0 : i32
    %dma_start3A_171 = tpu.memref_slice %arg9[%dma_start3A_169, %dma_start3A_170] : memref<80x128xi32, #tpu.memory_space<vmem>> -> memref<1x128xi32, #tpu.memory_space<vmem>>
    %dma_start3A_172 = tpu.memref_squeeze %dma_start3A_171 : memref<1x128xi32, #tpu.memory_space<vmem>> -> memref<128xi32, #tpu.memory_space<vmem>>
    %dma_start3A_173 = arith.constant 0 : i32
    %dma_start3A_174 = arith.constant 0 : i32
    %dma_start3A_175 = tpu.memref_slice %arg7[%dma_start3A_173, %dma_start3A_174] : memref<10240x64xf32, #tpu.memory_space<vmem_shared>> -> memref<10240x64xf32, #tpu.memory_space<vmem_shared>>
    tpu.enqueue_indirect_dma source(%arg15 : memref<128x64xf32, #tpu.memory_space<vmem>>) target(%dma_start3A_175 : memref<10240x64xf32, #tpu.memory_space<vmem_shared>>) offsets(%dma_start3A_172 : memref<128xi32, #tpu.memory_space<vmem>>) semaphore(%arg31 : memref<!tpu.dma_semaphore, #tpu.memory_space<semaphore_mem>>) {add = true}
    %dma_wait3A_176 = arith.constant 78 : i32
    %dma_wait3A_177 = arith.constant 0 : i32
    %dma_wait3A_178 = tpu.memref_slice %arg8[%dma_wait3A_176, %dma_wait3A_177] : memref<80x128xi32, #tpu.memory_space<vmem>> -> memref<1x128xi32, #tpu.memory_space<vmem>>
    %dma_wait3A_179 = tpu.memref_squeeze %dma_wait3A_178 : memref<1x128xi32, #tpu.memory_space<vmem>> -> memref<128xi32, #tpu.memory_space<vmem>>
    %dma_wait3A_180 = arith.constant 0 : i32
    %dma_wait3A_181 = arith.constant 0 : i32
    %dma_wait3A_182 = tpu.memref_slice %arg2[%dma_wait3A_180, %dma_wait3A_181] : memref<10240x64xf32, #tpu.memory_space<hbm>> -> memref<10240x64xf32, #tpu.memory_space<hbm>>
    tpu.wait_indirect_dma semaphore(%arg24 : memref<!tpu.dma_semaphore, #tpu.memory_space<semaphore_mem>>) src(%dma_wait3A_182 : memref<10240x64xf32, #tpu.memory_space<hbm>>) dst(%arg16 : memref<128x64xf32, #tpu.memory_space<vmem>>)
    %dma_start3A_183 = arith.constant 78 : i32
    %dma_start3A_184 = arith.constant 0 : i32
    %dma_start3A_185 = tpu.memref_slice %arg9[%dma_start3A_183, %dma_start3A_184] : memref<80x128xi32, #tpu.memory_space<vmem>> -> memref<1x128xi32, #tpu.memory_space<vmem>>
    %dma_start3A_186 = tpu.memref_squeeze %dma_start3A_185 : memref<1x128xi32, #tpu.memory_space<vmem>> -> memref<128xi32, #tpu.memory_space<vmem>>
    %dma_start3A_187 = arith.constant 0 : i32
    %dma_start3A_188 = arith.constant 0 : i32
    %dma_start3A_189 = tpu.memref_slice %arg7[%dma_start3A_187, %dma_start3A_188] : memref<10240x64xf32, #tpu.memory_space<vmem_shared>> -> memref<10240x64xf32, #tpu.memory_space<vmem_shared>>
    tpu.enqueue_indirect_dma source(%arg16 : memref<128x64xf32, #tpu.memory_space<vmem>>) target(%dma_start3A_189 : memref<10240x64xf32, #tpu.memory_space<vmem_shared>>) offsets(%dma_start3A_186 : memref<128xi32, #tpu.memory_space<vmem>>) semaphore(%arg32 : memref<!tpu.dma_semaphore, #tpu.memory_space<semaphore_mem>>) {add = true}
    %dma_wait3A_190 = arith.constant 79 : i32
    %dma_wait3A_191 = arith.constant 0 : i32
    %dma_wait3A_192 = tpu.memref_slice %arg8[%dma_wait3A_190, %dma_wait3A_191] : memref<80x128xi32, #tpu.memory_space<vmem>> -> memref<1x128xi32, #tpu.memory_space<vmem>>
    %dma_wait3A_193 = tpu.memref_squeeze %dma_wait3A_192 : memref<1x128xi32, #tpu.memory_space<vmem>> -> memref<128xi32, #tpu.memory_space<vmem>>
    %dma_wait3A_194 = arith.constant 0 : i32
    %dma_wait3A_195 = arith.constant 0 : i32
    %dma_wait3A_196 = tpu.memref_slice %arg2[%dma_wait3A_194, %dma_wait3A_195] : memref<10240x64xf32, #tpu.memory_space<hbm>> -> memref<10240x64xf32, #tpu.memory_space<hbm>>
    tpu.wait_indirect_dma semaphore(%arg25 : memref<!tpu.dma_semaphore, #tpu.memory_space<semaphore_mem>>) src(%dma_wait3A_196 : memref<10240x64xf32, #tpu.memory_space<hbm>>) dst(%arg17 : memref<128x64xf32, #tpu.memory_space<vmem>>)
    %dma_start3A_197 = arith.constant 79 : i32
    %dma_start3A_198 = arith.constant 0 : i32
    %dma_start3A_199 = tpu.memref_slice %arg9[%dma_start3A_197, %dma_start3A_198] : memref<80x128xi32, #tpu.memory_space<vmem>> -> memref<1x128xi32, #tpu.memory_space<vmem>>
    %dma_start3A_200 = tpu.memref_squeeze %dma_start3A_199 : memref<1x128xi32, #tpu.memory_space<vmem>> -> memref<128xi32, #tpu.memory_space<vmem>>
    %dma_start3A_201 = arith.constant 0 : i32
    %dma_start3A_202 = arith.constant 0 : i32
    %dma_start3A_203 = tpu.memref_slice %arg7[%dma_start3A_201, %dma_start3A_202] : memref<10240x64xf32, #tpu.memory_space<vmem_shared>> -> memref<10240x64xf32, #tpu.memory_space<vmem_shared>>
    tpu.enqueue_indirect_dma source(%arg17 : memref<128x64xf32, #tpu.memory_space<vmem>>) target(%dma_start3A_203 : memref<10240x64xf32, #tpu.memory_space<vmem_shared>>) offsets(%dma_start3A_200 : memref<128xi32, #tpu.memory_space<vmem>>) semaphore(%arg33 : memref<!tpu.dma_semaphore, #tpu.memory_space<semaphore_mem>>) {add = true}
    %dma_wait3A_204 = arith.constant 72 : i32
    %dma_wait3A_205 = arith.constant 0 : i32
    %dma_wait3A_206 = tpu.memref_slice %arg9[%dma_wait3A_204, %dma_wait3A_205] : memref<80x128xi32, #tpu.memory_space<vmem>> -> memref<1x128xi32, #tpu.memory_space<vmem>>
    %dma_wait3A_207 = tpu.memref_squeeze %dma_wait3A_206 : memref<1x128xi32, #tpu.memory_space<vmem>> -> memref<128xi32, #tpu.memory_space<vmem>>
    %dma_wait3A_208 = arith.constant 0 : i32
    %dma_wait3A_209 = arith.constant 0 : i32
    %dma_wait3A_210 = tpu.memref_slice %arg7[%dma_wait3A_208, %dma_wait3A_209] : memref<10240x64xf32, #tpu.memory_space<vmem_shared>> -> memref<10240x64xf32, #tpu.memory_space<vmem_shared>>
    tpu.wait_indirect_dma semaphore(%arg26 : memref<!tpu.dma_semaphore, #tpu.memory_space<semaphore_mem>>) src(%arg10 : memref<128x64xf32, #tpu.memory_space<vmem>>) dst(%dma_wait3A_210 : memref<10240x64xf32, #tpu.memory_space<vmem_shared>>)
    %dma_wait3A_211 = arith.constant 73 : i32
    %dma_wait3A_212 = arith.constant 0 : i32
    %dma_wait3A_213 = tpu.memref_slice %arg9[%dma_wait3A_211, %dma_wait3A_212] : memref<80x128xi32, #tpu.memory_space<vmem>> -> memref<1x128xi32, #tpu.memory_space<vmem>>
    %dma_wait3A_214 = tpu.memref_squeeze %dma_wait3A_213 : memref<1x128xi32, #tpu.memory_space<vmem>> -> memref<128xi32, #tpu.memory_space<vmem>>
    %dma_wait3A_215 = arith.constant 0 : i32
    %dma_wait3A_216 = arith.constant 0 : i32
    %dma_wait3A_217 = tpu.memref_slice %arg7[%dma_wait3A_215, %dma_wait3A_216] : memref<10240x64xf32, #tpu.memory_space<vmem_shared>> -> memref<10240x64xf32, #tpu.memory_space<vmem_shared>>
    tpu.wait_indirect_dma semaphore(%arg27 : memref<!tpu.dma_semaphore, #tpu.memory_space<semaphore_mem>>) src(%arg11 : memref<128x64xf32, #tpu.memory_space<vmem>>) dst(%dma_wait3A_217 : memref<10240x64xf32, #tpu.memory_space<vmem_shared>>)
    %dma_wait3A_218 = arith.constant 74 : i32
    %dma_wait3A_219 = arith.constant 0 : i32
    %dma_wait3A_220 = tpu.memref_slice %arg9[%dma_wait3A_218, %dma_wait3A_219] : memref<80x128xi32, #tpu.memory_space<vmem>> -> memref<1x128xi32, #tpu.memory_space<vmem>>
    %dma_wait3A_221 = tpu.memref_squeeze %dma_wait3A_220 : memref<1x128xi32, #tpu.memory_space<vmem>> -> memref<128xi32, #tpu.memory_space<vmem>>
    %dma_wait3A_222 = arith.constant 0 : i32
    %dma_wait3A_223 = arith.constant 0 : i32
    %dma_wait3A_224 = tpu.memref_slice %arg7[%dma_wait3A_222, %dma_wait3A_223] : memref<10240x64xf32, #tpu.memory_space<vmem_shared>> -> memref<10240x64xf32, #tpu.memory_space<vmem_shared>>
    tpu.wait_indirect_dma semaphore(%arg28 : memref<!tpu.dma_semaphore, #tpu.memory_space<semaphore_mem>>) src(%arg12 : memref<128x64xf32, #tpu.memory_space<vmem>>) dst(%dma_wait3A_224 : memref<10240x64xf32, #tpu.memory_space<vmem_shared>>)
    %dma_wait3A_225 = arith.constant 75 : i32
    %dma_wait3A_226 = arith.constant 0 : i32
    %dma_wait3A_227 = tpu.memref_slice %arg9[%dma_wait3A_225, %dma_wait3A_226] : memref<80x128xi32, #tpu.memory_space<vmem>> -> memref<1x128xi32, #tpu.memory_space<vmem>>
    %dma_wait3A_228 = tpu.memref_squeeze %dma_wait3A_227 : memref<1x128xi32, #tpu.memory_space<vmem>> -> memref<128xi32, #tpu.memory_space<vmem>>
    %dma_wait3A_229 = arith.constant 0 : i32
    %dma_wait3A_230 = arith.constant 0 : i32
    %dma_wait3A_231 = tpu.memref_slice %arg7[%dma_wait3A_229, %dma_wait3A_230] : memref<10240x64xf32, #tpu.memory_space<vmem_shared>> -> memref<10240x64xf32, #tpu.memory_space<vmem_shared>>
    tpu.wait_indirect_dma semaphore(%arg29 : memref<!tpu.dma_semaphore, #tpu.memory_space<semaphore_mem>>) src(%arg13 : memref<128x64xf32, #tpu.memory_space<vmem>>) dst(%dma_wait3A_231 : memref<10240x64xf32, #tpu.memory_space<vmem_shared>>)
    %dma_wait3A_232 = arith.constant 76 : i32
    %dma_wait3A_233 = arith.constant 0 : i32
    %dma_wait3A_234 = tpu.memref_slice %arg9[%dma_wait3A_232, %dma_wait3A_233] : memref<80x128xi32, #tpu.memory_space<vmem>> -> memref<1x128xi32, #tpu.memory_space<vmem>>
    %dma_wait3A_235 = tpu.memref_squeeze %dma_wait3A_234 : memref<1x128xi32, #tpu.memory_space<vmem>> -> memref<128xi32, #tpu.memory_space<vmem>>
    %dma_wait3A_236 = arith.constant 0 : i32
    %dma_wait3A_237 = arith.constant 0 : i32
    %dma_wait3A_238 = tpu.memref_slice %arg7[%dma_wait3A_236, %dma_wait3A_237] : memref<10240x64xf32, #tpu.memory_space<vmem_shared>> -> memref<10240x64xf32, #tpu.memory_space<vmem_shared>>
    tpu.wait_indirect_dma semaphore(%arg30 : memref<!tpu.dma_semaphore, #tpu.memory_space<semaphore_mem>>) src(%arg14 : memref<128x64xf32, #tpu.memory_space<vmem>>) dst(%dma_wait3A_238 : memref<10240x64xf32, #tpu.memory_space<vmem_shared>>)
    %dma_wait3A_239 = arith.constant 77 : i32
    %dma_wait3A_240 = arith.constant 0 : i32
    %dma_wait3A_241 = tpu.memref_slice %arg9[%dma_wait3A_239, %dma_wait3A_240] : memref<80x128xi32, #tpu.memory_space<vmem>> -> memref<1x128xi32, #tpu.memory_space<vmem>>
    %dma_wait3A_242 = tpu.memref_squeeze %dma_wait3A_241 : memref<1x128xi32, #tpu.memory_space<vmem>> -> memref<128xi32, #tpu.memory_space<vmem>>
    %dma_wait3A_243 = arith.constant 0 : i32
    %dma_wait3A_244 = arith.constant 0 : i32
    %dma_wait3A_245 = tpu.memref_slice %arg7[%dma_wait3A_243, %dma_wait3A_244] : memref<10240x64xf32, #tpu.memory_space<vmem_shared>> -> memref<10240x64xf32, #tpu.memory_space<vmem_shared>>
    tpu.wait_indirect_dma semaphore(%arg31 : memref<!tpu.dma_semaphore, #tpu.memory_space<semaphore_mem>>) src(%arg15 : memref<128x64xf32, #tpu.memory_space<vmem>>) dst(%dma_wait3A_245 : memref<10240x64xf32, #tpu.memory_space<vmem_shared>>)
    %dma_wait3A_246 = arith.constant 78 : i32
    %dma_wait3A_247 = arith.constant 0 : i32
    %dma_wait3A_248 = tpu.memref_slice %arg9[%dma_wait3A_246, %dma_wait3A_247] : memref<80x128xi32, #tpu.memory_space<vmem>> -> memref<1x128xi32, #tpu.memory_space<vmem>>
    %dma_wait3A_249 = tpu.memref_squeeze %dma_wait3A_248 : memref<1x128xi32, #tpu.memory_space<vmem>> -> memref<128xi32, #tpu.memory_space<vmem>>
    %dma_wait3A_250 = arith.constant 0 : i32
    %dma_wait3A_251 = arith.constant 0 : i32
    %dma_wait3A_252 = tpu.memref_slice %arg7[%dma_wait3A_250, %dma_wait3A_251] : memref<10240x64xf32, #tpu.memory_space<vmem_shared>> -> memref<10240x64xf32, #tpu.memory_space<vmem_shared>>
    tpu.wait_indirect_dma semaphore(%arg32 : memref<!tpu.dma_semaphore, #tpu.memory_space<semaphore_mem>>) src(%arg16 : memref<128x64xf32, #tpu.memory_space<vmem>>) dst(%dma_wait3A_252 : memref<10240x64xf32, #tpu.memory_space<vmem_shared>>)
    %dma_wait3A_253 = arith.constant 79 : i32
    %dma_wait3A_254 = arith.constant 0 : i32
    %dma_wait3A_255 = tpu.memref_slice %arg9[%dma_wait3A_253, %dma_wait3A_254] : memref<80x128xi32, #tpu.memory_space<vmem>> -> memref<1x128xi32, #tpu.memory_space<vmem>>
    %dma_wait3A_256 = tpu.memref_squeeze %dma_wait3A_255 : memref<1x128xi32, #tpu.memory_space<vmem>> -> memref<128xi32, #tpu.memory_space<vmem>>
    %dma_wait3A_257 = arith.constant 0 : i32
    %dma_wait3A_258 = arith.constant 0 : i32
    %dma_wait3A_259 = tpu.memref_slice %arg7[%dma_wait3A_257, %dma_wait3A_258] : memref<10240x64xf32, #tpu.memory_space<vmem_shared>> -> memref<10240x64xf32, #tpu.memory_space<vmem_shared>>
    tpu.wait_indirect_dma semaphore(%arg33 : memref<!tpu.dma_semaphore, #tpu.memory_space<semaphore_mem>>) src(%arg17 : memref<128x64xf32, #tpu.memory_space<vmem>>) dst(%dma_wait3A_259 : memref<10240x64xf32, #tpu.memory_space<vmem_shared>>)
    %barrier3A_260 = arith.constant 0 : index
    tpu.barrier barrier_id(%barrier3A_260)
    %mul3A_261 = arith.constant 640 : i32
    %mul3A_262 = arith.muli %arg1, %mul3A_261 : i32
    %mul3A_263 = arith.constant 640 : i32
    %mul3A_264 = arith.muli %arg1, %mul3A_263 : i32
    "tpu.region"() ({
      %run_scoped3A = tpu.sem_alloc : memref<!tpu.dma_semaphore, #tpu.memory_space<semaphore_mem>>
      %dma_start3A_265 = arith.constant 0 : i32
      %dma_start3A_266 = tpu.memref_slice %arg6[%arg0, %mul3A_264, %dma_start3A_265] : memref<2x10240x64xf32, #tpu.memory_space<hbm>> -> memref<1x640x64xf32, #tpu.memory_space<hbm>>
      %dma_start3A_267 = tpu.memref_squeeze %dma_start3A_266 : memref<1x640x64xf32, #tpu.memory_space<hbm>> -> memref<640x64xf32, #tpu.memory_space<hbm>>
      %dma_start3A_268 = arith.constant 0 : i32
      %dma_start3A_269 = tpu.memref_slice %arg7[%mul3A_262, %dma_start3A_268] : memref<10240x64xf32, #tpu.memory_space<vmem_shared>> -> memref<640x64xf32, #tpu.memory_space<vmem_shared>>
      tpu.enqueue_dma source(%dma_start3A_269 : memref<640x64xf32, #tpu.memory_space<vmem_shared>>) target(%dma_start3A_267 : memref<640x64xf32, #tpu.memory_space<hbm>>) target_semaphore(%run_scoped3A : memref<!tpu.dma_semaphore, #tpu.memory_space<semaphore_mem>>)
      %dma_wait3A_270 = arith.constant 0 : i32
      %dma_wait3A_271 = tpu.memref_slice %arg6[%arg0, %mul3A_264, %dma_wait3A_270] : memref<2x10240x64xf32, #tpu.memory_space<hbm>> -> memref<1x640x64xf32, #tpu.memory_space<hbm>>
      %dma_wait3A_272 = tpu.memref_squeeze %dma_wait3A_271 : memref<1x640x64xf32, #tpu.memory_space<hbm>> -> memref<640x64xf32, #tpu.memory_space<hbm>>
      %dma_wait3A_273 = arith.constant 0 : i32
      %dma_wait3A_274 = tpu.memref_slice %arg7[%mul3A_262, %dma_wait3A_273] : memref<10240x64xf32, #tpu.memory_space<vmem_shared>> -> memref<640x64xf32, #tpu.memory_space<vmem_shared>>
      tpu.wait_dma2 semaphore(%run_scoped3A : memref<!tpu.dma_semaphore, #tpu.memory_space<semaphore_mem>>) src(%dma_wait3A_274 : memref<640x64xf32, #tpu.memory_space<vmem_shared>>) dst(%dma_wait3A_272 : memref<640x64xf32, #tpu.memory_space<hbm>>)
      tpu.yield
    }) : () -> ()
    return
  }
}

#map = affine_map<(d0, d1) -> (0, 0)>
#map1 = affine_map<(d0, d1) -> (0, 0, 0)>
module attributes {stable_mosaic.version = 14 : i64} {
  func.func @_spmm_kernel(%arg0: i32, %arg1: i32, %arg2: memref<10240x64xf32, #tpu.memory_space<hbm>>, %arg3: memref<2560x128xi32, #tpu.memory_space<hbm>>, %arg4: memref<2560x128xi32, #tpu.memory_space<hbm>>, %arg5: memref<10240x64xf32, #tpu.memory_space<hbm>>, %arg6: memref<2x10240x64xf32, #tpu.memory_space<hbm>>, %arg7: memref<10240x64xf32, #tpu.memory_space<vmem_shared>>, %arg8: memref<80x128xi32, #tpu.memory_space<vmem>>, %arg9: memref<80x128xi32, #tpu.memory_space<vmem>>, %arg10: memref<128x64xf32, #tpu.memory_space<vmem>>, %arg11: memref<128x64xf32, #tpu.memory_space<vmem>>, %arg12: memref<128x64xf32, #tpu.memory_space<vmem>>, %arg13: memref<128x64xf32, #tpu.memory_space<vmem>>, %arg14: memref<128x64xf32, #tpu.memory_space<vmem>>, %arg15: memref<128x64xf32, #tpu.memory_space<vmem>>, %arg16: memref<128x64xf32, #tpu.memory_space<vmem>>, %arg17: memref<128x64xf32, #tpu.memory_space<vmem>>, %arg18: memref<!tpu.dma_semaphore, #tpu.memory_space<semaphore_mem>>, %arg19: memref<!tpu.dma_semaphore, #tpu.memory_space<semaphore_mem>>, %arg20: memref<!tpu.dma_semaphore, #tpu.memory_space<semaphore_mem>>, %arg21: memref<!tpu.dma_semaphore, #tpu.memory_space<semaphore_mem>>, %arg22: memref<!tpu.dma_semaphore, #tpu.memory_space<semaphore_mem>>, %arg23: memref<!tpu.dma_semaphore, #tpu.memory_space<semaphore_mem>>, %arg24: memref<!tpu.dma_semaphore, #tpu.memory_space<semaphore_mem>>, %arg25: memref<!tpu.dma_semaphore, #tpu.memory_space<semaphore_mem>>, %arg26: memref<!tpu.dma_semaphore, #tpu.memory_space<semaphore_mem>>, %arg27: memref<!tpu.dma_semaphore, #tpu.memory_space<semaphore_mem>>, %arg28: memref<!tpu.dma_semaphore, #tpu.memory_space<semaphore_mem>>, %arg29: memref<!tpu.dma_semaphore, #tpu.memory_space<semaphore_mem>>, %arg30: memref<!tpu.dma_semaphore, #tpu.memory_space<semaphore_mem>>, %arg31: memref<!tpu.dma_semaphore, #tpu.memory_space<semaphore_mem>>, %arg32: memref<!tpu.dma_semaphore, #tpu.memory_space<semaphore_mem>>, %arg33: memref<!tpu.dma_semaphore, #tpu.memory_space<semaphore_mem>>) attributes {dimension_semantics = [#tpu.dimension_semantics<core_parallel>, #tpu.dimension_semantics<subcore_parallel>], iteration_bounds = array<i64: 2, 16>, scalar_prefetch = 0 : i64, scratch_operands = 27 : i64, tpu.core_type = #tpu.core_type<sc_vector_subcore>, window_params = [{transform_indices = #map}, {transform_indices = #map}, {transform_indices = #map}, {transform_indices = #map}, {transform_indices = #map1}]} {
    %mul3A = arith.constant 16 : i32
    %mul3A_0 = arith.muli %arg0, %mul3A : i32
    %add3A = arith.addi %mul3A_0, %arg1 : i32
    %mul3A_1 = arith.constant 640 : i32
    %mul3A_2 = arith.muli %arg1, %mul3A_1 : i32
    %mul3A_3 = arith.constant 640 : i32
    %mul3A_4 = arith.muli %arg1, %mul3A_3 : i32
    %dma_start3A = arith.constant 0 : i32
    %dma_start3A_5 = tpu.memref_slice %arg7[%mul3A_4, %dma_start3A] : memref<10240x64xf32, #tpu.memory_space<vmem_shared>> -> memref<640x64xf32, #tpu.memory_space<vmem_shared>>
    %dma_start3A_6 = arith.constant 0 : i32
    %dma_start3A_7 = tpu.memref_slice %arg5[%mul3A_2, %dma_start3A_6] : memref<10240x64xf32, #tpu.memory_space<hbm>> -> memref<640x64xf32, #tpu.memory_space<hbm>>
    tpu.enqueue_dma source(%dma_start3A_7 : memref<640x64xf32, #tpu.memory_space<hbm>>) target(%dma_start3A_5 : memref<640x64xf32, #tpu.memory_space<vmem_shared>>) target_semaphore(%arg18 : memref<!tpu.dma_semaphore, #tpu.memory_space<semaphore_mem>>)
    %mul3A_8 = arith.constant 80 : i32
    %mul3A_9 = arith.muli %add3A, %mul3A_8 : i32
    %dma_start3A_10 = arith.constant 0 : i32
    %dma_start3A_11 = tpu.memref_slice %arg3[%mul3A_9, %dma_start3A_10] : memref<2560x128xi32, #tpu.memory_space<hbm>> -> memref<80x128xi32, #tpu.memory_space<hbm>>
    %dma_start3A_12 = arith.constant 0 : i32
    %dma_start3A_13 = tpu.memref_slice %arg3[%mul3A_9, %dma_start3A_12] : memref<2560x128xi32, #tpu.memory_space<hbm>> -> memref<80x128xi32, #tpu.memory_space<hbm>>
    tpu.enqueue_dma source(%dma_start3A_13 : memref<80x128xi32, #tpu.memory_space<hbm>>) target(%arg8 : memref<80x128xi32, #tpu.memory_space<vmem>>) target_semaphore(%arg19 : memref<!tpu.dma_semaphore, #tpu.memory_space<semaphore_mem>>)
    %mul3A_14 = arith.constant 80 : i32
    %mul3A_15 = arith.muli %add3A, %mul3A_14 : i32
    %dma_start3A_16 = arith.constant 0 : i32
    %dma_start3A_17 = tpu.memref_slice %arg4[%mul3A_15, %dma_start3A_16] : memref<2560x128xi32, #tpu.memory_space<hbm>> -> memref<80x128xi32, #tpu.memory_space<hbm>>
    %dma_start3A_18 = arith.constant 0 : i32
    %dma_start3A_19 = tpu.memref_slice %arg4[%mul3A_15, %dma_start3A_18] : memref<2560x128xi32, #tpu.memory_space<hbm>> -> memref<80x128xi32, #tpu.memory_space<hbm>>
    tpu.enqueue_dma source(%dma_start3A_19 : memref<80x128xi32, #tpu.memory_space<hbm>>) target(%arg9 : memref<80x128xi32, #tpu.memory_space<vmem>>) target_semaphore(%arg20 : memref<!tpu.dma_semaphore, #tpu.memory_space<semaphore_mem>>)
    %dma_wait3A = arith.constant 0 : i32
    %dma_wait3A_20 = tpu.memref_slice %arg7[%mul3A_4, %dma_wait3A] : memref<10240x64xf32, #tpu.memory_space<vmem_shared>> -> memref<640x64xf32, #tpu.memory_space<vmem_shared>>
    %dma_wait3A_21 = arith.constant 0 : i32
    %dma_wait3A_22 = tpu.memref_slice %arg5[%mul3A_2, %dma_wait3A_21] : memref<10240x64xf32, #tpu.memory_space<hbm>> -> memref<640x64xf32, #tpu.memory_space<hbm>>
    tpu.wait_dma2 semaphore(%arg18 : memref<!tpu.dma_semaphore, #tpu.memory_space<semaphore_mem>>) src(%dma_wait3A_22 : memref<640x64xf32, #tpu.memory_space<hbm>>) dst(%dma_wait3A_20 : memref<640x64xf32, #tpu.memory_space<vmem_shared>>)
    %dma_wait3A_23 = arith.constant 0 : i32
    %dma_wait3A_24 = tpu.memref_slice %arg3[%mul3A_9, %dma_wait3A_23] : memref<2560x128xi32, #tpu.memory_space<hbm>> -> memref<80x128xi32, #tpu.memory_space<hbm>>
    %dma_wait3A_25 = arith.constant 0 : i32
    %dma_wait3A_26 = tpu.memref_slice %arg3[%mul3A_9, %dma_wait3A_25] : memref<2560x128xi32, #tpu.memory_space<hbm>> -> memref<80x128xi32, #tpu.memory_space<hbm>>
    tpu.wait_dma2 semaphore(%arg19 : memref<!tpu.dma_semaphore, #tpu.memory_space<semaphore_mem>>) src(%dma_wait3A_26 : memref<80x128xi32, #tpu.memory_space<hbm>>) dst(%arg8 : memref<80x128xi32, #tpu.memory_space<vmem>>)
    %dma_wait3A_27 = arith.constant 0 : i32
    %dma_wait3A_28 = tpu.memref_slice %arg4[%mul3A_15, %dma_wait3A_27] : memref<2560x128xi32, #tpu.memory_space<hbm>> -> memref<80x128xi32, #tpu.memory_space<hbm>>
    %dma_wait3A_29 = arith.constant 0 : i32
    %dma_wait3A_30 = tpu.memref_slice %arg4[%mul3A_15, %dma_wait3A_29] : memref<2560x128xi32, #tpu.memory_space<hbm>> -> memref<80x128xi32, #tpu.memory_space<hbm>>
    tpu.wait_dma2 semaphore(%arg20 : memref<!tpu.dma_semaphore, #tpu.memory_space<semaphore_mem>>) src(%dma_wait3A_30 : memref<80x128xi32, #tpu.memory_space<hbm>>) dst(%arg9 : memref<80x128xi32, #tpu.memory_space<vmem>>)
    %barrier3A = arith.constant 0 : index
    tpu.barrier barrier_id(%barrier3A)
    %dma_start3A_31 = arith.constant 0 : i32
    %dma_start3A_32 = arith.constant 0 : i32
    %dma_start3A_33 = tpu.memref_slice %arg8[%dma_start3A_31, %dma_start3A_32] : memref<80x128xi32, #tpu.memory_space<vmem>> -> memref<1x128xi32, #tpu.memory_space<vmem>>
    %dma_start3A_34 = tpu.memref_squeeze %dma_start3A_33 : memref<1x128xi32, #tpu.memory_space<vmem>> -> memref<128xi32, #tpu.memory_space<vmem>>
    %dma_start3A_35 = arith.constant 0 : i32
    %dma_start3A_36 = arith.constant 0 : i32
    %dma_start3A_37 = tpu.memref_slice %arg2[%dma_start3A_35, %dma_start3A_36] : memref<10240x64xf32, #tpu.memory_space<hbm>> -> memref<10240x64xf32, #tpu.memory_space<hbm>>
    tpu.enqueue_indirect_dma source(%dma_start3A_37 : memref<10240x64xf32, #tpu.memory_space<hbm>>) target(%arg10 : memref<128x64xf32, #tpu.memory_space<vmem>>) offsets(%dma_start3A_34 : memref<128xi32, #tpu.memory_space<vmem>>) semaphore(%arg18 : memref<!tpu.dma_semaphore, #tpu.memory_space<semaphore_mem>>)
    %dma_start3A_38 = arith.constant 1 : i32
    %dma_start3A_39 = arith.constant 0 : i32
    %dma_start3A_40 = tpu.memref_slice %arg8[%dma_start3A_38, %dma_start3A_39] : memref<80x128xi32, #tpu.memory_space<vmem>> -> memref<1x128xi32, #tpu.memory_space<vmem>>
    %dma_start3A_41 = tpu.memref_squeeze %dma_start3A_40 : memref<1x128xi32, #tpu.memory_space<vmem>> -> memref<128xi32, #tpu.memory_space<vmem>>
    %dma_start3A_42 = arith.constant 0 : i32
    %dma_start3A_43 = arith.constant 0 : i32
    %dma_start3A_44 = tpu.memref_slice %arg2[%dma_start3A_42, %dma_start3A_43] : memref<10240x64xf32, #tpu.memory_space<hbm>> -> memref<10240x64xf32, #tpu.memory_space<hbm>>
    tpu.enqueue_indirect_dma source(%dma_start3A_44 : memref<10240x64xf32, #tpu.memory_space<hbm>>) target(%arg11 : memref<128x64xf32, #tpu.memory_space<vmem>>) offsets(%dma_start3A_41 : memref<128xi32, #tpu.memory_space<vmem>>) semaphore(%arg19 : memref<!tpu.dma_semaphore, #tpu.memory_space<semaphore_mem>>)
    %dma_start3A_45 = arith.constant 2 : i32
    %dma_start3A_46 = arith.constant 0 : i32
    %dma_start3A_47 = tpu.memref_slice %arg8[%dma_start3A_45, %dma_start3A_46] : memref<80x128xi32, #tpu.memory_space<vmem>> -> memref<1x128xi32, #tpu.memory_space<vmem>>
    %dma_start3A_48 = tpu.memref_squeeze %dma_start3A_47 : memref<1x128xi32, #tpu.memory_space<vmem>> -> memref<128xi32, #tpu.memory_space<vmem>>
    %dma_start3A_49 = arith.constant 0 : i32
    %dma_start3A_50 = arith.constant 0 : i32
    %dma_start3A_51 = tpu.memref_slice %arg2[%dma_start3A_49, %dma_start3A_50] : memref<10240x64xf32, #tpu.memory_space<hbm>> -> memref<10240x64xf32, #tpu.memory_space<hbm>>
    tpu.enqueue_indirect_dma source(%dma_start3A_51 : memref<10240x64xf32, #tpu.memory_space<hbm>>) target(%arg12 : memref<128x64xf32, #tpu.memory_space<vmem>>) offsets(%dma_start3A_48 : memref<128xi32, #tpu.memory_space<vmem>>) semaphore(%arg20 : memref<!tpu.dma_semaphore, #tpu.memory_space<semaphore_mem>>)
    %dma_start3A_52 = arith.constant 3 : i32
    %dma_start3A_53 = arith.constant 0 : i32
    %dma_start3A_54 = tpu.memref_slice %arg8[%dma_start3A_52, %dma_start3A_53] : memref<80x128xi32, #tpu.memory_space<vmem>> -> memref<1x128xi32, #tpu.memory_space<vmem>>
    %dma_start3A_55 = tpu.memref_squeeze %dma_start3A_54 : memref<1x128xi32, #tpu.memory_space<vmem>> -> memref<128xi32, #tpu.memory_space<vmem>>
    %dma_start3A_56 = arith.constant 0 : i32
    %dma_start3A_57 = arith.constant 0 : i32
    %dma_start3A_58 = tpu.memref_slice %arg2[%dma_start3A_56, %dma_start3A_57] : memref<10240x64xf32, #tpu.memory_space<hbm>> -> memref<10240x64xf32, #tpu.memory_space<hbm>>
    tpu.enqueue_indirect_dma source(%dma_start3A_58 : memref<10240x64xf32, #tpu.memory_space<hbm>>) target(%arg13 : memref<128x64xf32, #tpu.memory_space<vmem>>) offsets(%dma_start3A_55 : memref<128xi32, #tpu.memory_space<vmem>>) semaphore(%arg21 : memref<!tpu.dma_semaphore, #tpu.memory_space<semaphore_mem>>)
    %dma_start3A_59 = arith.constant 4 : i32
    %dma_start3A_60 = arith.constant 0 : i32
    %dma_start3A_61 = tpu.memref_slice %arg8[%dma_start3A_59, %dma_start3A_60] : memref<80x128xi32, #tpu.memory_space<vmem>> -> memref<1x128xi32, #tpu.memory_space<vmem>>
    %dma_start3A_62 = tpu.memref_squeeze %dma_start3A_61 : memref<1x128xi32, #tpu.memory_space<vmem>> -> memref<128xi32, #tpu.memory_space<vmem>>
    %dma_start3A_63 = arith.constant 0 : i32
    %dma_start3A_64 = arith.constant 0 : i32
    %dma_start3A_65 = tpu.memref_slice %arg2[%dma_start3A_63, %dma_start3A_64] : memref<10240x64xf32, #tpu.memory_space<hbm>> -> memref<10240x64xf32, #tpu.memory_space<hbm>>
    tpu.enqueue_indirect_dma source(%dma_start3A_65 : memref<10240x64xf32, #tpu.memory_space<hbm>>) target(%arg14 : memref<128x64xf32, #tpu.memory_space<vmem>>) offsets(%dma_start3A_62 : memref<128xi32, #tpu.memory_space<vmem>>) semaphore(%arg22 : memref<!tpu.dma_semaphore, #tpu.memory_space<semaphore_mem>>)
    %dma_start3A_66 = arith.constant 5 : i32
    %dma_start3A_67 = arith.constant 0 : i32
    %dma_start3A_68 = tpu.memref_slice %arg8[%dma_start3A_66, %dma_start3A_67] : memref<80x128xi32, #tpu.memory_space<vmem>> -> memref<1x128xi32, #tpu.memory_space<vmem>>
    %dma_start3A_69 = tpu.memref_squeeze %dma_start3A_68 : memref<1x128xi32, #tpu.memory_space<vmem>> -> memref<128xi32, #tpu.memory_space<vmem>>
    %dma_start3A_70 = arith.constant 0 : i32
    %dma_start3A_71 = arith.constant 0 : i32
    %dma_start3A_72 = tpu.memref_slice %arg2[%dma_start3A_70, %dma_start3A_71] : memref<10240x64xf32, #tpu.memory_space<hbm>> -> memref<10240x64xf32, #tpu.memory_space<hbm>>
    tpu.enqueue_indirect_dma source(%dma_start3A_72 : memref<10240x64xf32, #tpu.memory_space<hbm>>) target(%arg15 : memref<128x64xf32, #tpu.memory_space<vmem>>) offsets(%dma_start3A_69 : memref<128xi32, #tpu.memory_space<vmem>>) semaphore(%arg23 : memref<!tpu.dma_semaphore, #tpu.memory_space<semaphore_mem>>)
    %dma_start3A_73 = arith.constant 6 : i32
    %dma_start3A_74 = arith.constant 0 : i32
    %dma_start3A_75 = tpu.memref_slice %arg8[%dma_start3A_73, %dma_start3A_74] : memref<80x128xi32, #tpu.memory_space<vmem>> -> memref<1x128xi32, #tpu.memory_space<vmem>>
    %dma_start3A_76 = tpu.memref_squeeze %dma_start3A_75 : memref<1x128xi32, #tpu.memory_space<vmem>> -> memref<128xi32, #tpu.memory_space<vmem>>
    %dma_start3A_77 = arith.constant 0 : i32
    %dma_start3A_78 = arith.constant 0 : i32
    %dma_start3A_79 = tpu.memref_slice %arg2[%dma_start3A_77, %dma_start3A_78] : memref<10240x64xf32, #tpu.memory_space<hbm>> -> memref<10240x64xf32, #tpu.memory_space<hbm>>
    tpu.enqueue_indirect_dma source(%dma_start3A_79 : memref<10240x64xf32, #tpu.memory_space<hbm>>) target(%arg16 : memref<128x64xf32, #tpu.memory_space<vmem>>) offsets(%dma_start3A_76 : memref<128xi32, #tpu.memory_space<vmem>>) semaphore(%arg24 : memref<!tpu.dma_semaphore, #tpu.memory_space<semaphore_mem>>)
    %dma_start3A_80 = arith.constant 7 : i32
    %dma_start3A_81 = arith.constant 0 : i32
    %dma_start3A_82 = tpu.memref_slice %arg8[%dma_start3A_80, %dma_start3A_81] : memref<80x128xi32, #tpu.memory_space<vmem>> -> memref<1x128xi32, #tpu.memory_space<vmem>>
    %dma_start3A_83 = tpu.memref_squeeze %dma_start3A_82 : memref<1x128xi32, #tpu.memory_space<vmem>> -> memref<128xi32, #tpu.memory_space<vmem>>
    %dma_start3A_84 = arith.constant 0 : i32
    %dma_start3A_85 = arith.constant 0 : i32
    %dma_start3A_86 = tpu.memref_slice %arg2[%dma_start3A_84, %dma_start3A_85] : memref<10240x64xf32, #tpu.memory_space<hbm>> -> memref<10240x64xf32, #tpu.memory_space<hbm>>
    tpu.enqueue_indirect_dma source(%dma_start3A_86 : memref<10240x64xf32, #tpu.memory_space<hbm>>) target(%arg17 : memref<128x64xf32, #tpu.memory_space<vmem>>) offsets(%dma_start3A_83 : memref<128xi32, #tpu.memory_space<vmem>>) semaphore(%arg25 : memref<!tpu.dma_semaphore, #tpu.memory_space<semaphore_mem>>)
    %scan3A = arith.constant 0 : i32
    %scan3A_87 = arith.constant 0 : i32
    %scan3A_88 = arith.constant 9 : i32
    %scan3A_89 = arith.addi %scan3A_87, %scan3A_88 : i32
    %scan3A_90 = arith.constant 1 : i32
    scf.for %scan3A_265 = %scan3A_87 to %scan3A_89 step %scan3A_90  : i32 {
      %mul3A_266 = arith.constant 8 : i32
      %mul3A_267 = arith.muli %scan3A_265, %mul3A_266 : i32
      %add3A_268 = arith.constant 0 : i32
      %add3A_269 = arith.addi %mul3A_267, %add3A_268 : i32
      %dma_wait3A_270 = arith.constant 0 : i32
      %dma_wait3A_271 = tpu.memref_slice %arg8[%add3A_269, %dma_wait3A_270] : memref<80x128xi32, #tpu.memory_space<vmem>> -> memref<1x128xi32, #tpu.memory_space<vmem>>
      %dma_wait3A_272 = tpu.memref_squeeze %dma_wait3A_271 : memref<1x128xi32, #tpu.memory_space<vmem>> -> memref<128xi32, #tpu.memory_space<vmem>>
      %dma_wait3A_273 = arith.constant 0 : i32
      %dma_wait3A_274 = arith.constant 0 : i32
      %dma_wait3A_275 = tpu.memref_slice %arg2[%dma_wait3A_273, %dma_wait3A_274] : memref<10240x64xf32, #tpu.memory_space<hbm>> -> memref<10240x64xf32, #tpu.memory_space<hbm>>
      tpu.wait_indirect_dma semaphore(%arg18 : memref<!tpu.dma_semaphore, #tpu.memory_space<semaphore_mem>>) src(%dma_wait3A_275 : memref<10240x64xf32, #tpu.memory_space<hbm>>) dst(%arg10 : memref<128x64xf32, #tpu.memory_space<vmem>>)
      %add3A_276 = arith.constant 0 : i32
      %add3A_277 = arith.addi %mul3A_267, %add3A_276 : i32
      %dma_start3A_278 = arith.constant 0 : i32
      %dma_start3A_279 = tpu.memref_slice %arg9[%add3A_277, %dma_start3A_278] : memref<80x128xi32, #tpu.memory_space<vmem>> -> memref<1x128xi32, #tpu.memory_space<vmem>>
      %dma_start3A_280 = tpu.memref_squeeze %dma_start3A_279 : memref<1x128xi32, #tpu.memory_space<vmem>> -> memref<128xi32, #tpu.memory_space<vmem>>
      %dma_start3A_281 = arith.constant 0 : i32
      %dma_start3A_282 = arith.constant 0 : i32
      %dma_start3A_283 = tpu.memref_slice %arg7[%dma_start3A_281, %dma_start3A_282] : memref<10240x64xf32, #tpu.memory_space<vmem_shared>> -> memref<10240x64xf32, #tpu.memory_space<vmem_shared>>
      tpu.enqueue_indirect_dma source(%arg10 : memref<128x64xf32, #tpu.memory_space<vmem>>) target(%dma_start3A_283 : memref<10240x64xf32, #tpu.memory_space<vmem_shared>>) offsets(%dma_start3A_280 : memref<128xi32, #tpu.memory_space<vmem>>) semaphore(%arg26 : memref<!tpu.dma_semaphore, #tpu.memory_space<semaphore_mem>>) {add = true}
      %add3A_284 = arith.constant 1 : i32
      %add3A_285 = arith.addi %mul3A_267, %add3A_284 : i32
      %dma_wait3A_286 = arith.constant 0 : i32
      %dma_wait3A_287 = tpu.memref_slice %arg8[%add3A_285, %dma_wait3A_286] : memref<80x128xi32, #tpu.memory_space<vmem>> -> memref<1x128xi32, #tpu.memory_space<vmem>>
      %dma_wait3A_288 = tpu.memref_squeeze %dma_wait3A_287 : memref<1x128xi32, #tpu.memory_space<vmem>> -> memref<128xi32, #tpu.memory_space<vmem>>
      %dma_wait3A_289 = arith.constant 0 : i32
      %dma_wait3A_290 = arith.constant 0 : i32
      %dma_wait3A_291 = tpu.memref_slice %arg2[%dma_wait3A_289, %dma_wait3A_290] : memref<10240x64xf32, #tpu.memory_space<hbm>> -> memref<10240x64xf32, #tpu.memory_space<hbm>>
      tpu.wait_indirect_dma semaphore(%arg19 : memref<!tpu.dma_semaphore, #tpu.memory_space<semaphore_mem>>) src(%dma_wait3A_291 : memref<10240x64xf32, #tpu.memory_space<hbm>>) dst(%arg11 : memref<128x64xf32, #tpu.memory_space<vmem>>)
      %add3A_292 = arith.constant 1 : i32
      %add3A_293 = arith.addi %mul3A_267, %add3A_292 : i32
      %dma_start3A_294 = arith.constant 0 : i32
      %dma_start3A_295 = tpu.memref_slice %arg9[%add3A_293, %dma_start3A_294] : memref<80x128xi32, #tpu.memory_space<vmem>> -> memref<1x128xi32, #tpu.memory_space<vmem>>
      %dma_start3A_296 = tpu.memref_squeeze %dma_start3A_295 : memref<1x128xi32, #tpu.memory_space<vmem>> -> memref<128xi32, #tpu.memory_space<vmem>>
      %dma_start3A_297 = arith.constant 0 : i32
      %dma_start3A_298 = arith.constant 0 : i32
      %dma_start3A_299 = tpu.memref_slice %arg7[%dma_start3A_297, %dma_start3A_298] : memref<10240x64xf32, #tpu.memory_space<vmem_shared>> -> memref<10240x64xf32, #tpu.memory_space<vmem_shared>>
      tpu.enqueue_indirect_dma source(%arg11 : memref<128x64xf32, #tpu.memory_space<vmem>>) target(%dma_start3A_299 : memref<10240x64xf32, #tpu.memory_space<vmem_shared>>) offsets(%dma_start3A_296 : memref<128xi32, #tpu.memory_space<vmem>>) semaphore(%arg27 : memref<!tpu.dma_semaphore, #tpu.memory_space<semaphore_mem>>) {add = true}
      %add3A_300 = arith.constant 2 : i32
      %add3A_301 = arith.addi %mul3A_267, %add3A_300 : i32
      %dma_wait3A_302 = arith.constant 0 : i32
      %dma_wait3A_303 = tpu.memref_slice %arg8[%add3A_301, %dma_wait3A_302] : memref<80x128xi32, #tpu.memory_space<vmem>> -> memref<1x128xi32, #tpu.memory_space<vmem>>
      %dma_wait3A_304 = tpu.memref_squeeze %dma_wait3A_303 : memref<1x128xi32, #tpu.memory_space<vmem>> -> memref<128xi32, #tpu.memory_space<vmem>>
      %dma_wait3A_305 = arith.constant 0 : i32
      %dma_wait3A_306 = arith.constant 0 : i32
      %dma_wait3A_307 = tpu.memref_slice %arg2[%dma_wait3A_305, %dma_wait3A_306] : memref<10240x64xf32, #tpu.memory_space<hbm>> -> memref<10240x64xf32, #tpu.memory_space<hbm>>
      tpu.wait_indirect_dma semaphore(%arg20 : memref<!tpu.dma_semaphore, #tpu.memory_space<semaphore_mem>>) src(%dma_wait3A_307 : memref<10240x64xf32, #tpu.memory_space<hbm>>) dst(%arg12 : memref<128x64xf32, #tpu.memory_space<vmem>>)
      %add3A_308 = arith.constant 2 : i32
      %add3A_309 = arith.addi %mul3A_267, %add3A_308 : i32
      %dma_start3A_310 = arith.constant 0 : i32
      %dma_start3A_311 = tpu.memref_slice %arg9[%add3A_309, %dma_start3A_310] : memref<80x128xi32, #tpu.memory_space<vmem>> -> memref<1x128xi32, #tpu.memory_space<vmem>>
      %dma_start3A_312 = tpu.memref_squeeze %dma_start3A_311 : memref<1x128xi32, #tpu.memory_space<vmem>> -> memref<128xi32, #tpu.memory_space<vmem>>
      %dma_start3A_313 = arith.constant 0 : i32
      %dma_start3A_314 = arith.constant 0 : i32
      %dma_start3A_315 = tpu.memref_slice %arg7[%dma_start3A_313, %dma_start3A_314] : memref<10240x64xf32, #tpu.memory_space<vmem_shared>> -> memref<10240x64xf32, #tpu.memory_space<vmem_shared>>
      tpu.enqueue_indirect_dma source(%arg12 : memref<128x64xf32, #tpu.memory_space<vmem>>) target(%dma_start3A_315 : memref<10240x64xf32, #tpu.memory_space<vmem_shared>>) offsets(%dma_start3A_312 : memref<128xi32, #tpu.memory_space<vmem>>) semaphore(%arg28 : memref<!tpu.dma_semaphore, #tpu.memory_space<semaphore_mem>>) {add = true}
      %add3A_316 = arith.constant 3 : i32
      %add3A_317 = arith.addi %mul3A_267, %add3A_316 : i32
      %dma_wait3A_318 = arith.constant 0 : i32
      %dma_wait3A_319 = tpu.memref_slice %arg8[%add3A_317, %dma_wait3A_318] : memref<80x128xi32, #tpu.memory_space<vmem>> -> memref<1x128xi32, #tpu.memory_space<vmem>>
      %dma_wait3A_320 = tpu.memref_squeeze %dma_wait3A_319 : memref<1x128xi32, #tpu.memory_space<vmem>> -> memref<128xi32, #tpu.memory_space<vmem>>
      %dma_wait3A_321 = arith.constant 0 : i32
      %dma_wait3A_322 = arith.constant 0 : i32
      %dma_wait3A_323 = tpu.memref_slice %arg2[%dma_wait3A_321, %dma_wait3A_322] : memref<10240x64xf32, #tpu.memory_space<hbm>> -> memref<10240x64xf32, #tpu.memory_space<hbm>>
      tpu.wait_indirect_dma semaphore(%arg21 : memref<!tpu.dma_semaphore, #tpu.memory_space<semaphore_mem>>) src(%dma_wait3A_323 : memref<10240x64xf32, #tpu.memory_space<hbm>>) dst(%arg13 : memref<128x64xf32, #tpu.memory_space<vmem>>)
      %add3A_324 = arith.constant 3 : i32
      %add3A_325 = arith.addi %mul3A_267, %add3A_324 : i32
      %dma_start3A_326 = arith.constant 0 : i32
      %dma_start3A_327 = tpu.memref_slice %arg9[%add3A_325, %dma_start3A_326] : memref<80x128xi32, #tpu.memory_space<vmem>> -> memref<1x128xi32, #tpu.memory_space<vmem>>
      %dma_start3A_328 = tpu.memref_squeeze %dma_start3A_327 : memref<1x128xi32, #tpu.memory_space<vmem>> -> memref<128xi32, #tpu.memory_space<vmem>>
      %dma_start3A_329 = arith.constant 0 : i32
      %dma_start3A_330 = arith.constant 0 : i32
      %dma_start3A_331 = tpu.memref_slice %arg7[%dma_start3A_329, %dma_start3A_330] : memref<10240x64xf32, #tpu.memory_space<vmem_shared>> -> memref<10240x64xf32, #tpu.memory_space<vmem_shared>>
      tpu.enqueue_indirect_dma source(%arg13 : memref<128x64xf32, #tpu.memory_space<vmem>>) target(%dma_start3A_331 : memref<10240x64xf32, #tpu.memory_space<vmem_shared>>) offsets(%dma_start3A_328 : memref<128xi32, #tpu.memory_space<vmem>>) semaphore(%arg29 : memref<!tpu.dma_semaphore, #tpu.memory_space<semaphore_mem>>) {add = true}
      %add3A_332 = arith.constant 4 : i32
      %add3A_333 = arith.addi %mul3A_267, %add3A_332 : i32
      %dma_wait3A_334 = arith.constant 0 : i32
      %dma_wait3A_335 = tpu.memref_slice %arg8[%add3A_333, %dma_wait3A_334] : memref<80x128xi32, #tpu.memory_space<vmem>> -> memref<1x128xi32, #tpu.memory_space<vmem>>
      %dma_wait3A_336 = tpu.memref_squeeze %dma_wait3A_335 : memref<1x128xi32, #tpu.memory_space<vmem>> -> memref<128xi32, #tpu.memory_space<vmem>>
      %dma_wait3A_337 = arith.constant 0 : i32
      %dma_wait3A_338 = arith.constant 0 : i32
      %dma_wait3A_339 = tpu.memref_slice %arg2[%dma_wait3A_337, %dma_wait3A_338] : memref<10240x64xf32, #tpu.memory_space<hbm>> -> memref<10240x64xf32, #tpu.memory_space<hbm>>
      tpu.wait_indirect_dma semaphore(%arg22 : memref<!tpu.dma_semaphore, #tpu.memory_space<semaphore_mem>>) src(%dma_wait3A_339 : memref<10240x64xf32, #tpu.memory_space<hbm>>) dst(%arg14 : memref<128x64xf32, #tpu.memory_space<vmem>>)
      %add3A_340 = arith.constant 4 : i32
      %add3A_341 = arith.addi %mul3A_267, %add3A_340 : i32
      %dma_start3A_342 = arith.constant 0 : i32
      %dma_start3A_343 = tpu.memref_slice %arg9[%add3A_341, %dma_start3A_342] : memref<80x128xi32, #tpu.memory_space<vmem>> -> memref<1x128xi32, #tpu.memory_space<vmem>>
      %dma_start3A_344 = tpu.memref_squeeze %dma_start3A_343 : memref<1x128xi32, #tpu.memory_space<vmem>> -> memref<128xi32, #tpu.memory_space<vmem>>
      %dma_start3A_345 = arith.constant 0 : i32
      %dma_start3A_346 = arith.constant 0 : i32
      %dma_start3A_347 = tpu.memref_slice %arg7[%dma_start3A_345, %dma_start3A_346] : memref<10240x64xf32, #tpu.memory_space<vmem_shared>> -> memref<10240x64xf32, #tpu.memory_space<vmem_shared>>
      tpu.enqueue_indirect_dma source(%arg14 : memref<128x64xf32, #tpu.memory_space<vmem>>) target(%dma_start3A_347 : memref<10240x64xf32, #tpu.memory_space<vmem_shared>>) offsets(%dma_start3A_344 : memref<128xi32, #tpu.memory_space<vmem>>) semaphore(%arg30 : memref<!tpu.dma_semaphore, #tpu.memory_space<semaphore_mem>>) {add = true}
      %add3A_348 = arith.constant 5 : i32
      %add3A_349 = arith.addi %mul3A_267, %add3A_348 : i32
      %dma_wait3A_350 = arith.constant 0 : i32
      %dma_wait3A_351 = tpu.memref_slice %arg8[%add3A_349, %dma_wait3A_350] : memref<80x128xi32, #tpu.memory_space<vmem>> -> memref<1x128xi32, #tpu.memory_space<vmem>>
      %dma_wait3A_352 = tpu.memref_squeeze %dma_wait3A_351 : memref<1x128xi32, #tpu.memory_space<vmem>> -> memref<128xi32, #tpu.memory_space<vmem>>
      %dma_wait3A_353 = arith.constant 0 : i32
      %dma_wait3A_354 = arith.constant 0 : i32
      %dma_wait3A_355 = tpu.memref_slice %arg2[%dma_wait3A_353, %dma_wait3A_354] : memref<10240x64xf32, #tpu.memory_space<hbm>> -> memref<10240x64xf32, #tpu.memory_space<hbm>>
      tpu.wait_indirect_dma semaphore(%arg23 : memref<!tpu.dma_semaphore, #tpu.memory_space<semaphore_mem>>) src(%dma_wait3A_355 : memref<10240x64xf32, #tpu.memory_space<hbm>>) dst(%arg15 : memref<128x64xf32, #tpu.memory_space<vmem>>)
      %add3A_356 = arith.constant 5 : i32
      %add3A_357 = arith.addi %mul3A_267, %add3A_356 : i32
      %dma_start3A_358 = arith.constant 0 : i32
      %dma_start3A_359 = tpu.memref_slice %arg9[%add3A_357, %dma_start3A_358] : memref<80x128xi32, #tpu.memory_space<vmem>> -> memref<1x128xi32, #tpu.memory_space<vmem>>
      %dma_start3A_360 = tpu.memref_squeeze %dma_start3A_359 : memref<1x128xi32, #tpu.memory_space<vmem>> -> memref<128xi32, #tpu.memory_space<vmem>>
      %dma_start3A_361 = arith.constant 0 : i32
      %dma_start3A_362 = arith.constant 0 : i32
      %dma_start3A_363 = tpu.memref_slice %arg7[%dma_start3A_361, %dma_start3A_362] : memref<10240x64xf32, #tpu.memory_space<vmem_shared>> -> memref<10240x64xf32, #tpu.memory_space<vmem_shared>>
      tpu.enqueue_indirect_dma source(%arg15 : memref<128x64xf32, #tpu.memory_space<vmem>>) target(%dma_start3A_363 : memref<10240x64xf32, #tpu.memory_space<vmem_shared>>) offsets(%dma_start3A_360 : memref<128xi32, #tpu.memory_space<vmem>>) semaphore(%arg31 : memref<!tpu.dma_semaphore, #tpu.memory_space<semaphore_mem>>) {add = true}
      %add3A_364 = arith.constant 6 : i32
      %add3A_365 = arith.addi %mul3A_267, %add3A_364 : i32
      %dma_wait3A_366 = arith.constant 0 : i32
      %dma_wait3A_367 = tpu.memref_slice %arg8[%add3A_365, %dma_wait3A_366] : memref<80x128xi32, #tpu.memory_space<vmem>> -> memref<1x128xi32, #tpu.memory_space<vmem>>
      %dma_wait3A_368 = tpu.memref_squeeze %dma_wait3A_367 : memref<1x128xi32, #tpu.memory_space<vmem>> -> memref<128xi32, #tpu.memory_space<vmem>>
      %dma_wait3A_369 = arith.constant 0 : i32
      %dma_wait3A_370 = arith.constant 0 : i32
      %dma_wait3A_371 = tpu.memref_slice %arg2[%dma_wait3A_369, %dma_wait3A_370] : memref<10240x64xf32, #tpu.memory_space<hbm>> -> memref<10240x64xf32, #tpu.memory_space<hbm>>
      tpu.wait_indirect_dma semaphore(%arg24 : memref<!tpu.dma_semaphore, #tpu.memory_space<semaphore_mem>>) src(%dma_wait3A_371 : memref<10240x64xf32, #tpu.memory_space<hbm>>) dst(%arg16 : memref<128x64xf32, #tpu.memory_space<vmem>>)
      %add3A_372 = arith.constant 6 : i32
      %add3A_373 = arith.addi %mul3A_267, %add3A_372 : i32
      %dma_start3A_374 = arith.constant 0 : i32
      %dma_start3A_375 = tpu.memref_slice %arg9[%add3A_373, %dma_start3A_374] : memref<80x128xi32, #tpu.memory_space<vmem>> -> memref<1x128xi32, #tpu.memory_space<vmem>>
      %dma_start3A_376 = tpu.memref_squeeze %dma_start3A_375 : memref<1x128xi32, #tpu.memory_space<vmem>> -> memref<128xi32, #tpu.memory_space<vmem>>
      %dma_start3A_377 = arith.constant 0 : i32
      %dma_start3A_378 = arith.constant 0 : i32
      %dma_start3A_379 = tpu.memref_slice %arg7[%dma_start3A_377, %dma_start3A_378] : memref<10240x64xf32, #tpu.memory_space<vmem_shared>> -> memref<10240x64xf32, #tpu.memory_space<vmem_shared>>
      tpu.enqueue_indirect_dma source(%arg16 : memref<128x64xf32, #tpu.memory_space<vmem>>) target(%dma_start3A_379 : memref<10240x64xf32, #tpu.memory_space<vmem_shared>>) offsets(%dma_start3A_376 : memref<128xi32, #tpu.memory_space<vmem>>) semaphore(%arg32 : memref<!tpu.dma_semaphore, #tpu.memory_space<semaphore_mem>>) {add = true}
      %add3A_380 = arith.constant 7 : i32
      %add3A_381 = arith.addi %mul3A_267, %add3A_380 : i32
      %dma_wait3A_382 = arith.constant 0 : i32
      %dma_wait3A_383 = tpu.memref_slice %arg8[%add3A_381, %dma_wait3A_382] : memref<80x128xi32, #tpu.memory_space<vmem>> -> memref<1x128xi32, #tpu.memory_space<vmem>>
      %dma_wait3A_384 = tpu.memref_squeeze %dma_wait3A_383 : memref<1x128xi32, #tpu.memory_space<vmem>> -> memref<128xi32, #tpu.memory_space<vmem>>
      %dma_wait3A_385 = arith.constant 0 : i32
      %dma_wait3A_386 = arith.constant 0 : i32
      %dma_wait3A_387 = tpu.memref_slice %arg2[%dma_wait3A_385, %dma_wait3A_386] : memref<10240x64xf32, #tpu.memory_space<hbm>> -> memref<10240x64xf32, #tpu.memory_space<hbm>>
      tpu.wait_indirect_dma semaphore(%arg25 : memref<!tpu.dma_semaphore, #tpu.memory_space<semaphore_mem>>) src(%dma_wait3A_387 : memref<10240x64xf32, #tpu.memory_space<hbm>>) dst(%arg17 : memref<128x64xf32, #tpu.memory_space<vmem>>)
      %add3A_388 = arith.constant 7 : i32
      %add3A_389 = arith.addi %mul3A_267, %add3A_388 : i32
      %dma_start3A_390 = arith.constant 0 : i32
      %dma_start3A_391 = tpu.memref_slice %arg9[%add3A_389, %dma_start3A_390] : memref<80x128xi32, #tpu.memory_space<vmem>> -> memref<1x128xi32, #tpu.memory_space<vmem>>
      %dma_start3A_392 = tpu.memref_squeeze %dma_start3A_391 : memref<1x128xi32, #tpu.memory_space<vmem>> -> memref<128xi32, #tpu.memory_space<vmem>>
      %dma_start3A_393 = arith.constant 0 : i32
      %dma_start3A_394 = arith.constant 0 : i32
      %dma_start3A_395 = tpu.memref_slice %arg7[%dma_start3A_393, %dma_start3A_394] : memref<10240x64xf32, #tpu.memory_space<vmem_shared>> -> memref<10240x64xf32, #tpu.memory_space<vmem_shared>>
      tpu.enqueue_indirect_dma source(%arg17 : memref<128x64xf32, #tpu.memory_space<vmem>>) target(%dma_start3A_395 : memref<10240x64xf32, #tpu.memory_space<vmem_shared>>) offsets(%dma_start3A_392 : memref<128xi32, #tpu.memory_space<vmem>>) semaphore(%arg33 : memref<!tpu.dma_semaphore, #tpu.memory_space<semaphore_mem>>) {add = true}
      %add3A_396 = arith.constant 0 : i32
      %add3A_397 = arith.addi %mul3A_267, %add3A_396 : i32
      %dma_wait3A_398 = arith.constant 0 : i32
      %dma_wait3A_399 = tpu.memref_slice %arg9[%add3A_397, %dma_wait3A_398] : memref<80x128xi32, #tpu.memory_space<vmem>> -> memref<1x128xi32, #tpu.memory_space<vmem>>
      %dma_wait3A_400 = tpu.memref_squeeze %dma_wait3A_399 : memref<1x128xi32, #tpu.memory_space<vmem>> -> memref<128xi32, #tpu.memory_space<vmem>>
      %dma_wait3A_401 = arith.constant 0 : i32
      %dma_wait3A_402 = arith.constant 0 : i32
      %dma_wait3A_403 = tpu.memref_slice %arg7[%dma_wait3A_401, %dma_wait3A_402] : memref<10240x64xf32, #tpu.memory_space<vmem_shared>> -> memref<10240x64xf32, #tpu.memory_space<vmem_shared>>
      tpu.wait_indirect_dma semaphore(%arg26 : memref<!tpu.dma_semaphore, #tpu.memory_space<semaphore_mem>>) src(%arg10 : memref<128x64xf32, #tpu.memory_space<vmem>>) dst(%dma_wait3A_403 : memref<10240x64xf32, #tpu.memory_space<vmem_shared>>)
      %add3A_404 = arith.constant 8 : i32
      %add3A_405 = arith.addi %mul3A_267, %add3A_404 : i32
      %add3A_406 = arith.constant 0 : i32
      %add3A_407 = arith.addi %add3A_405, %add3A_406 : i32
      %dma_start3A_408 = arith.constant 0 : i32
      %dma_start3A_409 = tpu.memref_slice %arg8[%add3A_407, %dma_start3A_408] : memref<80x128xi32, #tpu.memory_space<vmem>> -> memref<1x128xi32, #tpu.memory_space<vmem>>
      %dma_start3A_410 = tpu.memref_squeeze %dma_start3A_409 : memref<1x128xi32, #tpu.memory_space<vmem>> -> memref<128xi32, #tpu.memory_space<vmem>>
      %dma_start3A_411 = arith.constant 0 : i32
      %dma_start3A_412 = arith.constant 0 : i32
      %dma_start3A_413 = tpu.memref_slice %arg2[%dma_start3A_411, %dma_start3A_412] : memref<10240x64xf32, #tpu.memory_space<hbm>> -> memref<10240x64xf32, #tpu.memory_space<hbm>>
      tpu.enqueue_indirect_dma source(%dma_start3A_413 : memref<10240x64xf32, #tpu.memory_space<hbm>>) target(%arg10 : memref<128x64xf32, #tpu.memory_space<vmem>>) offsets(%dma_start3A_410 : memref<128xi32, #tpu.memory_space<vmem>>) semaphore(%arg18 : memref<!tpu.dma_semaphore, #tpu.memory_space<semaphore_mem>>)
      %add3A_414 = arith.constant 1 : i32
      %add3A_415 = arith.addi %mul3A_267, %add3A_414 : i32
      %dma_wait3A_416 = arith.constant 0 : i32
      %dma_wait3A_417 = tpu.memref_slice %arg9[%add3A_415, %dma_wait3A_416] : memref<80x128xi32, #tpu.memory_space<vmem>> -> memref<1x128xi32, #tpu.memory_space<vmem>>
      %dma_wait3A_418 = tpu.memref_squeeze %dma_wait3A_417 : memref<1x128xi32, #tpu.memory_space<vmem>> -> memref<128xi32, #tpu.memory_space<vmem>>
      %dma_wait3A_419 = arith.constant 0 : i32
      %dma_wait3A_420 = arith.constant 0 : i32
      %dma_wait3A_421 = tpu.memref_slice %arg7[%dma_wait3A_419, %dma_wait3A_420] : memref<10240x64xf32, #tpu.memory_space<vmem_shared>> -> memref<10240x64xf32, #tpu.memory_space<vmem_shared>>
      tpu.wait_indirect_dma semaphore(%arg27 : memref<!tpu.dma_semaphore, #tpu.memory_space<semaphore_mem>>) src(%arg11 : memref<128x64xf32, #tpu.memory_space<vmem>>) dst(%dma_wait3A_421 : memref<10240x64xf32, #tpu.memory_space<vmem_shared>>)
      %add3A_422 = arith.constant 8 : i32
      %add3A_423 = arith.addi %mul3A_267, %add3A_422 : i32
      %add3A_424 = arith.constant 1 : i32
      %add3A_425 = arith.addi %add3A_423, %add3A_424 : i32
      %dma_start3A_426 = arith.constant 0 : i32
      %dma_start3A_427 = tpu.memref_slice %arg8[%add3A_425, %dma_start3A_426] : memref<80x128xi32, #tpu.memory_space<vmem>> -> memref<1x128xi32, #tpu.memory_space<vmem>>
      %dma_start3A_428 = tpu.memref_squeeze %dma_start3A_427 : memref<1x128xi32, #tpu.memory_space<vmem>> -> memref<128xi32, #tpu.memory_space<vmem>>
      %dma_start3A_429 = arith.constant 0 : i32
      %dma_start3A_430 = arith.constant 0 : i32
      %dma_start3A_431 = tpu.memref_slice %arg2[%dma_start3A_429, %dma_start3A_430] : memref<10240x64xf32, #tpu.memory_space<hbm>> -> memref<10240x64xf32, #tpu.memory_space<hbm>>
      tpu.enqueue_indirect_dma source(%dma_start3A_431 : memref<10240x64xf32, #tpu.memory_space<hbm>>) target(%arg11 : memref<128x64xf32, #tpu.memory_space<vmem>>) offsets(%dma_start3A_428 : memref<128xi32, #tpu.memory_space<vmem>>) semaphore(%arg19 : memref<!tpu.dma_semaphore, #tpu.memory_space<semaphore_mem>>)
      %add3A_432 = arith.constant 2 : i32
      %add3A_433 = arith.addi %mul3A_267, %add3A_432 : i32
      %dma_wait3A_434 = arith.constant 0 : i32
      %dma_wait3A_435 = tpu.memref_slice %arg9[%add3A_433, %dma_wait3A_434] : memref<80x128xi32, #tpu.memory_space<vmem>> -> memref<1x128xi32, #tpu.memory_space<vmem>>
      %dma_wait3A_436 = tpu.memref_squeeze %dma_wait3A_435 : memref<1x128xi32, #tpu.memory_space<vmem>> -> memref<128xi32, #tpu.memory_space<vmem>>
      %dma_wait3A_437 = arith.constant 0 : i32
      %dma_wait3A_438 = arith.constant 0 : i32
      %dma_wait3A_439 = tpu.memref_slice %arg7[%dma_wait3A_437, %dma_wait3A_438] : memref<10240x64xf32, #tpu.memory_space<vmem_shared>> -> memref<10240x64xf32, #tpu.memory_space<vmem_shared>>
      tpu.wait_indirect_dma semaphore(%arg28 : memref<!tpu.dma_semaphore, #tpu.memory_space<semaphore_mem>>) src(%arg12 : memref<128x64xf32, #tpu.memory_space<vmem>>) dst(%dma_wait3A_439 : memref<10240x64xf32, #tpu.memory_space<vmem_shared>>)
      %add3A_440 = arith.constant 8 : i32
      %add3A_441 = arith.addi %mul3A_267, %add3A_440 : i32
      %add3A_442 = arith.constant 2 : i32
      %add3A_443 = arith.addi %add3A_441, %add3A_442 : i32
      %dma_start3A_444 = arith.constant 0 : i32
      %dma_start3A_445 = tpu.memref_slice %arg8[%add3A_443, %dma_start3A_444] : memref<80x128xi32, #tpu.memory_space<vmem>> -> memref<1x128xi32, #tpu.memory_space<vmem>>
      %dma_start3A_446 = tpu.memref_squeeze %dma_start3A_445 : memref<1x128xi32, #tpu.memory_space<vmem>> -> memref<128xi32, #tpu.memory_space<vmem>>
      %dma_start3A_447 = arith.constant 0 : i32
      %dma_start3A_448 = arith.constant 0 : i32
      %dma_start3A_449 = tpu.memref_slice %arg2[%dma_start3A_447, %dma_start3A_448] : memref<10240x64xf32, #tpu.memory_space<hbm>> -> memref<10240x64xf32, #tpu.memory_space<hbm>>
      tpu.enqueue_indirect_dma source(%dma_start3A_449 : memref<10240x64xf32, #tpu.memory_space<hbm>>) target(%arg12 : memref<128x64xf32, #tpu.memory_space<vmem>>) offsets(%dma_start3A_446 : memref<128xi32, #tpu.memory_space<vmem>>) semaphore(%arg20 : memref<!tpu.dma_semaphore, #tpu.memory_space<semaphore_mem>>)
      %add3A_450 = arith.constant 3 : i32
      %add3A_451 = arith.addi %mul3A_267, %add3A_450 : i32
      %dma_wait3A_452 = arith.constant 0 : i32
      %dma_wait3A_453 = tpu.memref_slice %arg9[%add3A_451, %dma_wait3A_452] : memref<80x128xi32, #tpu.memory_space<vmem>> -> memref<1x128xi32, #tpu.memory_space<vmem>>
      %dma_wait3A_454 = tpu.memref_squeeze %dma_wait3A_453 : memref<1x128xi32, #tpu.memory_space<vmem>> -> memref<128xi32, #tpu.memory_space<vmem>>
      %dma_wait3A_455 = arith.constant 0 : i32
      %dma_wait3A_456 = arith.constant 0 : i32
      %dma_wait3A_457 = tpu.memref_slice %arg7[%dma_wait3A_455, %dma_wait3A_456] : memref<10240x64xf32, #tpu.memory_space<vmem_shared>> -> memref<10240x64xf32, #tpu.memory_space<vmem_shared>>
      tpu.wait_indirect_dma semaphore(%arg29 : memref<!tpu.dma_semaphore, #tpu.memory_space<semaphore_mem>>) src(%arg13 : memref<128x64xf32, #tpu.memory_space<vmem>>) dst(%dma_wait3A_457 : memref<10240x64xf32, #tpu.memory_space<vmem_shared>>)
      %add3A_458 = arith.constant 8 : i32
      %add3A_459 = arith.addi %mul3A_267, %add3A_458 : i32
      %add3A_460 = arith.constant 3 : i32
      %add3A_461 = arith.addi %add3A_459, %add3A_460 : i32
      %dma_start3A_462 = arith.constant 0 : i32
      %dma_start3A_463 = tpu.memref_slice %arg8[%add3A_461, %dma_start3A_462] : memref<80x128xi32, #tpu.memory_space<vmem>> -> memref<1x128xi32, #tpu.memory_space<vmem>>
      %dma_start3A_464 = tpu.memref_squeeze %dma_start3A_463 : memref<1x128xi32, #tpu.memory_space<vmem>> -> memref<128xi32, #tpu.memory_space<vmem>>
      %dma_start3A_465 = arith.constant 0 : i32
      %dma_start3A_466 = arith.constant 0 : i32
      %dma_start3A_467 = tpu.memref_slice %arg2[%dma_start3A_465, %dma_start3A_466] : memref<10240x64xf32, #tpu.memory_space<hbm>> -> memref<10240x64xf32, #tpu.memory_space<hbm>>
      tpu.enqueue_indirect_dma source(%dma_start3A_467 : memref<10240x64xf32, #tpu.memory_space<hbm>>) target(%arg13 : memref<128x64xf32, #tpu.memory_space<vmem>>) offsets(%dma_start3A_464 : memref<128xi32, #tpu.memory_space<vmem>>) semaphore(%arg21 : memref<!tpu.dma_semaphore, #tpu.memory_space<semaphore_mem>>)
      %add3A_468 = arith.constant 4 : i32
      %add3A_469 = arith.addi %mul3A_267, %add3A_468 : i32
      %dma_wait3A_470 = arith.constant 0 : i32
      %dma_wait3A_471 = tpu.memref_slice %arg9[%add3A_469, %dma_wait3A_470] : memref<80x128xi32, #tpu.memory_space<vmem>> -> memref<1x128xi32, #tpu.memory_space<vmem>>
      %dma_wait3A_472 = tpu.memref_squeeze %dma_wait3A_471 : memref<1x128xi32, #tpu.memory_space<vmem>> -> memref<128xi32, #tpu.memory_space<vmem>>
      %dma_wait3A_473 = arith.constant 0 : i32
      %dma_wait3A_474 = arith.constant 0 : i32
      %dma_wait3A_475 = tpu.memref_slice %arg7[%dma_wait3A_473, %dma_wait3A_474] : memref<10240x64xf32, #tpu.memory_space<vmem_shared>> -> memref<10240x64xf32, #tpu.memory_space<vmem_shared>>
      tpu.wait_indirect_dma semaphore(%arg30 : memref<!tpu.dma_semaphore, #tpu.memory_space<semaphore_mem>>) src(%arg14 : memref<128x64xf32, #tpu.memory_space<vmem>>) dst(%dma_wait3A_475 : memref<10240x64xf32, #tpu.memory_space<vmem_shared>>)
      %add3A_476 = arith.constant 8 : i32
      %add3A_477 = arith.addi %mul3A_267, %add3A_476 : i32
      %add3A_478 = arith.constant 4 : i32
      %add3A_479 = arith.addi %add3A_477, %add3A_478 : i32
      %dma_start3A_480 = arith.constant 0 : i32
      %dma_start3A_481 = tpu.memref_slice %arg8[%add3A_479, %dma_start3A_480] : memref<80x128xi32, #tpu.memory_space<vmem>> -> memref<1x128xi32, #tpu.memory_space<vmem>>
      %dma_start3A_482 = tpu.memref_squeeze %dma_start3A_481 : memref<1x128xi32, #tpu.memory_space<vmem>> -> memref<128xi32, #tpu.memory_space<vmem>>
      %dma_start3A_483 = arith.constant 0 : i32
      %dma_start3A_484 = arith.constant 0 : i32
      %dma_start3A_485 = tpu.memref_slice %arg2[%dma_start3A_483, %dma_start3A_484] : memref<10240x64xf32, #tpu.memory_space<hbm>> -> memref<10240x64xf32, #tpu.memory_space<hbm>>
      tpu.enqueue_indirect_dma source(%dma_start3A_485 : memref<10240x64xf32, #tpu.memory_space<hbm>>) target(%arg14 : memref<128x64xf32, #tpu.memory_space<vmem>>) offsets(%dma_start3A_482 : memref<128xi32, #tpu.memory_space<vmem>>) semaphore(%arg22 : memref<!tpu.dma_semaphore, #tpu.memory_space<semaphore_mem>>)
      %add3A_486 = arith.constant 5 : i32
      %add3A_487 = arith.addi %mul3A_267, %add3A_486 : i32
      %dma_wait3A_488 = arith.constant 0 : i32
      %dma_wait3A_489 = tpu.memref_slice %arg9[%add3A_487, %dma_wait3A_488] : memref<80x128xi32, #tpu.memory_space<vmem>> -> memref<1x128xi32, #tpu.memory_space<vmem>>
      %dma_wait3A_490 = tpu.memref_squeeze %dma_wait3A_489 : memref<1x128xi32, #tpu.memory_space<vmem>> -> memref<128xi32, #tpu.memory_space<vmem>>
      %dma_wait3A_491 = arith.constant 0 : i32
      %dma_wait3A_492 = arith.constant 0 : i32
      %dma_wait3A_493 = tpu.memref_slice %arg7[%dma_wait3A_491, %dma_wait3A_492] : memref<10240x64xf32, #tpu.memory_space<vmem_shared>> -> memref<10240x64xf32, #tpu.memory_space<vmem_shared>>
      tpu.wait_indirect_dma semaphore(%arg31 : memref<!tpu.dma_semaphore, #tpu.memory_space<semaphore_mem>>) src(%arg15 : memref<128x64xf32, #tpu.memory_space<vmem>>) dst(%dma_wait3A_493 : memref<10240x64xf32, #tpu.memory_space<vmem_shared>>)
      %add3A_494 = arith.constant 8 : i32
      %add3A_495 = arith.addi %mul3A_267, %add3A_494 : i32
      %add3A_496 = arith.constant 5 : i32
      %add3A_497 = arith.addi %add3A_495, %add3A_496 : i32
      %dma_start3A_498 = arith.constant 0 : i32
      %dma_start3A_499 = tpu.memref_slice %arg8[%add3A_497, %dma_start3A_498] : memref<80x128xi32, #tpu.memory_space<vmem>> -> memref<1x128xi32, #tpu.memory_space<vmem>>
      %dma_start3A_500 = tpu.memref_squeeze %dma_start3A_499 : memref<1x128xi32, #tpu.memory_space<vmem>> -> memref<128xi32, #tpu.memory_space<vmem>>
      %dma_start3A_501 = arith.constant 0 : i32
      %dma_start3A_502 = arith.constant 0 : i32
      %dma_start3A_503 = tpu.memref_slice %arg2[%dma_start3A_501, %dma_start3A_502] : memref<10240x64xf32, #tpu.memory_space<hbm>> -> memref<10240x64xf32, #tpu.memory_space<hbm>>
      tpu.enqueue_indirect_dma source(%dma_start3A_503 : memref<10240x64xf32, #tpu.memory_space<hbm>>) target(%arg15 : memref<128x64xf32, #tpu.memory_space<vmem>>) offsets(%dma_start3A_500 : memref<128xi32, #tpu.memory_space<vmem>>) semaphore(%arg23 : memref<!tpu.dma_semaphore, #tpu.memory_space<semaphore_mem>>)
      %add3A_504 = arith.constant 6 : i32
      %add3A_505 = arith.addi %mul3A_267, %add3A_504 : i32
      %dma_wait3A_506 = arith.constant 0 : i32
      %dma_wait3A_507 = tpu.memref_slice %arg9[%add3A_505, %dma_wait3A_506] : memref<80x128xi32, #tpu.memory_space<vmem>> -> memref<1x128xi32, #tpu.memory_space<vmem>>
      %dma_wait3A_508 = tpu.memref_squeeze %dma_wait3A_507 : memref<1x128xi32, #tpu.memory_space<vmem>> -> memref<128xi32, #tpu.memory_space<vmem>>
      %dma_wait3A_509 = arith.constant 0 : i32
      %dma_wait3A_510 = arith.constant 0 : i32
      %dma_wait3A_511 = tpu.memref_slice %arg7[%dma_wait3A_509, %dma_wait3A_510] : memref<10240x64xf32, #tpu.memory_space<vmem_shared>> -> memref<10240x64xf32, #tpu.memory_space<vmem_shared>>
      tpu.wait_indirect_dma semaphore(%arg32 : memref<!tpu.dma_semaphore, #tpu.memory_space<semaphore_mem>>) src(%arg16 : memref<128x64xf32, #tpu.memory_space<vmem>>) dst(%dma_wait3A_511 : memref<10240x64xf32, #tpu.memory_space<vmem_shared>>)
      %add3A_512 = arith.constant 8 : i32
      %add3A_513 = arith.addi %mul3A_267, %add3A_512 : i32
      %add3A_514 = arith.constant 6 : i32
      %add3A_515 = arith.addi %add3A_513, %add3A_514 : i32
      %dma_start3A_516 = arith.constant 0 : i32
      %dma_start3A_517 = tpu.memref_slice %arg8[%add3A_515, %dma_start3A_516] : memref<80x128xi32, #tpu.memory_space<vmem>> -> memref<1x128xi32, #tpu.memory_space<vmem>>
      %dma_start3A_518 = tpu.memref_squeeze %dma_start3A_517 : memref<1x128xi32, #tpu.memory_space<vmem>> -> memref<128xi32, #tpu.memory_space<vmem>>
      %dma_start3A_519 = arith.constant 0 : i32
      %dma_start3A_520 = arith.constant 0 : i32
      %dma_start3A_521 = tpu.memref_slice %arg2[%dma_start3A_519, %dma_start3A_520] : memref<10240x64xf32, #tpu.memory_space<hbm>> -> memref<10240x64xf32, #tpu.memory_space<hbm>>
      tpu.enqueue_indirect_dma source(%dma_start3A_521 : memref<10240x64xf32, #tpu.memory_space<hbm>>) target(%arg16 : memref<128x64xf32, #tpu.memory_space<vmem>>) offsets(%dma_start3A_518 : memref<128xi32, #tpu.memory_space<vmem>>) semaphore(%arg24 : memref<!tpu.dma_semaphore, #tpu.memory_space<semaphore_mem>>)
      %add3A_522 = arith.constant 7 : i32
      %add3A_523 = arith.addi %mul3A_267, %add3A_522 : i32
      %dma_wait3A_524 = arith.constant 0 : i32
      %dma_wait3A_525 = tpu.memref_slice %arg9[%add3A_523, %dma_wait3A_524] : memref<80x128xi32, #tpu.memory_space<vmem>> -> memref<1x128xi32, #tpu.memory_space<vmem>>
      %dma_wait3A_526 = tpu.memref_squeeze %dma_wait3A_525 : memref<1x128xi32, #tpu.memory_space<vmem>> -> memref<128xi32, #tpu.memory_space<vmem>>
      %dma_wait3A_527 = arith.constant 0 : i32
      %dma_wait3A_528 = arith.constant 0 : i32
      %dma_wait3A_529 = tpu.memref_slice %arg7[%dma_wait3A_527, %dma_wait3A_528] : memref<10240x64xf32, #tpu.memory_space<vmem_shared>> -> memref<10240x64xf32, #tpu.memory_space<vmem_shared>>
      tpu.wait_indirect_dma semaphore(%arg33 : memref<!tpu.dma_semaphore, #tpu.memory_space<semaphore_mem>>) src(%arg17 : memref<128x64xf32, #tpu.memory_space<vmem>>) dst(%dma_wait3A_529 : memref<10240x64xf32, #tpu.memory_space<vmem_shared>>)
      %add3A_530 = arith.constant 8 : i32
      %add3A_531 = arith.addi %mul3A_267, %add3A_530 : i32
      %add3A_532 = arith.constant 7 : i32
      %add3A_533 = arith.addi %add3A_531, %add3A_532 : i32
      %dma_start3A_534 = arith.constant 0 : i32
      %dma_start3A_535 = tpu.memref_slice %arg8[%add3A_533, %dma_start3A_534] : memref<80x128xi32, #tpu.memory_space<vmem>> -> memref<1x128xi32, #tpu.memory_space<vmem>>
      %dma_start3A_536 = tpu.memref_squeeze %dma_start3A_535 : memref<1x128xi32, #tpu.memory_space<vmem>> -> memref<128xi32, #tpu.memory_space<vmem>>
      %dma_start3A_537 = arith.constant 0 : i32
      %dma_start3A_538 = arith.constant 0 : i32
      %dma_start3A_539 = tpu.memref_slice %arg2[%dma_start3A_537, %dma_start3A_538] : memref<10240x64xf32, #tpu.memory_space<hbm>> -> memref<10240x64xf32, #tpu.memory_space<hbm>>
      tpu.enqueue_indirect_dma source(%dma_start3A_539 : memref<10240x64xf32, #tpu.memory_space<hbm>>) target(%arg17 : memref<128x64xf32, #tpu.memory_space<vmem>>) offsets(%dma_start3A_536 : memref<128xi32, #tpu.memory_space<vmem>>) semaphore(%arg25 : memref<!tpu.dma_semaphore, #tpu.memory_space<semaphore_mem>>)
    }
    %scan3A_91 = arith.constant 9 : i32
    %dma_wait3A_92 = arith.constant 72 : i32
    %dma_wait3A_93 = arith.constant 0 : i32
    %dma_wait3A_94 = tpu.memref_slice %arg8[%dma_wait3A_92, %dma_wait3A_93] : memref<80x128xi32, #tpu.memory_space<vmem>> -> memref<1x128xi32, #tpu.memory_space<vmem>>
    %dma_wait3A_95 = tpu.memref_squeeze %dma_wait3A_94 : memref<1x128xi32, #tpu.memory_space<vmem>> -> memref<128xi32, #tpu.memory_space<vmem>>
    %dma_wait3A_96 = arith.constant 0 : i32
    %dma_wait3A_97 = arith.constant 0 : i32
    %dma_wait3A_98 = tpu.memref_slice %arg2[%dma_wait3A_96, %dma_wait3A_97] : memref<10240x64xf32, #tpu.memory_space<hbm>> -> memref<10240x64xf32, #tpu.memory_space<hbm>>
    tpu.wait_indirect_dma semaphore(%arg18 : memref<!tpu.dma_semaphore, #tpu.memory_space<semaphore_mem>>) src(%dma_wait3A_98 : memref<10240x64xf32, #tpu.memory_space<hbm>>) dst(%arg10 : memref<128x64xf32, #tpu.memory_space<vmem>>)
    %dma_start3A_99 = arith.constant 72 : i32
    %dma_start3A_100 = arith.constant 0 : i32
    %dma_start3A_101 = tpu.memref_slice %arg9[%dma_start3A_99, %dma_start3A_100] : memref<80x128xi32, #tpu.memory_space<vmem>> -> memref<1x128xi32, #tpu.memory_space<vmem>>
    %dma_start3A_102 = tpu.memref_squeeze %dma_start3A_101 : memref<1x128xi32, #tpu.memory_space<vmem>> -> memref<128xi32, #tpu.memory_space<vmem>>
    %dma_start3A_103 = arith.constant 0 : i32
    %dma_start3A_104 = arith.constant 0 : i32
    %dma_start3A_105 = tpu.memref_slice %arg7[%dma_start3A_103, %dma_start3A_104] : memref<10240x64xf32, #tpu.memory_space<vmem_shared>> -> memref<10240x64xf32, #tpu.memory_space<vmem_shared>>
    tpu.enqueue_indirect_dma source(%arg10 : memref<128x64xf32, #tpu.memory_space<vmem>>) target(%dma_start3A_105 : memref<10240x64xf32, #tpu.memory_space<vmem_shared>>) offsets(%dma_start3A_102 : memref<128xi32, #tpu.memory_space<vmem>>) semaphore(%arg26 : memref<!tpu.dma_semaphore, #tpu.memory_space<semaphore_mem>>) {add = true}
    %dma_wait3A_106 = arith.constant 73 : i32
    %dma_wait3A_107 = arith.constant 0 : i32
    %dma_wait3A_108 = tpu.memref_slice %arg8[%dma_wait3A_106, %dma_wait3A_107] : memref<80x128xi32, #tpu.memory_space<vmem>> -> memref<1x128xi32, #tpu.memory_space<vmem>>
    %dma_wait3A_109 = tpu.memref_squeeze %dma_wait3A_108 : memref<1x128xi32, #tpu.memory_space<vmem>> -> memref<128xi32, #tpu.memory_space<vmem>>
    %dma_wait3A_110 = arith.constant 0 : i32
    %dma_wait3A_111 = arith.constant 0 : i32
    %dma_wait3A_112 = tpu.memref_slice %arg2[%dma_wait3A_110, %dma_wait3A_111] : memref<10240x64xf32, #tpu.memory_space<hbm>> -> memref<10240x64xf32, #tpu.memory_space<hbm>>
    tpu.wait_indirect_dma semaphore(%arg19 : memref<!tpu.dma_semaphore, #tpu.memory_space<semaphore_mem>>) src(%dma_wait3A_112 : memref<10240x64xf32, #tpu.memory_space<hbm>>) dst(%arg11 : memref<128x64xf32, #tpu.memory_space<vmem>>)
    %dma_start3A_113 = arith.constant 73 : i32
    %dma_start3A_114 = arith.constant 0 : i32
    %dma_start3A_115 = tpu.memref_slice %arg9[%dma_start3A_113, %dma_start3A_114] : memref<80x128xi32, #tpu.memory_space<vmem>> -> memref<1x128xi32, #tpu.memory_space<vmem>>
    %dma_start3A_116 = tpu.memref_squeeze %dma_start3A_115 : memref<1x128xi32, #tpu.memory_space<vmem>> -> memref<128xi32, #tpu.memory_space<vmem>>
    %dma_start3A_117 = arith.constant 0 : i32
    %dma_start3A_118 = arith.constant 0 : i32
    %dma_start3A_119 = tpu.memref_slice %arg7[%dma_start3A_117, %dma_start3A_118] : memref<10240x64xf32, #tpu.memory_space<vmem_shared>> -> memref<10240x64xf32, #tpu.memory_space<vmem_shared>>
    tpu.enqueue_indirect_dma source(%arg11 : memref<128x64xf32, #tpu.memory_space<vmem>>) target(%dma_start3A_119 : memref<10240x64xf32, #tpu.memory_space<vmem_shared>>) offsets(%dma_start3A_116 : memref<128xi32, #tpu.memory_space<vmem>>) semaphore(%arg27 : memref<!tpu.dma_semaphore, #tpu.memory_space<semaphore_mem>>) {add = true}
    %dma_wait3A_120 = arith.constant 74 : i32
    %dma_wait3A_121 = arith.constant 0 : i32
    %dma_wait3A_122 = tpu.memref_slice %arg8[%dma_wait3A_120, %dma_wait3A_121] : memref<80x128xi32, #tpu.memory_space<vmem>> -> memref<1x128xi32, #tpu.memory_space<vmem>>
    %dma_wait3A_123 = tpu.memref_squeeze %dma_wait3A_122 : memref<1x128xi32, #tpu.memory_space<vmem>> -> memref<128xi32, #tpu.memory_space<vmem>>
    %dma_wait3A_124 = arith.constant 0 : i32
    %dma_wait3A_125 = arith.constant 0 : i32
    %dma_wait3A_126 = tpu.memref_slice %arg2[%dma_wait3A_124, %dma_wait3A_125] : memref<10240x64xf32, #tpu.memory_space<hbm>> -> memref<10240x64xf32, #tpu.memory_space<hbm>>
    tpu.wait_indirect_dma semaphore(%arg20 : memref<!tpu.dma_semaphore, #tpu.memory_space<semaphore_mem>>) src(%dma_wait3A_126 : memref<10240x64xf32, #tpu.memory_space<hbm>>) dst(%arg12 : memref<128x64xf32, #tpu.memory_space<vmem>>)
    %dma_start3A_127 = arith.constant 74 : i32
    %dma_start3A_128 = arith.constant 0 : i32
    %dma_start3A_129 = tpu.memref_slice %arg9[%dma_start3A_127, %dma_start3A_128] : memref<80x128xi32, #tpu.memory_space<vmem>> -> memref<1x128xi32, #tpu.memory_space<vmem>>
    %dma_start3A_130 = tpu.memref_squeeze %dma_start3A_129 : memref<1x128xi32, #tpu.memory_space<vmem>> -> memref<128xi32, #tpu.memory_space<vmem>>
    %dma_start3A_131 = arith.constant 0 : i32
    %dma_start3A_132 = arith.constant 0 : i32
    %dma_start3A_133 = tpu.memref_slice %arg7[%dma_start3A_131, %dma_start3A_132] : memref<10240x64xf32, #tpu.memory_space<vmem_shared>> -> memref<10240x64xf32, #tpu.memory_space<vmem_shared>>
    tpu.enqueue_indirect_dma source(%arg12 : memref<128x64xf32, #tpu.memory_space<vmem>>) target(%dma_start3A_133 : memref<10240x64xf32, #tpu.memory_space<vmem_shared>>) offsets(%dma_start3A_130 : memref<128xi32, #tpu.memory_space<vmem>>) semaphore(%arg28 : memref<!tpu.dma_semaphore, #tpu.memory_space<semaphore_mem>>) {add = true}
    %dma_wait3A_134 = arith.constant 75 : i32
    %dma_wait3A_135 = arith.constant 0 : i32
    %dma_wait3A_136 = tpu.memref_slice %arg8[%dma_wait3A_134, %dma_wait3A_135] : memref<80x128xi32, #tpu.memory_space<vmem>> -> memref<1x128xi32, #tpu.memory_space<vmem>>
    %dma_wait3A_137 = tpu.memref_squeeze %dma_wait3A_136 : memref<1x128xi32, #tpu.memory_space<vmem>> -> memref<128xi32, #tpu.memory_space<vmem>>
    %dma_wait3A_138 = arith.constant 0 : i32
    %dma_wait3A_139 = arith.constant 0 : i32
    %dma_wait3A_140 = tpu.memref_slice %arg2[%dma_wait3A_138, %dma_wait3A_139] : memref<10240x64xf32, #tpu.memory_space<hbm>> -> memref<10240x64xf32, #tpu.memory_space<hbm>>
    tpu.wait_indirect_dma semaphore(%arg21 : memref<!tpu.dma_semaphore, #tpu.memory_space<semaphore_mem>>) src(%dma_wait3A_140 : memref<10240x64xf32, #tpu.memory_space<hbm>>) dst(%arg13 : memref<128x64xf32, #tpu.memory_space<vmem>>)
    %dma_start3A_141 = arith.constant 75 : i32
    %dma_start3A_142 = arith.constant 0 : i32
    %dma_start3A_143 = tpu.memref_slice %arg9[%dma_start3A_141, %dma_start3A_142] : memref<80x128xi32, #tpu.memory_space<vmem>> -> memref<1x128xi32, #tpu.memory_space<vmem>>
    %dma_start3A_144 = tpu.memref_squeeze %dma_start3A_143 : memref<1x128xi32, #tpu.memory_space<vmem>> -> memref<128xi32, #tpu.memory_space<vmem>>
    %dma_start3A_145 = arith.constant 0 : i32
    %dma_start3A_146 = arith.constant 0 : i32
    %dma_start3A_147 = tpu.memref_slice %arg7[%dma_start3A_145, %dma_start3A_146] : memref<10240x64xf32, #tpu.memory_space<vmem_shared>> -> memref<10240x64xf32, #tpu.memory_space<vmem_shared>>
    tpu.enqueue_indirect_dma source(%arg13 : memref<128x64xf32, #tpu.memory_space<vmem>>) target(%dma_start3A_147 : memref<10240x64xf32, #tpu.memory_space<vmem_shared>>) offsets(%dma_start3A_144 : memref<128xi32, #tpu.memory_space<vmem>>) semaphore(%arg29 : memref<!tpu.dma_semaphore, #tpu.memory_space<semaphore_mem>>) {add = true}
    %dma_wait3A_148 = arith.constant 76 : i32
    %dma_wait3A_149 = arith.constant 0 : i32
    %dma_wait3A_150 = tpu.memref_slice %arg8[%dma_wait3A_148, %dma_wait3A_149] : memref<80x128xi32, #tpu.memory_space<vmem>> -> memref<1x128xi32, #tpu.memory_space<vmem>>
    %dma_wait3A_151 = tpu.memref_squeeze %dma_wait3A_150 : memref<1x128xi32, #tpu.memory_space<vmem>> -> memref<128xi32, #tpu.memory_space<vmem>>
    %dma_wait3A_152 = arith.constant 0 : i32
    %dma_wait3A_153 = arith.constant 0 : i32
    %dma_wait3A_154 = tpu.memref_slice %arg2[%dma_wait3A_152, %dma_wait3A_153] : memref<10240x64xf32, #tpu.memory_space<hbm>> -> memref<10240x64xf32, #tpu.memory_space<hbm>>
    tpu.wait_indirect_dma semaphore(%arg22 : memref<!tpu.dma_semaphore, #tpu.memory_space<semaphore_mem>>) src(%dma_wait3A_154 : memref<10240x64xf32, #tpu.memory_space<hbm>>) dst(%arg14 : memref<128x64xf32, #tpu.memory_space<vmem>>)
    %dma_start3A_155 = arith.constant 76 : i32
    %dma_start3A_156 = arith.constant 0 : i32
    %dma_start3A_157 = tpu.memref_slice %arg9[%dma_start3A_155, %dma_start3A_156] : memref<80x128xi32, #tpu.memory_space<vmem>> -> memref<1x128xi32, #tpu.memory_space<vmem>>
    %dma_start3A_158 = tpu.memref_squeeze %dma_start3A_157 : memref<1x128xi32, #tpu.memory_space<vmem>> -> memref<128xi32, #tpu.memory_space<vmem>>
    %dma_start3A_159 = arith.constant 0 : i32
    %dma_start3A_160 = arith.constant 0 : i32
    %dma_start3A_161 = tpu.memref_slice %arg7[%dma_start3A_159, %dma_start3A_160] : memref<10240x64xf32, #tpu.memory_space<vmem_shared>> -> memref<10240x64xf32, #tpu.memory_space<vmem_shared>>
    tpu.enqueue_indirect_dma source(%arg14 : memref<128x64xf32, #tpu.memory_space<vmem>>) target(%dma_start3A_161 : memref<10240x64xf32, #tpu.memory_space<vmem_shared>>) offsets(%dma_start3A_158 : memref<128xi32, #tpu.memory_space<vmem>>) semaphore(%arg30 : memref<!tpu.dma_semaphore, #tpu.memory_space<semaphore_mem>>) {add = true}
    %dma_wait3A_162 = arith.constant 77 : i32
    %dma_wait3A_163 = arith.constant 0 : i32
    %dma_wait3A_164 = tpu.memref_slice %arg8[%dma_wait3A_162, %dma_wait3A_163] : memref<80x128xi32, #tpu.memory_space<vmem>> -> memref<1x128xi32, #tpu.memory_space<vmem>>
    %dma_wait3A_165 = tpu.memref_squeeze %dma_wait3A_164 : memref<1x128xi32, #tpu.memory_space<vmem>> -> memref<128xi32, #tpu.memory_space<vmem>>
    %dma_wait3A_166 = arith.constant 0 : i32
    %dma_wait3A_167 = arith.constant 0 : i32
    %dma_wait3A_168 = tpu.memref_slice %arg2[%dma_wait3A_166, %dma_wait3A_167] : memref<10240x64xf32, #tpu.memory_space<hbm>> -> memref<10240x64xf32, #tpu.memory_space<hbm>>
    tpu.wait_indirect_dma semaphore(%arg23 : memref<!tpu.dma_semaphore, #tpu.memory_space<semaphore_mem>>) src(%dma_wait3A_168 : memref<10240x64xf32, #tpu.memory_space<hbm>>) dst(%arg15 : memref<128x64xf32, #tpu.memory_space<vmem>>)
    %dma_start3A_169 = arith.constant 77 : i32
    %dma_start3A_170 = arith.constant 0 : i32
    %dma_start3A_171 = tpu.memref_slice %arg9[%dma_start3A_169, %dma_start3A_170] : memref<80x128xi32, #tpu.memory_space<vmem>> -> memref<1x128xi32, #tpu.memory_space<vmem>>
    %dma_start3A_172 = tpu.memref_squeeze %dma_start3A_171 : memref<1x128xi32, #tpu.memory_space<vmem>> -> memref<128xi32, #tpu.memory_space<vmem>>
    %dma_start3A_173 = arith.constant 0 : i32
    %dma_start3A_174 = arith.constant 0 : i32
    %dma_start3A_175 = tpu.memref_slice %arg7[%dma_start3A_173, %dma_start3A_174] : memref<10240x64xf32, #tpu.memory_space<vmem_shared>> -> memref<10240x64xf32, #tpu.memory_space<vmem_shared>>
    tpu.enqueue_indirect_dma source(%arg15 : memref<128x64xf32, #tpu.memory_space<vmem>>) target(%dma_start3A_175 : memref<10240x64xf32, #tpu.memory_space<vmem_shared>>) offsets(%dma_start3A_172 : memref<128xi32, #tpu.memory_space<vmem>>) semaphore(%arg31 : memref<!tpu.dma_semaphore, #tpu.memory_space<semaphore_mem>>) {add = true}
    %dma_wait3A_176 = arith.constant 78 : i32
    %dma_wait3A_177 = arith.constant 0 : i32
    %dma_wait3A_178 = tpu.memref_slice %arg8[%dma_wait3A_176, %dma_wait3A_177] : memref<80x128xi32, #tpu.memory_space<vmem>> -> memref<1x128xi32, #tpu.memory_space<vmem>>
    %dma_wait3A_179 = tpu.memref_squeeze %dma_wait3A_178 : memref<1x128xi32, #tpu.memory_space<vmem>> -> memref<128xi32, #tpu.memory_space<vmem>>
    %dma_wait3A_180 = arith.constant 0 : i32
    %dma_wait3A_181 = arith.constant 0 : i32
    %dma_wait3A_182 = tpu.memref_slice %arg2[%dma_wait3A_180, %dma_wait3A_181] : memref<10240x64xf32, #tpu.memory_space<hbm>> -> memref<10240x64xf32, #tpu.memory_space<hbm>>
    tpu.wait_indirect_dma semaphore(%arg24 : memref<!tpu.dma_semaphore, #tpu.memory_space<semaphore_mem>>) src(%dma_wait3A_182 : memref<10240x64xf32, #tpu.memory_space<hbm>>) dst(%arg16 : memref<128x64xf32, #tpu.memory_space<vmem>>)
    %dma_start3A_183 = arith.constant 78 : i32
    %dma_start3A_184 = arith.constant 0 : i32
    %dma_start3A_185 = tpu.memref_slice %arg9[%dma_start3A_183, %dma_start3A_184] : memref<80x128xi32, #tpu.memory_space<vmem>> -> memref<1x128xi32, #tpu.memory_space<vmem>>
    %dma_start3A_186 = tpu.memref_squeeze %dma_start3A_185 : memref<1x128xi32, #tpu.memory_space<vmem>> -> memref<128xi32, #tpu.memory_space<vmem>>
    %dma_start3A_187 = arith.constant 0 : i32
    %dma_start3A_188 = arith.constant 0 : i32
    %dma_start3A_189 = tpu.memref_slice %arg7[%dma_start3A_187, %dma_start3A_188] : memref<10240x64xf32, #tpu.memory_space<vmem_shared>> -> memref<10240x64xf32, #tpu.memory_space<vmem_shared>>
    tpu.enqueue_indirect_dma source(%arg16 : memref<128x64xf32, #tpu.memory_space<vmem>>) target(%dma_start3A_189 : memref<10240x64xf32, #tpu.memory_space<vmem_shared>>) offsets(%dma_start3A_186 : memref<128xi32, #tpu.memory_space<vmem>>) semaphore(%arg32 : memref<!tpu.dma_semaphore, #tpu.memory_space<semaphore_mem>>) {add = true}
    %dma_wait3A_190 = arith.constant 79 : i32
    %dma_wait3A_191 = arith.constant 0 : i32
    %dma_wait3A_192 = tpu.memref_slice %arg8[%dma_wait3A_190, %dma_wait3A_191] : memref<80x128xi32, #tpu.memory_space<vmem>> -> memref<1x128xi32, #tpu.memory_space<vmem>>
    %dma_wait3A_193 = tpu.memref_squeeze %dma_wait3A_192 : memref<1x128xi32, #tpu.memory_space<vmem>> -> memref<128xi32, #tpu.memory_space<vmem>>
    %dma_wait3A_194 = arith.constant 0 : i32
    %dma_wait3A_195 = arith.constant 0 : i32
    %dma_wait3A_196 = tpu.memref_slice %arg2[%dma_wait3A_194, %dma_wait3A_195] : memref<10240x64xf32, #tpu.memory_space<hbm>> -> memref<10240x64xf32, #tpu.memory_space<hbm>>
    tpu.wait_indirect_dma semaphore(%arg25 : memref<!tpu.dma_semaphore, #tpu.memory_space<semaphore_mem>>) src(%dma_wait3A_196 : memref<10240x64xf32, #tpu.memory_space<hbm>>) dst(%arg17 : memref<128x64xf32, #tpu.memory_space<vmem>>)
    %dma_start3A_197 = arith.constant 79 : i32
    %dma_start3A_198 = arith.constant 0 : i32
    %dma_start3A_199 = tpu.memref_slice %arg9[%dma_start3A_197, %dma_start3A_198] : memref<80x128xi32, #tpu.memory_space<vmem>> -> memref<1x128xi32, #tpu.memory_space<vmem>>
    %dma_start3A_200 = tpu.memref_squeeze %dma_start3A_199 : memref<1x128xi32, #tpu.memory_space<vmem>> -> memref<128xi32, #tpu.memory_space<vmem>>
    %dma_start3A_201 = arith.constant 0 : i32
    %dma_start3A_202 = arith.constant 0 : i32
    %dma_start3A_203 = tpu.memref_slice %arg7[%dma_start3A_201, %dma_start3A_202] : memref<10240x64xf32, #tpu.memory_space<vmem_shared>> -> memref<10240x64xf32, #tpu.memory_space<vmem_shared>>
    tpu.enqueue_indirect_dma source(%arg17 : memref<128x64xf32, #tpu.memory_space<vmem>>) target(%dma_start3A_203 : memref<10240x64xf32, #tpu.memory_space<vmem_shared>>) offsets(%dma_start3A_200 : memref<128xi32, #tpu.memory_space<vmem>>) semaphore(%arg33 : memref<!tpu.dma_semaphore, #tpu.memory_space<semaphore_mem>>) {add = true}
    %dma_wait3A_204 = arith.constant 72 : i32
    %dma_wait3A_205 = arith.constant 0 : i32
    %dma_wait3A_206 = tpu.memref_slice %arg9[%dma_wait3A_204, %dma_wait3A_205] : memref<80x128xi32, #tpu.memory_space<vmem>> -> memref<1x128xi32, #tpu.memory_space<vmem>>
    %dma_wait3A_207 = tpu.memref_squeeze %dma_wait3A_206 : memref<1x128xi32, #tpu.memory_space<vmem>> -> memref<128xi32, #tpu.memory_space<vmem>>
    %dma_wait3A_208 = arith.constant 0 : i32
    %dma_wait3A_209 = arith.constant 0 : i32
    %dma_wait3A_210 = tpu.memref_slice %arg7[%dma_wait3A_208, %dma_wait3A_209] : memref<10240x64xf32, #tpu.memory_space<vmem_shared>> -> memref<10240x64xf32, #tpu.memory_space<vmem_shared>>
    tpu.wait_indirect_dma semaphore(%arg26 : memref<!tpu.dma_semaphore, #tpu.memory_space<semaphore_mem>>) src(%arg10 : memref<128x64xf32, #tpu.memory_space<vmem>>) dst(%dma_wait3A_210 : memref<10240x64xf32, #tpu.memory_space<vmem_shared>>)
    %dma_wait3A_211 = arith.constant 73 : i32
    %dma_wait3A_212 = arith.constant 0 : i32
    %dma_wait3A_213 = tpu.memref_slice %arg9[%dma_wait3A_211, %dma_wait3A_212] : memref<80x128xi32, #tpu.memory_space<vmem>> -> memref<1x128xi32, #tpu.memory_space<vmem>>
    %dma_wait3A_214 = tpu.memref_squeeze %dma_wait3A_213 : memref<1x128xi32, #tpu.memory_space<vmem>> -> memref<128xi32, #tpu.memory_space<vmem>>
    %dma_wait3A_215 = arith.constant 0 : i32
    %dma_wait3A_216 = arith.constant 0 : i32
    %dma_wait3A_217 = tpu.memref_slice %arg7[%dma_wait3A_215, %dma_wait3A_216] : memref<10240x64xf32, #tpu.memory_space<vmem_shared>> -> memref<10240x64xf32, #tpu.memory_space<vmem_shared>>
    tpu.wait_indirect_dma semaphore(%arg27 : memref<!tpu.dma_semaphore, #tpu.memory_space<semaphore_mem>>) src(%arg11 : memref<128x64xf32, #tpu.memory_space<vmem>>) dst(%dma_wait3A_217 : memref<10240x64xf32, #tpu.memory_space<vmem_shared>>)
    %dma_wait3A_218 = arith.constant 74 : i32
    %dma_wait3A_219 = arith.constant 0 : i32
    %dma_wait3A_220 = tpu.memref_slice %arg9[%dma_wait3A_218, %dma_wait3A_219] : memref<80x128xi32, #tpu.memory_space<vmem>> -> memref<1x128xi32, #tpu.memory_space<vmem>>
    %dma_wait3A_221 = tpu.memref_squeeze %dma_wait3A_220 : memref<1x128xi32, #tpu.memory_space<vmem>> -> memref<128xi32, #tpu.memory_space<vmem>>
    %dma_wait3A_222 = arith.constant 0 : i32
    %dma_wait3A_223 = arith.constant 0 : i32
    %dma_wait3A_224 = tpu.memref_slice %arg7[%dma_wait3A_222, %dma_wait3A_223] : memref<10240x64xf32, #tpu.memory_space<vmem_shared>> -> memref<10240x64xf32, #tpu.memory_space<vmem_shared>>
    tpu.wait_indirect_dma semaphore(%arg28 : memref<!tpu.dma_semaphore, #tpu.memory_space<semaphore_mem>>) src(%arg12 : memref<128x64xf32, #tpu.memory_space<vmem>>) dst(%dma_wait3A_224 : memref<10240x64xf32, #tpu.memory_space<vmem_shared>>)
    %dma_wait3A_225 = arith.constant 75 : i32
    %dma_wait3A_226 = arith.constant 0 : i32
    %dma_wait3A_227 = tpu.memref_slice %arg9[%dma_wait3A_225, %dma_wait3A_226] : memref<80x128xi32, #tpu.memory_space<vmem>> -> memref<1x128xi32, #tpu.memory_space<vmem>>
    %dma_wait3A_228 = tpu.memref_squeeze %dma_wait3A_227 : memref<1x128xi32, #tpu.memory_space<vmem>> -> memref<128xi32, #tpu.memory_space<vmem>>
    %dma_wait3A_229 = arith.constant 0 : i32
    %dma_wait3A_230 = arith.constant 0 : i32
    %dma_wait3A_231 = tpu.memref_slice %arg7[%dma_wait3A_229, %dma_wait3A_230] : memref<10240x64xf32, #tpu.memory_space<vmem_shared>> -> memref<10240x64xf32, #tpu.memory_space<vmem_shared>>
    tpu.wait_indirect_dma semaphore(%arg29 : memref<!tpu.dma_semaphore, #tpu.memory_space<semaphore_mem>>) src(%arg13 : memref<128x64xf32, #tpu.memory_space<vmem>>) dst(%dma_wait3A_231 : memref<10240x64xf32, #tpu.memory_space<vmem_shared>>)
    %dma_wait3A_232 = arith.constant 76 : i32
    %dma_wait3A_233 = arith.constant 0 : i32
    %dma_wait3A_234 = tpu.memref_slice %arg9[%dma_wait3A_232, %dma_wait3A_233] : memref<80x128xi32, #tpu.memory_space<vmem>> -> memref<1x128xi32, #tpu.memory_space<vmem>>
    %dma_wait3A_235 = tpu.memref_squeeze %dma_wait3A_234 : memref<1x128xi32, #tpu.memory_space<vmem>> -> memref<128xi32, #tpu.memory_space<vmem>>
    %dma_wait3A_236 = arith.constant 0 : i32
    %dma_wait3A_237 = arith.constant 0 : i32
    %dma_wait3A_238 = tpu.memref_slice %arg7[%dma_wait3A_236, %dma_wait3A_237] : memref<10240x64xf32, #tpu.memory_space<vmem_shared>> -> memref<10240x64xf32, #tpu.memory_space<vmem_shared>>
    tpu.wait_indirect_dma semaphore(%arg30 : memref<!tpu.dma_semaphore, #tpu.memory_space<semaphore_mem>>) src(%arg14 : memref<128x64xf32, #tpu.memory_space<vmem>>) dst(%dma_wait3A_238 : memref<10240x64xf32, #tpu.memory_space<vmem_shared>>)
    %dma_wait3A_239 = arith.constant 77 : i32
    %dma_wait3A_240 = arith.constant 0 : i32
    %dma_wait3A_241 = tpu.memref_slice %arg9[%dma_wait3A_239, %dma_wait3A_240] : memref<80x128xi32, #tpu.memory_space<vmem>> -> memref<1x128xi32, #tpu.memory_space<vmem>>
    %dma_wait3A_242 = tpu.memref_squeeze %dma_wait3A_241 : memref<1x128xi32, #tpu.memory_space<vmem>> -> memref<128xi32, #tpu.memory_space<vmem>>
    %dma_wait3A_243 = arith.constant 0 : i32
    %dma_wait3A_244 = arith.constant 0 : i32
    %dma_wait3A_245 = tpu.memref_slice %arg7[%dma_wait3A_243, %dma_wait3A_244] : memref<10240x64xf32, #tpu.memory_space<vmem_shared>> -> memref<10240x64xf32, #tpu.memory_space<vmem_shared>>
    tpu.wait_indirect_dma semaphore(%arg31 : memref<!tpu.dma_semaphore, #tpu.memory_space<semaphore_mem>>) src(%arg15 : memref<128x64xf32, #tpu.memory_space<vmem>>) dst(%dma_wait3A_245 : memref<10240x64xf32, #tpu.memory_space<vmem_shared>>)
    %dma_wait3A_246 = arith.constant 78 : i32
    %dma_wait3A_247 = arith.constant 0 : i32
    %dma_wait3A_248 = tpu.memref_slice %arg9[%dma_wait3A_246, %dma_wait3A_247] : memref<80x128xi32, #tpu.memory_space<vmem>> -> memref<1x128xi32, #tpu.memory_space<vmem>>
    %dma_wait3A_249 = tpu.memref_squeeze %dma_wait3A_248 : memref<1x128xi32, #tpu.memory_space<vmem>> -> memref<128xi32, #tpu.memory_space<vmem>>
    %dma_wait3A_250 = arith.constant 0 : i32
    %dma_wait3A_251 = arith.constant 0 : i32
    %dma_wait3A_252 = tpu.memref_slice %arg7[%dma_wait3A_250, %dma_wait3A_251] : memref<10240x64xf32, #tpu.memory_space<vmem_shared>> -> memref<10240x64xf32, #tpu.memory_space<vmem_shared>>
    tpu.wait_indirect_dma semaphore(%arg32 : memref<!tpu.dma_semaphore, #tpu.memory_space<semaphore_mem>>) src(%arg16 : memref<128x64xf32, #tpu.memory_space<vmem>>) dst(%dma_wait3A_252 : memref<10240x64xf32, #tpu.memory_space<vmem_shared>>)
    %dma_wait3A_253 = arith.constant 79 : i32
    %dma_wait3A_254 = arith.constant 0 : i32
    %dma_wait3A_255 = tpu.memref_slice %arg9[%dma_wait3A_253, %dma_wait3A_254] : memref<80x128xi32, #tpu.memory_space<vmem>> -> memref<1x128xi32, #tpu.memory_space<vmem>>
    %dma_wait3A_256 = tpu.memref_squeeze %dma_wait3A_255 : memref<1x128xi32, #tpu.memory_space<vmem>> -> memref<128xi32, #tpu.memory_space<vmem>>
    %dma_wait3A_257 = arith.constant 0 : i32
    %dma_wait3A_258 = arith.constant 0 : i32
    %dma_wait3A_259 = tpu.memref_slice %arg7[%dma_wait3A_257, %dma_wait3A_258] : memref<10240x64xf32, #tpu.memory_space<vmem_shared>> -> memref<10240x64xf32, #tpu.memory_space<vmem_shared>>
    tpu.wait_indirect_dma semaphore(%arg33 : memref<!tpu.dma_semaphore, #tpu.memory_space<semaphore_mem>>) src(%arg17 : memref<128x64xf32, #tpu.memory_space<vmem>>) dst(%dma_wait3A_259 : memref<10240x64xf32, #tpu.memory_space<vmem_shared>>)
    %barrier3A_260 = arith.constant 0 : index
    tpu.barrier barrier_id(%barrier3A_260)
    %mul3A_261 = arith.constant 640 : i32
    %mul3A_262 = arith.muli %arg1, %mul3A_261 : i32
    %mul3A_263 = arith.constant 640 : i32
    %mul3A_264 = arith.muli %arg1, %mul3A_263 : i32
    "tpu.region"() ({
      %run_scoped3A = tpu.sem_alloc : memref<!tpu.dma_semaphore, #tpu.memory_space<semaphore_mem>>
      %dma_start3A_265 = arith.constant 0 : i32
      %dma_start3A_266 = tpu.memref_slice %arg6[%arg0, %mul3A_264, %dma_start3A_265] : memref<2x10240x64xf32, #tpu.memory_space<hbm>> -> memref<1x640x64xf32, #tpu.memory_space<hbm>>
      %dma_start3A_267 = tpu.memref_squeeze %dma_start3A_266 : memref<1x640x64xf32, #tpu.memory_space<hbm>> -> memref<640x64xf32, #tpu.memory_space<hbm>>
      %dma_start3A_268 = arith.constant 0 : i32
      %dma_start3A_269 = tpu.memref_slice %arg7[%mul3A_262, %dma_start3A_268] : memref<10240x64xf32, #tpu.memory_space<vmem_shared>> -> memref<640x64xf32, #tpu.memory_space<vmem_shared>>
      tpu.enqueue_dma source(%dma_start3A_269 : memref<640x64xf32, #tpu.memory_space<vmem_shared>>) target(%dma_start3A_267 : memref<640x64xf32, #tpu.memory_space<hbm>>) target_semaphore(%run_scoped3A : memref<!tpu.dma_semaphore, #tpu.memory_space<semaphore_mem>>)
      %dma_wait3A_270 = arith.constant 0 : i32
      %dma_wait3A_271 = tpu.memref_slice %arg6[%arg0, %mul3A_264, %dma_wait3A_270] : memref<2x10240x64xf32, #tpu.memory_space<hbm>> -> memref<1x640x64xf32, #tpu.memory_space<hbm>>
      %dma_wait3A_272 = tpu.memref_squeeze %dma_wait3A_271 : memref<1x640x64xf32, #tpu.memory_space<hbm>> -> memref<640x64xf32, #tpu.memory_space<hbm>>
      %dma_wait3A_273 = arith.constant 0 : i32
      %dma_wait3A_274 = tpu.memref_slice %arg7[%mul3A_262, %dma_wait3A_273] : memref<10240x64xf32, #tpu.memory_space<vmem_shared>> -> memref<640x64xf32, #tpu.memory_space<vmem_shared>>
      tpu.wait_dma2 semaphore(%run_scoped3A : memref<!tpu.dma_semaphore, #tpu.memory_space<semaphore_mem>>) src(%dma_wait3A_274 : memref<640x64xf32, #tpu.memory_space<vmem_shared>>) dst(%dma_wait3A_272 : memref<640x64xf32, #tpu.memory_space<hbm>>)
      tpu.yield
    }) : () -> ()
    return
  }
}

module attributes {stable_mosaic.version = 14 : i64} {
  func.func @_matmul_a_body(%arg0: i32, %arg1: memref<2048x128xf32, #tpu.memory_space<vmem>>, %arg2: memref<128x64xf32, #tpu.memory_space<vmem>>, %arg3: memref<2048x64xf32, #tpu.memory_space<vmem>>) attributes {dimension_semantics = [#tpu.dimension_semantics<arbitrary>], iteration_bounds = array<i64: 5>, scalar_prefetch = 0 : i64, scratch_operands = 0 : i64, tpu.core_type = #tpu.core_type<tc>, window_params = [{transform_indices = @transform_0, window_bounds = array<i64: 2048, 128>}, {pipeline_mode = #tpu.pipeline_mode<synchronous>, transform_indices = @transform_1, window_bounds = array<i64: 128, 64>}, {transform_indices = @transform_2, window_bounds = array<i64: 2048, 64>}]} {
    %get3A = arith.constant 0 : index
    %get3A_0 = arith.constant 0 : index
    %get3A_1 = vector.load %arg1[%get3A, %get3A_0] : memref<2048x128xf32, #tpu.memory_space<vmem>>, vector<2048x128xf32>
    %get3A_2 = arith.constant 0 : index
    %get3A_3 = arith.constant 0 : index
    %get3A_4 = vector.load %arg2[%get3A_2, %get3A_3] : memref<128x64xf32, #tpu.memory_space<vmem>>, vector<128x64xf32>
    %dot_general3A = arith.constant dense<0.000000e+00> : vector<2048x64xf32>
    %dot_general3A_5 = tpu.matmul %get3A_1, %get3A_4, %dot_general3A {dimension_numbers = #tpu.dot_dimension_numbers<[1], [0], [0], [1], [0, 0, 1, 1], [], []>, transpose_lhs_hint = false} : vector<2048x128xf32>, vector<128x64xf32>, vector<2048x64xf32> -> vector<2048x64xf32>
    %swap3A = arith.constant 0 : index
    %swap3A_6 = arith.constant 0 : index
    %swap3A_7 = vector.load %arg3[%swap3A, %swap3A_6] : memref<2048x64xf32, #tpu.memory_space<vmem>>, vector<2048x64xf32>
    tpu.vector_store %arg3[%swap3A, %swap3A_6], %dot_general3A_5 {strides = array<i32>} : memref<2048x64xf32, #tpu.memory_space<vmem>>, vector<2048x64xf32>,
    return
  }
  func.func @transform_0(%arg0: i32) -> (i32, i32) {
    %c0_i32 = arith.constant 0 : i32
    %c0_i32_0 = arith.constant 0 : i32
    return %arg0, %c0_i32 : i32, i32
  }
  func.func @transform_1(%arg0: i32) -> (i32, i32) {
    %c0_i32 = arith.constant 0 : i32
    %c0_i32_0 = arith.constant 0 : i32
    %c0_i32_1 = arith.constant 0 : i32
    return %c0_i32, %c0_i32_0 : i32, i32
  }
  func.func @transform_2(%arg0: i32) -> (i32, i32) {
    %c0_i32 = arith.constant 0 : i32
    %c0_i32_0 = arith.constant 0 : i32
    return %arg0, %c0_i32 : i32, i32
  }
}

module attributes {stable_mosaic.version = 14 : i64} {
  func.func @_scale_a_body(%arg0: i32, %arg1: memref<2048x64xf32, #tpu.memory_space<vmem>>, %arg2: memref<2x2048x16xf32, #tpu.memory_space<vmem>>, %arg3: memref<2048x64xf32, #tpu.memory_space<vmem>>, %arg4: memref<2048x1xf32, #tpu.memory_space<vmem>>) attributes {dimension_semantics = [#tpu.dimension_semantics<arbitrary>], iteration_bounds = array<i64: 5>, scalar_prefetch = 0 : i64, scratch_operands = 0 : i64, tpu.core_type = #tpu.core_type<tc>, window_params = [{transform_indices = @transform_0, window_bounds = array<i64: 2048, 64>}, {transform_indices = @transform_1, window_bounds = array<i64: 2, 2048, 16>}, {transform_indices = @transform_2, window_bounds = array<i64: 2048, 64>}, {transform_indices = @transform_3, window_bounds = array<i64: 2048, 1>}]} {
    %get3A = arith.constant 0 : index
    %get3A_0 = arith.constant 0 : index
    %get3A_1 = arith.constant 0 : index
    %get3A_2 = vector.load %arg2[%get3A, %get3A_0, %get3A_1] : memref<2x2048x16xf32, #tpu.memory_space<vmem>>, vector<1x2048x1xf32>
    %get3A_3 = vector.shape_cast %get3A_2 : vector<1x2048x1xf32> to vector<2048x1xf32>
    %get3A_4 = arith.constant 1 : index
    %get3A_5 = arith.constant 0 : index
    %get3A_6 = arith.constant 0 : index
    %get3A_7 = vector.load %arg2[%get3A_4, %get3A_5, %get3A_6] : memref<2x2048x16xf32, #tpu.memory_space<vmem>>, vector<1x2048x1xf32>
    %get3A_8 = vector.shape_cast %get3A_7 : vector<1x2048x1xf32> to vector<2048x1xf32>
    %add3A = arith.addf %get3A_3, %get3A_8 : vector<2048x1xf32>
    %add3A_9 = arith.constant 1.000000e+00 : f32
    %add3A_10 = vector.broadcast %add3A_9 : f32 to vector<2048x1xf32>
    %add3A_11 = arith.addf %add3A, %add3A_10 : vector<2048x1xf32>
    %rsqrt3A = math.rsqrt %add3A_11 : vector<2048x1xf32>
    %get3A_12 = arith.constant 0 : index
    %get3A_13 = arith.constant 0 : index
    %get3A_14 = vector.load %arg1[%get3A_12, %get3A_13] : memref<2048x64xf32, #tpu.memory_space<vmem>>, vector<2048x64xf32>
    %mul3A = vector.broadcast %rsqrt3A : vector<2048x1xf32> to vector<2048x64xf32>
    %mul3A_15 = arith.mulf %get3A_14, %mul3A : vector<2048x64xf32>
    %swap3A = arith.constant 0 : index
    %swap3A_16 = arith.constant 0 : index
    %swap3A_17 = vector.load %arg3[%swap3A, %swap3A_16] : memref<2048x64xf32, #tpu.memory_space<vmem>>, vector<2048x64xf32>
    tpu.vector_store %arg3[%swap3A, %swap3A_16], %mul3A_15 {strides = array<i32>} : memref<2048x64xf32, #tpu.memory_space<vmem>>, vector<2048x64xf32>,
    %swap3A_18 = arith.constant 0 : index
    %swap3A_19 = arith.constant 0 : index
    %swap3A_20 = vector.load %arg4[%swap3A_18, %swap3A_19] : memref<2048x1xf32, #tpu.memory_space<vmem>>, vector<2048x1xf32>
    tpu.vector_store %arg4[%swap3A_18, %swap3A_19], %rsqrt3A {strides = array<i32>} : memref<2048x1xf32, #tpu.memory_space<vmem>>, vector<2048x1xf32>,
    return
  }
  func.func @transform_0(%arg0: i32) -> (i32, i32) {
    %c0_i32 = arith.constant 0 : i32
    %c0_i32_0 = arith.constant 0 : i32
    return %arg0, %c0_i32 : i32, i32
  }
  func.func @transform_1(%arg0: i32) -> (i32, i32, i32) {
    %c0_i32 = arith.constant 0 : i32
    %c0_i32_0 = arith.constant 0 : i32
    %c0_i32_1 = arith.constant 0 : i32
    return %c0_i32, %arg0, %c0_i32_0 : i32, i32, i32
  }
  func.func @transform_2(%arg0: i32) -> (i32, i32) {
    %c0_i32 = arith.constant 0 : i32
    %c0_i32_0 = arith.constant 0 : i32
    return %arg0, %c0_i32 : i32, i32
  }
  func.func @transform_3(%arg0: i32) -> (i32, i32) {
    %c0_i32 = arith.constant 0 : i32
    %c0_i32_0 = arith.constant 0 : i32
    return %arg0, %c0_i32 : i32, i32
  }
}

module attributes {stable_mosaic.version = 14 : i64} {
  func.func @_stage_conv_body(%arg0: i32, %arg1: memref<2x2048x64xf32, #tpu.memory_space<vmem>>, %arg2: memref<2048x64xf32, #tpu.memory_space<vmem>>, %arg3: memref<2048x1xf32, #tpu.memory_space<vmem>>, %arg4: memref<1x64xf32, #tpu.memory_space<vmem>>, %arg5: memref<1x64xf32, #tpu.memory_space<vmem>>, %arg6: memref<1x64xf32, #tpu.memory_space<vmem>>, %arg7: memref<64x64xf32, #tpu.memory_space<vmem>>, %arg8: memref<2048x64xf32, #tpu.memory_space<vmem>>) attributes {dimension_semantics = [#tpu.dimension_semantics<arbitrary>], iteration_bounds = array<i64: 5>, scalar_prefetch = 0 : i64, scratch_operands = 0 : i64, tpu.core_type = #tpu.core_type<tc>, window_params = [{transform_indices = @transform_0, window_bounds = array<i64: 2, 2048, 64>}, {transform_indices = @transform_1, window_bounds = array<i64: 2048, 64>}, {transform_indices = @transform_2, window_bounds = array<i64: 2048, 1>}, {pipeline_mode = #tpu.pipeline_mode<synchronous>, transform_indices = @transform_3, window_bounds = array<i64: 1, 64>}, {pipeline_mode = #tpu.pipeline_mode<synchronous>, transform_indices = @transform_4, window_bounds = array<i64: 1, 64>}, {pipeline_mode = #tpu.pipeline_mode<synchronous>, transform_indices = @transform_5, window_bounds = array<i64: 1, 64>}, {pipeline_mode = #tpu.pipeline_mode<synchronous>, transform_indices = @transform_6, window_bounds = array<i64: 64, 64>}, {transform_indices = @transform_7, window_bounds = array<i64: 2048, 64>}]} {
    %get3A = arith.constant 0 : index
    %get3A_0 = arith.constant 0 : index
    %get3A_1 = vector.load %arg3[%get3A, %get3A_0] : memref<2048x1xf32, #tpu.memory_space<vmem>>, vector<2048x1xf32>
    %get3A_2 = arith.constant 0 : index
    %get3A_3 = arith.constant 0 : index
    %get3A_4 = arith.constant 0 : index
    %get3A_5 = vector.load %arg1[%get3A_2, %get3A_3, %get3A_4] : memref<2x2048x64xf32, #tpu.memory_space<vmem>>, vector<1x2048x64xf32>
    %get3A_6 = vector.shape_cast %get3A_5 : vector<1x2048x64xf32> to vector<2048x64xf32>
    %get3A_7 = arith.constant 1 : index
    %get3A_8 = arith.constant 0 : index
    %get3A_9 = arith.constant 0 : index
    %get3A_10 = vector.load %arg1[%get3A_7, %get3A_8, %get3A_9] : memref<2x2048x64xf32, #tpu.memory_space<vmem>>, vector<1x2048x64xf32>
    %get3A_11 = vector.shape_cast %get3A_10 : vector<1x2048x64xf32> to vector<2048x64xf32>
    %add3A = arith.addf %get3A_6, %get3A_11 : vector<2048x64xf32>
    %get3A_12 = arith.constant 0 : index
    %get3A_13 = arith.constant 0 : index
    %get3A_14 = vector.load %arg2[%get3A_12, %get3A_13] : memref<2048x64xf32, #tpu.memory_space<vmem>>, vector<2048x64xf32>
    %add3A_15 = arith.addf %add3A, %get3A_14 : vector<2048x64xf32>
    %mul3A = vector.broadcast %get3A_1 : vector<2048x1xf32> to vector<2048x64xf32>
    %mul3A_16 = arith.mulf %add3A_15, %mul3A : vector<2048x64xf32>
    %get3A_17 = arith.constant 0 : index
    %get3A_18 = arith.constant 0 : index
    %get3A_19 = vector.load %arg4[%get3A_17, %get3A_18] : memref<1x64xf32, #tpu.memory_space<vmem>>, vector<1x64xf32>
    %add3A_20 = vector.broadcast %get3A_19 : vector<1x64xf32> to vector<2048x64xf32>
    %add3A_21 = arith.addf %mul3A_16, %add3A_20 : vector<2048x64xf32>
    %max3A = arith.constant 0.000000e+00 : f32
    %max3A_22 = vector.broadcast %max3A : f32 to vector<2048x64xf32>
    %max3A_23 = arith.maximumf %add3A_21, %max3A_22 : vector<2048x64xf32>
    %get3A_24 = arith.constant 0 : index
    %get3A_25 = arith.constant 0 : index
    %get3A_26 = vector.load %arg5[%get3A_24, %get3A_25] : memref<1x64xf32, #tpu.memory_space<vmem>>, vector<1x64xf32>
    %mul3A_27 = arith.constant 0.999994993 : f32
    %mul3A_28 = vector.broadcast %mul3A_27 : f32 to vector<1x64xf32>
    %mul3A_29 = arith.mulf %get3A_26, %mul3A_28 : vector<1x64xf32>
    %mul3A_30 = vector.broadcast %mul3A_29 : vector<1x64xf32> to vector<2048x64xf32>
    %mul3A_31 = arith.mulf %max3A_23, %mul3A_30 : vector<2048x64xf32>
    %get3A_32 = arith.constant 0 : index
    %get3A_33 = arith.constant 0 : index
    %get3A_34 = vector.load %arg6[%get3A_32, %get3A_33] : memref<1x64xf32, #tpu.memory_space<vmem>>, vector<1x64xf32>
    %add3A_35 = vector.broadcast %get3A_34 : vector<1x64xf32> to vector<2048x64xf32>
    %add3A_36 = arith.addf %mul3A_31, %add3A_35 : vector<2048x64xf32>
    %get3A_37 = arith.constant 0 : index
    %get3A_38 = arith.constant 0 : index
    %get3A_39 = vector.load %arg7[%get3A_37, %get3A_38] : memref<64x64xf32, #tpu.memory_space<vmem>>, vector<64x64xf32>
    %dot_general3A = arith.constant dense<0.000000e+00> : vector<2048x64xf32>
    %dot_general3A_40 = tpu.matmul %add3A_36, %get3A_39, %dot_general3A {dimension_numbers = #tpu.dot_dimension_numbers<[1], [0], [0], [1], [0, 0, 1, 1], [], []>, transpose_lhs_hint = false} : vector<2048x64xf32>, vector<64x64xf32>, vector<2048x64xf32> -> vector<2048x64xf32>
    %mul3A_41 = vector.broadcast %get3A_1 : vector<2048x1xf32> to vector<2048x64xf32>
    %mul3A_42 = arith.mulf %dot_general3A_40, %mul3A_41 : vector<2048x64xf32>
    %swap3A = arith.constant 0 : index
    %swap3A_43 = arith.constant 0 : index
    %swap3A_44 = vector.load %arg8[%swap3A, %swap3A_43] : memref<2048x64xf32, #tpu.memory_space<vmem>>, vector<2048x64xf32>
    tpu.vector_store %arg8[%swap3A, %swap3A_43], %mul3A_42 {strides = array<i32>} : memref<2048x64xf32, #tpu.memory_space<vmem>>, vector<2048x64xf32>,
    return
  }
  func.func @transform_0(%arg0: i32) -> (i32, i32, i32) {
    %c0_i32 = arith.constant 0 : i32
    %c0_i32_0 = arith.constant 0 : i32
    %c0_i32_1 = arith.constant 0 : i32
    return %c0_i32, %arg0, %c0_i32_0 : i32, i32, i32
  }
  func.func @transform_1(%arg0: i32) -> (i32, i32) {
    %c0_i32 = arith.constant 0 : i32
    %c0_i32_0 = arith.constant 0 : i32
    return %arg0, %c0_i32 : i32, i32
  }
  func.func @transform_2(%arg0: i32) -> (i32, i32) {
    %c0_i32 = arith.constant 0 : i32
    %c0_i32_0 = arith.constant 0 : i32
    return %arg0, %c0_i32 : i32, i32
  }
  func.func @transform_3(%arg0: i32) -> (i32, i32) {
    %c0_i32 = arith.constant 0 : i32
    %c0_i32_0 = arith.constant 0 : i32
    %c0_i32_1 = arith.constant 0 : i32
    return %c0_i32, %c0_i32_0 : i32, i32
  }
  func.func @transform_4(%arg0: i32) -> (i32, i32) {
    %c0_i32 = arith.constant 0 : i32
    %c0_i32_0 = arith.constant 0 : i32
    %c0_i32_1 = arith.constant 0 : i32
    return %c0_i32, %c0_i32_0 : i32, i32
  }
  func.func @transform_5(%arg0: i32) -> (i32, i32) {
    %c0_i32 = arith.constant 0 : i32
    %c0_i32_0 = arith.constant 0 : i32
    %c0_i32_1 = arith.constant 0 : i32
    return %c0_i32, %c0_i32_0 : i32, i32
  }
  func.func @transform_6(%arg0: i32) -> (i32, i32) {
    %c0_i32 = arith.constant 0 : i32
    %c0_i32_0 = arith.constant 0 : i32
    %c0_i32_1 = arith.constant 0 : i32
    return %c0_i32, %c0_i32_0 : i32, i32
  }
  func.func @transform_7(%arg0: i32) -> (i32, i32) {
    %c0_i32 = arith.constant 0 : i32
    %c0_i32_0 = arith.constant 0 : i32
    return %arg0, %c0_i32 : i32, i32
  }
}

module attributes {stable_mosaic.version = 14 : i64} {
  func.func @_stage_conv_body(%arg0: i32, %arg1: memref<2x2048x64xf32, #tpu.memory_space<vmem>>, %arg2: memref<2048x64xf32, #tpu.memory_space<vmem>>, %arg3: memref<2048x1xf32, #tpu.memory_space<vmem>>, %arg4: memref<1x64xf32, #tpu.memory_space<vmem>>, %arg5: memref<1x64xf32, #tpu.memory_space<vmem>>, %arg6: memref<1x64xf32, #tpu.memory_space<vmem>>, %arg7: memref<64x64xf32, #tpu.memory_space<vmem>>, %arg8: memref<2048x64xf32, #tpu.memory_space<vmem>>) attributes {dimension_semantics = [#tpu.dimension_semantics<arbitrary>], iteration_bounds = array<i64: 5>, scalar_prefetch = 0 : i64, scratch_operands = 0 : i64, tpu.core_type = #tpu.core_type<tc>, window_params = [{transform_indices = @transform_0, window_bounds = array<i64: 2, 2048, 64>}, {transform_indices = @transform_1, window_bounds = array<i64: 2048, 64>}, {transform_indices = @transform_2, window_bounds = array<i64: 2048, 1>}, {pipeline_mode = #tpu.pipeline_mode<synchronous>, transform_indices = @transform_3, window_bounds = array<i64: 1, 64>}, {pipeline_mode = #tpu.pipeline_mode<synchronous>, transform_indices = @transform_4, window_bounds = array<i64: 1, 64>}, {pipeline_mode = #tpu.pipeline_mode<synchronous>, transform_indices = @transform_5, window_bounds = array<i64: 1, 64>}, {pipeline_mode = #tpu.pipeline_mode<synchronous>, transform_indices = @transform_6, window_bounds = array<i64: 64, 64>}, {transform_indices = @transform_7, window_bounds = array<i64: 2048, 64>}]} {
    %get3A = arith.constant 0 : index
    %get3A_0 = arith.constant 0 : index
    %get3A_1 = vector.load %arg3[%get3A, %get3A_0] : memref<2048x1xf32, #tpu.memory_space<vmem>>, vector<2048x1xf32>
    %get3A_2 = arith.constant 0 : index
    %get3A_3 = arith.constant 0 : index
    %get3A_4 = arith.constant 0 : index
    %get3A_5 = vector.load %arg1[%get3A_2, %get3A_3, %get3A_4] : memref<2x2048x64xf32, #tpu.memory_space<vmem>>, vector<1x2048x64xf32>
    %get3A_6 = vector.shape_cast %get3A_5 : vector<1x2048x64xf32> to vector<2048x64xf32>
    %get3A_7 = arith.constant 1 : index
    %get3A_8 = arith.constant 0 : index
    %get3A_9 = arith.constant 0 : index
    %get3A_10 = vector.load %arg1[%get3A_7, %get3A_8, %get3A_9] : memref<2x2048x64xf32, #tpu.memory_space<vmem>>, vector<1x2048x64xf32>
    %get3A_11 = vector.shape_cast %get3A_10 : vector<1x2048x64xf32> to vector<2048x64xf32>
    %add3A = arith.addf %get3A_6, %get3A_11 : vector<2048x64xf32>
    %get3A_12 = arith.constant 0 : index
    %get3A_13 = arith.constant 0 : index
    %get3A_14 = vector.load %arg2[%get3A_12, %get3A_13] : memref<2048x64xf32, #tpu.memory_space<vmem>>, vector<2048x64xf32>
    %add3A_15 = arith.addf %add3A, %get3A_14 : vector<2048x64xf32>
    %mul3A = vector.broadcast %get3A_1 : vector<2048x1xf32> to vector<2048x64xf32>
    %mul3A_16 = arith.mulf %add3A_15, %mul3A : vector<2048x64xf32>
    %get3A_17 = arith.constant 0 : index
    %get3A_18 = arith.constant 0 : index
    %get3A_19 = vector.load %arg4[%get3A_17, %get3A_18] : memref<1x64xf32, #tpu.memory_space<vmem>>, vector<1x64xf32>
    %add3A_20 = vector.broadcast %get3A_19 : vector<1x64xf32> to vector<2048x64xf32>
    %add3A_21 = arith.addf %mul3A_16, %add3A_20 : vector<2048x64xf32>
    %get3A_22 = arith.constant 0 : index
    %get3A_23 = arith.constant 0 : index
    %get3A_24 = vector.load %arg5[%get3A_22, %get3A_23] : memref<1x64xf32, #tpu.memory_space<vmem>>, vector<1x64xf32>
    %mul3A_25 = arith.constant 0.999994993 : f32
    %mul3A_26 = vector.broadcast %mul3A_25 : f32 to vector<1x64xf32>
    %mul3A_27 = arith.mulf %get3A_24, %mul3A_26 : vector<1x64xf32>
    %mul3A_28 = vector.broadcast %mul3A_27 : vector<1x64xf32> to vector<2048x64xf32>
    %mul3A_29 = arith.mulf %add3A_21, %mul3A_28 : vector<2048x64xf32>
    %get3A_30 = arith.constant 0 : index
    %get3A_31 = arith.constant 0 : index
    %get3A_32 = vector.load %arg6[%get3A_30, %get3A_31] : memref<1x64xf32, #tpu.memory_space<vmem>>, vector<1x64xf32>
    %add3A_33 = vector.broadcast %get3A_32 : vector<1x64xf32> to vector<2048x64xf32>
    %add3A_34 = arith.addf %mul3A_29, %add3A_33 : vector<2048x64xf32>
    %get3A_35 = arith.constant 0 : index
    %get3A_36 = arith.constant 0 : index
    %get3A_37 = vector.load %arg7[%get3A_35, %get3A_36] : memref<64x64xf32, #tpu.memory_space<vmem>>, vector<64x64xf32>
    %dot_general3A = arith.constant dense<0.000000e+00> : vector<2048x64xf32>
    %dot_general3A_38 = tpu.matmul %add3A_34, %get3A_37, %dot_general3A {dimension_numbers = #tpu.dot_dimension_numbers<[1], [0], [0], [1], [0, 0, 1, 1], [], []>, transpose_lhs_hint = false} : vector<2048x64xf32>, vector<64x64xf32>, vector<2048x64xf32> -> vector<2048x64xf32>
    %mul3A_39 = vector.broadcast %get3A_1 : vector<2048x1xf32> to vector<2048x64xf32>
    %mul3A_40 = arith.mulf %dot_general3A_38, %mul3A_39 : vector<2048x64xf32>
    %swap3A = arith.constant 0 : index
    %swap3A_41 = arith.constant 0 : index
    %swap3A_42 = vector.load %arg8[%swap3A, %swap3A_41] : memref<2048x64xf32, #tpu.memory_space<vmem>>, vector<2048x64xf32>
    tpu.vector_store %arg8[%swap3A, %swap3A_41], %mul3A_40 {strides = array<i32>} : memref<2048x64xf32, #tpu.memory_space<vmem>>, vector<2048x64xf32>,
    return
  }
  func.func @transform_0(%arg0: i32) -> (i32, i32, i32) {
    %c0_i32 = arith.constant 0 : i32
    %c0_i32_0 = arith.constant 0 : i32
    %c0_i32_1 = arith.constant 0 : i32
    return %c0_i32, %arg0, %c0_i32_0 : i32, i32, i32
  }
  func.func @transform_1(%arg0: i32) -> (i32, i32) {
    %c0_i32 = arith.constant 0 : i32
    %c0_i32_0 = arith.constant 0 : i32
    return %arg0, %c0_i32 : i32, i32
  }
  func.func @transform_2(%arg0: i32) -> (i32, i32) {
    %c0_i32 = arith.constant 0 : i32
    %c0_i32_0 = arith.constant 0 : i32
    return %arg0, %c0_i32 : i32, i32
  }
  func.func @transform_3(%arg0: i32) -> (i32, i32) {
    %c0_i32 = arith.constant 0 : i32
    %c0_i32_0 = arith.constant 0 : i32
    %c0_i32_1 = arith.constant 0 : i32
    return %c0_i32, %c0_i32_0 : i32, i32
  }
  func.func @transform_4(%arg0: i32) -> (i32, i32) {
    %c0_i32 = arith.constant 0 : i32
    %c0_i32_0 = arith.constant 0 : i32
    %c0_i32_1 = arith.constant 0 : i32
    return %c0_i32, %c0_i32_0 : i32, i32
  }
  func.func @transform_5(%arg0: i32) -> (i32, i32) {
    %c0_i32 = arith.constant 0 : i32
    %c0_i32_0 = arith.constant 0 : i32
    %c0_i32_1 = arith.constant 0 : i32
    return %c0_i32, %c0_i32_0 : i32, i32
  }
  func.func @transform_6(%arg0: i32) -> (i32, i32) {
    %c0_i32 = arith.constant 0 : i32
    %c0_i32_0 = arith.constant 0 : i32
    %c0_i32_1 = arith.constant 0 : i32
    return %c0_i32, %c0_i32_0 : i32, i32
  }
  func.func @transform_7(%arg0: i32) -> (i32, i32) {
    %c0_i32 = arith.constant 0 : i32
    %c0_i32_0 = arith.constant 0 : i32
    return %arg0, %c0_i32 : i32, i32
  }
}

module attributes {stable_mosaic.version = 14 : i64} {
  func.func @_stage_e_body(%arg0: i32, %arg1: memref<2x2048x64xf32, #tpu.memory_space<vmem>>, %arg2: memref<2048x64xf32, #tpu.memory_space<vmem>>, %arg3: memref<2048x1xf32, #tpu.memory_space<vmem>>, %arg4: memref<1x64xf32, #tpu.memory_space<vmem>>, %arg5: memref<1x64xf32, #tpu.memory_space<vmem>>, %arg6: memref<1x64xf32, #tpu.memory_space<vmem>>, %arg7: memref<2048x1xi32, #tpu.memory_space<vmem>>, %arg8: memref<3x64x64xf32, #tpu.memory_space<vmem>>, %arg9: memref<3x64xf32, #tpu.memory_space<vmem>>, %arg10: memref<3x64xf32, #tpu.memory_space<vmem>>, %arg11: memref<3x64xf32, #tpu.memory_space<vmem>>, %arg12: memref<64x1xf32, #tpu.memory_space<vmem>>, %arg13: memref<1x1xf32, #tpu.memory_space<vmem>>, %arg14: memref<64x1xf32, #tpu.memory_space<vmem>>, %arg15: memref<64x64xf32, #tpu.memory_space<vmem>>) attributes {dimension_semantics = [#tpu.dimension_semantics<arbitrary>], iteration_bounds = array<i64: 5>, scalar_prefetch = 0 : i64, scratch_operands = 1 : i64, tpu.core_type = #tpu.core_type<tc>, window_params = [{transform_indices = @transform_0, window_bounds = array<i64: 2, 2048, 64>}, {transform_indices = @transform_1, window_bounds = array<i64: 2048, 64>}, {transform_indices = @transform_2, window_bounds = array<i64: 2048, 1>}, {pipeline_mode = #tpu.pipeline_mode<synchronous>, transform_indices = @transform_3, window_bounds = array<i64: 1, 64>}, {pipeline_mode = #tpu.pipeline_mode<synchronous>, transform_indices = @transform_4, window_bounds = array<i64: 1, 64>}, {pipeline_mode = #tpu.pipeline_mode<synchronous>, transform_indices = @transform_5, window_bounds = array<i64: 1, 64>}, {transform_indices = @transform_6, window_bounds = array<i64: 2048, 1>}, {pipeline_mode = #tpu.pipeline_mode<synchronous>, transform_indices = @transform_7, window_bounds = array<i64: 3, 64, 64>}, {pipeline_mode = #tpu.pipeline_mode<synchronous>, transform_indices = @transform_8, window_bounds = array<i64: 3, 64>}, {pipeline_mode = #tpu.pipeline_mode<synchronous>, transform_indices = @transform_9, window_bounds = array<i64: 3, 64>}, {pipeline_mode = #tpu.pipeline_mode<synchronous>, transform_indices = @transform_10, window_bounds = array<i64: 3, 64>}, {pipeline_mode = #tpu.pipeline_mode<synchronous>, transform_indices = @transform_11, window_bounds = array<i64: 64, 1>}, {pipeline_mode = #tpu.pipeline_mode<synchronous>, transform_indices = @transform_12, window_bounds = array<i64: 1, 1>}, {pipeline_mode = #tpu.pipeline_mode<synchronous>, transform_indices = @transform_13, window_bounds = array<i64: 64, 1>}]} {
    %get3A = arith.constant 0 : index
    %get3A_0 = arith.constant 0 : index
    %get3A_1 = arith.constant 0 : index
    %get3A_2 = vector.load %arg1[%get3A, %get3A_0, %get3A_1] : memref<2x2048x64xf32, #tpu.memory_space<vmem>>, vector<1x2048x64xf32>
    %get3A_3 = vector.shape_cast %get3A_2 : vector<1x2048x64xf32> to vector<2048x64xf32>
    %get3A_4 = arith.constant 1 : index
    %get3A_5 = arith.constant 0 : index
    %get3A_6 = arith.constant 0 : index
    %get3A_7 = vector.load %arg1[%get3A_4, %get3A_5, %get3A_6] : memref<2x2048x64xf32, #tpu.memory_space<vmem>>, vector<1x2048x64xf32>
    %get3A_8 = vector.shape_cast %get3A_7 : vector<1x2048x64xf32> to vector<2048x64xf32>
    %add3A = arith.addf %get3A_3, %get3A_8 : vector<2048x64xf32>
    %get3A_9 = arith.constant 0 : index
    %get3A_10 = arith.constant 0 : index
    %get3A_11 = vector.load %arg2[%get3A_9, %get3A_10] : memref<2048x64xf32, #tpu.memory_space<vmem>>, vector<2048x64xf32>
    %add3A_12 = arith.addf %add3A, %get3A_11 : vector<2048x64xf32>
    %get3A_13 = arith.constant 0 : index
    %get3A_14 = arith.constant 0 : index
    %get3A_15 = vector.load %arg3[%get3A_13, %get3A_14] : memref<2048x1xf32, #tpu.memory_space<vmem>>, vector<2048x1xf32>
    %mul3A = vector.broadcast %get3A_15 : vector<2048x1xf32> to vector<2048x64xf32>
    %mul3A_16 = arith.mulf %add3A_12, %mul3A : vector<2048x64xf32>
    %get3A_17 = arith.constant 0 : index
    %get3A_18 = arith.constant 0 : index
    %get3A_19 = vector.load %arg4[%get3A_17, %get3A_18] : memref<1x64xf32, #tpu.memory_space<vmem>>, vector<1x64xf32>
    %add3A_20 = vector.broadcast %get3A_19 : vector<1x64xf32> to vector<2048x64xf32>
    %add3A_21 = arith.addf %mul3A_16, %add3A_20 : vector<2048x64xf32>
    %get3A_22 = arith.constant 0 : index
    %get3A_23 = arith.constant 0 : index
    %get3A_24 = vector.load %arg5[%get3A_22, %get3A_23] : memref<1x64xf32, #tpu.memory_space<vmem>>, vector<1x64xf32>
    %mul3A_25 = arith.constant 0.999994993 : f32
    %mul3A_26 = vector.broadcast %mul3A_25 : f32 to vector<1x64xf32>
    %mul3A_27 = arith.mulf %get3A_24, %mul3A_26 : vector<1x64xf32>
    %mul3A_28 = vector.broadcast %mul3A_27 : vector<1x64xf32> to vector<2048x64xf32>
    %mul3A_29 = arith.mulf %add3A_21, %mul3A_28 : vector<2048x64xf32>
    %get3A_30 = arith.constant 0 : index
    %get3A_31 = arith.constant 0 : index
    %get3A_32 = vector.load %arg6[%get3A_30, %get3A_31] : memref<1x64xf32, #tpu.memory_space<vmem>>, vector<1x64xf32>
    %add3A_33 = vector.broadcast %get3A_32 : vector<1x64xf32> to vector<2048x64xf32>
    %add3A_34 = arith.addf %mul3A_29, %add3A_33 : vector<2048x64xf32>
    %iota3A = tpu.iota {dimensions = array<i32: 1>} : vector<1x64xi32>
    %get3A_35 = arith.constant 0 : index
    %get3A_36 = arith.constant 0 : index
    %get3A_37 = vector.load %arg7[%get3A_35, %get3A_36] : memref<2048x1xi32, #tpu.memory_space<vmem>>, vector<2048x1xi32>
    %eq3A = vector.broadcast %get3A_37 : vector<2048x1xi32> to vector<2048x64xi32>
    %eq3A_38 = vector.broadcast %iota3A : vector<1x64xi32> to vector<2048x64xi32>
    %eq3A_39 = arith.cmpi eq, %eq3A, %eq3A_38 : vector<2048x64xi32>
    %convert_element_type3A = arith.extui %eq3A_39 : vector<2048x64xi1> to vector<2048x64xi32>
    %convert_element_type3A_40 = arith.sitofp %convert_element_type3A : vector<2048x64xi32> to vector<2048x64xf32>
    %dot_general3A = arith.constant dense<0.000000e+00> : vector<64x64xf32>
    %dot_general3A_41 = tpu.matmul %convert_element_type3A_40, %add3A_34, %dot_general3A {dimension_numbers = #tpu.dot_dimension_numbers<[0], [0], [1], [1], [0, 1, 1, 1], [], []>, precision = #tpu.contract_precision<fp32>, transpose_lhs_hint = false} : vector<2048x64xf32>, vector<2048x64xf32>, vector<64x64xf32> -> vector<64x64xf32>
    %eq3A_42 = arith.constant 0 : i32
    %eq3A_43 = arith.cmpi eq, %arg0, %eq3A_42 : i32
    %convert_element_type3A_44 = arith.extui %eq3A_43 : i1 to i32
    %cond3A = arith.constant 0 : i32
    %cond3A_45 = arith.cmpi ne, %convert_element_type3A_44, %cond3A : i32
    scf.if %cond3A_45 {
      %swap3A = arith.constant 0 : index
      %swap3A_55 = arith.constant 0 : index
      %swap3A_56 = vector.load %arg15[%swap3A, %swap3A_55] : memref<64x64xf32, #tpu.memory_space<vmem>>, vector<64x64xf32>
      tpu.vector_store %arg15[%swap3A, %swap3A_55], %dot_general3A_41 {strides = array<i32>} : memref<64x64xf32, #tpu.memory_space<vmem>>, vector<64x64xf32>,
    } else {
    }
    %gt3A = arith.constant 0 : i32
    %gt3A_46 = arith.cmpi sgt, %arg0, %gt3A : i32
    %convert_element_type3A_47 = arith.extui %gt3A_46 : i1 to i32
    %cond3A_48 = arith.constant 0 : i32
    %cond3A_49 = arith.cmpi ne, %convert_element_type3A_47, %cond3A_48 : i32
    scf.if %cond3A_49 {
      %get3A_55 = arith.constant 0 : index
      %get3A_56 = arith.constant 0 : index
      %get3A_57 = vector.load %arg15[%get3A_55, %get3A_56] : memref<64x64xf32, #tpu.memory_space<vmem>>, vector<64x64xf32>
      %add3A_58 = arith.addf %get3A_57, %dot_general3A_41 : vector<64x64xf32>
      %swap3A = arith.constant 0 : index
      %swap3A_59 = arith.constant 0 : index
      %swap3A_60 = vector.load %arg15[%swap3A, %swap3A_59] : memref<64x64xf32, #tpu.memory_space<vmem>>, vector<64x64xf32>
      tpu.vector_store %arg15[%swap3A, %swap3A_59], %add3A_58 {strides = array<i32>} : memref<64x64xf32, #tpu.memory_space<vmem>>, vector<64x64xf32>,
    } else {
    }
    %eq3A_50 = arith.constant 4 : i32
    %eq3A_51 = arith.cmpi eq, %arg0, %eq3A_50 : i32
    %convert_element_type3A_52 = arith.extui %eq3A_51 : i1 to i32
    %cond3A_53 = arith.constant 0 : i32
    %cond3A_54 = arith.cmpi ne, %convert_element_type3A_52, %cond3A_53 : i32
    scf.if %cond3A_54 {
      %get3A_55 = arith.constant 0 : index
      %get3A_56 = arith.constant 0 : index
      %get3A_57 = vector.load %arg15[%get3A_55, %get3A_56] : memref<64x64xf32, #tpu.memory_space<vmem>>, vector<64x64xf32>
      %get3A_58 = arith.constant 0 : index
      %get3A_59 = arith.constant 0 : index
      %get3A_60 = arith.constant 0 : index
      %get3A_61 = vector.load %arg8[%get3A_58, %get3A_59, %get3A_60] : memref<3x64x64xf32, #tpu.memory_space<vmem>>, vector<1x64x64xf32>
      %get3A_62 = vector.shape_cast %get3A_61 : vector<1x64x64xf32> to vector<64x64xf32>
      %dot_general3A_63 = arith.constant dense<0.000000e+00> : vector<64x64xf32>
      %dot_general3A_64 = tpu.matmul %get3A_57, %get3A_62, %dot_general3A_63 {dimension_numbers = #tpu.dot_dimension_numbers<[1], [0], [0], [1], [0, 0, 1, 1], [], []>, transpose_lhs_hint = false} : vector<64x64xf32>, vector<64x64xf32>, vector<64x64xf32> -> vector<64x64xf32>
      %get3A_65 = arith.constant 0 : index
      %get3A_66 = arith.constant 0 : index
      %get3A_67 = vector.load %arg9[%get3A_65, %get3A_66] : memref<3x64xf32, #tpu.memory_space<vmem>>, vector<1x64xf32>
      %get3A_68 = vector.shape_cast %get3A_67 : vector<1x64xf32> to vector<64xf32>
      %broadcast_in_dim3A = vector.shape_cast %get3A_68 : vector<64xf32> to vector<1x64xf32>
      %add3A_69 = vector.broadcast %broadcast_in_dim3A : vector<1x64xf32> to vector<64x64xf32>
      %add3A_70 = arith.addf %dot_general3A_64, %add3A_69 : vector<64x64xf32>
      %max3A = arith.constant 0.000000e+00 : f32
      %max3A_71 = vector.broadcast %max3A : f32 to vector<64x64xf32>
      %max3A_72 = arith.maximumf %add3A_70, %max3A_71 : vector<64x64xf32>
      %get3A_73 = arith.constant 0 : index
      %get3A_74 = arith.constant 0 : index
      %get3A_75 = vector.load %arg10[%get3A_73, %get3A_74] : memref<3x64xf32, #tpu.memory_space<vmem>>, vector<1x64xf32>
      %get3A_76 = vector.shape_cast %get3A_75 : vector<1x64xf32> to vector<64xf32>
      %mul3A_77 = arith.constant 0.999994993 : f32
      %mul3A_78 = vector.broadcast %mul3A_77 : f32 to vector<64xf32>
      %mul3A_79 = arith.mulf %get3A_76, %mul3A_78 : vector<64xf32>
      %broadcast_in_dim3A_80 = vector.shape_cast %mul3A_79 : vector<64xf32> to vector<1x64xf32>
      %mul3A_81 = vector.broadcast %broadcast_in_dim3A_80 : vector<1x64xf32> to vector<64x64xf32>
      %mul3A_82 = arith.mulf %max3A_72, %mul3A_81 : vector<64x64xf32>
      %get3A_83 = arith.constant 0 : index
      %get3A_84 = arith.constant 0 : index
      %get3A_85 = vector.load %arg11[%get3A_83, %get3A_84] : memref<3x64xf32, #tpu.memory_space<vmem>>, vector<1x64xf32>
      %get3A_86 = vector.shape_cast %get3A_85 : vector<1x64xf32> to vector<64xf32>
      %broadcast_in_dim3A_87 = vector.shape_cast %get3A_86 : vector<64xf32> to vector<1x64xf32>
      %add3A_88 = vector.broadcast %broadcast_in_dim3A_87 : vector<1x64xf32> to vector<64x64xf32>
      %add3A_89 = arith.addf %mul3A_82, %add3A_88 : vector<64x64xf32>
      %get3A_90 = arith.constant 1 : index
      %get3A_91 = arith.constant 0 : index
      %get3A_92 = arith.constant 0 : index
      %get3A_93 = vector.load %arg8[%get3A_90, %get3A_91, %get3A_92] : memref<3x64x64xf32, #tpu.memory_space<vmem>>, vector<1x64x64xf32>
      %get3A_94 = vector.shape_cast %get3A_93 : vector<1x64x64xf32> to vector<64x64xf32>
      %dot_general3A_95 = arith.constant dense<0.000000e+00> : vector<64x64xf32>
      %dot_general3A_96 = tpu.matmul %add3A_89, %get3A_94, %dot_general3A_95 {dimension_numbers = #tpu.dot_dimension_numbers<[1], [0], [0], [1], [0, 0, 1, 1], [], []>, transpose_lhs_hint = false} : vector<64x64xf32>, vector<64x64xf32>, vector<64x64xf32> -> vector<64x64xf32>
      %get3A_97 = arith.constant 1 : index
      %get3A_98 = arith.constant 0 : index
      %get3A_99 = vector.load %arg9[%get3A_97, %get3A_98] : memref<3x64xf32, #tpu.memory_space<vmem>>, vector<1x64xf32>
      %get3A_100 = vector.shape_cast %get3A_99 : vector<1x64xf32> to vector<64xf32>
      %broadcast_in_dim3A_101 = vector.shape_cast %get3A_100 : vector<64xf32> to vector<1x64xf32>
      %add3A_102 = vector.broadcast %broadcast_in_dim3A_101 : vector<1x64xf32> to vector<64x64xf32>
      %add3A_103 = arith.addf %dot_general3A_96, %add3A_102 : vector<64x64xf32>
      %max3A_104 = arith.constant 0.000000e+00 : f32
      %max3A_105 = vector.broadcast %max3A_104 : f32 to vector<64x64xf32>
      %max3A_106 = arith.maximumf %add3A_103, %max3A_105 : vector<64x64xf32>
      %get3A_107 = arith.constant 1 : index
      %get3A_108 = arith.constant 0 : index
      %get3A_109 = vector.load %arg10[%get3A_107, %get3A_108] : memref<3x64xf32, #tpu.memory_space<vmem>>, vector<1x64xf32>
      %get3A_110 = vector.shape_cast %get3A_109 : vector<1x64xf32> to vector<64xf32>
      %mul3A_111 = arith.constant 0.999994993 : f32
      %mul3A_112 = vector.broadcast %mul3A_111 : f32 to vector<64xf32>
      %mul3A_113 = arith.mulf %get3A_110, %mul3A_112 : vector<64xf32>
      %broadcast_in_dim3A_114 = vector.shape_cast %mul3A_113 : vector<64xf32> to vector<1x64xf32>
      %mul3A_115 = vector.broadcast %broadcast_in_dim3A_114 : vector<1x64xf32> to vector<64x64xf32>
      %mul3A_116 = arith.mulf %max3A_106, %mul3A_115 : vector<64x64xf32>
      %get3A_117 = arith.constant 1 : index
      %get3A_118 = arith.constant 0 : index
      %get3A_119 = vector.load %arg11[%get3A_117, %get3A_118] : memref<3x64xf32, #tpu.memory_space<vmem>>, vector<1x64xf32>
      %get3A_120 = vector.shape_cast %get3A_119 : vector<1x64xf32> to vector<64xf32>
      %broadcast_in_dim3A_121 = vector.shape_cast %get3A_120 : vector<64xf32> to vector<1x64xf32>
      %add3A_122 = vector.broadcast %broadcast_in_dim3A_121 : vector<1x64xf32> to vector<64x64xf32>
      %add3A_123 = arith.addf %mul3A_116, %add3A_122 : vector<64x64xf32>
      %get3A_124 = arith.constant 2 : index
      %get3A_125 = arith.constant 0 : index
      %get3A_126 = arith.constant 0 : index
      %get3A_127 = vector.load %arg8[%get3A_124, %get3A_125, %get3A_126] : memref<3x64x64xf32, #tpu.memory_space<vmem>>, vector<1x64x64xf32>
      %get3A_128 = vector.shape_cast %get3A_127 : vector<1x64x64xf32> to vector<64x64xf32>
      %dot_general3A_129 = arith.constant dense<0.000000e+00> : vector<64x64xf32>
      %dot_general3A_130 = tpu.matmul %add3A_123, %get3A_128, %dot_general3A_129 {dimension_numbers = #tpu.dot_dimension_numbers<[1], [0], [0], [1], [0, 0, 1, 1], [], []>, transpose_lhs_hint = false} : vector<64x64xf32>, vector<64x64xf32>, vector<64x64xf32> -> vector<64x64xf32>
      %get3A_131 = arith.constant 2 : index
      %get3A_132 = arith.constant 0 : index
      %get3A_133 = vector.load %arg9[%get3A_131, %get3A_132] : memref<3x64xf32, #tpu.memory_space<vmem>>, vector<1x64xf32>
      %get3A_134 = vector.shape_cast %get3A_133 : vector<1x64xf32> to vector<64xf32>
      %broadcast_in_dim3A_135 = vector.shape_cast %get3A_134 : vector<64xf32> to vector<1x64xf32>
      %add3A_136 = vector.broadcast %broadcast_in_dim3A_135 : vector<1x64xf32> to vector<64x64xf32>
      %add3A_137 = arith.addf %dot_general3A_130, %add3A_136 : vector<64x64xf32>
      %max3A_138 = arith.constant 0.000000e+00 : f32
      %max3A_139 = vector.broadcast %max3A_138 : f32 to vector<64x64xf32>
      %max3A_140 = arith.maximumf %add3A_137, %max3A_139 : vector<64x64xf32>
      %get3A_141 = arith.constant 2 : index
      %get3A_142 = arith.constant 0 : index
      %get3A_143 = vector.load %arg10[%get3A_141, %get3A_142] : memref<3x64xf32, #tpu.memory_space<vmem>>, vector<1x64xf32>
      %get3A_144 = vector.shape_cast %get3A_143 : vector<1x64xf32> to vector<64xf32>
      %mul3A_145 = arith.constant 0.999994993 : f32
      %mul3A_146 = vector.broadcast %mul3A_145 : f32 to vector<64xf32>
      %mul3A_147 = arith.mulf %get3A_144, %mul3A_146 : vector<64xf32>
      %broadcast_in_dim3A_148 = vector.shape_cast %mul3A_147 : vector<64xf32> to vector<1x64xf32>
      %mul3A_149 = vector.broadcast %broadcast_in_dim3A_148 : vector<1x64xf32> to vector<64x64xf32>
      %mul3A_150 = arith.mulf %max3A_140, %mul3A_149 : vector<64x64xf32>
      %get3A_151 = arith.constant 2 : index
      %get3A_152 = arith.constant 0 : index
      %get3A_153 = vector.load %arg11[%get3A_151, %get3A_152] : memref<3x64xf32, #tpu.memory_space<vmem>>, vector<1x64xf32>
      %get3A_154 = vector.shape_cast %get3A_153 : vector<1x64xf32> to vector<64xf32>
      %broadcast_in_dim3A_155 = vector.shape_cast %get3A_154 : vector<64xf32> to vector<1x64xf32>
      %add3A_156 = vector.broadcast %broadcast_in_dim3A_155 : vector<1x64xf32> to vector<64x64xf32>
      %add3A_157 = arith.addf %mul3A_150, %add3A_156 : vector<64x64xf32>
      %get3A_158 = arith.constant 0 : index
      %get3A_159 = arith.constant 0 : index
      %get3A_160 = vector.load %arg12[%get3A_158, %get3A_159] : memref<64x1xf32, #tpu.memory_space<vmem>>, vector<64x1xf32>
      %dot_general3A_161 = arith.constant dense<0.000000e+00> : vector<64x1xf32>
      %dot_general3A_162 = tpu.matmul %add3A_157, %get3A_160, %dot_general3A_161 {dimension_numbers = #tpu.dot_dimension_numbers<[1], [0], [0], [1], [0, 0, 1, 1], [], []>, transpose_lhs_hint = false} : vector<64x64xf32>, vector<64x1xf32>, vector<64x1xf32> -> vector<64x1xf32>
      %get3A_163 = arith.constant 0 : index
      %get3A_164 = arith.constant 0 : index
      %get3A_165 = vector.load %arg13[%get3A_163, %get3A_164] : memref<1x1xf32, #tpu.memory_space<vmem>>, vector<1x1xf32>
      %add3A_166 = vector.broadcast %get3A_165 : vector<1x1xf32> to vector<64x1xf32>
      %add3A_167 = arith.addf %dot_general3A_162, %add3A_166 : vector<64x1xf32>
      %swap3A = arith.constant 0 : index
      %swap3A_168 = arith.constant 0 : index
      %swap3A_169 = vector.load %arg14[%swap3A, %swap3A_168] : memref<64x1xf32, #tpu.memory_space<vmem>>, vector<64x1xf32>
      tpu.vector_store %arg14[%swap3A, %swap3A_168], %add3A_167 {strides = array<i32>} : memref<64x1xf32, #tpu.memory_space<vmem>>, vector<64x1xf32>,
    } else {
    }
    return
  }
  func.func @transform_0(%arg0: i32) -> (i32, i32, i32) {
    %c0_i32 = arith.constant 0 : i32
    %c0_i32_0 = arith.constant 0 : i32
    %c0_i32_1 = arith.constant 0 : i32
    return %c0_i32, %arg0, %c0_i32_0 : i32, i32, i32
  }
  func.func @transform_1(%arg0: i32) -> (i32, i32) {
    %c0_i32 = arith.constant 0 : i32
    %c0_i32_0 = arith.constant 0 : i32
    return %arg0, %c0_i32 : i32, i32
  }
  func.func @transform_2(%arg0: i32) -> (i32, i32) {
    %c0_i32 = arith.constant 0 : i32
    %c0_i32_0 = arith.constant 0 : i32
    return %arg0, %c0_i32 : i32, i32
  }
  func.func @transform_3(%arg0: i32) -> (i32, i32) {
    %c0_i32 = arith.constant 0 : i32
    %c0_i32_0 = arith.constant 0 : i32
    %c0_i32_1 = arith.constant 0 : i32
    return %c0_i32, %c0_i32_0 : i32, i32
  }
  func.func @transform_4(%arg0: i32) -> (i32, i32) {
    %c0_i32 = arith.constant 0 : i32
    %c0_i32_0 = arith.constant 0 : i32
    %c0_i32_1 = arith.constant 0 : i32
    return %c0_i32, %c0_i32_0 : i32, i32
  }
  func.func @transform_5(%arg0: i32) -> (i32, i32) {
    %c0_i32 = arith.constant 0 : i32
    %c0_i32_0 = arith.constant 0 : i32
    %c0_i32_1 = arith.constant 0 : i32
    return %c0_i32, %c0_i32_0 : i32, i32
  }
  func.func @transform_6(%arg0: i32) -> (i32, i32) {
    %c0_i32 = arith.constant 0 : i32
    %c0_i32_0 = arith.constant 0 : i32
    return %arg0, %c0_i32 : i32, i32
  }
  func.func @transform_7(%arg0: i32) -> (i32, i32, i32) {
    %c0_i32 = arith.constant 0 : i32
    %c0_i32_0 = arith.constant 0 : i32
    %c0_i32_1 = arith.constant 0 : i32
    %c0_i32_2 = arith.constant 0 : i32
    return %c0_i32, %c0_i32_0, %c0_i32_1 : i32, i32, i32
  }
  func.func @transform_8(%arg0: i32) -> (i32, i32) {
    %c0_i32 = arith.constant 0 : i32
    %c0_i32_0 = arith.constant 0 : i32
    %c0_i32_1 = arith.constant 0 : i32
    return %c0_i32, %c0_i32_0 : i32, i32
  }
  func.func @transform_9(%arg0: i32) -> (i32, i32) {
    %c0_i32 = arith.constant 0 : i32
    %c0_i32_0 = arith.constant 0 : i32
    %c0_i32_1 = arith.constant 0 : i32
    return %c0_i32, %c0_i32_0 : i32, i32
  }
  func.func @transform_10(%arg0: i32) -> (i32, i32) {
    %c0_i32 = arith.constant 0 : i32
    %c0_i32_0 = arith.constant 0 : i32
    %c0_i32_1 = arith.constant 0 : i32
    return %c0_i32, %c0_i32_0 : i32, i32
  }
  func.func @transform_11(%arg0: i32) -> (i32, i32) {
    %c0_i32 = arith.constant 0 : i32
    %c0_i32_0 = arith.constant 0 : i32
    %c0_i32_1 = arith.constant 0 : i32
    return %c0_i32, %c0_i32_0 : i32, i32
  }
  func.func @transform_12(%arg0: i32) -> (i32, i32) {
    %c0_i32 = arith.constant 0 : i32
    %c0_i32_0 = arith.constant 0 : i32
    %c0_i32_1 = arith.constant 0 : i32
    return %c0_i32, %c0_i32_0 : i32, i32
  }
  func.func @transform_13(%arg0: i32) -> (i32, i32) {
    %c0_i32 = arith.constant 0 : i32
    %c0_i32_0 = arith.constant 0 : i32
    %c0_i32_1 = arith.constant 0 : i32
    return %c0_i32, %c0_i32_0 : i32, i32
  }
}

</mosaic_0001>

<sc_bundles>
// kernel: kernel.13.cloned.1.call-start
scs
__scs_entry_jumppad:
0x0: {  	(pc) =	sbr.rel $0x88, $3  }
0x1: {  	(tag) =	ssettag $0x0;
	lr =	simm.s32 $0x1  }
0x2: {  	[smem:$0x3F90] =	sst lr;
	_ =	strace $0xD0000000  }
0x3: {  	_ = 	snop  }
0x4: {  	_ = 	snop  }
0x5: {  	_ = 	snop  }
0x6: {  	_ = 	snop  }
0x7: {  	_ = 	snop  }
__scs_overlays_trampoline_lowered:
0x8: {  	[smem:$0x3F9F] =	sst s0  }
0x9: {  	[smem:$0x3FA0] =	sst s1  }
0xa: {  	[smem:$0x3FA1] =	sst s2  }
0xb: {  	[smem:$0x3FA2] =	sst s3  }
0xc: {  	[smem:$0x3FA3] =	sst s4  }
0xd: {  	[smem:$0x3FA4] =	sst s5  }
0xe: {  	[smem:$0x3FA5] =	sst s6  }
0xf: {  	[smem:$0x3FA6] =	sst s7  }
0x10: {  	[smem:$0x3FA7] =	sst s8  }
0x11: {  	[smem:$0x3FA8] =	sst s9;
	s0 =	simm.s32 @!p0 $0x0  }
0x12: {  	s1 =	sld [smem:$0x3F8E];
	s0 =	simm.s32 @p0 $0x1  }
0x13: {  	[smem:$0x3FA9] =	sst s0;
	s0 =	simm.s32 @!p1 $0x0  }
0x14: {  	s2 =	sld [smem:$0x3F8D];
	s0 =	simm.s32 @p1 $0x1  }
0x15: {  	[smem:$0x3FAA] =	sst s0;
	s0 =	simm.s32 @!p2 $0x0  }
0x16: {  	s3 =	sld [smem:$0x3FDB];
	s0 =	simm.s32 @p2 $0x1  }
0x17: {  	s4 =	simm.s32 $0x1BF5;
	[smem:$0x3FAC] =	sst s0  }
0x18: {  	s0 =	sld [smem:$0x3F8F];
	_ =	swait.ge [sflag:s4], $0x0  }
0x19: {  	s7 =	sld [smem:$0x3F90]  }
0x1a: {  	s8 =	sadd.s32 $0xFFFFE003, lr  }
0x1b: {  	s9 =	sadd.s32 $0xFFFFFEF7, lr;
	s5 =	simm.s32 $0xFFFFFFFF;
	p2 =	slt.u32 s8, $0xFFFFF086  }
0x1c: {  	p1 =	slt.u32 s9, $0xF7A;
	s5 =	simm.s32 @!p2 $0x0  }
0x1d: {  	s5 =	simm.s32 @p1 $0x1;
	p0 =	seq.s32 s7, s2  }
0x1e: {  	s7 =	smul.u32 @!p0 $0xF7A, s2;
	p2 =	seq.s32 @!p0 s5, $0x0  }
0x1f: {  	s9 =	smul.u32 $0xF7A, s1;
	s8 =	simm.s32 @!p0 $0x1BF5;
	p2 =	por !p2, p0  }
0x20: {  	[sflag:s8] =	ssyncset.s32 @!p0 $0xFFFFF086;
	s6 =	sadd.s32 @!p0 s3, s7;
	s7 =	simm.s32 @!p0 $0x108  }
0x21: {  	s3 =	sadd.s32 s3, s9;
	s6 =	sadd.s32 @!p0 $0x88, s6;
	s7 =	simm.s32 @p2 $0x1082  }
0x22: {  	[simem:s7], [sflag:s8] =	dma.local @!p0 [hbm:s6], $0xF7A  }
0x23: {  	s9 =	sor.u32 $0xD0000000, s2;
	s6 =	simm.s32 $0x108;
	_ =	swait.ge @!p0 [sflag:s8], $0x0  }
0x24: {  	s3 =	sadd.s32 $0x88, s3;
	s6 =	simm.s32 @!p1 $0x1082;
	[sflag:s4] =	ssyncset.s32 $0xFFFFF086  }
0x25: {  	[simem:s6], [sflag:s4] =	dma.local [hbm:s3], $0xF7A  }
0x26: {  	[smem:$0x3F90] =	sst s1;
	(tag) =	ssettag s2;
	_ =	strace s9  }
0x27: {  	s1 =	sld [smem:$0x3FA0]  }
0x28: {  	s2 =	sld [smem:$0x3FA1]  }
0x29: {  	s4 =	sld [smem:$0x3FA3]  }
0x2a: {  	p0 =	seq.s32 s5, $0x0;
	s5 =	sld [smem:$0x3FA4]  }
0x2b: {  	s6 =	sld [smem:$0x3FA5]  }
0x2c: {  	s7 =	sld [smem:$0x3FA6]  }
0x2d: {  	s3 =	simm.s32 $0x108;
	s8 =	sld [smem:$0x3FA7]  }
0x2e: {  	s3 =	simm.s32 @!p0 $0x1082;
	s9 =	sld [smem:$0x3FA8]  }
0x2f: {  	lr =	sadd.s32 s0, s3;
	s0 =	sld [smem:$0x3F9F]  }
0x30: {  	s3 =	sld [smem:$0x3FA2]  }
0x31: {  	[smem:$0x3FAB] =	sst s10  }
0x32: {  	s10 =	sld [smem:$0x3FA9];
	_ =	sdelay $0x3  }
0x33: {  	p0 =	seq.s32 s10, $0x1;
	s10 =	sld [smem:$0x3FAB];
	_ =	sdelay $0x3  }
0x34: {  	[smem:$0x3FAB] =	sst s10  }
0x35: {  	s10 =	sld [smem:$0x3FAA];
	_ =	sdelay $0x3  }
0x36: {  	p1 =	seq.s32 s10, $0x1;
	s10 =	sld [smem:$0x3FAB];
	_ =	sdelay $0x3  }
0x37: {  	[smem:$0x3FAB] =	sst s10  }
0x38: {  	s10 =	sld [smem:$0x3FAC]  }
0x39: {  	_ = 	snop;
	(pc) =	sbr.ind lr, $3  }
0x3a: {  	_ = 	snop  }
0x3b: {  	_ = 	snop  }
0x3c: {  	p2 =	seq.s32 s10, $0x1;
	s10 =	sld [smem:$0x3FAB]  }
0x3d: {  	_ =	shalt  }
0x3e: {  	_ =	shalt  }
0x3f: {  	_ =	shalt  }
0x40: {  	_ =	shalt  }
0x41: {  	_ =	shalt  }
0x42: {  	_ =	shalt  }
0x43: {  	_ =	shalt  }
0x44: {  	_ =	shalt  }
0x45: {  	_ =	shalt  }
0x46: {  	_ =	shalt  }
0x47: {  	_ =	shalt  }
0x48: {  	_ =	shalt  }
0x49: {  	_ =	shalt  }
0x4a: {  	_ =	shalt  }
0x4b: {  	_ =	shalt  }
0x4c: {  	_ =	shalt  }
0x4d: {  	_ =	shalt  }
0x4e: {  	_ =	shalt  }
0x4f: {  	_ =	shalt  }
0x50: {  	_ =	shalt  }
0x51: {  	_ =	shalt  }
0x52: {  	_ =	shalt  }
0x53: {  	_ =	shalt  }
0x54: {  	_ =	shalt  }
0x55: {  	_ =	shalt  }
0x56: {  	_ =	shalt  }
0x57: {  	_ =	shalt  }
0x58: {  	_ =	shalt  }
0x59: {  	_ =	shalt  }
0x5a: {  	_ =	shalt  }
0x5b: {  	_ =	shalt  }
0x5c: {  	_ =	shalt  }
0x5d: {  	_ =	shalt  }
0x5e: {  	_ =	shalt  }
0x5f: {  	_ =	shalt  }
0x60: {  	_ =	shalt  }
0x61: {  	_ =	shalt  }
0x62: {  	_ =	shalt  }
0x63: {  	_ =	shalt  }
0x64: {  	_ =	shalt  }
0x65: {  	_ =	shalt  }
0x66: {  	_ =	shalt  }
0x67: {  	_ =	shalt  }
0x68: {  	_ =	shalt  }
0x69: {  	_ =	shalt  }
0x6a: {  	_ =	shalt  }
0x6b: {  	_ =	shalt  }
0x6c: {  	_ =	shalt  }
0x6d: {  	_ =	shalt  }
0x6e: {  	_ =	shalt  }
0x6f: {  	_ =	shalt  }
0x70: {  	_ =	shalt  }
0x71: {  	_ =	shalt  }
0x72: {  	_ =	shalt  }
0x73: {  	_ =	shalt  }
0x74: {  	_ =	shalt  }
0x75: {  	_ =	shalt  }
0x76: {  	_ =	shalt  }
0x77: {  	_ =	shalt  }
0x78: {  	_ =	shalt  }
0x79: {  	_ =	shalt  }
0x7a: {  	_ =	shalt  }
0x7b: {  	_ =	shalt  }
0x7c: {  	_ =	shalt  }
0x7d: {  	_ =	shalt  }
0x7e: {  	_ =	shalt  }
0x7f: {  	_ =	shalt  }
0x80: {  	_ =	shalt  }
0x81: {  	_ =	shalt  }
0x82: {  	_ =	shalt  }
0x83: {  	_ =	shalt  }
0x84: {  	_ =	shalt  }
0x85: {  	_ =	shalt  }
0x86: {  	_ =	shalt  }
0x87: {  	_ =	shalt  }
.Lfunc_end0:
.L_simem_size_0:
called_computation_lowered:
.L_overlay_start_0:
0x88: {  	s2 =	sld [smem:$0x3FD9]  }
0x89: {  	s3 =	sld [smem:$0x3FFE];
	_ =	sdelay $0x1  }
0x8a: {  	s1 =	srdreg.scid  }
0x8b: {  	s0 =	sand.u32 $0x1, s1  }
0x8c: {  	s16 =	sshll.u32 s0, $0xA;
	s2 =	sadd.s32 s3, s2  }
0x8d: {  	s2 =	sadd.s32 s2, s16  }
0x8e: {  	[smem:$0x3FB7] =	sst s2  }
0x8f: {  	_ = 	snop  }
0x90: {  	(tm) =	ssettm $0x1  }
0x91: {  	s17 =	sld [smem:$0x3FFB];
	_ =	sdelay $0x3  }
0x92: {  	_ =	strace s17  }
0x93: {  	s2 =	sld [smem:$0x3FFC];
	_ =	sdelay $0x3  }
0x94: {  	_ =	strace s2  }
0x95: {  	s2 =	sld [smem:$0x3FFD];
	_ =	sdelay $0x3  }
0x96: {  	_ =	strace s2  }
0x97: {  	_ =	strace $0x8FFFFFFF  }
0x98: {  	s18 =	sld [smem:$0x3FDB];
	_ =	sdelay $0x1  }
0x99: {  	s19 =	simm.s32 $_scs_section_size  }
0x9a: {  	s4 =	simm.s32 $_size__tile_overlayer_lowered;
	s5 =	simm.s32 $_tile_overlayer_lowered  }
0x9b: {  	s22 =	simm.s32 $0x1BFF;
	s21 =	sshll.u32 s5, $0x1;
	s2 =	sadd.s32 s19, s18  }
0x9c: {  	s6 =	simm.s32 $0x0;
	s20 =	sshll.u32 s4, $0x1;
	s4 =	sadd.s32 s21, s2  }
0x9d: {  	[timem:s6], [sflag:s22] =	dma.local [hbm:s4], s20  }
0x9e: {  	_ =	swait.ge [sflag:s22], s20  }
0x9f: {  	s3 =	ssub.s32 $0x0, s20;
	[sflag:s22] =	ssyncset.done $0x0  }
0xa0: {  	[sflag:s22] =	ssyncadd.s32 s3;
	_ =	sdelay $0x1  }
0xa1: {  	s23 =	simm.s32 $0x1B8B  }
0xa2: {  	_ =	swait.ge [sflag:s23], $0x1  }
0xa3: {  	[sflag:s23] =	ssyncset.done $0x0  }
0xa4: {  	s25 =	simm.s32 $0x1B8E;
	s24 =	sld [smem:$0x3FFE];
	[sflag:s23] =	ssyncadd.s32 $0xFFFFFFFF  }
0xa5: {  	s26 =	simm.s32 $execute0_lowered;
	[smem:$0x3FD2] =	sst s25  }
0xa6: {  	s4 =	sshll.u32 s26, $0x1;
	_ =	strace $0x80000046;
	[dreg:$0x1] =	wrdreg $0xFFFFFFFF  }
0xa7: {  	s28 =	simm.s32 $_size_execute0_lowered;
	s2 =	sadd.s32 s2, s4;
	[dreg:$0x0] =	wrdreg $0x0  }
0xa8: {  	s4 =	sshll.u32 s28, $0x1;
	[dreg:$0x2] =	wrdreg s2  }
0xa9: {  	[dreg:$0x3] =	wrdreg s4  }
0xaa: {  	[dreg:$0x4] =	wrdreg $0xC0  }
0xab: {  	_ =	task [dreg:s6], $0x5FFFF  }
0xac: {  	[dreg:$0x1] =	wrdreg $0xFFFFFFFF  }
0xad: {  	[dreg:$0x0] =	wrdreg $0x60  }
0xae: {  	[dreg:$0x2] =	wrdreg s24  }
0xaf: {  	[dreg:$0x3] =	wrdreg $0x0  }
0xb0: {  	[dreg:$0x4] =	wrdreg $0x9  }
0xb1: {  	_ =	task.clear_ibuf [dreg:s6], $0x5FFFF;
	_ =	strace $0x90000046  }
0xb2: {  	s29 =	simm.s32 $0x9;
	_ =	strace $0x80000048  }
0xb3: {  	_ =	swait.ge [sflag:s29], $0x1  }
0xb4: {  	[sflag:s29] =	ssyncadd.s32 $0xFFFFFFFF  }
0xb5: {  	_ =	strace $0x90000048  }
0xb6: {  	_ =	sfence  }
0xb7: {  	s30 =	sld [smem:$0x0];
	_ =	sdelay $0x2  }
0xb8: {  	s31 =	sshll.u32 s1, $0xD;
	s1 =	sshrl.u32 s1, $0x2  }
0xb9: {  	s3 =	sand.u32 $0x4000, s31;
	s1 =	sadd.s32 s1, s30  }
0xba: {  	s0 =	sor.u32 s3, s0;
	s1 =	sshll.u32 s1, $0x11  }
0xbb: {  	s0 =	sor.u32 s1, s0  }
0xbc: {  	s0 =	sadd.s32 $0x8F2B, s0  }
0xbd: {  	[sflag:s0] =	ssyncadd.remote.s32 $0x1  }
0xbe: {  	_ =	sfence.sel $0xFFFF  }
0xbf: {  	[dreg:$0x0] =	wrdreg $0xFFFFFFFF;
	(pc) =	sbr.abs _section_cstart, $3  }
0xc0: {  	[dreg:$0x1] =	wrdreg $0xFFFFFFFF  }
0xc1: {  	_ =	task.clear_ibuf [dreg:s6], $0x2FFFF;
	_ =	strace $0x9FFFFFFF  }
0xc2: {  	(tm) =	ssettm $0x7FFFFFFF  }
0xc3: {  	_ =	shalt  }
tec
execute0_lowered:
.L_overlay_start_1:
0x0: {  	(tag) =	ssettag $0x1  }
0x1: {  	s0 =	srdreg.scid;
	s5 =	rddreg [dreg:$0x0]  }
0x2: {  	s2 =	rddreg [dreg:$0x1];
	s3 =	simm.s32 $0x0;
	s12 =	simm.s32 $0x80  }
0x3: {  	s13 =	simm.s32 $0x5000;
	s4 =	sand.u32 $0x1, s0;
	s0 =	stileid.u32  }
0x4: {  	[smem:$0x7FF] =	sst s3;
	s1 =	sshll.u32 s4, $0x4;
	s7 =	smul.u32 $0x2800, s0  }
0x5: {  	s8 =	smul.u32 $0x28000, s4;
	s4 =	ssub.s32 $0x2, s4;
	s1 =	sor.u32 s0, s1  }
0x6: {  	s31 =	sshll.u32 s0, $0x6;
	s10 =	sshrl.u32 s4, $0x1;
	s6 =	smul.u32 $0x500, s1  }
0x7: {  	s1 =	rddreg [dreg:$0x2];
	_ =	strace $0x80000047;
	s8 =	sadd.s32 s7, s8  }
0x8: {  	s9 =	sshrl.u32 s7, $0x3;
	s10 =	ssub.s32 s4, s10;
	s11 =	sadd.s32 s7, s2  }
0x9: {  	s8 =	sshrl.u32 s8, $0x3;
	s9 =	sadd.s32 s9, s5;
	s6 =	sadd.s32 s6, s5  }
0xa: {  	s8 =	sadd.s32 s8, s5;
	s4 =	sadd.s32 $0x17A00, s9;
	s5 =	sor.u32 $0x1C01, s31  }
0xb: {  	s9 =	sshrl.u32 s11, $0x3;
	s11 =	simm.s32 $0x2800;
	s6 =	sadd.s32 $0xDA00, s6  }
0xc: {  	v0 =	vimm.f32 $1.000000000e+00;
	s7 =	sadd.s32 $0x1CA00, s8;
	s8 =	smax.u32 s10, $0x1;
	s10 =	simm.s32 $0x1  }
.LBB2_1:
0xd: {  	s14 =	simm.s32 $0x40;
	s15 =	simm.s32 $0x0  }
.LBB2_2:
0xe: {  	p0 =	sne.s32 s14, $0x1FC0;
	[tilespmem:s15+$0x5000] =	vst v0;
	s15 =	smov.u32 s14;
	s14 =	sadd.s32 $0x40, s14  }
.Ltmp0:
0xf: {  	(pc) =	sbr.rel @p0 .LBB2_2-.Ltmp0, $2  }
0x10: {  	_ =	sdelay $0x2  }
0x11: {  	s15 =	sshra.s32 s15, $0x2  }
0x12: {  	[tilespmem:s15+$0x5000] =	vst v0  }
0x13: {  	[spmem:s9], [sflag:s5] =	dma.local [hbm:s4], $0x500  }
0x14: {  	_ =	swait.ge [sflag:s10], $0x500  }
0x15: {  	[sflag:s10] =	ssyncset.done $0x0  }
0x16: {  	s14 =	simm.s32 $0x0;
	[sflag:s10] =	ssyncadd.s32 $0xFFFFFB00  }
0x17: {  	[tilespmem:s11], [sflag:$0x1] =	stream.linear.gather [hbm4b:s6+s14], $0x2800, $0x38;
	[tilespmem:$0x5800] =	vst v63  }
0x18: {  	_ =	swait.ge [sflag:s10], $0x2800  }
0x19: {  	[sflag:s10] =	ssyncset.done $0x0  }
0x1a: {  	[sflag:s10] =	ssyncadd.s32 $0xFFFFD800  }
0x1b: {  	s31 =	simm.s32 $0x2800;
	[bflag:$0x0] =	sbarrier.arrive $0xFFFF  }
0x1c: {  	[spmem:s2] =	stream.indirect.scatter.add.f32 [tilespmem:s13], [sflag:$0x1], $0x10, s31, s12, $0xb8;
	[tilespmem:$0x5800] =	vst v63  }
0x1d: {  	s14 =	simm.s32 $0x200;
	_ =	swait.ge [sflag:s10], $0x800  }
.LBB2_4:
0x1e: {  	s15 =	sshra.s32 s14, $0x2;
	[sflag:s10] =	ssyncset.done $0x0;
	p0 =	sne.s32 s14, $0x9E00  }
.Ltmp1:
0x1f: {  	s15 =	sadd.s32 $0x2800, s15;
	[sflag:s10] =	ssyncadd.s32 $0xFFFFF800;
	(pc) =	sbr.rel @p0 .LBB2_4-.Ltmp1, $3  }
0x20: {  	[spmem:s2] =	stream.indirect.scatter.add.f32 [tilespmem:s13], [sflag:$0x1], $0x10, s15, s12, $0xb8;
	[tilespmem:$0x5800] =	vst v63  }
0x21: {  	s14 =	sadd.s32 $0x200, s14;
	_ =	sdelay $0x1  }
0x22: {  	_ =	swait.ge [sflag:s10], $0x800  }
0x23: {  	[sflag:s10] =	ssyncset.done $0x0;
	s3 =	sadd.s32 $0x1, s3  }
0x24: {  	[sflag:s10] =	ssyncadd.s32 $0xFFFFF800;
	p0 =	sne.s32 s3, s8  }
.Ltmp2:
0x25: {  	[bflag:$0x0] =	sbarrier.arrive $0xFFFF;
	(pc) =	sbr.rel @p0 .LBB2_1-.Ltmp2, $4  }
0x26: {  	[hbm:s7], [sflag:s5] =	dma.local [spmem:s9], $0x500  }
0x27: {  	_ =	swait.ge [sflag:s10], $0x500  }
0x28: {  	[sflag:s10] =	ssyncset.done $0x0  }
0x29: {  	[sflag:s10] =	ssyncadd.s32 $0xFFFFFB00  }
0x2a: {  	_ =	sfence.sel $0x180000  }
0x2b: {  	[bflag:$0x0] =	sbarrier.arrive $0xFFFF  }
0x2c: {  	p0 =	sne.s32 s0, $0x0;
	_ =	strace $0x90000047  }
0x2d: {  	s0 =	sadd.s32 @!p0 $0x100000, s1;
	[bflag:$0x2] =	sbarrier.arrive $0xFFFF  }
0x2e: {  	[sflag:s0] =	ssyncadd.tile.s32 @!p0 $0x1;
	_ =	shalt  }
.Lfunc_end2:
_tile_overlayer_lowered:
.L_overlay_start_2:
0x2f: {  	(tag) =	ssettag $0x2  }
0x30: {  	s0 =	rddreg [dreg:$0x0];
	s2 =	stileid.u32  }
0x31: {  	s1 =	rddreg [dreg:$0x1];
	p0 =	sne.s32 s2, $0x0  }
0x32: {  	s3 =	rddreg [dreg:$0x2];
	[bflag:$0x3] =	sbarrier.arrive $0xFFFF;
	s2 =	simm.s32 @!p0 $0x1C01  }
0x33: {  	[timem:s3], [sflag:s2] =	dma.local @!p0 [hbm:s0], s1  }
0x34: {  	s0 =	simm.s32 @!p0 $0x1  }
0x35: {  	_ =	swait.ge @!p0 [sflag:s0], s1  }
0x36: {  	s1 =	ssub.s32 @!p0 $0x0, s1;
	[sflag:s0] =	ssyncset.done @!p0 $0x0  }
0x37: {  	[sflag:s0] =	ssyncadd.s32 @!p0 s1  }
0x38: {  	[bflag:$0x3] =	sbarrier.arrive $0xFFFF  }
0x39: {  	_ =	shalt  }

// kernel: kernel.16.cloned.1.call-start
scs
__scs_entry_jumppad:
0x0: {  	(pc) =	sbr.rel $0x88, $3  }
0x1: {  	(tag) =	ssettag $0x0;
	lr =	simm.s32 $0x1  }
0x2: {  	[smem:$0x3F90] =	sst lr;
	_ =	strace $0xD0000000  }
0x3: {  	_ = 	snop  }
0x4: {  	_ = 	snop  }
0x5: {  	_ = 	snop  }
0x6: {  	_ = 	snop  }
0x7: {  	_ = 	snop  }
__scs_overlays_trampoline_lowered:
0x8: {  	[smem:$0x3F9F] =	sst s0  }
0x9: {  	[smem:$0x3FA0] =	sst s1  }
0xa: {  	[smem:$0x3FA1] =	sst s2  }
0xb: {  	[smem:$0x3FA2] =	sst s3  }
0xc: {  	[smem:$0x3FA3] =	sst s4  }
0xd: {  	[smem:$0x3FA4] =	sst s5  }
0xe: {  	[smem:$0x3FA5] =	sst s6  }
0xf: {  	[smem:$0x3FA6] =	sst s7  }
0x10: {  	[smem:$0x3FA7] =	sst s8  }
0x11: {  	[smem:$0x3FA8] =	sst s9;
	s0 =	simm.s32 @!p0 $0x0  }
0x12: {  	s1 =	sld [smem:$0x3F8E];
	s0 =	simm.s32 @p0 $0x1  }
0x13: {  	[smem:$0x3FA9] =	sst s0;
	s0 =	simm.s32 @!p1 $0x0  }
0x14: {  	s2 =	sld [smem:$0x3F8D];
	s0 =	simm.s32 @p1 $0x1  }
0x15: {  	[smem:$0x3FAA] =	sst s0;
	s0 =	simm.s32 @!p2 $0x0  }
0x16: {  	s3 =	sld [smem:$0x3FDB];
	s0 =	simm.s32 @p2 $0x1  }
0x17: {  	s4 =	simm.s32 $0x1BF5;
	[smem:$0x3FAC] =	sst s0  }
0x18: {  	s0 =	sld [smem:$0x3F8F];
	_ =	swait.ge [sflag:s4], $0x0  }
0x19: {  	s7 =	sld [smem:$0x3F90]  }
0x1a: {  	s8 =	sadd.s32 $0xFFFFE003, lr  }
0x1b: {  	s9 =	sadd.s32 $0xFFFFFEF7, lr;
	s5 =	simm.s32 $0xFFFFFFFF;
	p2 =	slt.u32 s8, $0xFFFFF086  }
0x1c: {  	p1 =	slt.u32 s9, $0xF7A;
	s5 =	simm.s32 @!p2 $0x0  }
0x1d: {  	s5 =	simm.s32 @p1 $0x1;
	p0 =	seq.s32 s7, s2  }
0x1e: {  	s7 =	smul.u32 @!p0 $0xF7A, s2;
	p2 =	seq.s32 @!p0 s5, $0x0  }
0x1f: {  	s9 =	smul.u32 $0xF7A, s1;
	s8 =	simm.s32 @!p0 $0x1BF5;
	p2 =	por !p2, p0  }
0x20: {  	[sflag:s8] =	ssyncset.s32 @!p0 $0xFFFFF086;
	s6 =	sadd.s32 @!p0 s3, s7;
	s7 =	simm.s32 @!p0 $0x108  }
0x21: {  	s3 =	sadd.s32 s3, s9;
	s6 =	sadd.s32 @!p0 $0x88, s6;
	s7 =	simm.s32 @p2 $0x1082  }
0x22: {  	[simem:s7], [sflag:s8] =	dma.local @!p0 [hbm:s6], $0xF7A  }
0x23: {  	s9 =	sor.u32 $0xD0000000, s2;
	s6 =	simm.s32 $0x108;
	_ =	swait.ge @!p0 [sflag:s8], $0x0  }
0x24: {  	s3 =	sadd.s32 $0x88, s3;
	s6 =	simm.s32 @!p1 $0x1082;
	[sflag:s4] =	ssyncset.s32 $0xFFFFF086  }
0x25: {  	[simem:s6], [sflag:s4] =	dma.local [hbm:s3], $0xF7A  }
0x26: {  	[smem:$0x3F90] =	sst s1;
	(tag) =	ssettag s2;
	_ =	strace s9  }
0x27: {  	s1 =	sld [smem:$0x3FA0]  }
0x28: {  	s2 =	sld [smem:$0x3FA1]  }
0x29: {  	s4 =	sld [smem:$0x3FA3]  }
0x2a: {  	p0 =	seq.s32 s5, $0x0;
	s5 =	sld [smem:$0x3FA4]  }
0x2b: {  	s6 =	sld [smem:$0x3FA5]  }
0x2c: {  	s7 =	sld [smem:$0x3FA6]  }
0x2d: {  	s3 =	simm.s32 $0x108;
	s8 =	sld [smem:$0x3FA7]  }
0x2e: {  	s3 =	simm.s32 @!p0 $0x1082;
	s9 =	sld [smem:$0x3FA8]  }
0x2f: {  	lr =	sadd.s32 s0, s3;
	s0 =	sld [smem:$0x3F9F]  }
0x30: {  	s3 =	sld [smem:$0x3FA2]  }
0x31: {  	[smem:$0x3FAB] =	sst s10  }
0x32: {  	s10 =	sld [smem:$0x3FA9];
	_ =	sdelay $0x3  }
0x33: {  	p0 =	seq.s32 s10, $0x1;
	s10 =	sld [smem:$0x3FAB];
	_ =	sdelay $0x3  }
0x34: {  	[smem:$0x3FAB] =	sst s10  }
0x35: {  	s10 =	sld [smem:$0x3FAA];
	_ =	sdelay $0x3  }
0x36: {  	p1 =	seq.s32 s10, $0x1;
	s10 =	sld [smem:$0x3FAB];
	_ =	sdelay $0x3  }
0x37: {  	[smem:$0x3FAB] =	sst s10  }
0x38: {  	s10 =	sld [smem:$0x3FAC]  }
0x39: {  	_ = 	snop;
	(pc) =	sbr.ind lr, $3  }
0x3a: {  	_ = 	snop  }
0x3b: {  	_ = 	snop  }
0x3c: {  	p2 =	seq.s32 s10, $0x1;
	s10 =	sld [smem:$0x3FAB]  }
0x3d: {  	_ =	shalt  }
0x3e: {  	_ =	shalt  }
0x3f: {  	_ =	shalt  }
0x40: {  	_ =	shalt  }
0x41: {  	_ =	shalt  }
0x42: {  	_ =	shalt  }
0x43: {  	_ =	shalt  }
0x44: {  	_ =	shalt  }
0x45: {  	_ =	shalt  }
0x46: {  	_ =	shalt  }
0x47: {  	_ =	shalt  }
0x48: {  	_ =	shalt  }
0x49: {  	_ =	shalt  }
0x4a: {  	_ =	shalt  }
0x4b: {  	_ =	shalt  }
0x4c: {  	_ =	shalt  }
0x4d: {  	_ =	shalt  }
0x4e: {  	_ =	shalt  }
0x4f: {  	_ =	shalt  }
0x50: {  	_ =	shalt  }
0x51: {  	_ =	shalt  }
0x52: {  	_ =	shalt  }
0x53: {  	_ =	shalt  }
0x54: {  	_ =	shalt  }
0x55: {  	_ =	shalt  }
0x56: {  	_ =	shalt  }
0x57: {  	_ =	shalt  }
0x58: {  	_ =	shalt  }
0x59: {  	_ =	shalt  }
0x5a: {  	_ =	shalt  }
0x5b: {  	_ =	shalt  }
0x5c: {  	_ =	shalt  }
0x5d: {  	_ =	shalt  }
0x5e: {  	_ =	shalt  }
0x5f: {  	_ =	shalt  }
0x60: {  	_ =	shalt  }
0x61: {  	_ =	shalt  }
0x62: {  	_ =	shalt  }
0x63: {  	_ =	shalt  }
0x64: {  	_ =	shalt  }
0x65: {  	_ =	shalt  }
0x66: {  	_ =	shalt  }
0x67: {  	_ =	shalt  }
0x68: {  	_ =	shalt  }
0x69: {  	_ =	shalt  }
0x6a: {  	_ =	shalt  }
0x6b: {  	_ =	shalt  }
0x6c: {  	_ =	shalt  }
0x6d: {  	_ =	shalt  }
0x6e: {  	_ =	shalt  }
0x6f: {  	_ =	shalt  }
0x70: {  	_ =	shalt  }
0x71: {  	_ =	shalt  }
0x72: {  	_ =	shalt  }
0x73: {  	_ =	shalt  }
0x74: {  	_ =	shalt  }
0x75: {  	_ =	shalt  }
0x76: {  	_ =	shalt  }
0x77: {  	_ =	shalt  }
0x78: {  	_ =	shalt  }
0x79: {  	_ =	shalt  }
0x7a: {  	_ =	shalt  }
0x7b: {  	_ =	shalt  }
0x7c: {  	_ =	shalt  }
0x7d: {  	_ =	shalt  }
0x7e: {  	_ =	shalt  }
0x7f: {  	_ =	shalt  }
0x80: {  	_ =	shalt  }
0x81: {  	_ =	shalt  }
0x82: {  	_ =	shalt  }
0x83: {  	_ =	shalt  }
0x84: {  	_ =	shalt  }
0x85: {  	_ =	shalt  }
0x86: {  	_ =	shalt  }
0x87: {  	_ =	shalt  }
.Lfunc_end0:
.L_simem_size_0:
called_computation.1_lowered:
.L_overlay_start_0:
0x88: {  	s2 =	sld [smem:$0x3FD9]  }
0x89: {  	s3 =	sld [smem:$0x3FFE];
	_ =	sdelay $0x1  }
0x8a: {  	s1 =	srdreg.scid  }
0x8b: {  	s0 =	sand.u32 $0x1, s1  }
0x8c: {  	s16 =	sshll.u32 s0, $0xA;
	s2 =	sadd.s32 s3, s2  }
0x8d: {  	s2 =	sadd.s32 s2, s16  }
0x8e: {  	[smem:$0x3FB7] =	sst s2  }
0x8f: {  	_ = 	snop  }
0x90: {  	(tm) =	ssettm $0x1  }
0x91: {  	s17 =	sld [smem:$0x3FFB];
	_ =	sdelay $0x3  }
0x92: {  	_ =	strace s17  }
0x93: {  	s2 =	sld [smem:$0x3FFC];
	_ =	sdelay $0x3  }
0x94: {  	_ =	strace s2  }
0x95: {  	s2 =	sld [smem:$0x3FFD];
	_ =	sdelay $0x3  }
0x96: {  	_ =	strace s2  }
0x97: {  	_ =	strace $0x8FFFFFFF  }
0x98: {  	s18 =	sld [smem:$0x3FDB];
	_ =	sdelay $0x1  }
0x99: {  	s19 =	simm.s32 $_scs_section_size  }
0x9a: {  	s4 =	simm.s32 $_size__tile_overlayer_lowered;
	s5 =	simm.s32 $_tile_overlayer_lowered  }
0x9b: {  	s22 =	simm.s32 $0x1BFF;
	s21 =	sshll.u32 s5, $0x1;
	s2 =	sadd.s32 s19, s18  }
0x9c: {  	s6 =	simm.s32 $0x0;
	s20 =	sshll.u32 s4, $0x1;
	s4 =	sadd.s32 s21, s2  }
0x9d: {  	[timem:s6], [sflag:s22] =	dma.local [hbm:s4], s20  }
0x9e: {  	_ =	swait.ge [sflag:s22], s20  }
0x9f: {  	s3 =	ssub.s32 $0x0, s20;
	[sflag:s22] =	ssyncset.done $0x0  }
0xa0: {  	[sflag:s22] =	ssyncadd.s32 s3;
	_ =	sdelay $0x1  }
0xa1: {  	s23 =	simm.s32 $0x1B8B  }
0xa2: {  	_ =	swait.ge [sflag:s23], $0x1  }
0xa3: {  	[sflag:s23] =	ssyncset.done $0x0  }
0xa4: {  	s25 =	simm.s32 $0x1B8E;
	s24 =	sld [smem:$0x3FFE];
	[sflag:s23] =	ssyncadd.s32 $0xFFFFFFFF  }
0xa5: {  	s26 =	simm.s32 $execute0_lowered;
	[smem:$0x3FD2] =	sst s25  }
0xa6: {  	s4 =	sshll.u32 s26, $0x1;
	_ =	strace $0x80000049;
	[dreg:$0x1] =	wrdreg $0xFFFFFFFF  }
0xa7: {  	s28 =	simm.s32 $_size_execute0_lowered;
	s2 =	sadd.s32 s2, s4;
	[dreg:$0x0] =	wrdreg $0x0  }
0xa8: {  	s4 =	sshll.u32 s28, $0x1;
	[dreg:$0x2] =	wrdreg s2  }
0xa9: {  	[dreg:$0x3] =	wrdreg s4  }
0xaa: {  	[dreg:$0x4] =	wrdreg $0xC0  }
0xab: {  	_ =	task [dreg:s6], $0x5FFFF  }
0xac: {  	[dreg:$0x1] =	wrdreg $0xFFFFFFFF  }
0xad: {  	[dreg:$0x0] =	wrdreg $0x60  }
0xae: {  	[dreg:$0x2] =	wrdreg s24  }
0xaf: {  	[dreg:$0x3] =	wrdreg $0x0  }
0xb0: {  	[dreg:$0x4] =	wrdreg $0x9  }
0xb1: {  	_ =	task.clear_ibuf [dreg:s6], $0x5FFFF;
	_ =	strace $0x90000049  }
0xb2: {  	s29 =	simm.s32 $0x9;
	_ =	strace $0x8000004B  }
0xb3: {  	_ =	swait.ge [sflag:s29], $0x1  }
0xb4: {  	[sflag:s29] =	ssyncadd.s32 $0xFFFFFFFF  }
0xb5: {  	_ =	strace $0x9000004B  }
0xb6: {  	_ =	sfence  }
0xb7: {  	s30 =	sld [smem:$0x0];
	_ =	sdelay $0x2  }
0xb8: {  	s31 =	sshll.u32 s1, $0xD;
	s1 =	sshrl.u32 s1, $0x2  }
0xb9: {  	s3 =	sand.u32 $0x4000, s31;
	s1 =	sadd.s32 s1, s30  }
0xba: {  	s0 =	sor.u32 s3, s0;
	s1 =	sshll.u32 s1, $0x11  }
0xbb: {  	s0 =	sor.u32 s1, s0  }
0xbc: {  	s0 =	sadd.s32 $0x8F2B, s0  }
0xbd: {  	[sflag:s0] =	ssyncadd.remote.s32 $0x1  }
0xbe: {  	_ =	sfence.sel $0xFFFF  }
0xbf: {  	[dreg:$0x0] =	wrdreg $0xFFFFFFFF;
	(pc) =	sbr.abs _section_cstart, $3  }
0xc0: {  	[dreg:$0x1] =	wrdreg $0xFFFFFFFF  }
0xc1: {  	_ =	task.clear_ibuf [dreg:s6], $0x2FFFF;
	_ =	strace $0x9FFFFFFF  }
0xc2: {  	(tm) =	ssettm $0x7FFFFFFF  }
0xc3: {  	_ =	shalt  }
tec
execute0_lowered:
.L_overlay_start_1:
0x0: {  	(tag) =	ssettag $0x1  }
0x1: {  	s0 =	srdreg.scid  }
0x2: {  	s8 =	stileid.u32;
	s3 =	rddreg [dreg:$0x0]  }
0x3: {  	s2 =	rddreg [dreg:$0x1];
	s4 =	simm.s32 $0x0;
	s15 =	simm.s32 $0x1  }
0x4: {  	s16 =	simm.s32 $0x2;
	s17 =	simm.s32 $0x3;
	s18 =	simm.s32 $0x80  }
0x5: {  	s19 =	simm.s32 $0xF000;
	s21 =	simm.s32 $0x11000;
	s28 =	simm.s32 $0x17000  }
0x6: {  	s30 =	simm.s32 $0x19000;
	s14 =	simm.s32 $0x1D000;
	s20 =	simm.s32 $0x4  }
0x7: {  	s22 =	simm.s32 $0x5;
	s29 =	simm.s32 $0x8;
	s31 =	simm.s32 $0x9  }
0x8: {  	s13 =	simm.s32 $0xE;
	s9 =	simm.s32 $0x10;
	s11 =	simm.s32 $0x0  }
0x9: {  	s0 =	sand.u32 $0x1, s0;
	s5 =	smul.u32 $0xA000, s8;
	[smem:$0x7FF] =	sst s4  }
0xa: {  	s4 =	sadd.s32 $0x17A00, s3;
	s24 =	sshll.u32 s8, $0x6;
	s1 =	sshll.u32 s0, $0x4  }
0xb: {  	s6 =	smul.u32 $0xA0000, s0;
	_ =	strace $0x8000004A;
	s0 =	ssub.s32 $0x2, s0  }
0xc: {  	[dreg:$0x3] =	wrdreg s24;
	s1 =	sor.u32 s8, s1;
	s7 =	sshrl.u32 s5, $0x3  }
0xd: {  	s23 =	sshrl.u32 s0, $0x1;
	s8 =	simm.s32 $0xF;
	s1 =	smul.u32 $0x500, s1  }
0xe: {  	s6 =	sadd.s32 s5, s6;
	s7 =	sadd.s32 s7, s3;
	s0 =	ssub.s32 s0, s23  }
0xf: {  	s5 =	sadd.s32 s5, s2;
	s23 =	simm.s32 $0x13000;
	s7 =	sadd.s32 $0x2BA00, s7  }
0x10: {  	s6 =	sshrl.u32 s6, $0x3;
	s0 =	smax.u32 s0, $0x1;
	[dreg:$0x4] =	wrdreg s7  }
0x11: {  	s12 =	sshrl.u32 s5, $0x3;
	s1 =	sadd.s32 s1, s3;
	[dreg:$0x9] =	wrdreg s0  }
0x12: {  	s3 =	sadd.s32 s6, s3;
	s6 =	sor.u32 $0x1C01, s24;
	[dreg:$0xa] =	wrdreg s12  }
0x13: {  	s24 =	simm.s32 $0x6;
	[dreg:$0x5] =	wrdreg s6;
	s25 =	sadd.s32 $0x3A00, s1  }
0x14: {  	s0 =	simm.s32 $0xA;
	s1 =	sadd.s32 $0xDA00, s1;
	[dreg:$0x6] =	wrdreg s25  }
0x15: {  	s7 =	simm.s32 $0xD;
	s26 =	sadd.s32 $0x3FA00, s3;
	[dreg:$0x7] =	wrdreg s1  }
0x16: {  	s3 =	simm.s32 $0xB;
	s6 =	simm.s32 $0xC;
	[dreg:$0x8] =	wrdreg s26  }
0x17: {  	s25 =	simm.s32 $0x15000;
	s1 =	simm.s32 $0x1B000;
	s26 =	simm.s32 $0x7  }
.LBB2_1:
0x18: {  	[dreg:$0xb] =	wrdreg s11  }
0x19: {  	s5 =	rddreg [dreg:$0x4]  }
0x1a: {  	s10 =	rddreg [dreg:$0x5]  }
0x1b: {  	[spmem:s12], [sflag:s10] =	dma.local [hbm:s5], $0x1400  }
0x1c: {  	s5 =	simm.s32 $0x0;
	s12 =	simm.s32 $0xA000;
	s10 =	rddreg [dreg:$0x6]  }
0x1d: {  	[tilespmem:s12], [sflag:$0x2] =	stream.linear.gather [hbm4b:s10+s5], $0x2800, $0x38;
	[tilespmem:$0x1F000] =	vst v63  }
0x1e: {  	s11 =	simm.s32 $0xC800;
	s10 =	rddreg [dreg:$0x7]  }
0x1f: {  	[tilespmem:s11], [sflag:$0x3] =	stream.linear.gather [hbm4b:s10+s5], $0x2800, $0x38;
	[tilespmem:$0x1F000] =	vst v63  }
0x20: {  	_ =	swait.ge [sflag:s15], $0x1400  }
0x21: {  	[sflag:s15] =	ssyncset.done $0x0  }
0x22: {  	[sflag:s15] =	ssyncadd.s32 $0xFFFFEC00  }
0x23: {  	_ =	swait.ge [sflag:s16], $0x2800  }
0x24: {  	[sflag:s16] =	ssyncset.done $0x0  }
0x25: {  	[sflag:s16] =	ssyncadd.s32 $0xFFFFD800  }
0x26: {  	_ =	swait.ge [sflag:s17], $0x2800  }
0x27: {  	[sflag:s17] =	ssyncset.done $0x0  }
0x28: {  	[sflag:s17] =	ssyncadd.s32 $0xFFFFD800  }
0x29: {  	[bflag:$0x0] =	sbarrier.arrive $0xFFFF  }
0x2a: {  	[tilespmem:s19], [sflag:$0x1] =	stream.indirect.gather [hbm4b:s4+s18], $0x40, s12, s18, $0xb8;
	[tilespmem:$0x1F000] =	vst v63  }
0x2b: {  	s12 =	simm.s32 $0xA080  }
0x2c: {  	[tilespmem:s21], [sflag:$0x2] =	stream.indirect.gather [hbm4b:s4+s18], $0x40, s12, s18, $0xb8;
	[tilespmem:$0x1F000] =	vst v63  }
0x2d: {  	s10 =	simm.s32 $0xA100  }
0x2e: {  	[tilespmem:s23], [sflag:$0x3] =	stream.indirect.gather [hbm4b:s4+s18], $0x40, s10, s18, $0xb8;
	[tilespmem:$0x1F000] =	vst v63  }
0x2f: {  	s11 =	simm.s32 $0xA180  }
0x30: {  	[tilespmem:s25], [sflag:$0x4] =	stream.indirect.gather [hbm4b:s4+s18], $0x40, s11, s18, $0xb8;
	[tilespmem:$0x1F000] =	vst v63  }
0x31: {  	s12 =	simm.s32 $0xA200  }
0x32: {  	[tilespmem:s28], [sflag:$0x5] =	stream.indirect.gather [hbm4b:s4+s18], $0x40, s12, s18, $0xb8;
	[tilespmem:$0x1F000] =	vst v63  }
0x33: {  	s10 =	simm.s32 $0xA280  }
0x34: {  	[tilespmem:s30], [sflag:$0x6] =	stream.indirect.gather [hbm4b:s4+s18], $0x40, s10, s18, $0xb8;
	[tilespmem:$0x1F000] =	vst v63  }
0x35: {  	s11 =	simm.s32 $0xA300  }
0x36: {  	[tilespmem:s1], [sflag:$0x7] =	stream.indirect.gather [hbm4b:s4+s18], $0x40, s11, s18, $0xb8;
	[tilespmem:$0x1F000] =	vst v63  }
0x37: {  	s12 =	simm.s32 $0xA380  }
0x38: {  	[tilespmem:s14], [sflag:$0x8] =	stream.indirect.gather [hbm4b:s4+s18], $0x40, s12, s18, $0xb8;
	[tilespmem:$0x1F000] =	vst v63  }
0x39: {  	_ =	swait.ge [sflag:s15], $0x2000  }
0x3a: {  	[sflag:s15] =	ssyncset.done $0x0  }
0x3b: {  	s10 =	simm.s32 $0xC800;
	[sflag:s15] =	ssyncadd.s32 $0xFFFFE000  }
0x3c: {  	[spmem:s2] =	stream.indirect.scatter.add.f32 [tilespmem:s19], [sflag:$0x9], $0x40, s10, s18, $0xb8;
	[tilespmem:$0x1F000] =	vst v63  }
0x3d: {  	_ =	swait.ge [sflag:s16], $0x2000  }
0x3e: {  	[sflag:s16] =	ssyncset.done $0x0  }
0x3f: {  	s11 =	simm.s32 $0xC880;
	[sflag:s16] =	ssyncadd.s32 $0xFFFFE000  }
0x40: {  	[spmem:s2] =	stream.indirect.scatter.add.f32 [tilespmem:s21], [sflag:$0xA], $0x40, s11, s18, $0xb8;
	[tilespmem:$0x1F000] =	vst v63  }
0x41: {  	_ =	swait.ge [sflag:s17], $0x2000  }
0x42: {  	[sflag:s17] =	ssyncset.done $0x0  }
0x43: {  	s12 =	simm.s32 $0xC900;
	[sflag:s17] =	ssyncadd.s32 $0xFFFFE000  }
0x44: {  	[spmem:s2] =	stream.indirect.scatter.add.f32 [tilespmem:s23], [sflag:$0xB], $0x40, s12, s18, $0xb8;
	[tilespmem:$0x1F000] =	vst v63  }
0x45: {  	_ =	swait.ge [sflag:s20], $0x2000  }
0x46: {  	[sflag:s20] =	ssyncset.done $0x0  }
0x47: {  	s10 =	simm.s32 $0xC980;
	[sflag:s20] =	ssyncadd.s32 $0xFFFFE000  }
0x48: {  	[spmem:s2] =	stream.indirect.scatter.add.f32 [tilespmem:s25], [sflag:$0xC], $0x40, s10, s18, $0xb8;
	[tilespmem:$0x1F000] =	vst v63  }
0x49: {  	_ =	swait.ge [sflag:s22], $0x2000  }
0x4a: {  	[sflag:s22] =	ssyncset.done $0x0  }
0x4b: {  	s11 =	simm.s32 $0xCA00;
	[sflag:s22] =	ssyncadd.s32 $0xFFFFE000  }
0x4c: {  	[spmem:s2] =	stream.indirect.scatter.add.f32 [tilespmem:s28], [sflag:$0xD], $0x40, s11, s18, $0xb8;
	[tilespmem:$0x1F000] =	vst v63  }
0x4d: {  	_ =	swait.ge [sflag:s24], $0x2000  }
0x4e: {  	[sflag:s24] =	ssyncset.done $0x0  }
0x4f: {  	s12 =	simm.s32 $0xCA80;
	[sflag:s24] =	ssyncadd.s32 $0xFFFFE000  }
0x50: {  	[spmem:s2] =	stream.indirect.scatter.add.f32 [tilespmem:s30], [sflag:$0xE], $0x40, s12, s18, $0xb8;
	[tilespmem:$0x1F000] =	vst v63  }
0x51: {  	_ =	swait.ge [sflag:s26], $0x2000  }
0x52: {  	[sflag:s26] =	ssyncset.done $0x0  }
0x53: {  	s10 =	simm.s32 $0xCB00;
	[sflag:s26] =	ssyncadd.s32 $0xFFFFE000  }
0x54: {  	[spmem:s2] =	stream.indirect.scatter.add.f32 [tilespmem:s1], [sflag:$0xF], $0x40, s10, s18, $0xb8;
	[tilespmem:$0x1F000] =	vst v63  }
0x55: {  	_ =	swait.ge [sflag:s29], $0x2000  }
0x56: {  	[sflag:s29] =	ssyncset.done $0x0  }
0x57: {  	s11 =	simm.s32 $0xCB80;
	[sflag:s29] =	ssyncadd.s32 $0xFFFFE000  }
0x58: {  	[spmem:s2] =	stream.indirect.scatter.add.f32 [tilespmem:s14], [sflag:$0x10], $0x40, s11, s18, $0xb8;
	[tilespmem:$0x1F000] =	vst v63  }
0x59: {  	_ =	swait.ge [sflag:s31], $0x2000  }
0x5a: {  	[sflag:s31] =	ssyncset.done $0x0  }
0x5b: {  	s12 =	simm.s32 $0xA400;
	[sflag:s31] =	ssyncadd.s32 $0xFFFFE000  }
0x5c: {  	[tilespmem:s19], [sflag:$0x1] =	stream.indirect.gather [hbm4b:s4+s18], $0x40, s12, s18, $0xb8;
	[tilespmem:$0x1F000] =	vst v63  }
0x5d: {  	_ =	swait.ge [sflag:s0], $0x2000  }
0x5e: {  	[sflag:s0] =	ssyncset.done $0x0  }
0x5f: {  	s10 =	simm.s32 $0xA480;
	[sflag:s0] =	ssyncadd.s32 $0xFFFFE000  }
0x60: {  	[tilespmem:s21], [sflag:$0x2] =	stream.indirect.gather [hbm4b:s4+s18], $0x40, s10, s18, $0xb8;
	[tilespmem:$0x1F000] =	vst v63  }
0x61: {  	_ =	swait.ge [sflag:s3], $0x2000  }
0x62: {  	[sflag:s3] =	ssyncset.done $0x0  }
0x63: {  	s11 =	simm.s32 $0xA500;
	[sflag:s3] =	ssyncadd.s32 $0xFFFFE000  }
0x64: {  	[tilespmem:s23], [sflag:$0x3] =	stream.indirect.gather [hbm4b:s4+s18], $0x40, s11, s18, $0xb8;
	[tilespmem:$0x1F000] =	vst v63  }
0x65: {  	_ =	swait.ge [sflag:s6], $0x2000  }
0x66: {  	[sflag:s6] =	ssyncset.done $0x0  }
0x67: {  	s12 =	simm.s32 $0xA580;
	[sflag:s6] =	ssyncadd.s32 $0xFFFFE000  }
0x68: {  	[tilespmem:s25], [sflag:$0x4] =	stream.indirect.gather [hbm4b:s4+s18], $0x40, s12, s18, $0xb8;
	[tilespmem:$0x1F000] =	vst v63  }
0x69: {  	_ =	swait.ge [sflag:s7], $0x2000  }
0x6a: {  	[sflag:s7] =	ssyncset.done $0x0  }
0x6b: {  	s10 =	simm.s32 $0xA600;
	[sflag:s7] =	ssyncadd.s32 $0xFFFFE000  }
0x6c: {  	[tilespmem:s28], [sflag:$0x5] =	stream.indirect.gather [hbm4b:s4+s18], $0x40, s10, s18, $0xb8;
	[tilespmem:$0x1F000] =	vst v63  }
0x6d: {  	_ =	swait.ge [sflag:s13], $0x2000  }
0x6e: {  	[sflag:s13] =	ssyncset.done $0x0  }
0x6f: {  	s11 =	simm.s32 $0xA680;
	[sflag:s13] =	ssyncadd.s32 $0xFFFFE000  }
0x70: {  	[tilespmem:s30], [sflag:$0x6] =	stream.indirect.gather [hbm4b:s4+s18], $0x40, s11, s18, $0xb8;
	[tilespmem:$0x1F000] =	vst v63  }
0x71: {  	_ =	swait.ge [sflag:s8], $0x2000  }
0x72: {  	[sflag:s8] =	ssyncset.done $0x0  }
0x73: {  	s12 =	simm.s32 $0xA700;
	[sflag:s8] =	ssyncadd.s32 $0xFFFFE000  }
0x74: {  	[tilespmem:s1], [sflag:$0x7] =	stream.indirect.gather [hbm4b:s4+s18], $0x40, s12, s18, $0xb8;
	[tilespmem:$0x1F000] =	vst v63  }
0x75: {  	_ =	swait.ge [sflag:s9], $0x2000  }
0x76: {  	[sflag:s9] =	ssyncset.done $0x0  }
0x77: {  	s5 =	simm.s32 $0x1000;
	s10 =	simm.s32 $0xA780;
	[sflag:s9] =	ssyncadd.s32 $0xFFFFE000  }
.LBB2_2:
0x78: {  	[tilespmem:s14], [sflag:$0x8] =	stream.indirect.gather [hbm4b:s4+s18], $0x40, s10, s18, $0xb8;
	[tilespmem:$0x1F000] =	vst v63  }
0x79: {  	s10 =	smov.u32 s5  }
0x7a: {  	p0 =	sne.s32 s5, $0x8000;
	s5 =	sadd.s32 $0x1000, s5;
	_ =	swait.ge [sflag:s15], $0x2000  }
0x7b: {  	s10 =	sshra.s32 s10, $0x2;
	[sflag:s15] =	ssyncset.done $0x0  }
0x7c: {  	s12 =	sadd.s32 $0xC800, s10;
	[sflag:s15] =	ssyncadd.s32 $0xFFFFE000  }
0x7d: {  	[spmem:s2] =	stream.indirect.scatter.add.f32 [tilespmem:s19], [sflag:$0x9], $0x40, s12, s18, $0xb8;
	[tilespmem:$0x1F000] =	vst v63  }
0x7e: {  	_ =	swait.ge [sflag:s16], $0x2000  }
0x7f: {  	[sflag:s16] =	ssyncset.done $0x0  }
0x80: {  	s12 =	sadd.s32 $0xC880, s10;
	[sflag:s16] =	ssyncadd.s32 $0xFFFFE000  }
0x81: {  	[spmem:s2] =	stream.indirect.scatter.add.f32 [tilespmem:s21], [sflag:$0xA], $0x40, s12, s18, $0xb8;
	[tilespmem:$0x1F000] =	vst v63  }
0x82: {  	_ =	swait.ge [sflag:s17], $0x2000  }
0x83: {  	[sflag:s17] =	ssyncset.done $0x0  }
0x84: {  	s12 =	sadd.s32 $0xC900, s10;
	[sflag:s17] =	ssyncadd.s32 $0xFFFFE000  }
0x85: {  	[spmem:s2] =	stream.indirect.scatter.add.f32 [tilespmem:s23], [sflag:$0xB], $0x40, s12, s18, $0xb8;
	[tilespmem:$0x1F000] =	vst v63  }
0x86: {  	_ =	swait.ge [sflag:s20], $0x2000  }
0x87: {  	[sflag:s20] =	ssyncset.done $0x0  }
0x88: {  	s12 =	sadd.s32 $0xC980, s10;
	[sflag:s20] =	ssyncadd.s32 $0xFFFFE000  }
0x89: {  	[spmem:s2] =	stream.indirect.scatter.add.f32 [tilespmem:s25], [sflag:$0xC], $0x40, s12, s18, $0xb8;
	[tilespmem:$0x1F000] =	vst v63  }
0x8a: {  	_ =	swait.ge [sflag:s22], $0x2000  }
0x8b: {  	[sflag:s22] =	ssyncset.done $0x0  }
0x8c: {  	s12 =	sadd.s32 $0xCA00, s10;
	[sflag:s22] =	ssyncadd.s32 $0xFFFFE000  }
0x8d: {  	[spmem:s2] =	stream.indirect.scatter.add.f32 [tilespmem:s28], [sflag:$0xD], $0x40, s12, s18, $0xb8;
	[tilespmem:$0x1F000] =	vst v63  }
0x8e: {  	_ =	swait.ge [sflag:s24], $0x2000  }
0x8f: {  	[sflag:s24] =	ssyncset.done $0x0  }
0x90: {  	s12 =	sadd.s32 $0xCA80, s10;
	[sflag:s24] =	ssyncadd.s32 $0xFFFFE000  }
0x91: {  	[spmem:s2] =	stream.indirect.scatter.add.f32 [tilespmem:s30], [sflag:$0xE], $0x40, s12, s18, $0xb8;
	[tilespmem:$0x1F000] =	vst v63  }
0x92: {  	_ =	swait.ge [sflag:s26], $0x2000  }
0x93: {  	[sflag:s26] =	ssyncset.done $0x0  }
0x94: {  	s12 =	sadd.s32 $0xCB00, s10;
	[sflag:s26] =	ssyncadd.s32 $0xFFFFE000  }
0x95: {  	[spmem:s2] =	stream.indirect.scatter.add.f32 [tilespmem:s1], [sflag:$0xF], $0x40, s12, s18, $0xb8;
	[tilespmem:$0x1F000] =	vst v63  }
0x96: {  	_ =	swait.ge [sflag:s29], $0x2000  }
0x97: {  	[sflag:s29] =	ssyncset.done $0x0  }
0x98: {  	s12 =	sadd.s32 $0xCB80, s10;
	[sflag:s29] =	ssyncadd.s32 $0xFFFFE000  }
0x99: {  	[spmem:s2] =	stream.indirect.scatter.add.f32 [tilespmem:s14], [sflag:$0x10], $0x40, s12, s18, $0xb8;
	[tilespmem:$0x1F000] =	vst v63  }
0x9a: {  	_ =	swait.ge [sflag:s31], $0x2000  }
0x9b: {  	[sflag:s31] =	ssyncset.done $0x0  }
0x9c: {  	s12 =	sadd.s32 $0xA400, s10;
	[sflag:s31] =	ssyncadd.s32 $0xFFFFE000  }
0x9d: {  	[tilespmem:s19], [sflag:$0x1] =	stream.indirect.gather [hbm4b:s4+s18], $0x40, s12, s18, $0xb8;
	[tilespmem:$0x1F000] =	vst v63  }
0x9e: {  	_ =	swait.ge [sflag:s0], $0x2000  }
0x9f: {  	[sflag:s0] =	ssyncset.done $0x0  }
0xa0: {  	s12 =	sadd.s32 $0xA480, s10;
	[sflag:s0] =	ssyncadd.s32 $0xFFFFE000  }
0xa1: {  	[tilespmem:s21], [sflag:$0x2] =	stream.indirect.gather [hbm4b:s4+s18], $0x40, s12, s18, $0xb8;
	[tilespmem:$0x1F000] =	vst v63  }
0xa2: {  	_ =	swait.ge [sflag:s3], $0x2000  }
0xa3: {  	[sflag:s3] =	ssyncset.done $0x0  }
0xa4: {  	s12 =	sadd.s32 $0xA500, s10;
	[sflag:s3] =	ssyncadd.s32 $0xFFFFE000  }
0xa5: {  	[tilespmem:s23], [sflag:$0x3] =	stream.indirect.gather [hbm4b:s4+s18], $0x40, s12, s18, $0xb8;
	[tilespmem:$0x1F000] =	vst v63  }
0xa6: {  	_ =	swait.ge [sflag:s6], $0x2000  }
0xa7: {  	[sflag:s6] =	ssyncset.done $0x0  }
0xa8: {  	s12 =	sadd.s32 $0xA580, s10;
	[sflag:s6] =	ssyncadd.s32 $0xFFFFE000  }
0xa9: {  	[tilespmem:s25], [sflag:$0x4] =	stream.indirect.gather [hbm4b:s4+s18], $0x40, s12, s18, $0xb8;
	[tilespmem:$0x1F000] =	vst v63  }
0xaa: {  	_ =	swait.ge [sflag:s7], $0x2000  }
0xab: {  	[sflag:s7] =	ssyncset.done $0x0  }
0xac: {  	s12 =	sadd.s32 $0xA600, s10;
	[sflag:s7] =	ssyncadd.s32 $0xFFFFE000  }
0xad: {  	[tilespmem:s28], [sflag:$0x5] =	stream.indirect.gather [hbm4b:s4+s18], $0x40, s12, s18, $0xb8;
	[tilespmem:$0x1F000] =	vst v63  }
0xae: {  	_ =	swait.ge [sflag:s13], $0x2000  }
0xaf: {  	[sflag:s13] =	ssyncset.done $0x0  }
0xb0: {  	s12 =	sadd.s32 $0xA680, s10;
	[sflag:s13] =	ssyncadd.s32 $0xFFFFE000  }
0xb1: {  	[tilespmem:s30], [sflag:$0x6] =	stream.indirect.gather [hbm4b:s4+s18], $0x40, s12, s18, $0xb8;
	[tilespmem:$0x1F000] =	vst v63  }
0xb2: {  	_ =	swait.ge [sflag:s8], $0x2000  }
0xb3: {  	[sflag:s8] =	ssyncset.done $0x0  }
.Ltmp0:
0xb4: {  	s12 =	sadd.s32 $0xA700, s10;
	[sflag:s8] =	ssyncadd.s32 $0xFFFFE000;
	(pc) =	sbr.rel @p0 .LBB2_2-.Ltmp0, $4  }
0xb5: {  	[tilespmem:s1], [sflag:$0x7] =	stream.indirect.gather [hbm4b:s4+s18], $0x40, s12, s18, $0xb8;
	[tilespmem:$0x1F000] =	vst v63  }
0xb6: {  	_ =	swait.ge [sflag:s9], $0x2000  }
0xb7: {  	[sflag:s9] =	ssyncset.done $0x0  }
0xb8: {  	s10 =	sadd.s32 $0xA780, s10;
	[sflag:s9] =	ssyncadd.s32 $0xFFFFE000  }
0xb9: {  	[tilespmem:s14], [sflag:$0x8] =	stream.indirect.gather [hbm4b:s4+s18], $0x40, s10, s18, $0xb8;
	[tilespmem:$0x1F000] =	vst v63  }
0xba: {  	_ =	swait.ge [sflag:s15], $0x2000  }
0xbb: {  	[sflag:s15] =	ssyncset.done $0x0  }
0xbc: {  	s5 =	simm.s32 $0xEC00;
	[sflag:s15] =	ssyncadd.s32 $0xFFFFE000  }
0xbd: {  	[spmem:s2] =	stream.indirect.scatter.add.f32 [tilespmem:s19], [sflag:$0x9], $0x40, s5, s18, $0xb8;
	[tilespmem:$0x1F000] =	vst v63  }
0xbe: {  	_ =	swait.ge [sflag:s16], $0x2000  }
0xbf: {  	[sflag:s16] =	ssyncset.done $0x0  }
0xc0: {  	s12 =	simm.s32 $0xEC80;
	[sflag:s16] =	ssyncadd.s32 $0xFFFFE000  }
0xc1: {  	[spmem:s2] =	stream.indirect.scatter.add.f32 [tilespmem:s21], [sflag:$0xA], $0x40, s12, s18, $0xb8;
	[tilespmem:$0x1F000] =	vst v63  }
0xc2: {  	_ =	swait.ge [sflag:s17], $0x2000  }
0xc3: {  	[sflag:s17] =	ssyncset.done $0x0  }
0xc4: {  	s10 =	simm.s32 $0xED00;
	[sflag:s17] =	ssyncadd.s32 $0xFFFFE000  }
0xc5: {  	[spmem:s2] =	stream.indirect.scatter.add.f32 [tilespmem:s23], [sflag:$0xB], $0x40, s10, s18, $0xb8;
	[tilespmem:$0x1F000] =	vst v63  }
0xc6: {  	_ =	swait.ge [sflag:s20], $0x2000  }
0xc7: {  	[sflag:s20] =	ssyncset.done $0x0  }
0xc8: {  	s11 =	simm.s32 $0xED80;
	[sflag:s20] =	ssyncadd.s32 $0xFFFFE000  }
0xc9: {  	[spmem:s2] =	stream.indirect.scatter.add.f32 [tilespmem:s25], [sflag:$0xC], $0x40, s11, s18, $0xb8;
	[tilespmem:$0x1F000] =	vst v63  }
0xca: {  	_ =	swait.ge [sflag:s22], $0x2000  }
0xcb: {  	[sflag:s22] =	ssyncset.done $0x0  }
0xcc: {  	s12 =	simm.s32 $0xEE00;
	[sflag:s22] =	ssyncadd.s32 $0xFFFFE000  }
0xcd: {  	[spmem:s2] =	stream.indirect.scatter.add.f32 [tilespmem:s28], [sflag:$0xD], $0x40, s12, s18, $0xb8;
	[tilespmem:$0x1F000] =	vst v63  }
0xce: {  	_ =	swait.ge [sflag:s24], $0x2000  }
0xcf: {  	[sflag:s24] =	ssyncset.done $0x0  }
0xd0: {  	s10 =	simm.s32 $0xEE80;
	[sflag:s24] =	ssyncadd.s32 $0xFFFFE000  }
0xd1: {  	[spmem:s2] =	stream.indirect.scatter.add.f32 [tilespmem:s30], [sflag:$0xE], $0x40, s10, s18, $0xb8;
	[tilespmem:$0x1F000] =	vst v63  }
0xd2: {  	_ =	swait.ge [sflag:s26], $0x2000  }
0xd3: {  	[sflag:s26] =	ssyncset.done $0x0  }
0xd4: {  	s11 =	simm.s32 $0xEF00;
	[sflag:s26] =	ssyncadd.s32 $0xFFFFE000  }
0xd5: {  	[spmem:s2] =	stream.indirect.scatter.add.f32 [tilespmem:s1], [sflag:$0xF], $0x40, s11, s18, $0xb8;
	[tilespmem:$0x1F000] =	vst v63  }
0xd6: {  	_ =	swait.ge [sflag:s29], $0x2000  }
0xd7: {  	[sflag:s29] =	ssyncset.done $0x0  }
0xd8: {  	s12 =	simm.s32 $0xEF80;
	[sflag:s29] =	ssyncadd.s32 $0xFFFFE000  }
0xd9: {  	[spmem:s2] =	stream.indirect.scatter.add.f32 [tilespmem:s14], [sflag:$0x10], $0x40, s12, s18, $0xb8;
	[tilespmem:$0x1F000] =	vst v63  }
0xda: {  	_ =	swait.ge [sflag:s31], $0x2000  }
0xdb: {  	[sflag:s31] =	ssyncset.done $0x0  }
0xdc: {  	[sflag:s31] =	ssyncadd.s32 $0xFFFFE000  }
0xdd: {  	_ =	swait.ge [sflag:s0], $0x2000  }
0xde: {  	[sflag:s0] =	ssyncset.done $0x0  }
0xdf: {  	[sflag:s0] =	ssyncadd.s32 $0xFFFFE000  }
0xe0: {  	_ =	swait.ge [sflag:s3], $0x2000  }
0xe1: {  	[sflag:s3] =	ssyncset.done $0x0  }
0xe2: {  	[sflag:s3] =	ssyncadd.s32 $0xFFFFE000  }
0xe3: {  	_ =	swait.ge [sflag:s6], $0x2000  }
0xe4: {  	[sflag:s6] =	ssyncset.done $0x0  }
0xe5: {  	[sflag:s6] =	ssyncadd.s32 $0xFFFFE000  }
0xe6: {  	_ =	swait.ge [sflag:s7], $0x2000  }
0xe7: {  	[sflag:s7] =	ssyncset.done $0x0  }
0xe8: {  	[sflag:s7] =	ssyncadd.s32 $0xFFFFE000  }
0xe9: {  	_ =	swait.ge [sflag:s13], $0x2000  }
0xea: {  	[sflag:s13] =	ssyncset.done $0x0  }
0xeb: {  	[sflag:s13] =	ssyncadd.s32 $0xFFFFE000  }
0xec: {  	_ =	swait.ge [sflag:s8], $0x2000  }
0xed: {  	[sflag:s8] =	ssyncset.done $0x0  }
0xee: {  	[sflag:s8] =	ssyncadd.s32 $0xFFFFE000  }
0xef: {  	_ =	swait.ge [sflag:s9], $0x2000  }
0xf0: {  	[sflag:s9] =	ssyncset.done $0x0  }
0xf1: {  	[sflag:s9] =	ssyncadd.s32 $0xFFFFE000  }
0xf2: {  	[bflag:$0x0] =	sbarrier.arrive $0xFFFF  }
0xf3: {  	s10 =	rddreg [dreg:$0x3]  }
0xf4: {  	s11 =	rddreg [dreg:$0x8]  }
0xf5: {  	s12 =	rddreg [dreg:$0xa];
	s5 =	sor.u32 $0x1C11, s10;
	s10 =	simm.s32 $0x11  }
0xf6: {  	[hbm:s11], [sflag:s5] =	dma.local [spmem:s12], $0x1400  }
0xf7: {  	_ =	swait.ge [sflag:s10], $0x1400  }
0xf8: {  	s11 =	rddreg [dreg:$0xb]  }
0xf9: {  	s5 =	rddreg [dreg:$0x9];
	s11 =	sadd.s32 $0x1, s11  }
0xfa: {  	p0 =	sne.s32 s11, s5  }
.Ltmp1:
0xfb: {  	_ = 	snop;
	(pc) =	sbr.rel @p0 .LBB2_1-.Ltmp1, $3  }
0xfc: {  	_ =	sdelay $0x1  }
0xfd: {  	[sflag:s10] =	ssyncset.done $0x0  }
0xfe: {  	[sflag:s10] =	ssyncadd.s32 $0xFFFFEC00  }
0xff: {  	_ =	sfence.sel $0x180000  }
0x100: {  	[bflag:$0x0] =	sbarrier.arrive $0xFFFF  }
0x101: {  	_ =	strace $0x9000004A  }
0x102: {  	s0 =	stileid.u32;
	[bflag:$0x2] =	sbarrier.arrive $0xFFFF  }
0x103: {  	p0 =	sne.s32 s0, $0x0;
	s0 =	rddreg [dreg:$0x2]  }
0x104: {  	s0 =	sadd.s32 @!p0 $0x100000, s0  }
0x105: {  	[sflag:s0] =	ssyncadd.tile.s32 @!p0 $0x1;
	_ =	shalt  }
.Lfunc_end2:
_tile_overlayer_lowered:
.L_overlay_start_2:
0x106: {  	(tag) =	ssettag $0x2  }
0x107: {  	s0 =	rddreg [dreg:$0x0];
	s2 =	stileid.u32  }
0x108: {  	s1 =	rddreg [dreg:$0x1];
	p0 =	sne.s32 s2, $0x0  }
0x109: {  	s3 =	rddreg [dreg:$0x2];
	[bflag:$0x3] =	sbarrier.arrive $0xFFFF;
	s2 =	simm.s32 @!p0 $0x1C11  }
0x10a: {  	[timem:s3], [sflag:s2] =	dma.local @!p0 [hbm:s0], s1  }
0x10b: {  	s0 =	simm.s32 @!p0 $0x11  }
0x10c: {  	_ =	swait.ge @!p0 [sflag:s0], s1  }
0x10d: {  	s1 =	ssub.s32 @!p0 $0x0, s1;
	[sflag:s0] =	ssyncset.done @!p0 $0x0  }
0x10e: {  	[sflag:s0] =	ssyncadd.s32 @!p0 s1  }
0x10f: {  	[bflag:$0x3] =	sbarrier.arrive $0xFFFF  }
0x110: {  	_ =	shalt  }

// kernel: kernel.19.cloned.1.call-start
scs
__scs_entry_jumppad:
0x0: {  	(pc) =	sbr.rel $0x88, $3  }
0x1: {  	(tag) =	ssettag $0x0;
	lr =	simm.s32 $0x1  }
0x2: {  	[smem:$0x3F90] =	sst lr;
	_ =	strace $0xD0000000  }
0x3: {  	_ = 	snop  }
0x4: {  	_ = 	snop  }
0x5: {  	_ = 	snop  }
0x6: {  	_ = 	snop  }
0x7: {  	_ = 	snop  }
__scs_overlays_trampoline_lowered:
0x8: {  	[smem:$0x3F9F] =	sst s0  }
0x9: {  	[smem:$0x3FA0] =	sst s1  }
0xa: {  	[smem:$0x3FA1] =	sst s2  }
0xb: {  	[smem:$0x3FA2] =	sst s3  }
0xc: {  	[smem:$0x3FA3] =	sst s4  }
0xd: {  	[smem:$0x3FA4] =	sst s5  }
0xe: {  	[smem:$0x3FA5] =	sst s6  }
0xf: {  	[smem:$0x3FA6] =	sst s7  }
0x10: {  	[smem:$0x3FA7] =	sst s8  }
0x11: {  	[smem:$0x3FA8] =	sst s9;
	s0 =	simm.s32 @!p0 $0x0  }
0x12: {  	s1 =	sld [smem:$0x3F8E];
	s0 =	simm.s32 @p0 $0x1  }
0x13: {  	[smem:$0x3FA9] =	sst s0;
	s0 =	simm.s32 @!p1 $0x0  }
0x14: {  	s2 =	sld [smem:$0x3F8D];
	s0 =	simm.s32 @p1 $0x1  }
0x15: {  	[smem:$0x3FAA] =	sst s0;
	s0 =	simm.s32 @!p2 $0x0  }
0x16: {  	s3 =	sld [smem:$0x3FDB];
	s0 =	simm.s32 @p2 $0x1  }
0x17: {  	s4 =	simm.s32 $0x1BF5;
	[smem:$0x3FAC] =	sst s0  }
0x18: {  	s0 =	sld [smem:$0x3F8F];
	_ =	swait.ge [sflag:s4], $0x0  }
0x19: {  	s7 =	sld [smem:$0x3F90]  }
0x1a: {  	s8 =	sadd.s32 $0xFFFFE003, lr  }
0x1b: {  	s9 =	sadd.s32 $0xFFFFFEF7, lr;
	s5 =	simm.s32 $0xFFFFFFFF;
	p2 =	slt.u32 s8, $0xFFFFF086  }
0x1c: {  	p1 =	slt.u32 s9, $0xF7A;
	s5 =	simm.s32 @!p2 $0x0  }
0x1d: {  	s5 =	simm.s32 @p1 $0x1;
	p0 =	seq.s32 s7, s2  }
0x1e: {  	s7 =	smul.u32 @!p0 $0xF7A, s2;
	p2 =	seq.s32 @!p0 s5, $0x0  }
0x1f: {  	s9 =	smul.u32 $0xF7A, s1;
	s8 =	simm.s32 @!p0 $0x1BF5;
	p2 =	por !p2, p0  }
0x20: {  	[sflag:s8] =	ssyncset.s32 @!p0 $0xFFFFF086;
	s6 =	sadd.s32 @!p0 s3, s7;
	s7 =	simm.s32 @!p0 $0x108  }
0x21: {  	s3 =	sadd.s32 s3, s9;
	s6 =	sadd.s32 @!p0 $0x88, s6;
	s7 =	simm.s32 @p2 $0x1082  }
0x22: {  	[simem:s7], [sflag:s8] =	dma.local @!p0 [hbm:s6], $0xF7A  }
0x23: {  	s9 =	sor.u32 $0xD0000000, s2;
	s6 =	simm.s32 $0x108;
	_ =	swait.ge @!p0 [sflag:s8], $0x0  }
0x24: {  	s3 =	sadd.s32 $0x88, s3;
	s6 =	simm.s32 @!p1 $0x1082;
	[sflag:s4] =	ssyncset.s32 $0xFFFFF086  }
0x25: {  	[simem:s6], [sflag:s4] =	dma.local [hbm:s3], $0xF7A  }
0x26: {  	[smem:$0x3F90] =	sst s1;
	(tag) =	ssettag s2;
	_ =	strace s9  }
0x27: {  	s1 =	sld [smem:$0x3FA0]  }
0x28: {  	s2 =	sld [smem:$0x3FA1]  }
0x29: {  	s4 =	sld [smem:$0x3FA3]  }
0x2a: {  	p0 =	seq.s32 s5, $0x0;
	s5 =	sld [smem:$0x3FA4]  }
0x2b: {  	s6 =	sld [smem:$0x3FA5]  }
0x2c: {  	s7 =	sld [smem:$0x3FA6]  }
0x2d: {  	s3 =	simm.s32 $0x108;
	s8 =	sld [smem:$0x3FA7]  }
0x2e: {  	s3 =	simm.s32 @!p0 $0x1082;
	s9 =	sld [smem:$0x3FA8]  }
0x2f: {  	lr =	sadd.s32 s0, s3;
	s0 =	sld [smem:$0x3F9F]  }
0x30: {  	s3 =	sld [smem:$0x3FA2]  }
0x31: {  	[smem:$0x3FAB] =	sst s10  }
0x32: {  	s10 =	sld [smem:$0x3FA9];
	_ =	sdelay $0x3  }
0x33: {  	p0 =	seq.s32 s10, $0x1;
	s10 =	sld [smem:$0x3FAB];
	_ =	sdelay $0x3  }
0x34: {  	[smem:$0x3FAB] =	sst s10  }
0x35: {  	s10 =	sld [smem:$0x3FAA];
	_ =	sdelay $0x3  }
0x36: {  	p1 =	seq.s32 s10, $0x1;
	s10 =	sld [smem:$0x3FAB];
	_ =	sdelay $0x3  }
0x37: {  	[smem:$0x3FAB] =	sst s10  }
0x38: {  	s10 =	sld [smem:$0x3FAC]  }
0x39: {  	_ = 	snop;
	(pc) =	sbr.ind lr, $3  }
0x3a: {  	_ = 	snop  }
0x3b: {  	_ = 	snop  }
0x3c: {  	p2 =	seq.s32 s10, $0x1;
	s10 =	sld [smem:$0x3FAB]  }
0x3d: {  	_ =	shalt  }
0x3e: {  	_ =	shalt  }
0x3f: {  	_ =	shalt  }
0x40: {  	_ =	shalt  }
0x41: {  	_ =	shalt  }
0x42: {  	_ =	shalt  }
0x43: {  	_ =	shalt  }
0x44: {  	_ =	shalt  }
0x45: {  	_ =	shalt  }
0x46: {  	_ =	shalt  }
0x47: {  	_ =	shalt  }
0x48: {  	_ =	shalt  }
0x49: {  	_ =	shalt  }
0x4a: {  	_ =	shalt  }
0x4b: {  	_ =	shalt  }
0x4c: {  	_ =	shalt  }
0x4d: {  	_ =	shalt  }
0x4e: {  	_ =	shalt  }
0x4f: {  	_ =	shalt  }
0x50: {  	_ =	shalt  }
0x51: {  	_ =	shalt  }
0x52: {  	_ =	shalt  }
0x53: {  	_ =	shalt  }
0x54: {  	_ =	shalt  }
0x55: {  	_ =	shalt  }
0x56: {  	_ =	shalt  }
0x57: {  	_ =	shalt  }
0x58: {  	_ =	shalt  }
0x59: {  	_ =	shalt  }
0x5a: {  	_ =	shalt  }
0x5b: {  	_ =	shalt  }
0x5c: {  	_ =	shalt  }
0x5d: {  	_ =	shalt  }
0x5e: {  	_ =	shalt  }
0x5f: {  	_ =	shalt  }
0x60: {  	_ =	shalt  }
0x61: {  	_ =	shalt  }
0x62: {  	_ =	shalt  }
0x63: {  	_ =	shalt  }
0x64: {  	_ =	shalt  }
0x65: {  	_ =	shalt  }
0x66: {  	_ =	shalt  }
0x67: {  	_ =	shalt  }
0x68: {  	_ =	shalt  }
0x69: {  	_ =	shalt  }
0x6a: {  	_ =	shalt  }
0x6b: {  	_ =	shalt  }
0x6c: {  	_ =	shalt  }
0x6d: {  	_ =	shalt  }
0x6e: {  	_ =	shalt  }
0x6f: {  	_ =	shalt  }
0x70: {  	_ =	shalt  }
0x71: {  	_ =	shalt  }
0x72: {  	_ =	shalt  }
0x73: {  	_ =	shalt  }
0x74: {  	_ =	shalt  }
0x75: {  	_ =	shalt  }
0x76: {  	_ =	shalt  }
0x77: {  	_ =	shalt  }
0x78: {  	_ =	shalt  }
0x79: {  	_ =	shalt  }
0x7a: {  	_ =	shalt  }
0x7b: {  	_ =	shalt  }
0x7c: {  	_ =	shalt  }
0x7d: {  	_ =	shalt  }
0x7e: {  	_ =	shalt  }
0x7f: {  	_ =	shalt  }
0x80: {  	_ =	shalt  }
0x81: {  	_ =	shalt  }
0x82: {  	_ =	shalt  }
0x83: {  	_ =	shalt  }
0x84: {  	_ =	shalt  }
0x85: {  	_ =	shalt  }
0x86: {  	_ =	shalt  }
0x87: {  	_ =	shalt  }
.Lfunc_end0:
.L_simem_size_0:
called_computation.2_lowered:
.L_overlay_start_0:
0x88: {  	s2 =	sld [smem:$0x3FD9]  }
0x89: {  	s3 =	sld [smem:$0x3FFE];
	_ =	sdelay $0x1  }
0x8a: {  	s1 =	srdreg.scid  }
0x8b: {  	s0 =	sand.u32 $0x1, s1  }
0x8c: {  	s16 =	sshll.u32 s0, $0xA;
	s2 =	sadd.s32 s3, s2  }
0x8d: {  	s2 =	sadd.s32 s2, s16  }
0x8e: {  	[smem:$0x3FB7] =	sst s2  }
0x8f: {  	_ = 	snop  }
0x90: {  	(tm) =	ssettm $0x1  }
0x91: {  	s17 =	sld [smem:$0x3FFB];
	_ =	sdelay $0x3  }
0x92: {  	_ =	strace s17  }
0x93: {  	s2 =	sld [smem:$0x3FFC];
	_ =	sdelay $0x3  }
0x94: {  	_ =	strace s2  }
0x95: {  	s2 =	sld [smem:$0x3FFD];
	_ =	sdelay $0x3  }
0x96: {  	_ =	strace s2  }
0x97: {  	_ =	strace $0x8FFFFFFF  }
0x98: {  	s18 =	sld [smem:$0x3FDB];
	_ =	sdelay $0x1  }
0x99: {  	s19 =	simm.s32 $_scs_section_size  }
0x9a: {  	s4 =	simm.s32 $_size__tile_overlayer_lowered;
	s5 =	simm.s32 $_tile_overlayer_lowered  }
0x9b: {  	s22 =	simm.s32 $0x1BFF;
	s21 =	sshll.u32 s5, $0x1;
	s2 =	sadd.s32 s19, s18  }
0x9c: {  	s6 =	simm.s32 $0x0;
	s20 =	sshll.u32 s4, $0x1;
	s4 =	sadd.s32 s21, s2  }
0x9d: {  	[timem:s6], [sflag:s22] =	dma.local [hbm:s4], s20  }
0x9e: {  	_ =	swait.ge [sflag:s22], s20  }
0x9f: {  	s3 =	ssub.s32 $0x0, s20;
	[sflag:s22] =	ssyncset.done $0x0  }
0xa0: {  	[sflag:s22] =	ssyncadd.s32 s3;
	_ =	sdelay $0x1  }
0xa1: {  	s23 =	simm.s32 $0x1B8B  }
0xa2: {  	_ =	swait.ge [sflag:s23], $0x1  }
0xa3: {  	[sflag:s23] =	ssyncset.done $0x0  }
0xa4: {  	s25 =	simm.s32 $0x1B8E;
	s24 =	sld [smem:$0x3FFE];
	[sflag:s23] =	ssyncadd.s32 $0xFFFFFFFF  }
0xa5: {  	s26 =	simm.s32 $execute0_lowered;
	[smem:$0x3FD2] =	sst s25  }
0xa6: {  	s4 =	sshll.u32 s26, $0x1;
	_ =	strace $0x8000004C;
	[dreg:$0x1] =	wrdreg $0xFFFFFFFF  }
0xa7: {  	s28 =	simm.s32 $_size_execute0_lowered;
	s2 =	sadd.s32 s2, s4;
	[dreg:$0x0] =	wrdreg $0x0  }
0xa8: {  	s4 =	sshll.u32 s28, $0x1;
	[dreg:$0x2] =	wrdreg s2  }
0xa9: {  	[dreg:$0x3] =	wrdreg s4  }
0xaa: {  	[dreg:$0x4] =	wrdreg $0xC0  }
0xab: {  	_ =	task [dreg:s6], $0x5FFFF  }
0xac: {  	[dreg:$0x1] =	wrdreg $0xFFFFFFFF  }
0xad: {  	[dreg:$0x0] =	wrdreg $0x60  }
0xae: {  	[dreg:$0x2] =	wrdreg s24  }
0xaf: {  	[dreg:$0x3] =	wrdreg $0x0  }
0xb0: {  	[dreg:$0x4] =	wrdreg $0x9  }
0xb1: {  	_ =	task.clear_ibuf [dreg:s6], $0x5FFFF;
	_ =	strace $0x9000004C  }
0xb2: {  	s29 =	simm.s32 $0x9;
	_ =	strace $0x8000004E  }
0xb3: {  	_ =	swait.ge [sflag:s29], $0x1  }
0xb4: {  	[sflag:s29] =	ssyncadd.s32 $0xFFFFFFFF  }
0xb5: {  	_ =	strace $0x9000004E  }
0xb6: {  	_ =	sfence  }
0xb7: {  	s30 =	sld [smem:$0x0];
	_ =	sdelay $0x2  }
0xb8: {  	s31 =	sshll.u32 s1, $0xD;
	s1 =	sshrl.u32 s1, $0x2  }
0xb9: {  	s3 =	sand.u32 $0x4000, s31;
	s1 =	sadd.s32 s1, s30  }
0xba: {  	s0 =	sor.u32 s3, s0;
	s1 =	sshll.u32 s1, $0x11  }
0xbb: {  	s0 =	sor.u32 s1, s0  }
0xbc: {  	s0 =	sadd.s32 $0x8F2B, s0  }
0xbd: {  	[sflag:s0] =	ssyncadd.remote.s32 $0x1  }
0xbe: {  	_ =	sfence.sel $0xFFFF  }
0xbf: {  	[dreg:$0x0] =	wrdreg $0xFFFFFFFF;
	(pc) =	sbr.abs _section_cstart, $3  }
0xc0: {  	[dreg:$0x1] =	wrdreg $0xFFFFFFFF  }
0xc1: {  	_ =	task.clear_ibuf [dreg:s6], $0x2FFFF;
	_ =	strace $0x9FFFFFFF  }
0xc2: {  	(tm) =	ssettm $0x7FFFFFFF  }
0xc3: {  	_ =	shalt  }
tec
execute0_lowered:
.L_overlay_start_1:
0x0: {  	(tag) =	ssettag $0x1  }
0x1: {  	s0 =	srdreg.scid  }
0x2: {  	s8 =	stileid.u32;
	s3 =	rddreg [dreg:$0x0]  }
0x3: {  	s2 =	rddreg [dreg:$0x1];
	s4 =	simm.s32 $0x0;
	s15 =	simm.s32 $0x1  }
0x4: {  	s16 =	simm.s32 $0x2;
	s17 =	simm.s32 $0x3;
	s18 =	simm.s32 $0x80  }
0x5: {  	s19 =	simm.s32 $0xF000;
	s21 =	simm.s32 $0x11000;
	s28 =	simm.s32 $0x17000  }
0x6: {  	s30 =	simm.s32 $0x19000;
	s14 =	simm.s32 $0x1D000;
	s20 =	simm.s32 $0x4  }
0x7: {  	s22 =	simm.s32 $0x5;
	s29 =	simm.s32 $0x8;
	s31 =	simm.s32 $0x9  }
0x8: {  	s13 =	simm.s32 $0xE;
	s9 =	simm.s32 $0x10;
	s11 =	simm.s32 $0x0  }
0x9: {  	s0 =	sand.u32 $0x1, s0;
	s5 =	smul.u32 $0xA000, s8;
	[smem:$0x7FF] =	sst s4  }
0xa: {  	s4 =	sadd.s32 $0x17A00, s3;
	s24 =	sshll.u32 s8, $0x6;
	s1 =	sshll.u32 s0, $0x4  }
0xb: {  	s6 =	smul.u32 $0xA0000, s0;
	_ =	strace $0x8000004D;
	s0 =	ssub.s32 $0x2, s0  }
0xc: {  	[dreg:$0x3] =	wrdreg s24;
	s1 =	sor.u32 s8, s1;
	s7 =	sshrl.u32 s5, $0x3  }
0xd: {  	s23 =	sshrl.u32 s0, $0x1;
	s8 =	simm.s32 $0xF;
	s1 =	smul.u32 $0x500, s1  }
0xe: {  	s6 =	sadd.s32 s5, s6;
	s7 =	sadd.s32 s7, s3;
	s0 =	ssub.s32 s0, s23  }
0xf: {  	s5 =	sadd.s32 s5, s2;
	s23 =	simm.s32 $0x13000;
	s7 =	sadd.s32 $0x2BA00, s7  }
0x10: {  	s6 =	sshrl.u32 s6, $0x3;
	s0 =	smax.u32 s0, $0x1;
	[dreg:$0x4] =	wrdreg s7  }
0x11: {  	s12 =	sshrl.u32 s5, $0x3;
	s1 =	sadd.s32 s1, s3;
	[dreg:$0x9] =	wrdreg s0  }
0x12: {  	s3 =	sadd.s32 s6, s3;
	s6 =	sor.u32 $0x1C01, s24;
	[dreg:$0xa] =	wrdreg s12  }
0x13: {  	s24 =	simm.s32 $0x6;
	[dreg:$0x5] =	wrdreg s6;
	s25 =	sadd.s32 $0x3A00, s1  }
0x14: {  	s0 =	simm.s32 $0xA;
	s1 =	sadd.s32 $0xDA00, s1;
	[dreg:$0x6] =	wrdreg s25  }
0x15: {  	s7 =	simm.s32 $0xD;
	s26 =	sadd.s32 $0x3FA00, s3;
	[dreg:$0x7] =	wrdreg s1  }
0x16: {  	s3 =	simm.s32 $0xB;
	s6 =	simm.s32 $0xC;
	[dreg:$0x8] =	wrdreg s26  }
0x17: {  	s25 =	simm.s32 $0x15000;
	s1 =	simm.s32 $0x1B000;
	s26 =	simm.s32 $0x7  }
.LBB2_1:
0x18: {  	[dreg:$0xb] =	wrdreg s11  }
0x19: {  	s5 =	rddreg [dreg:$0x4]  }
0x1a: {  	s10 =	rddreg [dreg:$0x5]  }
0x1b: {  	[spmem:s12], [sflag:s10] =	dma.local [hbm:s5], $0x1400  }
0x1c: {  	s5 =	simm.s32 $0x0;
	s12 =	simm.s32 $0xA000;
	s10 =	rddreg [dreg:$0x6]  }
0x1d: {  	[tilespmem:s12], [sflag:$0x2] =	stream.linear.gather [hbm4b:s10+s5], $0x2800, $0x38;
	[tilespmem:$0x1F000] =	vst v63  }
0x1e: {  	s11 =	simm.s32 $0xC800;
	s10 =	rddreg [dreg:$0x7]  }
0x1f: {  	[tilespmem:s11], [sflag:$0x3] =	stream.linear.gather [hbm4b:s10+s5], $0x2800, $0x38;
	[tilespmem:$0x1F000] =	vst v63  }
0x20: {  	_ =	swait.ge [sflag:s15], $0x1400  }
0x21: {  	[sflag:s15] =	ssyncset.done $0x0  }
0x22: {  	[sflag:s15] =	ssyncadd.s32 $0xFFFFEC00  }
0x23: {  	_ =	swait.ge [sflag:s16], $0x2800  }
0x24: {  	[sflag:s16] =	ssyncset.done $0x0  }
0x25: {  	[sflag:s16] =	ssyncadd.s32 $0xFFFFD800  }
0x26: {  	_ =	swait.ge [sflag:s17], $0x2800  }
0x27: {  	[sflag:s17] =	ssyncset.done $0x0  }
0x28: {  	[sflag:s17] =	ssyncadd.s32 $0xFFFFD800  }
0x29: {  	[bflag:$0x0] =	sbarrier.arrive $0xFFFF  }
0x2a: {  	[tilespmem:s19], [sflag:$0x1] =	stream.indirect.gather [hbm4b:s4+s18], $0x40, s12, s18, $0xb8;
	[tilespmem:$0x1F000] =	vst v63  }
0x2b: {  	s12 =	simm.s32 $0xA080  }
0x2c: {  	[tilespmem:s21], [sflag:$0x2] =	stream.indirect.gather [hbm4b:s4+s18], $0x40, s12, s18, $0xb8;
	[tilespmem:$0x1F000] =	vst v63  }
0x2d: {  	s10 =	simm.s32 $0xA100  }
0x2e: {  	[tilespmem:s23], [sflag:$0x3] =	stream.indirect.gather [hbm4b:s4+s18], $0x40, s10, s18, $0xb8;
	[tilespmem:$0x1F000] =	vst v63  }
0x2f: {  	s11 =	simm.s32 $0xA180  }
0x30: {  	[tilespmem:s25], [sflag:$0x4] =	stream.indirect.gather [hbm4b:s4+s18], $0x40, s11, s18, $0xb8;
	[tilespmem:$0x1F000] =	vst v63  }
0x31: {  	s12 =	simm.s32 $0xA200  }
0x32: {  	[tilespmem:s28], [sflag:$0x5] =	stream.indirect.gather [hbm4b:s4+s18], $0x40, s12, s18, $0xb8;
	[tilespmem:$0x1F000] =	vst v63  }
0x33: {  	s10 =	simm.s32 $0xA280  }
0x34: {  	[tilespmem:s30], [sflag:$0x6] =	stream.indirect.gather [hbm4b:s4+s18], $0x40, s10, s18, $0xb8;
	[tilespmem:$0x1F000] =	vst v63  }
0x35: {  	s11 =	simm.s32 $0xA300  }
0x36: {  	[tilespmem:s1], [sflag:$0x7] =	stream.indirect.gather [hbm4b:s4+s18], $0x40, s11, s18, $0xb8;
	[tilespmem:$0x1F000] =	vst v63  }
0x37: {  	s12 =	simm.s32 $0xA380  }
0x38: {  	[tilespmem:s14], [sflag:$0x8] =	stream.indirect.gather [hbm4b:s4+s18], $0x40, s12, s18, $0xb8;
	[tilespmem:$0x1F000] =	vst v63  }
0x39: {  	_ =	swait.ge [sflag:s15], $0x2000  }
0x3a: {  	[sflag:s15] =	ssyncset.done $0x0  }
0x3b: {  	s10 =	simm.s32 $0xC800;
	[sflag:s15] =	ssyncadd.s32 $0xFFFFE000  }
0x3c: {  	[spmem:s2] =	stream.indirect.scatter.add.f32 [tilespmem:s19], [sflag:$0x9], $0x40, s10, s18, $0xb8;
	[tilespmem:$0x1F000] =	vst v63  }
0x3d: {  	_ =	swait.ge [sflag:s16], $0x2000  }
0x3e: {  	[sflag:s16] =	ssyncset.done $0x0  }
0x3f: {  	s11 =	simm.s32 $0xC880;
	[sflag:s16] =	ssyncadd.s32 $0xFFFFE000  }
0x40: {  	[spmem:s2] =	stream.indirect.scatter.add.f32 [tilespmem:s21], [sflag:$0xA], $0x40, s11, s18, $0xb8;
	[tilespmem:$0x1F000] =	vst v63  }
0x41: {  	_ =	swait.ge [sflag:s17], $0x2000  }
0x42: {  	[sflag:s17] =	ssyncset.done $0x0  }
0x43: {  	s12 =	simm.s32 $0xC900;
	[sflag:s17] =	ssyncadd.s32 $0xFFFFE000  }
0x44: {  	[spmem:s2] =	stream.indirect.scatter.add.f32 [tilespmem:s23], [sflag:$0xB], $0x40, s12, s18, $0xb8;
	[tilespmem:$0x1F000] =	vst v63  }
0x45: {  	_ =	swait.ge [sflag:s20], $0x2000  }
0x46: {  	[sflag:s20] =	ssyncset.done $0x0  }
0x47: {  	s10 =	simm.s32 $0xC980;
	[sflag:s20] =	ssyncadd.s32 $0xFFFFE000  }
0x48: {  	[spmem:s2] =	stream.indirect.scatter.add.f32 [tilespmem:s25], [sflag:$0xC], $0x40, s10, s18, $0xb8;
	[tilespmem:$0x1F000] =	vst v63  }
0x49: {  	_ =	swait.ge [sflag:s22], $0x2000  }
0x4a: {  	[sflag:s22] =	ssyncset.done $0x0  }
0x4b: {  	s11 =	simm.s32 $0xCA00;
	[sflag:s22] =	ssyncadd.s32 $0xFFFFE000  }
0x4c: {  	[spmem:s2] =	stream.indirect.scatter.add.f32 [tilespmem:s28], [sflag:$0xD], $0x40, s11, s18, $0xb8;
	[tilespmem:$0x1F000] =	vst v63  }
0x4d: {  	_ =	swait.ge [sflag:s24], $0x2000  }
0x4e: {  	[sflag:s24] =	ssyncset.done $0x0  }
0x4f: {  	s12 =	simm.s32 $0xCA80;
	[sflag:s24] =	ssyncadd.s32 $0xFFFFE000  }
0x50: {  	[spmem:s2] =	stream.indirect.scatter.add.f32 [tilespmem:s30], [sflag:$0xE], $0x40, s12, s18, $0xb8;
	[tilespmem:$0x1F000] =	vst v63  }
0x51: {  	_ =	swait.ge [sflag:s26], $0x2000  }
0x52: {  	[sflag:s26] =	ssyncset.done $0x0  }
0x53: {  	s10 =	simm.s32 $0xCB00;
	[sflag:s26] =	ssyncadd.s32 $0xFFFFE000  }
0x54: {  	[spmem:s2] =	stream.indirect.scatter.add.f32 [tilespmem:s1], [sflag:$0xF], $0x40, s10, s18, $0xb8;
	[tilespmem:$0x1F000] =	vst v63  }
0x55: {  	_ =	swait.ge [sflag:s29], $0x2000  }
0x56: {  	[sflag:s29] =	ssyncset.done $0x0  }
0x57: {  	s11 =	simm.s32 $0xCB80;
	[sflag:s29] =	ssyncadd.s32 $0xFFFFE000  }
0x58: {  	[spmem:s2] =	stream.indirect.scatter.add.f32 [tilespmem:s14], [sflag:$0x10], $0x40, s11, s18, $0xb8;
	[tilespmem:$0x1F000] =	vst v63  }
0x59: {  	_ =	swait.ge [sflag:s31], $0x2000  }
0x5a: {  	[sflag:s31] =	ssyncset.done $0x0  }
0x5b: {  	s12 =	simm.s32 $0xA400;
	[sflag:s31] =	ssyncadd.s32 $0xFFFFE000  }
0x5c: {  	[tilespmem:s19], [sflag:$0x1] =	stream.indirect.gather [hbm4b:s4+s18], $0x40, s12, s18, $0xb8;
	[tilespmem:$0x1F000] =	vst v63  }
0x5d: {  	_ =	swait.ge [sflag:s0], $0x2000  }
0x5e: {  	[sflag:s0] =	ssyncset.done $0x0  }
0x5f: {  	s10 =	simm.s32 $0xA480;
	[sflag:s0] =	ssyncadd.s32 $0xFFFFE000  }
0x60: {  	[tilespmem:s21], [sflag:$0x2] =	stream.indirect.gather [hbm4b:s4+s18], $0x40, s10, s18, $0xb8;
	[tilespmem:$0x1F000] =	vst v63  }
0x61: {  	_ =	swait.ge [sflag:s3], $0x2000  }
0x62: {  	[sflag:s3] =	ssyncset.done $0x0  }
0x63: {  	s11 =	simm.s32 $0xA500;
	[sflag:s3] =	ssyncadd.s32 $0xFFFFE000  }
0x64: {  	[tilespmem:s23], [sflag:$0x3] =	stream.indirect.gather [hbm4b:s4+s18], $0x40, s11, s18, $0xb8;
	[tilespmem:$0x1F000] =	vst v63  }
0x65: {  	_ =	swait.ge [sflag:s6], $0x2000  }
0x66: {  	[sflag:s6] =	ssyncset.done $0x0  }
0x67: {  	s12 =	simm.s32 $0xA580;
	[sflag:s6] =	ssyncadd.s32 $0xFFFFE000  }
0x68: {  	[tilespmem:s25], [sflag:$0x4] =	stream.indirect.gather [hbm4b:s4+s18], $0x40, s12, s18, $0xb8;
	[tilespmem:$0x1F000] =	vst v63  }
0x69: {  	_ =	swait.ge [sflag:s7], $0x2000  }
0x6a: {  	[sflag:s7] =	ssyncset.done $0x0  }
0x6b: {  	s10 =	simm.s32 $0xA600;
	[sflag:s7] =	ssyncadd.s32 $0xFFFFE000  }
0x6c: {  	[tilespmem:s28], [sflag:$0x5] =	stream.indirect.gather [hbm4b:s4+s18], $0x40, s10, s18, $0xb8;
	[tilespmem:$0x1F000] =	vst v63  }
0x6d: {  	_ =	swait.ge [sflag:s13], $0x2000  }
0x6e: {  	[sflag:s13] =	ssyncset.done $0x0  }
0x6f: {  	s11 =	simm.s32 $0xA680;
	[sflag:s13] =	ssyncadd.s32 $0xFFFFE000  }
0x70: {  	[tilespmem:s30], [sflag:$0x6] =	stream.indirect.gather [hbm4b:s4+s18], $0x40, s11, s18, $0xb8;
	[tilespmem:$0x1F000] =	vst v63  }
0x71: {  	_ =	swait.ge [sflag:s8], $0x2000  }
0x72: {  	[sflag:s8] =	ssyncset.done $0x0  }
0x73: {  	s12 =	simm.s32 $0xA700;
	[sflag:s8] =	ssyncadd.s32 $0xFFFFE000  }
0x74: {  	[tilespmem:s1], [sflag:$0x7] =	stream.indirect.gather [hbm4b:s4+s18], $0x40, s12, s18, $0xb8;
	[tilespmem:$0x1F000] =	vst v63  }
0x75: {  	_ =	swait.ge [sflag:s9], $0x2000  }
0x76: {  	[sflag:s9] =	ssyncset.done $0x0  }
0x77: {  	s5 =	simm.s32 $0x1000;
	s10 =	simm.s32 $0xA780;
	[sflag:s9] =	ssyncadd.s32 $0xFFFFE000  }
.LBB2_2:
0x78: {  	[tilespmem:s14], [sflag:$0x8] =	stream.indirect.gather [hbm4b:s4+s18], $0x40, s10, s18, $0xb8;
	[tilespmem:$0x1F000] =	vst v63  }
0x79: {  	s10 =	smov.u32 s5  }
0x7a: {  	p0 =	sne.s32 s5, $0x8000;
	s5 =	sadd.s32 $0x1000, s5;
	_ =	swait.ge [sflag:s15], $0x2000  }
0x7b: {  	s10 =	sshra.s32 s10, $0x2;
	[sflag:s15] =	ssyncset.done $0x0  }
0x7c: {  	s12 =	sadd.s32 $0xC800, s10;
	[sflag:s15] =	ssyncadd.s32 $0xFFFFE000  }
0x7d: {  	[spmem:s2] =	stream.indirect.scatter.add.f32 [tilespmem:s19], [sflag:$0x9], $0x40, s12, s18, $0xb8;
	[tilespmem:$0x1F000] =	vst v63  }
0x7e: {  	_ =	swait.ge [sflag:s16], $0x2000  }
0x7f: {  	[sflag:s16] =	ssyncset.done $0x0  }
0x80: {  	s12 =	sadd.s32 $0xC880, s10;
	[sflag:s16] =	ssyncadd.s32 $0xFFFFE000  }
0x81: {  	[spmem:s2] =	stream.indirect.scatter.add.f32 [tilespmem:s21], [sflag:$0xA], $0x40, s12, s18, $0xb8;
	[tilespmem:$0x1F000] =	vst v63  }
0x82: {  	_ =	swait.ge [sflag:s17], $0x2000  }
0x83: {  	[sflag:s17] =	ssyncset.done $0x0  }
0x84: {  	s12 =	sadd.s32 $0xC900, s10;
	[sflag:s17] =	ssyncadd.s32 $0xFFFFE000  }
0x85: {  	[spmem:s2] =	stream.indirect.scatter.add.f32 [tilespmem:s23], [sflag:$0xB], $0x40, s12, s18, $0xb8;
	[tilespmem:$0x1F000] =	vst v63  }
0x86: {  	_ =	swait.ge [sflag:s20], $0x2000  }
0x87: {  	[sflag:s20] =	ssyncset.done $0x0  }
0x88: {  	s12 =	sadd.s32 $0xC980, s10;
	[sflag:s20] =	ssyncadd.s32 $0xFFFFE000  }
0x89: {  	[spmem:s2] =	stream.indirect.scatter.add.f32 [tilespmem:s25], [sflag:$0xC], $0x40, s12, s18, $0xb8;
	[tilespmem:$0x1F000] =	vst v63  }
0x8a: {  	_ =	swait.ge [sflag:s22], $0x2000  }
0x8b: {  	[sflag:s22] =	ssyncset.done $0x0  }
0x8c: {  	s12 =	sadd.s32 $0xCA00, s10;
	[sflag:s22] =	ssyncadd.s32 $0xFFFFE000  }
0x8d: {  	[spmem:s2] =	stream.indirect.scatter.add.f32 [tilespmem:s28], [sflag:$0xD], $0x40, s12, s18, $0xb8;
	[tilespmem:$0x1F000] =	vst v63  }
0x8e: {  	_ =	swait.ge [sflag:s24], $0x2000  }
0x8f: {  	[sflag:s24] =	ssyncset.done $0x0  }
0x90: {  	s12 =	sadd.s32 $0xCA80, s10;
	[sflag:s24] =	ssyncadd.s32 $0xFFFFE000  }
0x91: {  	[spmem:s2] =	stream.indirect.scatter.add.f32 [tilespmem:s30], [sflag:$0xE], $0x40, s12, s18, $0xb8;
	[tilespmem:$0x1F000] =	vst v63  }
0x92: {  	_ =	swait.ge [sflag:s26], $0x2000  }
0x93: {  	[sflag:s26] =	ssyncset.done $0x0  }
0x94: {  	s12 =	sadd.s32 $0xCB00, s10;
	[sflag:s26] =	ssyncadd.s32 $0xFFFFE000  }
0x95: {  	[spmem:s2] =	stream.indirect.scatter.add.f32 [tilespmem:s1], [sflag:$0xF], $0x40, s12, s18, $0xb8;
	[tilespmem:$0x1F000] =	vst v63  }
0x96: {  	_ =	swait.ge [sflag:s29], $0x2000  }
0x97: {  	[sflag:s29] =	ssyncset.done $0x0  }
0x98: {  	s12 =	sadd.s32 $0xCB80, s10;
	[sflag:s29] =	ssyncadd.s32 $0xFFFFE000  }
0x99: {  	[spmem:s2] =	stream.indirect.scatter.add.f32 [tilespmem:s14], [sflag:$0x10], $0x40, s12, s18, $0xb8;
	[tilespmem:$0x1F000] =	vst v63  }
0x9a: {  	_ =	swait.ge [sflag:s31], $0x2000  }
0x9b: {  	[sflag:s31] =	ssyncset.done $0x0  }
0x9c: {  	s12 =	sadd.s32 $0xA400, s10;
	[sflag:s31] =	ssyncadd.s32 $0xFFFFE000  }
0x9d: {  	[tilespmem:s19], [sflag:$0x1] =	stream.indirect.gather [hbm4b:s4+s18], $0x40, s12, s18, $0xb8;
	[tilespmem:$0x1F000] =	vst v63  }
0x9e: {  	_ =	swait.ge [sflag:s0], $0x2000  }
0x9f: {  	[sflag:s0] =	ssyncset.done $0x0  }
0xa0: {  	s12 =	sadd.s32 $0xA480, s10;
	[sflag:s0] =	ssyncadd.s32 $0xFFFFE000  }
0xa1: {  	[tilespmem:s21], [sflag:$0x2] =	stream.indirect.gather [hbm4b:s4+s18], $0x40, s12, s18, $0xb8;
	[tilespmem:$0x1F000] =	vst v63  }
0xa2: {  	_ =	swait.ge [sflag:s3], $0x2000  }
0xa3: {  	[sflag:s3] =	ssyncset.done $0x0  }
0xa4: {  	s12 =	sadd.s32 $0xA500, s10;
	[sflag:s3] =	ssyncadd.s32 $0xFFFFE000  }
0xa5: {  	[tilespmem:s23], [sflag:$0x3] =	stream.indirect.gather [hbm4b:s4+s18], $0x40, s12, s18, $0xb8;
	[tilespmem:$0x1F000] =	vst v63  }
0xa6: {  	_ =	swait.ge [sflag:s6], $0x2000  }
0xa7: {  	[sflag:s6] =	ssyncset.done $0x0  }
0xa8: {  	s12 =	sadd.s32 $0xA580, s10;
	[sflag:s6] =	ssyncadd.s32 $0xFFFFE000  }
0xa9: {  	[tilespmem:s25], [sflag:$0x4] =	stream.indirect.gather [hbm4b:s4+s18], $0x40, s12, s18, $0xb8;
	[tilespmem:$0x1F000] =	vst v63  }
0xaa: {  	_ =	swait.ge [sflag:s7], $0x2000  }
0xab: {  	[sflag:s7] =	ssyncset.done $0x0  }
0xac: {  	s12 =	sadd.s32 $0xA600, s10;
	[sflag:s7] =	ssyncadd.s32 $0xFFFFE000  }
0xad: {  	[tilespmem:s28], [sflag:$0x5] =	stream.indirect.gather [hbm4b:s4+s18], $0x40, s12, s18, $0xb8;
	[tilespmem:$0x1F000] =	vst v63  }
0xae: {  	_ =	swait.ge [sflag:s13], $0x2000  }
0xaf: {  	[sflag:s13] =	ssyncset.done $0x0  }
0xb0: {  	s12 =	sadd.s32 $0xA680, s10;
	[sflag:s13] =	ssyncadd.s32 $0xFFFFE000  }
0xb1: {  	[tilespmem:s30], [sflag:$0x6] =	stream.indirect.gather [hbm4b:s4+s18], $0x40, s12, s18, $0xb8;
	[tilespmem:$0x1F000] =	vst v63  }
0xb2: {  	_ =	swait.ge [sflag:s8], $0x2000  }
0xb3: {  	[sflag:s8] =	ssyncset.done $0x0  }
.Ltmp0:
0xb4: {  	s12 =	sadd.s32 $0xA700, s10;
	[sflag:s8] =	ssyncadd.s32 $0xFFFFE000;
	(pc) =	sbr.rel @p0 .LBB2_2-.Ltmp0, $4  }
0xb5: {  	[tilespmem:s1], [sflag:$0x7] =	stream.indirect.gather [hbm4b:s4+s18], $0x40, s12, s18, $0xb8;
	[tilespmem:$0x1F000] =	vst v63  }
0xb6: {  	_ =	swait.ge [sflag:s9], $0x2000  }
0xb7: {  	[sflag:s9] =	ssyncset.done $0x0  }
0xb8: {  	s10 =	sadd.s32 $0xA780, s10;
	[sflag:s9] =	ssyncadd.s32 $0xFFFFE000  }
0xb9: {  	[tilespmem:s14], [sflag:$0x8] =	stream.indirect.gather [hbm4b:s4+s18], $0x40, s10, s18, $0xb8;
	[tilespmem:$0x1F000] =	vst v63  }
0xba: {  	_ =	swait.ge [sflag:s15], $0x2000  }
0xbb: {  	[sflag:s15] =	ssyncset.done $0x0  }
0xbc: {  	s5 =	simm.s32 $0xEC00;
	[sflag:s15] =	ssyncadd.s32 $0xFFFFE000  }
0xbd: {  	[spmem:s2] =	stream.indirect.scatter.add.f32 [tilespmem:s19], [sflag:$0x9], $0x40, s5, s18, $0xb8;
	[tilespmem:$0x1F000] =	vst v63  }
0xbe: {  	_ =	swait.ge [sflag:s16], $0x2000  }
0xbf: {  	[sflag:s16] =	ssyncset.done $0x0  }
0xc0: {  	s12 =	simm.s32 $0xEC80;
	[sflag:s16] =	ssyncadd.s32 $0xFFFFE000  }
0xc1: {  	[spmem:s2] =	stream.indirect.scatter.add.f32 [tilespmem:s21], [sflag:$0xA], $0x40, s12, s18, $0xb8;
	[tilespmem:$0x1F000] =	vst v63  }
0xc2: {  	_ =	swait.ge [sflag:s17], $0x2000  }
0xc3: {  	[sflag:s17] =	ssyncset.done $0x0  }
0xc4: {  	s10 =	simm.s32 $0xED00;
	[sflag:s17] =	ssyncadd.s32 $0xFFFFE000  }
0xc5: {  	[spmem:s2] =	stream.indirect.scatter.add.f32 [tilespmem:s23], [sflag:$0xB], $0x40, s10, s18, $0xb8;
	[tilespmem:$0x1F000] =	vst v63  }
0xc6: {  	_ =	swait.ge [sflag:s20], $0x2000  }
0xc7: {  	[sflag:s20] =	ssyncset.done $0x0  }
0xc8: {  	s11 =	simm.s32 $0xED80;
	[sflag:s20] =	ssyncadd.s32 $0xFFFFE000  }
0xc9: {  	[spmem:s2] =	stream.indirect.scatter.add.f32 [tilespmem:s25], [sflag:$0xC], $0x40, s11, s18, $0xb8;
	[tilespmem:$0x1F000] =	vst v63  }
0xca: {  	_ =	swait.ge [sflag:s22], $0x2000  }
0xcb: {  	[sflag:s22] =	ssyncset.done $0x0  }
0xcc: {  	s12 =	simm.s32 $0xEE00;
	[sflag:s22] =	ssyncadd.s32 $0xFFFFE000  }
0xcd: {  	[spmem:s2] =	stream.indirect.scatter.add.f32 [tilespmem:s28], [sflag:$0xD], $0x40, s12, s18, $0xb8;
	[tilespmem:$0x1F000] =	vst v63  }
0xce: {  	_ =	swait.ge [sflag:s24], $0x2000  }
0xcf: {  	[sflag:s24] =	ssyncset.done $0x0  }
0xd0: {  	s10 =	simm.s32 $0xEE80;
	[sflag:s24] =	ssyncadd.s32 $0xFFFFE000  }
0xd1: {  	[spmem:s2] =	stream.indirect.scatter.add.f32 [tilespmem:s30], [sflag:$0xE], $0x40, s10, s18, $0xb8;
	[tilespmem:$0x1F000] =	vst v63  }
0xd2: {  	_ =	swait.ge [sflag:s26], $0x2000  }
0xd3: {  	[sflag:s26] =	ssyncset.done $0x0  }
0xd4: {  	s11 =	simm.s32 $0xEF00;
	[sflag:s26] =	ssyncadd.s32 $0xFFFFE000  }
0xd5: {  	[spmem:s2] =	stream.indirect.scatter.add.f32 [tilespmem:s1], [sflag:$0xF], $0x40, s11, s18, $0xb8;
	[tilespmem:$0x1F000] =	vst v63  }
0xd6: {  	_ =	swait.ge [sflag:s29], $0x2000  }
0xd7: {  	[sflag:s29] =	ssyncset.done $0x0  }
0xd8: {  	s12 =	simm.s32 $0xEF80;
	[sflag:s29] =	ssyncadd.s32 $0xFFFFE000  }
0xd9: {  	[spmem:s2] =	stream.indirect.scatter.add.f32 [tilespmem:s14], [sflag:$0x10], $0x40, s12, s18, $0xb8;
	[tilespmem:$0x1F000] =	vst v63  }
0xda: {  	_ =	swait.ge [sflag:s31], $0x2000  }
0xdb: {  	[sflag:s31] =	ssyncset.done $0x0  }
0xdc: {  	[sflag:s31] =	ssyncadd.s32 $0xFFFFE000  }
0xdd: {  	_ =	swait.ge [sflag:s0], $0x2000  }
0xde: {  	[sflag:s0] =	ssyncset.done $0x0  }
0xdf: {  	[sflag:s0] =	ssyncadd.s32 $0xFFFFE000  }
0xe0: {  	_ =	swait.ge [sflag:s3], $0x2000  }
0xe1: {  	[sflag:s3] =	ssyncset.done $0x0  }
0xe2: {  	[sflag:s3] =	ssyncadd.s32 $0xFFFFE000  }
0xe3: {  	_ =	swait.ge [sflag:s6], $0x2000  }
0xe4: {  	[sflag:s6] =	ssyncset.done $0x0  }
0xe5: {  	[sflag:s6] =	ssyncadd.s32 $0xFFFFE000  }
0xe6: {  	_ =	swait.ge [sflag:s7], $0x2000  }
0xe7: {  	[sflag:s7] =	ssyncset.done $0x0  }
0xe8: {  	[sflag:s7] =	ssyncadd.s32 $0xFFFFE000  }
0xe9: {  	_ =	swait.ge [sflag:s13], $0x2000  }
0xea: {  	[sflag:s13] =	ssyncset.done $0x0  }
0xeb: {  	[sflag:s13] =	ssyncadd.s32 $0xFFFFE000  }
0xec: {  	_ =	swait.ge [sflag:s8], $0x2000  }
0xed: {  	[sflag:s8] =	ssyncset.done $0x0  }
0xee: {  	[sflag:s8] =	ssyncadd.s32 $0xFFFFE000  }
0xef: {  	_ =	swait.ge [sflag:s9], $0x2000  }
0xf0: {  	[sflag:s9] =	ssyncset.done $0x0  }
0xf1: {  	[sflag:s9] =	ssyncadd.s32 $0xFFFFE000  }
0xf2: {  	[bflag:$0x0] =	sbarrier.arrive $0xFFFF  }
0xf3: {  	s10 =	rddreg [dreg:$0x3]  }
0xf4: {  	s11 =	rddreg [dreg:$0x8]  }
0xf5: {  	s12 =	rddreg [dreg:$0xa];
	s5 =	sor.u32 $0x1C11, s10;
	s10 =	simm.s32 $0x11  }
0xf6: {  	[hbm:s11], [sflag:s5] =	dma.local [spmem:s12], $0x1400  }
0xf7: {  	_ =	swait.ge [sflag:s10], $0x1400  }
0xf8: {  	s11 =	rddreg [dreg:$0xb]  }
0xf9: {  	s5 =	rddreg [dreg:$0x9];
	s11 =	sadd.s32 $0x1, s11  }
0xfa: {  	p0 =	sne.s32 s11, s5  }
.Ltmp1:
0xfb: {  	_ = 	snop;
	(pc) =	sbr.rel @p0 .LBB2_1-.Ltmp1, $3  }
0xfc: {  	_ =	sdelay $0x1  }
0xfd: {  	[sflag:s10] =	ssyncset.done $0x0  }
0xfe: {  	[sflag:s10] =	ssyncadd.s32 $0xFFFFEC00  }
0xff: {  	_ =	sfence.sel $0x180000  }
0x100: {  	[bflag:$0x0] =	sbarrier.arrive $0xFFFF  }
0x101: {  	_ =	strace $0x9000004D  }
0x102: {  	s0 =	stileid.u32;
	[bflag:$0x2] =	sbarrier.arrive $0xFFFF  }
0x103: {  	p0 =	sne.s32 s0, $0x0;
	s0 =	rddreg [dreg:$0x2]  }
0x104: {  	s0 =	sadd.s32 @!p0 $0x100000, s0  }
0x105: {  	[sflag:s0] =	ssyncadd.tile.s32 @!p0 $0x1;
	_ =	shalt  }
.Lfunc_end2:
_tile_overlayer_lowered:
.L_overlay_start_2:
0x106: {  	(tag) =	ssettag $0x2  }
0x107: {  	s0 =	rddreg [dreg:$0x0];
	s2 =	stileid.u32  }
0x108: {  	s1 =	rddreg [dreg:$0x1];
	p0 =	sne.s32 s2, $0x0  }
0x109: {  	s3 =	rddreg [dreg:$0x2];
	[bflag:$0x3] =	sbarrier.arrive $0xFFFF;
	s2 =	simm.s32 @!p0 $0x1C11  }
0x10a: {  	[timem:s3], [sflag:s2] =	dma.local @!p0 [hbm:s0], s1  }
0x10b: {  	s0 =	simm.s32 @!p0 $0x11  }
0x10c: {  	_ =	swait.ge @!p0 [sflag:s0], s1  }
0x10d: {  	s1 =	ssub.s32 @!p0 $0x0, s1;
	[sflag:s0] =	ssyncset.done @!p0 $0x0  }
0x10e: {  	[sflag:s0] =	ssyncadd.s32 @!p0 s1  }
0x10f: {  	[bflag:$0x3] =	sbarrier.arrive $0xFFFF  }
0x110: {  	_ =	shalt  }

// kernel: kernel.22.cloned.1.call-start
scs
__scs_entry_jumppad:
0x0: {  	(pc) =	sbr.rel $0x88, $3  }
0x1: {  	(tag) =	ssettag $0x0;
	lr =	simm.s32 $0x1  }
0x2: {  	[smem:$0x3F90] =	sst lr;
	_ =	strace $0xD0000000  }
0x3: {  	_ = 	snop  }
0x4: {  	_ = 	snop  }
0x5: {  	_ = 	snop  }
0x6: {  	_ = 	snop  }
0x7: {  	_ = 	snop  }
__scs_overlays_trampoline_lowered:
0x8: {  	[smem:$0x3F9F] =	sst s0  }
0x9: {  	[smem:$0x3FA0] =	sst s1  }
0xa: {  	[smem:$0x3FA1] =	sst s2  }
0xb: {  	[smem:$0x3FA2] =	sst s3  }
0xc: {  	[smem:$0x3FA3] =	sst s4  }
0xd: {  	[smem:$0x3FA4] =	sst s5  }
0xe: {  	[smem:$0x3FA5] =	sst s6  }
0xf: {  	[smem:$0x3FA6] =	sst s7  }
0x10: {  	[smem:$0x3FA7] =	sst s8  }
0x11: {  	[smem:$0x3FA8] =	sst s9;
	s0 =	simm.s32 @!p0 $0x0  }
0x12: {  	s1 =	sld [smem:$0x3F8E];
	s0 =	simm.s32 @p0 $0x1  }
0x13: {  	[smem:$0x3FA9] =	sst s0;
	s0 =	simm.s32 @!p1 $0x0  }
0x14: {  	s2 =	sld [smem:$0x3F8D];
	s0 =	simm.s32 @p1 $0x1  }
0x15: {  	[smem:$0x3FAA] =	sst s0;
	s0 =	simm.s32 @!p2 $0x0  }
0x16: {  	s3 =	sld [smem:$0x3FDB];
	s0 =	simm.s32 @p2 $0x1  }
0x17: {  	s4 =	simm.s32 $0x1BF5;
	[smem:$0x3FAC] =	sst s0  }
0x18: {  	s0 =	sld [smem:$0x3F8F];
	_ =	swait.ge [sflag:s4], $0x0  }
0x19: {  	s7 =	sld [smem:$0x3F90]  }
0x1a: {  	s8 =	sadd.s32 $0xFFFFE003, lr  }
0x1b: {  	s9 =	sadd.s32 $0xFFFFFEF7, lr;
	s5 =	simm.s32 $0xFFFFFFFF;
	p2 =	slt.u32 s8, $0xFFFFF086  }
0x1c: {  	p1 =	slt.u32 s9, $0xF7A;
	s5 =	simm.s32 @!p2 $0x0  }
0x1d: {  	s5 =	simm.s32 @p1 $0x1;
	p0 =	seq.s32 s7, s2  }
0x1e: {  	s7 =	smul.u32 @!p0 $0xF7A, s2;
	p2 =	seq.s32 @!p0 s5, $0x0  }
0x1f: {  	s9 =	smul.u32 $0xF7A, s1;
	s8 =	simm.s32 @!p0 $0x1BF5;
	p2 =	por !p2, p0  }
0x20: {  	[sflag:s8] =	ssyncset.s32 @!p0 $0xFFFFF086;
	s6 =	sadd.s32 @!p0 s3, s7;
	s7 =	simm.s32 @!p0 $0x108  }
0x21: {  	s3 =	sadd.s32 s3, s9;
	s6 =	sadd.s32 @!p0 $0x88, s6;
	s7 =	simm.s32 @p2 $0x1082  }
0x22: {  	[simem:s7], [sflag:s8] =	dma.local @!p0 [hbm:s6], $0xF7A  }
0x23: {  	s9 =	sor.u32 $0xD0000000, s2;
	s6 =	simm.s32 $0x108;
	_ =	swait.ge @!p0 [sflag:s8], $0x0  }
0x24: {  	s3 =	sadd.s32 $0x88, s3;
	s6 =	simm.s32 @!p1 $0x1082;
	[sflag:s4] =	ssyncset.s32 $0xFFFFF086  }
0x25: {  	[simem:s6], [sflag:s4] =	dma.local [hbm:s3], $0xF7A  }
0x26: {  	[smem:$0x3F90] =	sst s1;
	(tag) =	ssettag s2;
	_ =	strace s9  }
0x27: {  	s1 =	sld [smem:$0x3FA0]  }
0x28: {  	s2 =	sld [smem:$0x3FA1]  }
0x29: {  	s4 =	sld [smem:$0x3FA3]  }
0x2a: {  	p0 =	seq.s32 s5, $0x0;
	s5 =	sld [smem:$0x3FA4]  }
0x2b: {  	s6 =	sld [smem:$0x3FA5]  }
0x2c: {  	s7 =	sld [smem:$0x3FA6]  }
0x2d: {  	s3 =	simm.s32 $0x108;
	s8 =	sld [smem:$0x3FA7]  }
0x2e: {  	s3 =	simm.s32 @!p0 $0x1082;
	s9 =	sld [smem:$0x3FA8]  }
0x2f: {  	lr =	sadd.s32 s0, s3;
	s0 =	sld [smem:$0x3F9F]  }
0x30: {  	s3 =	sld [smem:$0x3FA2]  }
0x31: {  	[smem:$0x3FAB] =	sst s10  }
0x32: {  	s10 =	sld [smem:$0x3FA9];
	_ =	sdelay $0x3  }
0x33: {  	p0 =	seq.s32 s10, $0x1;
	s10 =	sld [smem:$0x3FAB];
	_ =	sdelay $0x3  }
0x34: {  	[smem:$0x3FAB] =	sst s10  }
0x35: {  	s10 =	sld [smem:$0x3FAA];
	_ =	sdelay $0x3  }
0x36: {  	p1 =	seq.s32 s10, $0x1;
	s10 =	sld [smem:$0x3FAB];
	_ =	sdelay $0x3  }
0x37: {  	[smem:$0x3FAB] =	sst s10  }
0x38: {  	s10 =	sld [smem:$0x3FAC]  }
0x39: {  	_ = 	snop;
	(pc) =	sbr.ind lr, $3  }
0x3a: {  	_ = 	snop  }
0x3b: {  	_ = 	snop  }
0x3c: {  	p2 =	seq.s32 s10, $0x1;
	s10 =	sld [smem:$0x3FAB]  }
0x3d: {  	_ =	shalt  }
0x3e: {  	_ =	shalt  }
0x3f: {  	_ =	shalt  }
0x40: {  	_ =	shalt  }
0x41: {  	_ =	shalt  }
0x42: {  	_ =	shalt  }
0x43: {  	_ =	shalt  }
0x44: {  	_ =	shalt  }
0x45: {  	_ =	shalt  }
0x46: {  	_ =	shalt  }
0x47: {  	_ =	shalt  }
0x48: {  	_ =	shalt  }
0x49: {  	_ =	shalt  }
0x4a: {  	_ =	shalt  }
0x4b: {  	_ =	shalt  }
0x4c: {  	_ =	shalt  }
0x4d: {  	_ =	shalt  }
0x4e: {  	_ =	shalt  }
0x4f: {  	_ =	shalt  }
0x50: {  	_ =	shalt  }
0x51: {  	_ =	shalt  }
0x52: {  	_ =	shalt  }
0x53: {  	_ =	shalt  }
0x54: {  	_ =	shalt  }
0x55: {  	_ =	shalt  }
0x56: {  	_ =	shalt  }
0x57: {  	_ =	shalt  }
0x58: {  	_ =	shalt  }
0x59: {  	_ =	shalt  }
0x5a: {  	_ =	shalt  }
0x5b: {  	_ =	shalt  }
0x5c: {  	_ =	shalt  }
0x5d: {  	_ =	shalt  }
0x5e: {  	_ =	shalt  }
0x5f: {  	_ =	shalt  }
0x60: {  	_ =	shalt  }
0x61: {  	_ =	shalt  }
0x62: {  	_ =	shalt  }
0x63: {  	_ =	shalt  }
0x64: {  	_ =	shalt  }
0x65: {  	_ =	shalt  }
0x66: {  	_ =	shalt  }
0x67: {  	_ =	shalt  }
0x68: {  	_ =	shalt  }
0x69: {  	_ =	shalt  }
0x6a: {  	_ =	shalt  }
0x6b: {  	_ =	shalt  }
0x6c: {  	_ =	shalt  }
0x6d: {  	_ =	shalt  }
0x6e: {  	_ =	shalt  }
0x6f: {  	_ =	shalt  }
0x70: {  	_ =	shalt  }
0x71: {  	_ =	shalt  }
0x72: {  	_ =	shalt  }
0x73: {  	_ =	shalt  }
0x74: {  	_ =	shalt  }
0x75: {  	_ =	shalt  }
0x76: {  	_ =	shalt  }
0x77: {  	_ =	shalt  }
0x78: {  	_ =	shalt  }
0x79: {  	_ =	shalt  }
0x7a: {  	_ =	shalt  }
0x7b: {  	_ =	shalt  }
0x7c: {  	_ =	shalt  }
0x7d: {  	_ =	shalt  }
0x7e: {  	_ =	shalt  }
0x7f: {  	_ =	shalt  }
0x80: {  	_ =	shalt  }
0x81: {  	_ =	shalt  }
0x82: {  	_ =	shalt  }
0x83: {  	_ =	shalt  }
0x84: {  	_ =	shalt  }
0x85: {  	_ =	shalt  }
0x86: {  	_ =	shalt  }
0x87: {  	_ =	shalt  }
.Lfunc_end0:
.L_simem_size_0:
called_computation.3_lowered:
.L_overlay_start_0:
0x88: {  	s2 =	sld [smem:$0x3FD9]  }
0x89: {  	s3 =	sld [smem:$0x3FFE];
	_ =	sdelay $0x1  }
0x8a: {  	s1 =	srdreg.scid  }
0x8b: {  	s0 =	sand.u32 $0x1, s1  }
0x8c: {  	s16 =	sshll.u32 s0, $0xA;
	s2 =	sadd.s32 s3, s2  }
0x8d: {  	s2 =	sadd.s32 s2, s16  }
0x8e: {  	[smem:$0x3FB7] =	sst s2  }
0x8f: {  	_ = 	snop  }
0x90: {  	(tm) =	ssettm $0x1  }
0x91: {  	s17 =	sld [smem:$0x3FFB];
	_ =	sdelay $0x3  }
0x92: {  	_ =	strace s17  }
0x93: {  	s2 =	sld [smem:$0x3FFC];
	_ =	sdelay $0x3  }
0x94: {  	_ =	strace s2  }
0x95: {  	s2 =	sld [smem:$0x3FFD];
	_ =	sdelay $0x3  }
0x96: {  	_ =	strace s2  }
0x97: {  	_ =	strace $0x8FFFFFFF  }
0x98: {  	s18 =	sld [smem:$0x3FDB];
	_ =	sdelay $0x1  }
0x99: {  	s19 =	simm.s32 $_scs_section_size  }
0x9a: {  	s4 =	simm.s32 $_size__tile_overlayer_lowered;
	s5 =	simm.s32 $_tile_overlayer_lowered  }
0x9b: {  	s22 =	simm.s32 $0x1BFF;
	s21 =	sshll.u32 s5, $0x1;
	s2 =	sadd.s32 s19, s18  }
0x9c: {  	s6 =	simm.s32 $0x0;
	s20 =	sshll.u32 s4, $0x1;
	s4 =	sadd.s32 s21, s2  }
0x9d: {  	[timem:s6], [sflag:s22] =	dma.local [hbm:s4], s20  }
0x9e: {  	_ =	swait.ge [sflag:s22], s20  }
0x9f: {  	s3 =	ssub.s32 $0x0, s20;
	[sflag:s22] =	ssyncset.done $0x0  }
0xa0: {  	[sflag:s22] =	ssyncadd.s32 s3;
	_ =	sdelay $0x1  }
0xa1: {  	s23 =	simm.s32 $0x1B8B  }
0xa2: {  	_ =	swait.ge [sflag:s23], $0x1  }
0xa3: {  	[sflag:s23] =	ssyncset.done $0x0  }
0xa4: {  	s25 =	simm.s32 $0x1B8E;
	s24 =	sld [smem:$0x3FFE];
	[sflag:s23] =	ssyncadd.s32 $0xFFFFFFFF  }
0xa5: {  	s26 =	simm.s32 $execute0_lowered;
	[smem:$0x3FD2] =	sst s25  }
0xa6: {  	s4 =	sshll.u32 s26, $0x1;
	_ =	strace $0x8000004F;
	[dreg:$0x1] =	wrdreg $0xFFFFFFFF  }
0xa7: {  	s28 =	simm.s32 $_size_execute0_lowered;
	s2 =	sadd.s32 s2, s4;
	[dreg:$0x0] =	wrdreg $0x0  }
0xa8: {  	s4 =	sshll.u32 s28, $0x1;
	[dreg:$0x2] =	wrdreg s2  }
0xa9: {  	[dreg:$0x3] =	wrdreg s4  }
0xaa: {  	[dreg:$0x4] =	wrdreg $0xC0  }
0xab: {  	_ =	task [dreg:s6], $0x5FFFF  }
0xac: {  	[dreg:$0x1] =	wrdreg $0xFFFFFFFF  }
0xad: {  	[dreg:$0x0] =	wrdreg $0x60  }
0xae: {  	[dreg:$0x2] =	wrdreg s24  }
0xaf: {  	[dreg:$0x3] =	wrdreg $0x0  }
0xb0: {  	[dreg:$0x4] =	wrdreg $0x9  }
0xb1: {  	_ =	task.clear_ibuf [dreg:s6], $0x5FFFF;
	_ =	strace $0x9000004F  }
0xb2: {  	s29 =	simm.s32 $0x9;
	_ =	strace $0x80000051  }
0xb3: {  	_ =	swait.ge [sflag:s29], $0x1  }
0xb4: {  	[sflag:s29] =	ssyncadd.s32 $0xFFFFFFFF  }
0xb5: {  	_ =	strace $0x90000051  }
0xb6: {  	_ =	sfence  }
0xb7: {  	s30 =	sld [smem:$0x0];
	_ =	sdelay $0x2  }
0xb8: {  	s31 =	sshll.u32 s1, $0xD;
	s1 =	sshrl.u32 s1, $0x2  }
0xb9: {  	s3 =	sand.u32 $0x4000, s31;
	s1 =	sadd.s32 s1, s30  }
0xba: {  	s0 =	sor.u32 s3, s0;
	s1 =	sshll.u32 s1, $0x11  }
0xbb: {  	s0 =	sor.u32 s1, s0  }
0xbc: {  	s0 =	sadd.s32 $0x8F2B, s0  }
0xbd: {  	[sflag:s0] =	ssyncadd.remote.s32 $0x1  }
0xbe: {  	_ =	sfence.sel $0xFFFF  }
0xbf: {  	[dreg:$0x0] =	wrdreg $0xFFFFFFFF;
	(pc) =	sbr.abs _section_cstart, $3  }
0xc0: {  	[dreg:$0x1] =	wrdreg $0xFFFFFFFF  }
0xc1: {  	_ =	task.clear_ibuf [dreg:s6], $0x2FFFF;
	_ =	strace $0x9FFFFFFF  }
0xc2: {  	(tm) =	ssettm $0x7FFFFFFF  }
0xc3: {  	_ =	shalt  }
tec
execute0_lowered:
.L_overlay_start_1:
0x0: {  	(tag) =	ssettag $0x1  }
0x1: {  	s0 =	srdreg.scid  }
0x2: {  	s8 =	stileid.u32;
	s3 =	rddreg [dreg:$0x0]  }
0x3: {  	s2 =	rddreg [dreg:$0x1];
	s4 =	simm.s32 $0x0;
	s15 =	simm.s32 $0x1  }
0x4: {  	s16 =	simm.s32 $0x2;
	s17 =	simm.s32 $0x3;
	s18 =	simm.s32 $0x80  }
0x5: {  	s19 =	simm.s32 $0xF000;
	s21 =	simm.s32 $0x11000;
	s28 =	simm.s32 $0x17000  }
0x6: {  	s30 =	simm.s32 $0x19000;
	s14 =	simm.s32 $0x1D000;
	s20 =	simm.s32 $0x4  }
0x7: {  	s22 =	simm.s32 $0x5;
	s29 =	simm.s32 $0x8;
	s31 =	simm.s32 $0x9  }
0x8: {  	s13 =	simm.s32 $0xE;
	s9 =	simm.s32 $0x10;
	s11 =	simm.s32 $0x0  }
0x9: {  	s0 =	sand.u32 $0x1, s0;
	s5 =	smul.u32 $0xA000, s8;
	[smem:$0x7FF] =	sst s4  }
0xa: {  	s4 =	sadd.s32 $0x17A00, s3;
	s24 =	sshll.u32 s8, $0x6;
	s1 =	sshll.u32 s0, $0x4  }
0xb: {  	s6 =	smul.u32 $0xA0000, s0;
	_ =	strace $0x80000050;
	s0 =	ssub.s32 $0x2, s0  }
0xc: {  	[dreg:$0x3] =	wrdreg s24;
	s1 =	sor.u32 s8, s1;
	s7 =	sshrl.u32 s5, $0x3  }
0xd: {  	s23 =	sshrl.u32 s0, $0x1;
	s8 =	simm.s32 $0xF;
	s1 =	smul.u32 $0x500, s1  }
0xe: {  	s6 =	sadd.s32 s5, s6;
	s7 =	sadd.s32 s7, s3;
	s0 =	ssub.s32 s0, s23  }
0xf: {  	s5 =	sadd.s32 s5, s2;
	s23 =	simm.s32 $0x13000;
	s7 =	sadd.s32 $0x2BA00, s7  }
0x10: {  	s6 =	sshrl.u32 s6, $0x3;
	s0 =	smax.u32 s0, $0x1;
	[dreg:$0x4] =	wrdreg s7  }
0x11: {  	s12 =	sshrl.u32 s5, $0x3;
	s1 =	sadd.s32 s1, s3;
	[dreg:$0x9] =	wrdreg s0  }
0x12: {  	s3 =	sadd.s32 s6, s3;
	s6 =	sor.u32 $0x1C01, s24;
	[dreg:$0xa] =	wrdreg s12  }
0x13: {  	s24 =	simm.s32 $0x6;
	[dreg:$0x5] =	wrdreg s6;
	s25 =	sadd.s32 $0x3A00, s1  }
0x14: {  	s0 =	simm.s32 $0xA;
	s1 =	sadd.s32 $0xDA00, s1;
	[dreg:$0x6] =	wrdreg s25  }
0x15: {  	s7 =	simm.s32 $0xD;
	s26 =	sadd.s32 $0x3FA00, s3;
	[dreg:$0x7] =	wrdreg s1  }
0x16: {  	s3 =	simm.s32 $0xB;
	s6 =	simm.s32 $0xC;
	[dreg:$0x8] =	wrdreg s26  }
0x17: {  	s25 =	simm.s32 $0x15000;
	s1 =	simm.s32 $0x1B000;
	s26 =	simm.s32 $0x7  }
.LBB2_1:
0x18: {  	[dreg:$0xb] =	wrdreg s11  }
0x19: {  	s5 =	rddreg [dreg:$0x4]  }
0x1a: {  	s10 =	rddreg [dreg:$0x5]  }
0x1b: {  	[spmem:s12], [sflag:s10] =	dma.local [hbm:s5], $0x1400  }
0x1c: {  	s5 =	simm.s32 $0x0;
	s12 =	simm.s32 $0xA000;
	s10 =	rddreg [dreg:$0x6]  }
0x1d: {  	[tilespmem:s12], [sflag:$0x2] =	stream.linear.gather [hbm4b:s10+s5], $0x2800, $0x38;
	[tilespmem:$0x1F000] =	vst v63  }
0x1e: {  	s11 =	simm.s32 $0xC800;
	s10 =	rddreg [dreg:$0x7]  }
0x1f: {  	[tilespmem:s11], [sflag:$0x3] =	stream.linear.gather [hbm4b:s10+s5], $0x2800, $0x38;
	[tilespmem:$0x1F000] =	vst v63  }
0x20: {  	_ =	swait.ge [sflag:s15], $0x1400  }
0x21: {  	[sflag:s15] =	ssyncset.done $0x0  }
0x22: {  	[sflag:s15] =	ssyncadd.s32 $0xFFFFEC00  }
0x23: {  	_ =	swait.ge [sflag:s16], $0x2800  }
0x24: {  	[sflag:s16] =	ssyncset.done $0x0  }
0x25: {  	[sflag:s16] =	ssyncadd.s32 $0xFFFFD800  }
0x26: {  	_ =	swait.ge [sflag:s17], $0x2800  }
0x27: {  	[sflag:s17] =	ssyncset.done $0x0  }
0x28: {  	[sflag:s17] =	ssyncadd.s32 $0xFFFFD800  }
0x29: {  	[bflag:$0x0] =	sbarrier.arrive $0xFFFF  }
0x2a: {  	[tilespmem:s19], [sflag:$0x1] =	stream.indirect.gather [hbm4b:s4+s18], $0x40, s12, s18, $0xb8;
	[tilespmem:$0x1F000] =	vst v63  }
0x2b: {  	s12 =	simm.s32 $0xA080  }
0x2c: {  	[tilespmem:s21], [sflag:$0x2] =	stream.indirect.gather [hbm4b:s4+s18], $0x40, s12, s18, $0xb8;
	[tilespmem:$0x1F000] =	vst v63  }
0x2d: {  	s10 =	simm.s32 $0xA100  }
0x2e: {  	[tilespmem:s23], [sflag:$0x3] =	stream.indirect.gather [hbm4b:s4+s18], $0x40, s10, s18, $0xb8;
	[tilespmem:$0x1F000] =	vst v63  }
0x2f: {  	s11 =	simm.s32 $0xA180  }
0x30: {  	[tilespmem:s25], [sflag:$0x4] =	stream.indirect.gather [hbm4b:s4+s18], $0x40, s11, s18, $0xb8;
	[tilespmem:$0x1F000] =	vst v63  }
0x31: {  	s12 =	simm.s32 $0xA200  }
0x32: {  	[tilespmem:s28], [sflag:$0x5] =	stream.indirect.gather [hbm4b:s4+s18], $0x40, s12, s18, $0xb8;
	[tilespmem:$0x1F000] =	vst v63  }
0x33: {  	s10 =	simm.s32 $0xA280  }
0x34: {  	[tilespmem:s30], [sflag:$0x6] =	stream.indirect.gather [hbm4b:s4+s18], $0x40, s10, s18, $0xb8;
	[tilespmem:$0x1F000] =	vst v63  }
0x35: {  	s11 =	simm.s32 $0xA300  }
0x36: {  	[tilespmem:s1], [sflag:$0x7] =	stream.indirect.gather [hbm4b:s4+s18], $0x40, s11, s18, $0xb8;
	[tilespmem:$0x1F000] =	vst v63  }
0x37: {  	s12 =	simm.s32 $0xA380  }
0x38: {  	[tilespmem:s14], [sflag:$0x8] =	stream.indirect.gather [hbm4b:s4+s18], $0x40, s12, s18, $0xb8;
	[tilespmem:$0x1F000] =	vst v63  }
0x39: {  	_ =	swait.ge [sflag:s15], $0x2000  }
0x3a: {  	[sflag:s15] =	ssyncset.done $0x0  }
0x3b: {  	s10 =	simm.s32 $0xC800;
	[sflag:s15] =	ssyncadd.s32 $0xFFFFE000  }
0x3c: {  	[spmem:s2] =	stream.indirect.scatter.add.f32 [tilespmem:s19], [sflag:$0x9], $0x40, s10, s18, $0xb8;
	[tilespmem:$0x1F000] =	vst v63  }
0x3d: {  	_ =	swait.ge [sflag:s16], $0x2000  }
0x3e: {  	[sflag:s16] =	ssyncset.done $0x0  }
0x3f: {  	s11 =	simm.s32 $0xC880;
	[sflag:s16] =	ssyncadd.s32 $0xFFFFE000  }
0x40: {  	[spmem:s2] =	stream.indirect.scatter.add.f32 [tilespmem:s21], [sflag:$0xA], $0x40, s11, s18, $0xb8;
	[tilespmem:$0x1F000] =	vst v63  }
0x41: {  	_ =	swait.ge [sflag:s17], $0x2000  }
0x42: {  	[sflag:s17] =	ssyncset.done $0x0  }
0x43: {  	s12 =	simm.s32 $0xC900;
	[sflag:s17] =	ssyncadd.s32 $0xFFFFE000  }
0x44: {  	[spmem:s2] =	stream.indirect.scatter.add.f32 [tilespmem:s23], [sflag:$0xB], $0x40, s12, s18, $0xb8;
	[tilespmem:$0x1F000] =	vst v63  }
0x45: {  	_ =	swait.ge [sflag:s20], $0x2000  }
0x46: {  	[sflag:s20] =	ssyncset.done $0x0  }
0x47: {  	s10 =	simm.s32 $0xC980;
	[sflag:s20] =	ssyncadd.s32 $0xFFFFE000  }
0x48: {  	[spmem:s2] =	stream.indirect.scatter.add.f32 [tilespmem:s25], [sflag:$0xC], $0x40, s10, s18, $0xb8;
	[tilespmem:$0x1F000] =	vst v63  }
0x49: {  	_ =	swait.ge [sflag:s22], $0x2000  }
0x4a: {  	[sflag:s22] =	ssyncset.done $0x0  }
0x4b: {  	s11 =	simm.s32 $0xCA00;
	[sflag:s22] =	ssyncadd.s32 $0xFFFFE000  }
0x4c: {  	[spmem:s2] =	stream.indirect.scatter.add.f32 [tilespmem:s28], [sflag:$0xD], $0x40, s11, s18, $0xb8;
	[tilespmem:$0x1F000] =	vst v63  }
0x4d: {  	_ =	swait.ge [sflag:s24], $0x2000  }
0x4e: {  	[sflag:s24] =	ssyncset.done $0x0  }
0x4f: {  	s12 =	simm.s32 $0xCA80;
	[sflag:s24] =	ssyncadd.s32 $0xFFFFE000  }
0x50: {  	[spmem:s2] =	stream.indirect.scatter.add.f32 [tilespmem:s30], [sflag:$0xE], $0x40, s12, s18, $0xb8;
	[tilespmem:$0x1F000] =	vst v63  }
0x51: {  	_ =	swait.ge [sflag:s26], $0x2000  }
0x52: {  	[sflag:s26] =	ssyncset.done $0x0  }
0x53: {  	s10 =	simm.s32 $0xCB00;
	[sflag:s26] =	ssyncadd.s32 $0xFFFFE000  }
0x54: {  	[spmem:s2] =	stream.indirect.scatter.add.f32 [tilespmem:s1], [sflag:$0xF], $0x40, s10, s18, $0xb8;
	[tilespmem:$0x1F000] =	vst v63  }
0x55: {  	_ =	swait.ge [sflag:s29], $0x2000  }
0x56: {  	[sflag:s29] =	ssyncset.done $0x0  }
0x57: {  	s11 =	simm.s32 $0xCB80;
	[sflag:s29] =	ssyncadd.s32 $0xFFFFE000  }
0x58: {  	[spmem:s2] =	stream.indirect.scatter.add.f32 [tilespmem:s14], [sflag:$0x10], $0x40, s11, s18, $0xb8;
	[tilespmem:$0x1F000] =	vst v63  }
0x59: {  	_ =	swait.ge [sflag:s31], $0x2000  }
0x5a: {  	[sflag:s31] =	ssyncset.done $0x0  }
0x5b: {  	s12 =	simm.s32 $0xA400;
	[sflag:s31] =	ssyncadd.s32 $0xFFFFE000  }
0x5c: {  	[tilespmem:s19], [sflag:$0x1] =	stream.indirect.gather [hbm4b:s4+s18], $0x40, s12, s18, $0xb8;
	[tilespmem:$0x1F000] =	vst v63  }
0x5d: {  	_ =	swait.ge [sflag:s0], $0x2000  }
0x5e: {  	[sflag:s0] =	ssyncset.done $0x0  }
0x5f: {  	s10 =	simm.s32 $0xA480;
	[sflag:s0] =	ssyncadd.s32 $0xFFFFE000  }
0x60: {  	[tilespmem:s21], [sflag:$0x2] =	stream.indirect.gather [hbm4b:s4+s18], $0x40, s10, s18, $0xb8;
	[tilespmem:$0x1F000] =	vst v63  }
0x61: {  	_ =	swait.ge [sflag:s3], $0x2000  }
0x62: {  	[sflag:s3] =	ssyncset.done $0x0  }
0x63: {  	s11 =	simm.s32 $0xA500;
	[sflag:s3] =	ssyncadd.s32 $0xFFFFE000  }
0x64: {  	[tilespmem:s23], [sflag:$0x3] =	stream.indirect.gather [hbm4b:s4+s18], $0x40, s11, s18, $0xb8;
	[tilespmem:$0x1F000] =	vst v63  }
0x65: {  	_ =	swait.ge [sflag:s6], $0x2000  }
0x66: {  	[sflag:s6] =	ssyncset.done $0x0  }
0x67: {  	s12 =	simm.s32 $0xA580;
	[sflag:s6] =	ssyncadd.s32 $0xFFFFE000  }
0x68: {  	[tilespmem:s25], [sflag:$0x4] =	stream.indirect.gather [hbm4b:s4+s18], $0x40, s12, s18, $0xb8;
	[tilespmem:$0x1F000] =	vst v63  }
0x69: {  	_ =	swait.ge [sflag:s7], $0x2000  }
0x6a: {  	[sflag:s7] =	ssyncset.done $0x0  }
0x6b: {  	s10 =	simm.s32 $0xA600;
	[sflag:s7] =	ssyncadd.s32 $0xFFFFE000  }
0x6c: {  	[tilespmem:s28], [sflag:$0x5] =	stream.indirect.gather [hbm4b:s4+s18], $0x40, s10, s18, $0xb8;
	[tilespmem:$0x1F000] =	vst v63  }
0x6d: {  	_ =	swait.ge [sflag:s13], $0x2000  }
0x6e: {  	[sflag:s13] =	ssyncset.done $0x0  }
0x6f: {  	s11 =	simm.s32 $0xA680;
	[sflag:s13] =	ssyncadd.s32 $0xFFFFE000  }
0x70: {  	[tilespmem:s30], [sflag:$0x6] =	stream.indirect.gather [hbm4b:s4+s18], $0x40, s11, s18, $0xb8;
	[tilespmem:$0x1F000] =	vst v63  }
0x71: {  	_ =	swait.ge [sflag:s8], $0x2000  }
0x72: {  	[sflag:s8] =	ssyncset.done $0x0  }
0x73: {  	s12 =	simm.s32 $0xA700;
	[sflag:s8] =	ssyncadd.s32 $0xFFFFE000  }
0x74: {  	[tilespmem:s1], [sflag:$0x7] =	stream.indirect.gather [hbm4b:s4+s18], $0x40, s12, s18, $0xb8;
	[tilespmem:$0x1F000] =	vst v63  }
0x75: {  	_ =	swait.ge [sflag:s9], $0x2000  }
0x76: {  	[sflag:s9] =	ssyncset.done $0x0  }
0x77: {  	s5 =	simm.s32 $0x1000;
	s10 =	simm.s32 $0xA780;
	[sflag:s9] =	ssyncadd.s32 $0xFFFFE000  }
.LBB2_2:
0x78: {  	[tilespmem:s14], [sflag:$0x8] =	stream.indirect.gather [hbm4b:s4+s18], $0x40, s10, s18, $0xb8;
	[tilespmem:$0x1F000] =	vst v63  }
0x79: {  	s10 =	smov.u32 s5  }
0x7a: {  	p0 =	sne.s32 s5, $0x8000;
	s5 =	sadd.s32 $0x1000, s5;
	_ =	swait.ge [sflag:s15], $0x2000  }
0x7b: {  	s10 =	sshra.s32 s10, $0x2;
	[sflag:s15] =	ssyncset.done $0x0  }
0x7c: {  	s12 =	sadd.s32 $0xC800, s10;
	[sflag:s15] =	ssyncadd.s32 $0xFFFFE000  }
0x7d: {  	[spmem:s2] =	stream.indirect.scatter.add.f32 [tilespmem:s19], [sflag:$0x9], $0x40, s12, s18, $0xb8;
	[tilespmem:$0x1F000] =	vst v63  }
0x7e: {  	_ =	swait.ge [sflag:s16], $0x2000  }
0x7f: {  	[sflag:s16] =	ssyncset.done $0x0  }
0x80: {  	s12 =	sadd.s32 $0xC880, s10;
	[sflag:s16] =	ssyncadd.s32 $0xFFFFE000  }
0x81: {  	[spmem:s2] =	stream.indirect.scatter.add.f32 [tilespmem:s21], [sflag:$0xA], $0x40, s12, s18, $0xb8;
	[tilespmem:$0x1F000] =	vst v63  }
0x82: {  	_ =	swait.ge [sflag:s17], $0x2000  }
0x83: {  	[sflag:s17] =	ssyncset.done $0x0  }
0x84: {  	s12 =	sadd.s32 $0xC900, s10;
	[sflag:s17] =	ssyncadd.s32 $0xFFFFE000  }
0x85: {  	[spmem:s2] =	stream.indirect.scatter.add.f32 [tilespmem:s23], [sflag:$0xB], $0x40, s12, s18, $0xb8;
	[tilespmem:$0x1F000] =	vst v63  }
0x86: {  	_ =	swait.ge [sflag:s20], $0x2000  }
0x87: {  	[sflag:s20] =	ssyncset.done $0x0  }
0x88: {  	s12 =	sadd.s32 $0xC980, s10;
	[sflag:s20] =	ssyncadd.s32 $0xFFFFE000  }
0x89: {  	[spmem:s2] =	stream.indirect.scatter.add.f32 [tilespmem:s25], [sflag:$0xC], $0x40, s12, s18, $0xb8;
	[tilespmem:$0x1F000] =	vst v63  }
0x8a: {  	_ =	swait.ge [sflag:s22], $0x2000  }
0x8b: {  	[sflag:s22] =	ssyncset.done $0x0  }
0x8c: {  	s12 =	sadd.s32 $0xCA00, s10;
	[sflag:s22] =	ssyncadd.s32 $0xFFFFE000  }
0x8d: {  	[spmem:s2] =	stream.indirect.scatter.add.f32 [tilespmem:s28], [sflag:$0xD], $0x40, s12, s18, $0xb8;
	[tilespmem:$0x1F000] =	vst v63  }
0x8e: {  	_ =	swait.ge [sflag:s24], $0x2000  }
0x8f: {  	[sflag:s24] =	ssyncset.done $0x0  }
0x90: {  	s12 =	sadd.s32 $0xCA80, s10;
	[sflag:s24] =	ssyncadd.s32 $0xFFFFE000  }
0x91: {  	[spmem:s2] =	stream.indirect.scatter.add.f32 [tilespmem:s30], [sflag:$0xE], $0x40, s12, s18, $0xb8;
	[tilespmem:$0x1F000] =	vst v63  }
0x92: {  	_ =	swait.ge [sflag:s26], $0x2000  }
0x93: {  	[sflag:s26] =	ssyncset.done $0x0  }
0x94: {  	s12 =	sadd.s32 $0xCB00, s10;
	[sflag:s26] =	ssyncadd.s32 $0xFFFFE000  }
0x95: {  	[spmem:s2] =	stream.indirect.scatter.add.f32 [tilespmem:s1], [sflag:$0xF], $0x40, s12, s18, $0xb8;
	[tilespmem:$0x1F000] =	vst v63  }
0x96: {  	_ =	swait.ge [sflag:s29], $0x2000  }
0x97: {  	[sflag:s29] =	ssyncset.done $0x0  }
0x98: {  	s12 =	sadd.s32 $0xCB80, s10;
	[sflag:s29] =	ssyncadd.s32 $0xFFFFE000  }
0x99: {  	[spmem:s2] =	stream.indirect.scatter.add.f32 [tilespmem:s14], [sflag:$0x10], $0x40, s12, s18, $0xb8;
	[tilespmem:$0x1F000] =	vst v63  }
0x9a: {  	_ =	swait.ge [sflag:s31], $0x2000  }
0x9b: {  	[sflag:s31] =	ssyncset.done $0x0  }
0x9c: {  	s12 =	sadd.s32 $0xA400, s10;
	[sflag:s31] =	ssyncadd.s32 $0xFFFFE000  }
0x9d: {  	[tilespmem:s19], [sflag:$0x1] =	stream.indirect.gather [hbm4b:s4+s18], $0x40, s12, s18, $0xb8;
	[tilespmem:$0x1F000] =	vst v63  }
0x9e: {  	_ =	swait.ge [sflag:s0], $0x2000  }
0x9f: {  	[sflag:s0] =	ssyncset.done $0x0  }
0xa0: {  	s12 =	sadd.s32 $0xA480, s10;
	[sflag:s0] =	ssyncadd.s32 $0xFFFFE000  }
0xa1: {  	[tilespmem:s21], [sflag:$0x2] =	stream.indirect.gather [hbm4b:s4+s18], $0x40, s12, s18, $0xb8;
	[tilespmem:$0x1F000] =	vst v63  }
0xa2: {  	_ =	swait.ge [sflag:s3], $0x2000  }
0xa3: {  	[sflag:s3] =	ssyncset.done $0x0  }
0xa4: {  	s12 =	sadd.s32 $0xA500, s10;
	[sflag:s3] =	ssyncadd.s32 $0xFFFFE000  }
0xa5: {  	[tilespmem:s23], [sflag:$0x3] =	stream.indirect.gather [hbm4b:s4+s18], $0x40, s12, s18, $0xb8;
	[tilespmem:$0x1F000] =	vst v63  }
0xa6: {  	_ =	swait.ge [sflag:s6], $0x2000  }
0xa7: {  	[sflag:s6] =	ssyncset.done $0x0  }
0xa8: {  	s12 =	sadd.s32 $0xA580, s10;
	[sflag:s6] =	ssyncadd.s32 $0xFFFFE000  }
0xa9: {  	[tilespmem:s25], [sflag:$0x4] =	stream.indirect.gather [hbm4b:s4+s18], $0x40, s12, s18, $0xb8;
	[tilespmem:$0x1F000] =	vst v63  }
0xaa: {  	_ =	swait.ge [sflag:s7], $0x2000  }
0xab: {  	[sflag:s7] =	ssyncset.done $0x0  }
0xac: {  	s12 =	sadd.s32 $0xA600, s10;
	[sflag:s7] =	ssyncadd.s32 $0xFFFFE000  }
0xad: {  	[tilespmem:s28], [sflag:$0x5] =	stream.indirect.gather [hbm4b:s4+s18], $0x40, s12, s18, $0xb8;
	[tilespmem:$0x1F000] =	vst v63  }
0xae: {  	_ =	swait.ge [sflag:s13], $0x2000  }
0xaf: {  	[sflag:s13] =	ssyncset.done $0x0  }
0xb0: {  	s12 =	sadd.s32 $0xA680, s10;
	[sflag:s13] =	ssyncadd.s32 $0xFFFFE000  }
0xb1: {  	[tilespmem:s30], [sflag:$0x6] =	stream.indirect.gather [hbm4b:s4+s18], $0x40, s12, s18, $0xb8;
	[tilespmem:$0x1F000] =	vst v63  }
0xb2: {  	_ =	swait.ge [sflag:s8], $0x2000  }
0xb3: {  	[sflag:s8] =	ssyncset.done $0x0  }
.Ltmp0:
0xb4: {  	s12 =	sadd.s32 $0xA700, s10;
	[sflag:s8] =	ssyncadd.s32 $0xFFFFE000;
	(pc) =	sbr.rel @p0 .LBB2_2-.Ltmp0, $4  }
0xb5: {  	[tilespmem:s1], [sflag:$0x7] =	stream.indirect.gather [hbm4b:s4+s18], $0x40, s12, s18, $0xb8;
	[tilespmem:$0x1F000] =	vst v63  }
0xb6: {  	_ =	swait.ge [sflag:s9], $0x2000  }
0xb7: {  	[sflag:s9] =	ssyncset.done $0x0  }
0xb8: {  	s10 =	sadd.s32 $0xA780, s10;
	[sflag:s9] =	ssyncadd.s32 $0xFFFFE000  }
0xb9: {  	[tilespmem:s14], [sflag:$0x8] =	stream.indirect.gather [hbm4b:s4+s18], $0x40, s10, s18, $0xb8;
	[tilespmem:$0x1F000] =	vst v63  }
0xba: {  	_ =	swait.ge [sflag:s15], $0x2000  }
0xbb: {  	[sflag:s15] =	ssyncset.done $0x0  }
0xbc: {  	s5 =	simm.s32 $0xEC00;
	[sflag:s15] =	ssyncadd.s32 $0xFFFFE000  }
0xbd: {  	[spmem:s2] =	stream.indirect.scatter.add.f32 [tilespmem:s19], [sflag:$0x9], $0x40, s5, s18, $0xb8;
	[tilespmem:$0x1F000] =	vst v63  }
0xbe: {  	_ =	swait.ge [sflag:s16], $0x2000  }
0xbf: {  	[sflag:s16] =	ssyncset.done $0x0  }
0xc0: {  	s12 =	simm.s32 $0xEC80;
	[sflag:s16] =	ssyncadd.s32 $0xFFFFE000  }
0xc1: {  	[spmem:s2] =	stream.indirect.scatter.add.f32 [tilespmem:s21], [sflag:$0xA], $0x40, s12, s18, $0xb8;
	[tilespmem:$0x1F000] =	vst v63  }
0xc2: {  	_ =	swait.ge [sflag:s17], $0x2000  }
0xc3: {  	[sflag:s17] =	ssyncset.done $0x0  }
0xc4: {  	s10 =	simm.s32 $0xED00;
	[sflag:s17] =	ssyncadd.s32 $0xFFFFE000  }
0xc5: {  	[spmem:s2] =	stream.indirect.scatter.add.f32 [tilespmem:s23], [sflag:$0xB], $0x40, s10, s18, $0xb8;
	[tilespmem:$0x1F000] =	vst v63  }
0xc6: {  	_ =	swait.ge [sflag:s20], $0x2000  }
0xc7: {  	[sflag:s20] =	ssyncset.done $0x0  }
0xc8: {  	s11 =	simm.s32 $0xED80;
	[sflag:s20] =	ssyncadd.s32 $0xFFFFE000  }
0xc9: {  	[spmem:s2] =	stream.indirect.scatter.add.f32 [tilespmem:s25], [sflag:$0xC], $0x40, s11, s18, $0xb8;
	[tilespmem:$0x1F000] =	vst v63  }
0xca: {  	_ =	swait.ge [sflag:s22], $0x2000  }
0xcb: {  	[sflag:s22] =	ssyncset.done $0x0  }
0xcc: {  	s12 =	simm.s32 $0xEE00;
	[sflag:s22] =	ssyncadd.s32 $0xFFFFE000  }
0xcd: {  	[spmem:s2] =	stream.indirect.scatter.add.f32 [tilespmem:s28], [sflag:$0xD], $0x40, s12, s18, $0xb8;
	[tilespmem:$0x1F000] =	vst v63  }
0xce: {  	_ =	swait.ge [sflag:s24], $0x2000  }
0xcf: {  	[sflag:s24] =	ssyncset.done $0x0  }
0xd0: {  	s10 =	simm.s32 $0xEE80;
	[sflag:s24] =	ssyncadd.s32 $0xFFFFE000  }
0xd1: {  	[spmem:s2] =	stream.indirect.scatter.add.f32 [tilespmem:s30], [sflag:$0xE], $0x40, s10, s18, $0xb8;
	[tilespmem:$0x1F000] =	vst v63  }
0xd2: {  	_ =	swait.ge [sflag:s26], $0x2000  }
0xd3: {  	[sflag:s26] =	ssyncset.done $0x0  }
0xd4: {  	s11 =	simm.s32 $0xEF00;
	[sflag:s26] =	ssyncadd.s32 $0xFFFFE000  }
0xd5: {  	[spmem:s2] =	stream.indirect.scatter.add.f32 [tilespmem:s1], [sflag:$0xF], $0x40, s11, s18, $0xb8;
	[tilespmem:$0x1F000] =	vst v63  }
0xd6: {  	_ =	swait.ge [sflag:s29], $0x2000  }
0xd7: {  	[sflag:s29] =	ssyncset.done $0x0  }
0xd8: {  	s12 =	simm.s32 $0xEF80;
	[sflag:s29] =	ssyncadd.s32 $0xFFFFE000  }
0xd9: {  	[spmem:s2] =	stream.indirect.scatter.add.f32 [tilespmem:s14], [sflag:$0x10], $0x40, s12, s18, $0xb8;
	[tilespmem:$0x1F000] =	vst v63  }
0xda: {  	_ =	swait.ge [sflag:s31], $0x2000  }
0xdb: {  	[sflag:s31] =	ssyncset.done $0x0  }
0xdc: {  	[sflag:s31] =	ssyncadd.s32 $0xFFFFE000  }
0xdd: {  	_ =	swait.ge [sflag:s0], $0x2000  }
0xde: {  	[sflag:s0] =	ssyncset.done $0x0  }
0xdf: {  	[sflag:s0] =	ssyncadd.s32 $0xFFFFE000  }
0xe0: {  	_ =	swait.ge [sflag:s3], $0x2000  }
0xe1: {  	[sflag:s3] =	ssyncset.done $0x0  }
0xe2: {  	[sflag:s3] =	ssyncadd.s32 $0xFFFFE000  }
0xe3: {  	_ =	swait.ge [sflag:s6], $0x2000  }
0xe4: {  	[sflag:s6] =	ssyncset.done $0x0  }
0xe5: {  	[sflag:s6] =	ssyncadd.s32 $0xFFFFE000  }
0xe6: {  	_ =	swait.ge [sflag:s7], $0x2000  }
0xe7: {  	[sflag:s7] =	ssyncset.done $0x0  }
0xe8: {  	[sflag:s7] =	ssyncadd.s32 $0xFFFFE000  }
0xe9: {  	_ =	swait.ge [sflag:s13], $0x2000  }
0xea: {  	[sflag:s13] =	ssyncset.done $0x0  }
0xeb: {  	[sflag:s13] =	ssyncadd.s32 $0xFFFFE000  }
0xec: {  	_ =	swait.ge [sflag:s8], $0x2000  }
0xed: {  	[sflag:s8] =	ssyncset.done $0x0  }
0xee: {  	[sflag:s8] =	ssyncadd.s32 $0xFFFFE000  }
0xef: {  	_ =	swait.ge [sflag:s9], $0x2000  }
0xf0: {  	[sflag:s9] =	ssyncset.done $0x0  }
0xf1: {  	[sflag:s9] =	ssyncadd.s32 $0xFFFFE000  }
0xf2: {  	[bflag:$0x0] =	sbarrier.arrive $0xFFFF  }
0xf3: {  	s10 =	rddreg [dreg:$0x3]  }
0xf4: {  	s11 =	rddreg [dreg:$0x8]  }
0xf5: {  	s12 =	rddreg [dreg:$0xa];
	s5 =	sor.u32 $0x1C11, s10;
	s10 =	simm.s32 $0x11  }
0xf6: {  	[hbm:s11], [sflag:s5] =	dma.local [spmem:s12], $0x1400  }
0xf7: {  	_ =	swait.ge [sflag:s10], $0x1400  }
0xf8: {  	s11 =	rddreg [dreg:$0xb]  }
0xf9: {  	s5 =	rddreg [dreg:$0x9];
	s11 =	sadd.s32 $0x1, s11  }
0xfa: {  	p0 =	sne.s32 s11, s5  }
.Ltmp1:
0xfb: {  	_ = 	snop;
	(pc) =	sbr.rel @p0 .LBB2_1-.Ltmp1, $3  }
0xfc: {  	_ =	sdelay $0x1  }
0xfd: {  	[sflag:s10] =	ssyncset.done $0x0  }
0xfe: {  	[sflag:s10] =	ssyncadd.s32 $0xFFFFEC00  }
0xff: {  	_ =	sfence.sel $0x180000  }
0x100: {  	[bflag:$0x0] =	sbarrier.arrive $0xFFFF  }
0x101: {  	_ =	strace $0x90000050  }
0x102: {  	s0 =	stileid.u32;
	[bflag:$0x2] =	sbarrier.arrive $0xFFFF  }
0x103: {  	p0 =	sne.s32 s0, $0x0;
	s0 =	rddreg [dreg:$0x2]  }
0x104: {  	s0 =	sadd.s32 @!p0 $0x100000, s0  }
0x105: {  	[sflag:s0] =	ssyncadd.tile.s32 @!p0 $0x1;
	_ =	shalt  }
.Lfunc_end2:
_tile_overlayer_lowered:
.L_overlay_start_2:
0x106: {  	(tag) =	ssettag $0x2  }
0x107: {  	s0 =	rddreg [dreg:$0x0];
	s2 =	stileid.u32  }
0x108: {  	s1 =	rddreg [dreg:$0x1];
	p0 =	sne.s32 s2, $0x0  }
0x109: {  	s3 =	rddreg [dreg:$0x2];
	[bflag:$0x3] =	sbarrier.arrive $0xFFFF;
	s2 =	simm.s32 @!p0 $0x1C11  }
0x10a: {  	[timem:s3], [sflag:s2] =	dma.local @!p0 [hbm:s0], s1  }
0x10b: {  	s0 =	simm.s32 @!p0 $0x11  }
0x10c: {  	_ =	swait.ge @!p0 [sflag:s0], s1  }
0x10d: {  	s1 =	ssub.s32 @!p0 $0x0, s1;
	[sflag:s0] =	ssyncset.done @!p0 $0x0  }
0x10e: {  	[sflag:s0] =	ssyncadd.s32 @!p0 s1  }
0x10f: {  	[bflag:$0x3] =	sbarrier.arrive $0xFFFF  }
0x110: {  	_ =	shalt  }

// kernel: kernel.25.cloned.1.call-start
scs
__scs_entry_jumppad:
0x0: {  	(pc) =	sbr.rel $0x88, $3  }
0x1: {  	(tag) =	ssettag $0x0;
	lr =	simm.s32 $0x1  }
0x2: {  	[smem:$0x3F90] =	sst lr;
	_ =	strace $0xD0000000  }
0x3: {  	_ = 	snop  }
0x4: {  	_ = 	snop  }
0x5: {  	_ = 	snop  }
0x6: {  	_ = 	snop  }
0x7: {  	_ = 	snop  }
__scs_overlays_trampoline_lowered:
0x8: {  	[smem:$0x3F9F] =	sst s0  }
0x9: {  	[smem:$0x3FA0] =	sst s1  }
0xa: {  	[smem:$0x3FA1] =	sst s2  }
0xb: {  	[smem:$0x3FA2] =	sst s3  }
0xc: {  	[smem:$0x3FA3] =	sst s4  }
0xd: {  	[smem:$0x3FA4] =	sst s5  }
0xe: {  	[smem:$0x3FA5] =	sst s6  }
0xf: {  	[smem:$0x3FA6] =	sst s7  }
0x10: {  	[smem:$0x3FA7] =	sst s8  }
0x11: {  	[smem:$0x3FA8] =	sst s9;
	s0 =	simm.s32 @!p0 $0x0  }
0x12: {  	s1 =	sld [smem:$0x3F8E];
	s0 =	simm.s32 @p0 $0x1  }
0x13: {  	[smem:$0x3FA9] =	sst s0;
	s0 =	simm.s32 @!p1 $0x0  }
0x14: {  	s2 =	sld [smem:$0x3F8D];
	s0 =	simm.s32 @p1 $0x1  }
0x15: {  	[smem:$0x3FAA] =	sst s0;
	s0 =	simm.s32 @!p2 $0x0  }
0x16: {  	s3 =	sld [smem:$0x3FDB];
	s0 =	simm.s32 @p2 $0x1  }
0x17: {  	s4 =	simm.s32 $0x1BF5;
	[smem:$0x3FAC] =	sst s0  }
0x18: {  	s0 =	sld [smem:$0x3F8F];
	_ =	swait.ge [sflag:s4], $0x0  }
0x19: {  	s7 =	sld [smem:$0x3F90]  }
0x1a: {  	s8 =	sadd.s32 $0xFFFFE003, lr  }
0x1b: {  	s9 =	sadd.s32 $0xFFFFFEF7, lr;
	s5 =	simm.s32 $0xFFFFFFFF;
	p2 =	slt.u32 s8, $0xFFFFF086  }
0x1c: {  	p1 =	slt.u32 s9, $0xF7A;
	s5 =	simm.s32 @!p2 $0x0  }
0x1d: {  	s5 =	simm.s32 @p1 $0x1;
	p0 =	seq.s32 s7, s2  }
0x1e: {  	s7 =	smul.u32 @!p0 $0xF7A, s2;
	p2 =	seq.s32 @!p0 s5, $0x0  }
0x1f: {  	s9 =	smul.u32 $0xF7A, s1;
	s8 =	simm.s32 @!p0 $0x1BF5;
	p2 =	por !p2, p0  }
0x20: {  	[sflag:s8] =	ssyncset.s32 @!p0 $0xFFFFF086;
	s6 =	sadd.s32 @!p0 s3, s7;
	s7 =	simm.s32 @!p0 $0x108  }
0x21: {  	s3 =	sadd.s32 s3, s9;
	s6 =	sadd.s32 @!p0 $0x88, s6;
	s7 =	simm.s32 @p2 $0x1082  }
0x22: {  	[simem:s7], [sflag:s8] =	dma.local @!p0 [hbm:s6], $0xF7A  }
0x23: {  	s9 =	sor.u32 $0xD0000000, s2;
	s6 =	simm.s32 $0x108;
	_ =	swait.ge @!p0 [sflag:s8], $0x0  }
0x24: {  	s3 =	sadd.s32 $0x88, s3;
	s6 =	simm.s32 @!p1 $0x1082;
	[sflag:s4] =	ssyncset.s32 $0xFFFFF086  }
0x25: {  	[simem:s6], [sflag:s4] =	dma.local [hbm:s3], $0xF7A  }
0x26: {  	[smem:$0x3F90] =	sst s1;
	(tag) =	ssettag s2;
	_ =	strace s9  }
0x27: {  	s1 =	sld [smem:$0x3FA0]  }
0x28: {  	s2 =	sld [smem:$0x3FA1]  }
0x29: {  	s4 =	sld [smem:$0x3FA3]  }
0x2a: {  	p0 =	seq.s32 s5, $0x0;
	s5 =	sld [smem:$0x3FA4]  }
0x2b: {  	s6 =	sld [smem:$0x3FA5]  }
0x2c: {  	s7 =	sld [smem:$0x3FA6]  }
0x2d: {  	s3 =	simm.s32 $0x108;
	s8 =	sld [smem:$0x3FA7]  }
0x2e: {  	s3 =	simm.s32 @!p0 $0x1082;
	s9 =	sld [smem:$0x3FA8]  }
0x2f: {  	lr =	sadd.s32 s0, s3;
	s0 =	sld [smem:$0x3F9F]  }
0x30: {  	s3 =	sld [smem:$0x3FA2]  }
0x31: {  	[smem:$0x3FAB] =	sst s10  }
0x32: {  	s10 =	sld [smem:$0x3FA9];
	_ =	sdelay $0x3  }
0x33: {  	p0 =	seq.s32 s10, $0x1;
	s10 =	sld [smem:$0x3FAB];
	_ =	sdelay $0x3  }
0x34: {  	[smem:$0x3FAB] =	sst s10  }
0x35: {  	s10 =	sld [smem:$0x3FAA];
	_ =	sdelay $0x3  }
0x36: {  	p1 =	seq.s32 s10, $0x1;
	s10 =	sld [smem:$0x3FAB];
	_ =	sdelay $0x3  }
0x37: {  	[smem:$0x3FAB] =	sst s10  }
0x38: {  	s10 =	sld [smem:$0x3FAC]  }
0x39: {  	_ = 	snop;
	(pc) =	sbr.ind lr, $3  }
0x3a: {  	_ = 	snop  }
0x3b: {  	_ = 	snop  }
0x3c: {  	p2 =	seq.s32 s10, $0x1;
	s10 =	sld [smem:$0x3FAB]  }
0x3d: {  	_ =	shalt  }
0x3e: {  	_ =	shalt  }
0x3f: {  	_ =	shalt  }
0x40: {  	_ =	shalt  }
0x41: {  	_ =	shalt  }
0x42: {  	_ =	shalt  }
0x43: {  	_ =	shalt  }
0x44: {  	_ =	shalt  }
0x45: {  	_ =	shalt  }
0x46: {  	_ =	shalt  }
0x47: {  	_ =	shalt  }
0x48: {  	_ =	shalt  }
0x49: {  	_ =	shalt  }
0x4a: {  	_ =	shalt  }
0x4b: {  	_ =	shalt  }
0x4c: {  	_ =	shalt  }
0x4d: {  	_ =	shalt  }
0x4e: {  	_ =	shalt  }
0x4f: {  	_ =	shalt  }
0x50: {  	_ =	shalt  }
0x51: {  	_ =	shalt  }
0x52: {  	_ =	shalt  }
0x53: {  	_ =	shalt  }
0x54: {  	_ =	shalt  }
0x55: {  	_ =	shalt  }
0x56: {  	_ =	shalt  }
0x57: {  	_ =	shalt  }
0x58: {  	_ =	shalt  }
0x59: {  	_ =	shalt  }
0x5a: {  	_ =	shalt  }
0x5b: {  	_ =	shalt  }
0x5c: {  	_ =	shalt  }
0x5d: {  	_ =	shalt  }
0x5e: {  	_ =	shalt  }
0x5f: {  	_ =	shalt  }
0x60: {  	_ =	shalt  }
0x61: {  	_ =	shalt  }
0x62: {  	_ =	shalt  }
0x63: {  	_ =	shalt  }
0x64: {  	_ =	shalt  }
0x65: {  	_ =	shalt  }
0x66: {  	_ =	shalt  }
0x67: {  	_ =	shalt  }
0x68: {  	_ =	shalt  }
0x69: {  	_ =	shalt  }
0x6a: {  	_ =	shalt  }
0x6b: {  	_ =	shalt  }
0x6c: {  	_ =	shalt  }
0x6d: {  	_ =	shalt  }
0x6e: {  	_ =	shalt  }
0x6f: {  	_ =	shalt  }
0x70: {  	_ =	shalt  }
0x71: {  	_ =	shalt  }
0x72: {  	_ =	shalt  }
0x73: {  	_ =	shalt  }
0x74: {  	_ =	shalt  }
0x75: {  	_ =	shalt  }
0x76: {  	_ =	shalt  }
0x77: {  	_ =	shalt  }
0x78: {  	_ =	shalt  }
0x79: {  	_ =	shalt  }
0x7a: {  	_ =	shalt  }
0x7b: {  	_ =	shalt  }
0x7c: {  	_ =	shalt  }
0x7d: {  	_ =	shalt  }
0x7e: {  	_ =	shalt  }
0x7f: {  	_ =	shalt  }
0x80: {  	_ =	shalt  }
0x81: {  	_ =	shalt  }
0x82: {  	_ =	shalt  }
0x83: {  	_ =	shalt  }
0x84: {  	_ =	shalt  }
0x85: {  	_ =	shalt  }
0x86: {  	_ =	shalt  }
0x87: {  	_ =	shalt  }
.Lfunc_end0:
.L_simem_size_0:
called_computation.4_lowered:
.L_overlay_start_0:
0x88: {  	s2 =	sld [smem:$0x3FD9]  }
0x89: {  	s3 =	sld [smem:$0x3FFE];
	_ =	sdelay $0x1  }
0x8a: {  	s1 =	srdreg.scid  }
0x8b: {  	s0 =	sand.u32 $0x1, s1  }
0x8c: {  	s16 =	sshll.u32 s0, $0xA;
	s2 =	sadd.s32 s3, s2  }
0x8d: {  	s2 =	sadd.s32 s2, s16  }
0x8e: {  	[smem:$0x3FB7] =	sst s2  }
0x8f: {  	_ = 	snop  }
0x90: {  	(tm) =	ssettm $0x1  }
0x91: {  	s17 =	sld [smem:$0x3FFB];
	_ =	sdelay $0x3  }
0x92: {  	_ =	strace s17  }
0x93: {  	s2 =	sld [smem:$0x3FFC];
	_ =	sdelay $0x3  }
0x94: {  	_ =	strace s2  }
0x95: {  	s2 =	sld [smem:$0x3FFD];
	_ =	sdelay $0x3  }
0x96: {  	_ =	strace s2  }
0x97: {  	_ =	strace $0x8FFFFFFF  }
0x98: {  	s18 =	sld [smem:$0x3FDB];
	_ =	sdelay $0x1  }
0x99: {  	s19 =	simm.s32 $_scs_section_size  }
0x9a: {  	s4 =	simm.s32 $_size__tile_overlayer_lowered;
	s5 =	simm.s32 $_tile_overlayer_lowered  }
0x9b: {  	s22 =	simm.s32 $0x1BFF;
	s21 =	sshll.u32 s5, $0x1;
	s2 =	sadd.s32 s19, s18  }
0x9c: {  	s6 =	simm.s32 $0x0;
	s20 =	sshll.u32 s4, $0x1;
	s4 =	sadd.s32 s21, s2  }
0x9d: {  	[timem:s6], [sflag:s22] =	dma.local [hbm:s4], s20  }
0x9e: {  	_ =	swait.ge [sflag:s22], s20  }
0x9f: {  	s3 =	ssub.s32 $0x0, s20;
	[sflag:s22] =	ssyncset.done $0x0  }
0xa0: {  	[sflag:s22] =	ssyncadd.s32 s3;
	_ =	sdelay $0x1  }
0xa1: {  	s23 =	simm.s32 $0x1B8B  }
0xa2: {  	_ =	swait.ge [sflag:s23], $0x1  }
0xa3: {  	[sflag:s23] =	ssyncset.done $0x0  }
0xa4: {  	s25 =	simm.s32 $0x1B8E;
	s24 =	sld [smem:$0x3FFE];
	[sflag:s23] =	ssyncadd.s32 $0xFFFFFFFF  }
0xa5: {  	s26 =	simm.s32 $execute0_lowered;
	[smem:$0x3FD2] =	sst s25  }
0xa6: {  	s4 =	sshll.u32 s26, $0x1;
	_ =	strace $0x80000052;
	[dreg:$0x1] =	wrdreg $0xFFFFFFFF  }
0xa7: {  	s28 =	simm.s32 $_size_execute0_lowered;
	s2 =	sadd.s32 s2, s4;
	[dreg:$0x0] =	wrdreg $0x0  }
0xa8: {  	s4 =	sshll.u32 s28, $0x1;
	[dreg:$0x2] =	wrdreg s2  }
0xa9: {  	[dreg:$0x3] =	wrdreg s4  }
0xaa: {  	[dreg:$0x4] =	wrdreg $0xC0  }
0xab: {  	_ =	task [dreg:s6], $0x5FFFF  }
0xac: {  	[dreg:$0x1] =	wrdreg $0xFFFFFFFF  }
0xad: {  	[dreg:$0x0] =	wrdreg $0x60  }
0xae: {  	[dreg:$0x2] =	wrdreg s24  }
0xaf: {  	[dreg:$0x3] =	wrdreg $0x0  }
0xb0: {  	[dreg:$0x4] =	wrdreg $0x9  }
0xb1: {  	_ =	task.clear_ibuf [dreg:s6], $0x5FFFF;
	_ =	strace $0x90000052  }
0xb2: {  	s29 =	simm.s32 $0x9;
	_ =	strace $0x80000054  }
0xb3: {  	_ =	swait.ge [sflag:s29], $0x1  }
0xb4: {  	[sflag:s29] =	ssyncadd.s32 $0xFFFFFFFF  }
0xb5: {  	_ =	strace $0x90000054  }
0xb6: {  	_ =	sfence  }
0xb7: {  	s30 =	sld [smem:$0x0];
	_ =	sdelay $0x2  }
0xb8: {  	s31 =	sshll.u32 s1, $0xD;
	s1 =	sshrl.u32 s1, $0x2  }
0xb9: {  	s3 =	sand.u32 $0x4000, s31;
	s1 =	sadd.s32 s1, s30  }
0xba: {  	s0 =	sor.u32 s3, s0;
	s1 =	sshll.u32 s1, $0x11  }
0xbb: {  	s0 =	sor.u32 s1, s0  }
0xbc: {  	s0 =	sadd.s32 $0x8F2B, s0  }
0xbd: {  	[sflag:s0] =	ssyncadd.remote.s32 $0x1  }
0xbe: {  	_ =	sfence.sel $0xFFFF  }
0xbf: {  	[dreg:$0x0] =	wrdreg $0xFFFFFFFF;
	(pc) =	sbr.abs _section_cstart, $3  }
0xc0: {  	[dreg:$0x1] =	wrdreg $0xFFFFFFFF  }
0xc1: {  	_ =	task.clear_ibuf [dreg:s6], $0x2FFFF;
	_ =	strace $0x9FFFFFFF  }
0xc2: {  	(tm) =	ssettm $0x7FFFFFFF  }
0xc3: {  	_ =	shalt  }
tec
execute0_lowered:
.L_overlay_start_1:
0x0: {  	(tag) =	ssettag $0x1  }
0x1: {  	s0 =	srdreg.scid  }
0x2: {  	s8 =	stileid.u32;
	s3 =	rddreg [dreg:$0x0]  }
0x3: {  	s2 =	rddreg [dreg:$0x1];
	s4 =	simm.s32 $0x0;
	s15 =	simm.s32 $0x1  }
0x4: {  	s16 =	simm.s32 $0x2;
	s17 =	simm.s32 $0x3;
	s18 =	simm.s32 $0x80  }
0x5: {  	s19 =	simm.s32 $0xF000;
	s21 =	simm.s32 $0x11000;
	s28 =	simm.s32 $0x17000  }
0x6: {  	s30 =	simm.s32 $0x19000;
	s14 =	simm.s32 $0x1D000;
	s20 =	simm.s32 $0x4  }
0x7: {  	s22 =	simm.s32 $0x5;
	s29 =	simm.s32 $0x8;
	s31 =	simm.s32 $0x9  }
0x8: {  	s13 =	simm.s32 $0xE;
	s9 =	simm.s32 $0x10;
	s11 =	simm.s32 $0x0  }
0x9: {  	s0 =	sand.u32 $0x1, s0;
	s5 =	smul.u32 $0xA000, s8;
	[smem:$0x7FF] =	sst s4  }
0xa: {  	s4 =	sadd.s32 $0x17A00, s3;
	s24 =	sshll.u32 s8, $0x6;
	s1 =	sshll.u32 s0, $0x4  }
0xb: {  	s6 =	smul.u32 $0xA0000, s0;
	_ =	strace $0x80000053;
	s0 =	ssub.s32 $0x2, s0  }
0xc: {  	[dreg:$0x3] =	wrdreg s24;
	s1 =	sor.u32 s8, s1;
	s7 =	sshrl.u32 s5, $0x3  }
0xd: {  	s23 =	sshrl.u32 s0, $0x1;
	s8 =	simm.s32 $0xF;
	s1 =	smul.u32 $0x500, s1  }
0xe: {  	s6 =	sadd.s32 s5, s6;
	s7 =	sadd.s32 s7, s3;
	s0 =	ssub.s32 s0, s23  }
0xf: {  	s5 =	sadd.s32 s5, s2;
	s23 =	simm.s32 $0x13000;
	s7 =	sadd.s32 $0x2BA00, s7  }
0x10: {  	s6 =	sshrl.u32 s6, $0x3;
	s0 =	smax.u32 s0, $0x1;
	[dreg:$0x4] =	wrdreg s7  }
0x11: {  	s12 =	sshrl.u32 s5, $0x3;
	s1 =	sadd.s32 s1, s3;
	[dreg:$0x9] =	wrdreg s0  }
0x12: {  	s3 =	sadd.s32 s6, s3;
	s6 =	sor.u32 $0x1C01, s24;
	[dreg:$0xa] =	wrdreg s12  }
0x13: {  	s24 =	simm.s32 $0x6;
	[dreg:$0x5] =	wrdreg s6;
	s25 =	sadd.s32 $0x3A00, s1  }
0x14: {  	s0 =	simm.s32 $0xA;
	s1 =	sadd.s32 $0xDA00, s1;
	[dreg:$0x6] =	wrdreg s25  }
0x15: {  	s7 =	simm.s32 $0xD;
	s26 =	sadd.s32 $0x3FA00, s3;
	[dreg:$0x7] =	wrdreg s1  }
0x16: {  	s3 =	simm.s32 $0xB;
	s6 =	simm.s32 $0xC;
	[dreg:$0x8] =	wrdreg s26  }
0x17: {  	s25 =	simm.s32 $0x15000;
	s1 =	simm.s32 $0x1B000;
	s26 =	simm.s32 $0x7  }
.LBB2_1:
0x18: {  	[dreg:$0xb] =	wrdreg s11  }
0x19: {  	s5 =	rddreg [dreg:$0x4]  }
0x1a: {  	s10 =	rddreg [dreg:$0x5]  }
0x1b: {  	[spmem:s12], [sflag:s10] =	dma.local [hbm:s5], $0x1400  }
0x1c: {  	s5 =	simm.s32 $0x0;
	s12 =	simm.s32 $0xA000;
	s10 =	rddreg [dreg:$0x6]  }
0x1d: {  	[tilespmem:s12], [sflag:$0x2] =	stream.linear.gather [hbm4b:s10+s5], $0x2800, $0x38;
	[tilespmem:$0x1F000] =	vst v63  }
0x1e: {  	s11 =	simm.s32 $0xC800;
	s10 =	rddreg [dreg:$0x7]  }
0x1f: {  	[tilespmem:s11], [sflag:$0x3] =	stream.linear.gather [hbm4b:s10+s5], $0x2800, $0x38;
	[tilespmem:$0x1F000] =	vst v63  }
0x20: {  	_ =	swait.ge [sflag:s15], $0x1400  }
0x21: {  	[sflag:s15] =	ssyncset.done $0x0  }
0x22: {  	[sflag:s15] =	ssyncadd.s32 $0xFFFFEC00  }
0x23: {  	_ =	swait.ge [sflag:s16], $0x2800  }
0x24: {  	[sflag:s16] =	ssyncset.done $0x0  }
0x25: {  	[sflag:s16] =	ssyncadd.s32 $0xFFFFD800  }
0x26: {  	_ =	swait.ge [sflag:s17], $0x2800  }
0x27: {  	[sflag:s17] =	ssyncset.done $0x0  }
0x28: {  	[sflag:s17] =	ssyncadd.s32 $0xFFFFD800  }
0x29: {  	[bflag:$0x0] =	sbarrier.arrive $0xFFFF  }
0x2a: {  	[tilespmem:s19], [sflag:$0x1] =	stream.indirect.gather [hbm4b:s4+s18], $0x40, s12, s18, $0xb8;
	[tilespmem:$0x1F000] =	vst v63  }
0x2b: {  	s12 =	simm.s32 $0xA080  }
0x2c: {  	[tilespmem:s21], [sflag:$0x2] =	stream.indirect.gather [hbm4b:s4+s18], $0x40, s12, s18, $0xb8;
	[tilespmem:$0x1F000] =	vst v63  }
0x2d: {  	s10 =	simm.s32 $0xA100  }
0x2e: {  	[tilespmem:s23], [sflag:$0x3] =	stream.indirect.gather [hbm4b:s4+s18], $0x40, s10, s18, $0xb8;
	[tilespmem:$0x1F000] =	vst v63  }
0x2f: {  	s11 =	simm.s32 $0xA180  }
0x30: {  	[tilespmem:s25], [sflag:$0x4] =	stream.indirect.gather [hbm4b:s4+s18], $0x40, s11, s18, $0xb8;
	[tilespmem:$0x1F000] =	vst v63  }
0x31: {  	s12 =	simm.s32 $0xA200  }
0x32: {  	[tilespmem:s28], [sflag:$0x5] =	stream.indirect.gather [hbm4b:s4+s18], $0x40, s12, s18, $0xb8;
	[tilespmem:$0x1F000] =	vst v63  }
0x33: {  	s10 =	simm.s32 $0xA280  }
0x34: {  	[tilespmem:s30], [sflag:$0x6] =	stream.indirect.gather [hbm4b:s4+s18], $0x40, s10, s18, $0xb8;
	[tilespmem:$0x1F000] =	vst v63  }
0x35: {  	s11 =	simm.s32 $0xA300  }
0x36: {  	[tilespmem:s1], [sflag:$0x7] =	stream.indirect.gather [hbm4b:s4+s18], $0x40, s11, s18, $0xb8;
	[tilespmem:$0x1F000] =	vst v63  }
0x37: {  	s12 =	simm.s32 $0xA380  }
0x38: {  	[tilespmem:s14], [sflag:$0x8] =	stream.indirect.gather [hbm4b:s4+s18], $0x40, s12, s18, $0xb8;
	[tilespmem:$0x1F000] =	vst v63  }
0x39: {  	_ =	swait.ge [sflag:s15], $0x2000  }
0x3a: {  	[sflag:s15] =	ssyncset.done $0x0  }
0x3b: {  	s10 =	simm.s32 $0xC800;
	[sflag:s15] =	ssyncadd.s32 $0xFFFFE000  }
0x3c: {  	[spmem:s2] =	stream.indirect.scatter.add.f32 [tilespmem:s19], [sflag:$0x9], $0x40, s10, s18, $0xb8;
	[tilespmem:$0x1F000] =	vst v63  }
0x3d: {  	_ =	swait.ge [sflag:s16], $0x2000  }
0x3e: {  	[sflag:s16] =	ssyncset.done $0x0  }
0x3f: {  	s11 =	simm.s32 $0xC880;
	[sflag:s16] =	ssyncadd.s32 $0xFFFFE000  }
0x40: {  	[spmem:s2] =	stream.indirect.scatter.add.f32 [tilespmem:s21], [sflag:$0xA], $0x40, s11, s18, $0xb8;
	[tilespmem:$0x1F000] =	vst v63  }
0x41: {  	_ =	swait.ge [sflag:s17], $0x2000  }
0x42: {  	[sflag:s17] =	ssyncset.done $0x0  }
0x43: {  	s12 =	simm.s32 $0xC900;
	[sflag:s17] =	ssyncadd.s32 $0xFFFFE000  }
0x44: {  	[spmem:s2] =	stream.indirect.scatter.add.f32 [tilespmem:s23], [sflag:$0xB], $0x40, s12, s18, $0xb8;
	[tilespmem:$0x1F000] =	vst v63  }
0x45: {  	_ =	swait.ge [sflag:s20], $0x2000  }
0x46: {  	[sflag:s20] =	ssyncset.done $0x0  }
0x47: {  	s10 =	simm.s32 $0xC980;
	[sflag:s20] =	ssyncadd.s32 $0xFFFFE000  }
0x48: {  	[spmem:s2] =	stream.indirect.scatter.add.f32 [tilespmem:s25], [sflag:$0xC], $0x40, s10, s18, $0xb8;
	[tilespmem:$0x1F000] =	vst v63  }
0x49: {  	_ =	swait.ge [sflag:s22], $0x2000  }
0x4a: {  	[sflag:s22] =	ssyncset.done $0x0  }
0x4b: {  	s11 =	simm.s32 $0xCA00;
	[sflag:s22] =	ssyncadd.s32 $0xFFFFE000  }
0x4c: {  	[spmem:s2] =	stream.indirect.scatter.add.f32 [tilespmem:s28], [sflag:$0xD], $0x40, s11, s18, $0xb8;
	[tilespmem:$0x1F000] =	vst v63  }
0x4d: {  	_ =	swait.ge [sflag:s24], $0x2000  }
0x4e: {  	[sflag:s24] =	ssyncset.done $0x0  }
0x4f: {  	s12 =	simm.s32 $0xCA80;
	[sflag:s24] =	ssyncadd.s32 $0xFFFFE000  }
0x50: {  	[spmem:s2] =	stream.indirect.scatter.add.f32 [tilespmem:s30], [sflag:$0xE], $0x40, s12, s18, $0xb8;
	[tilespmem:$0x1F000] =	vst v63  }
0x51: {  	_ =	swait.ge [sflag:s26], $0x2000  }
0x52: {  	[sflag:s26] =	ssyncset.done $0x0  }
0x53: {  	s10 =	simm.s32 $0xCB00;
	[sflag:s26] =	ssyncadd.s32 $0xFFFFE000  }
0x54: {  	[spmem:s2] =	stream.indirect.scatter.add.f32 [tilespmem:s1], [sflag:$0xF], $0x40, s10, s18, $0xb8;
	[tilespmem:$0x1F000] =	vst v63  }
0x55: {  	_ =	swait.ge [sflag:s29], $0x2000  }
0x56: {  	[sflag:s29] =	ssyncset.done $0x0  }
0x57: {  	s11 =	simm.s32 $0xCB80;
	[sflag:s29] =	ssyncadd.s32 $0xFFFFE000  }
0x58: {  	[spmem:s2] =	stream.indirect.scatter.add.f32 [tilespmem:s14], [sflag:$0x10], $0x40, s11, s18, $0xb8;
	[tilespmem:$0x1F000] =	vst v63  }
0x59: {  	_ =	swait.ge [sflag:s31], $0x2000  }
0x5a: {  	[sflag:s31] =	ssyncset.done $0x0  }
0x5b: {  	s12 =	simm.s32 $0xA400;
	[sflag:s31] =	ssyncadd.s32 $0xFFFFE000  }
0x5c: {  	[tilespmem:s19], [sflag:$0x1] =	stream.indirect.gather [hbm4b:s4+s18], $0x40, s12, s18, $0xb8;
	[tilespmem:$0x1F000] =	vst v63  }
0x5d: {  	_ =	swait.ge [sflag:s0], $0x2000  }
0x5e: {  	[sflag:s0] =	ssyncset.done $0x0  }
0x5f: {  	s10 =	simm.s32 $0xA480;
	[sflag:s0] =	ssyncadd.s32 $0xFFFFE000  }
0x60: {  	[tilespmem:s21], [sflag:$0x2] =	stream.indirect.gather [hbm4b:s4+s18], $0x40, s10, s18, $0xb8;
	[tilespmem:$0x1F000] =	vst v63  }
0x61: {  	_ =	swait.ge [sflag:s3], $0x2000  }
0x62: {  	[sflag:s3] =	ssyncset.done $0x0  }
0x63: {  	s11 =	simm.s32 $0xA500;
	[sflag:s3] =	ssyncadd.s32 $0xFFFFE000  }
0x64: {  	[tilespmem:s23], [sflag:$0x3] =	stream.indirect.gather [hbm4b:s4+s18], $0x40, s11, s18, $0xb8;
	[tilespmem:$0x1F000] =	vst v63  }
0x65: {  	_ =	swait.ge [sflag:s6], $0x2000  }
0x66: {  	[sflag:s6] =	ssyncset.done $0x0  }
0x67: {  	s12 =	simm.s32 $0xA580;
	[sflag:s6] =	ssyncadd.s32 $0xFFFFE000  }
0x68: {  	[tilespmem:s25], [sflag:$0x4] =	stream.indirect.gather [hbm4b:s4+s18], $0x40, s12, s18, $0xb8;
	[tilespmem:$0x1F000] =	vst v63  }
0x69: {  	_ =	swait.ge [sflag:s7], $0x2000  }
0x6a: {  	[sflag:s7] =	ssyncset.done $0x0  }
0x6b: {  	s10 =	simm.s32 $0xA600;
	[sflag:s7] =	ssyncadd.s32 $0xFFFFE000  }
0x6c: {  	[tilespmem:s28], [sflag:$0x5] =	stream.indirect.gather [hbm4b:s4+s18], $0x40, s10, s18, $0xb8;
	[tilespmem:$0x1F000] =	vst v63  }
0x6d: {  	_ =	swait.ge [sflag:s13], $0x2000  }
0x6e: {  	[sflag:s13] =	ssyncset.done $0x0  }
0x6f: {  	s11 =	simm.s32 $0xA680;
	[sflag:s13] =	ssyncadd.s32 $0xFFFFE000  }
0x70: {  	[tilespmem:s30], [sflag:$0x6] =	stream.indirect.gather [hbm4b:s4+s18], $0x40, s11, s18, $0xb8;
	[tilespmem:$0x1F000] =	vst v63  }
0x71: {  	_ =	swait.ge [sflag:s8], $0x2000  }
0x72: {  	[sflag:s8] =	ssyncset.done $0x0  }
0x73: {  	s12 =	simm.s32 $0xA700;
	[sflag:s8] =	ssyncadd.s32 $0xFFFFE000  }
0x74: {  	[tilespmem:s1], [sflag:$0x7] =	stream.indirect.gather [hbm4b:s4+s18], $0x40, s12, s18, $0xb8;
	[tilespmem:$0x1F000] =	vst v63  }
0x75: {  	_ =	swait.ge [sflag:s9], $0x2000  }
0x76: {  	[sflag:s9] =	ssyncset.done $0x0  }
0x77: {  	s5 =	simm.s32 $0x1000;
	s10 =	simm.s32 $0xA780;
	[sflag:s9] =	ssyncadd.s32 $0xFFFFE000  }
.LBB2_2:
0x78: {  	[tilespmem:s14], [sflag:$0x8] =	stream.indirect.gather [hbm4b:s4+s18], $0x40, s10, s18, $0xb8;
	[tilespmem:$0x1F000] =	vst v63  }
0x79: {  	s10 =	smov.u32 s5  }
0x7a: {  	p0 =	sne.s32 s5, $0x8000;
	s5 =	sadd.s32 $0x1000, s5;
	_ =	swait.ge [sflag:s15], $0x2000  }
0x7b: {  	s10 =	sshra.s32 s10, $0x2;
	[sflag:s15] =	ssyncset.done $0x0  }
0x7c: {  	s12 =	sadd.s32 $0xC800, s10;
	[sflag:s15] =	ssyncadd.s32 $0xFFFFE000  }
0x7d: {  	[spmem:s2] =	stream.indirect.scatter.add.f32 [tilespmem:s19], [sflag:$0x9], $0x40, s12, s18, $0xb8;
	[tilespmem:$0x1F000] =	vst v63  }
0x7e: {  	_ =	swait.ge [sflag:s16], $0x2000  }
0x7f: {  	[sflag:s16] =	ssyncset.done $0x0  }
0x80: {  	s12 =	sadd.s32 $0xC880, s10;
	[sflag:s16] =	ssyncadd.s32 $0xFFFFE000  }
0x81: {  	[spmem:s2] =	stream.indirect.scatter.add.f32 [tilespmem:s21], [sflag:$0xA], $0x40, s12, s18, $0xb8;
	[tilespmem:$0x1F000] =	vst v63  }
0x82: {  	_ =	swait.ge [sflag:s17], $0x2000  }
0x83: {  	[sflag:s17] =	ssyncset.done $0x0  }
0x84: {  	s12 =	sadd.s32 $0xC900, s10;
	[sflag:s17] =	ssyncadd.s32 $0xFFFFE000  }
0x85: {  	[spmem:s2] =	stream.indirect.scatter.add.f32 [tilespmem:s23], [sflag:$0xB], $0x40, s12, s18, $0xb8;
	[tilespmem:$0x1F000] =	vst v63  }
0x86: {  	_ =	swait.ge [sflag:s20], $0x2000  }
0x87: {  	[sflag:s20] =	ssyncset.done $0x0  }
0x88: {  	s12 =	sadd.s32 $0xC980, s10;
	[sflag:s20] =	ssyncadd.s32 $0xFFFFE000  }
0x89: {  	[spmem:s2] =	stream.indirect.scatter.add.f32 [tilespmem:s25], [sflag:$0xC], $0x40, s12, s18, $0xb8;
	[tilespmem:$0x1F000] =	vst v63  }
0x8a: {  	_ =	swait.ge [sflag:s22], $0x2000  }
0x8b: {  	[sflag:s22] =	ssyncset.done $0x0  }
0x8c: {  	s12 =	sadd.s32 $0xCA00, s10;
	[sflag:s22] =	ssyncadd.s32 $0xFFFFE000  }
0x8d: {  	[spmem:s2] =	stream.indirect.scatter.add.f32 [tilespmem:s28], [sflag:$0xD], $0x40, s12, s18, $0xb8;
	[tilespmem:$0x1F000] =	vst v63  }
0x8e: {  	_ =	swait.ge [sflag:s24], $0x2000  }
0x8f: {  	[sflag:s24] =	ssyncset.done $0x0  }
0x90: {  	s12 =	sadd.s32 $0xCA80, s10;
	[sflag:s24] =	ssyncadd.s32 $0xFFFFE000  }
0x91: {  	[spmem:s2] =	stream.indirect.scatter.add.f32 [tilespmem:s30], [sflag:$0xE], $0x40, s12, s18, $0xb8;
	[tilespmem:$0x1F000] =	vst v63  }
0x92: {  	_ =	swait.ge [sflag:s26], $0x2000  }
0x93: {  	[sflag:s26] =	ssyncset.done $0x0  }
0x94: {  	s12 =	sadd.s32 $0xCB00, s10;
	[sflag:s26] =	ssyncadd.s32 $0xFFFFE000  }
0x95: {  	[spmem:s2] =	stream.indirect.scatter.add.f32 [tilespmem:s1], [sflag:$0xF], $0x40, s12, s18, $0xb8;
	[tilespmem:$0x1F000] =	vst v63  }
0x96: {  	_ =	swait.ge [sflag:s29], $0x2000  }
0x97: {  	[sflag:s29] =	ssyncset.done $0x0  }
0x98: {  	s12 =	sadd.s32 $0xCB80, s10;
	[sflag:s29] =	ssyncadd.s32 $0xFFFFE000  }
0x99: {  	[spmem:s2] =	stream.indirect.scatter.add.f32 [tilespmem:s14], [sflag:$0x10], $0x40, s12, s18, $0xb8;
	[tilespmem:$0x1F000] =	vst v63  }
0x9a: {  	_ =	swait.ge [sflag:s31], $0x2000  }
0x9b: {  	[sflag:s31] =	ssyncset.done $0x0  }
0x9c: {  	s12 =	sadd.s32 $0xA400, s10;
	[sflag:s31] =	ssyncadd.s32 $0xFFFFE000  }
0x9d: {  	[tilespmem:s19], [sflag:$0x1] =	stream.indirect.gather [hbm4b:s4+s18], $0x40, s12, s18, $0xb8;
	[tilespmem:$0x1F000] =	vst v63  }
0x9e: {  	_ =	swait.ge [sflag:s0], $0x2000  }
0x9f: {  	[sflag:s0] =	ssyncset.done $0x0  }
0xa0: {  	s12 =	sadd.s32 $0xA480, s10;
	[sflag:s0] =	ssyncadd.s32 $0xFFFFE000  }
0xa1: {  	[tilespmem:s21], [sflag:$0x2] =	stream.indirect.gather [hbm4b:s4+s18], $0x40, s12, s18, $0xb8;
	[tilespmem:$0x1F000] =	vst v63  }
0xa2: {  	_ =	swait.ge [sflag:s3], $0x2000  }
0xa3: {  	[sflag:s3] =	ssyncset.done $0x0  }
0xa4: {  	s12 =	sadd.s32 $0xA500, s10;
	[sflag:s3] =	ssyncadd.s32 $0xFFFFE000  }
0xa5: {  	[tilespmem:s23], [sflag:$0x3] =	stream.indirect.gather [hbm4b:s4+s18], $0x40, s12, s18, $0xb8;
	[tilespmem:$0x1F000] =	vst v63  }
0xa6: {  	_ =	swait.ge [sflag:s6], $0x2000  }
0xa7: {  	[sflag:s6] =	ssyncset.done $0x0  }
0xa8: {  	s12 =	sadd.s32 $0xA580, s10;
	[sflag:s6] =	ssyncadd.s32 $0xFFFFE000  }
0xa9: {  	[tilespmem:s25], [sflag:$0x4] =	stream.indirect.gather [hbm4b:s4+s18], $0x40, s12, s18, $0xb8;
	[tilespmem:$0x1F000] =	vst v63  }
0xaa: {  	_ =	swait.ge [sflag:s7], $0x2000  }
0xab: {  	[sflag:s7] =	ssyncset.done $0x0  }
0xac: {  	s12 =	sadd.s32 $0xA600, s10;
	[sflag:s7] =	ssyncadd.s32 $0xFFFFE000  }
0xad: {  	[tilespmem:s28], [sflag:$0x5] =	stream.indirect.gather [hbm4b:s4+s18], $0x40, s12, s18, $0xb8;
	[tilespmem:$0x1F000] =	vst v63  }
0xae: {  	_ =	swait.ge [sflag:s13], $0x2000  }
0xaf: {  	[sflag:s13] =	ssyncset.done $0x0  }
0xb0: {  	s12 =	sadd.s32 $0xA680, s10;
	[sflag:s13] =	ssyncadd.s32 $0xFFFFE000  }
0xb1: {  	[tilespmem:s30], [sflag:$0x6] =	stream.indirect.gather [hbm4b:s4+s18], $0x40, s12, s18, $0xb8;
	[tilespmem:$0x1F000] =	vst v63  }
0xb2: {  	_ =	swait.ge [sflag:s8], $0x2000  }
0xb3: {  	[sflag:s8] =	ssyncset.done $0x0  }
.Ltmp0:
0xb4: {  	s12 =	sadd.s32 $0xA700, s10;
	[sflag:s8] =	ssyncadd.s32 $0xFFFFE000;
	(pc) =	sbr.rel @p0 .LBB2_2-.Ltmp0, $4  }
0xb5: {  	[tilespmem:s1], [sflag:$0x7] =	stream.indirect.gather [hbm4b:s4+s18], $0x40, s12, s18, $0xb8;
	[tilespmem:$0x1F000] =	vst v63  }
0xb6: {  	_ =	swait.ge [sflag:s9], $0x2000  }
0xb7: {  	[sflag:s9] =	ssyncset.done $0x0  }
0xb8: {  	s10 =	sadd.s32 $0xA780, s10;
	[sflag:s9] =	ssyncadd.s32 $0xFFFFE000  }
0xb9: {  	[tilespmem:s14], [sflag:$0x8] =	stream.indirect.gather [hbm4b:s4+s18], $0x40, s10, s18, $0xb8;
	[tilespmem:$0x1F000] =	vst v63  }
0xba: {  	_ =	swait.ge [sflag:s15], $0x2000  }
0xbb: {  	[sflag:s15] =	ssyncset.done $0x0  }
0xbc: {  	s5 =	simm.s32 $0xEC00;
	[sflag:s15] =	ssyncadd.s32 $0xFFFFE000  }
0xbd: {  	[spmem:s2] =	stream.indirect.scatter.add.f32 [tilespmem:s19], [sflag:$0x9], $0x40, s5, s18, $0xb8;
	[tilespmem:$0x1F000] =	vst v63  }
0xbe: {  	_ =	swait.ge [sflag:s16], $0x2000  }
0xbf: {  	[sflag:s16] =	ssyncset.done $0x0  }
0xc0: {  	s12 =	simm.s32 $0xEC80;
	[sflag:s16] =	ssyncadd.s32 $0xFFFFE000  }
0xc1: {  	[spmem:s2] =	stream.indirect.scatter.add.f32 [tilespmem:s21], [sflag:$0xA], $0x40, s12, s18, $0xb8;
	[tilespmem:$0x1F000] =	vst v63  }
0xc2: {  	_ =	swait.ge [sflag:s17], $0x2000  }
0xc3: {  	[sflag:s17] =	ssyncset.done $0x0  }
0xc4: {  	s10 =	simm.s32 $0xED00;
	[sflag:s17] =	ssyncadd.s32 $0xFFFFE000  }
0xc5: {  	[spmem:s2] =	stream.indirect.scatter.add.f32 [tilespmem:s23], [sflag:$0xB], $0x40, s10, s18, $0xb8;
	[tilespmem:$0x1F000] =	vst v63  }
0xc6: {  	_ =	swait.ge [sflag:s20], $0x2000  }
0xc7: {  	[sflag:s20] =	ssyncset.done $0x0  }
0xc8: {  	s11 =	simm.s32 $0xED80;
	[sflag:s20] =	ssyncadd.s32 $0xFFFFE000  }
0xc9: {  	[spmem:s2] =	stream.indirect.scatter.add.f32 [tilespmem:s25], [sflag:$0xC], $0x40, s11, s18, $0xb8;
	[tilespmem:$0x1F000] =	vst v63  }
0xca: {  	_ =	swait.ge [sflag:s22], $0x2000  }
0xcb: {  	[sflag:s22] =	ssyncset.done $0x0  }
0xcc: {  	s12 =	simm.s32 $0xEE00;
	[sflag:s22] =	ssyncadd.s32 $0xFFFFE000  }
0xcd: {  	[spmem:s2] =	stream.indirect.scatter.add.f32 [tilespmem:s28], [sflag:$0xD], $0x40, s12, s18, $0xb8;
	[tilespmem:$0x1F000] =	vst v63  }
0xce: {  	_ =	swait.ge [sflag:s24], $0x2000  }
0xcf: {  	[sflag:s24] =	ssyncset.done $0x0  }
0xd0: {  	s10 =	simm.s32 $0xEE80;
	[sflag:s24] =	ssyncadd.s32 $0xFFFFE000  }
0xd1: {  	[spmem:s2] =	stream.indirect.scatter.add.f32 [tilespmem:s30], [sflag:$0xE], $0x40, s10, s18, $0xb8;
	[tilespmem:$0x1F000] =	vst v63  }
0xd2: {  	_ =	swait.ge [sflag:s26], $0x2000  }
0xd3: {  	[sflag:s26] =	ssyncset.done $0x0  }
0xd4: {  	s11 =	simm.s32 $0xEF00;
	[sflag:s26] =	ssyncadd.s32 $0xFFFFE000  }
0xd5: {  	[spmem:s2] =	stream.indirect.scatter.add.f32 [tilespmem:s1], [sflag:$0xF], $0x40, s11, s18, $0xb8;
	[tilespmem:$0x1F000] =	vst v63  }
0xd6: {  	_ =	swait.ge [sflag:s29], $0x2000  }
0xd7: {  	[sflag:s29] =	ssyncset.done $0x0  }
0xd8: {  	s12 =	simm.s32 $0xEF80;
	[sflag:s29] =	ssyncadd.s32 $0xFFFFE000  }
0xd9: {  	[spmem:s2] =	stream.indirect.scatter.add.f32 [tilespmem:s14], [sflag:$0x10], $0x40, s12, s18, $0xb8;
	[tilespmem:$0x1F000] =	vst v63  }
0xda: {  	_ =	swait.ge [sflag:s31], $0x2000  }
0xdb: {  	[sflag:s31] =	ssyncset.done $0x0  }
0xdc: {  	[sflag:s31] =	ssyncadd.s32 $0xFFFFE000  }
0xdd: {  	_ =	swait.ge [sflag:s0], $0x2000  }
0xde: {  	[sflag:s0] =	ssyncset.done $0x0  }
0xdf: {  	[sflag:s0] =	ssyncadd.s32 $0xFFFFE000  }
0xe0: {  	_ =	swait.ge [sflag:s3], $0x2000  }
0xe1: {  	[sflag:s3] =	ssyncset.done $0x0  }
0xe2: {  	[sflag:s3] =	ssyncadd.s32 $0xFFFFE000  }
0xe3: {  	_ =	swait.ge [sflag:s6], $0x2000  }
0xe4: {  	[sflag:s6] =	ssyncset.done $0x0  }
0xe5: {  	[sflag:s6] =	ssyncadd.s32 $0xFFFFE000  }
0xe6: {  	_ =	swait.ge [sflag:s7], $0x2000  }
0xe7: {  	[sflag:s7] =	ssyncset.done $0x0  }
0xe8: {  	[sflag:s7] =	ssyncadd.s32 $0xFFFFE000  }
0xe9: {  	_ =	swait.ge [sflag:s13], $0x2000  }
0xea: {  	[sflag:s13] =	ssyncset.done $0x0  }
0xeb: {  	[sflag:s13] =	ssyncadd.s32 $0xFFFFE000  }
0xec: {  	_ =	swait.ge [sflag:s8], $0x2000  }
0xed: {  	[sflag:s8] =	ssyncset.done $0x0  }
0xee: {  	[sflag:s8] =	ssyncadd.s32 $0xFFFFE000  }
0xef: {  	_ =	swait.ge [sflag:s9], $0x2000  }
0xf0: {  	[sflag:s9] =	ssyncset.done $0x0  }
0xf1: {  	[sflag:s9] =	ssyncadd.s32 $0xFFFFE000  }
0xf2: {  	[bflag:$0x0] =	sbarrier.arrive $0xFFFF  }
0xf3: {  	s10 =	rddreg [dreg:$0x3]  }
0xf4: {  	s11 =	rddreg [dreg:$0x8]  }
0xf5: {  	s12 =	rddreg [dreg:$0xa];
	s5 =	sor.u32 $0x1C11, s10;
	s10 =	simm.s32 $0x11  }
0xf6: {  	[hbm:s11], [sflag:s5] =	dma.local [spmem:s12], $0x1400  }
0xf7: {  	_ =	swait.ge [sflag:s10], $0x1400  }
0xf8: {  	s11 =	rddreg [dreg:$0xb]  }
0xf9: {  	s5 =	rddreg [dreg:$0x9];
	s11 =	sadd.s32 $0x1, s11  }
0xfa: {  	p0 =	sne.s32 s11, s5  }
.Ltmp1:
0xfb: {  	_ = 	snop;
	(pc) =	sbr.rel @p0 .LBB2_1-.Ltmp1, $3  }
0xfc: {  	_ =	sdelay $0x1  }
0xfd: {  	[sflag:s10] =	ssyncset.done $0x0  }
0xfe: {  	[sflag:s10] =	ssyncadd.s32 $0xFFFFEC00  }
0xff: {  	_ =	sfence.sel $0x180000  }
0x100: {  	[bflag:$0x0] =	sbarrier.arrive $0xFFFF  }
0x101: {  	_ =	strace $0x90000053  }
0x102: {  	s0 =	stileid.u32;
	[bflag:$0x2] =	sbarrier.arrive $0xFFFF  }
0x103: {  	p0 =	sne.s32 s0, $0x0;
	s0 =	rddreg [dreg:$0x2]  }
0x104: {  	s0 =	sadd.s32 @!p0 $0x100000, s0  }
0x105: {  	[sflag:s0] =	ssyncadd.tile.s32 @!p0 $0x1;
	_ =	shalt  }
.Lfunc_end2:
_tile_overlayer_lowered:
.L_overlay_start_2:
0x106: {  	(tag) =	ssettag $0x2  }
0x107: {  	s0 =	rddreg [dreg:$0x0];
	s2 =	stileid.u32  }
0x108: {  	s1 =	rddreg [dreg:$0x1];
	p0 =	sne.s32 s2, $0x0  }
0x109: {  	s3 =	rddreg [dreg:$0x2];
	[bflag:$0x3] =	sbarrier.arrive $0xFFFF;
	s2 =	simm.s32 @!p0 $0x1C11  }
0x10a: {  	[timem:s3], [sflag:s2] =	dma.local @!p0 [hbm:s0], s1  }
0x10b: {  	s0 =	simm.s32 @!p0 $0x11  }
0x10c: {  	_ =	swait.ge @!p0 [sflag:s0], s1  }
0x10d: {  	s1 =	ssub.s32 @!p0 $0x0, s1;
	[sflag:s0] =	ssyncset.done @!p0 $0x0  }
0x10e: {  	[sflag:s0] =	ssyncadd.s32 @!p0 s1  }
0x10f: {  	[bflag:$0x3] =	sbarrier.arrive $0xFFFF  }
0x110: {  	_ =	shalt  }

</sc_bundles>
